<compile_context>
chip_gen: v7x
topology: tpu7x:2x2x1
jax: 0.10.2.dev20260603
libtpu: 0.0.44.dev20260713+nightly
codegen_flags: <defaults>
</compile_context>

<pallas_src>
import functools

import jax
import jax.numpy as jnp
from jax import lax
from jax.experimental import pallas as pl
from jax.experimental.pallas import tpu as pltpu
from jax.experimental.pallas import tpu_sc as plsc

N = 10000
E = 160000
D_IN = 128
D_EDGE = 16
H = 64
K = 128
PH = 512
STEPS = 6

NC = 2
NS = 16
NW = NC * NS
CH = 128
EPW = 5120
E_PAD = NW * EPW
NCHUNK = EPW // CH
N_PAD = 10112
RPT = N_PAD // NS

EB = 512
EGB = 2000
NB = 1000

_BF = jnp.bfloat16
_F32 = jnp.float32


def _bdot(a_bf16, b_bf16):
    return jnp.dot(a_bf16, b_bf16, preferred_element_type=_F32)


def _rnd(x_f32):
    return x_f32.astype(_BF).astype(_F32)



def _full(shape):
    return pl.BlockSpec(shape, lambda i: (0,) * len(shape))


def _proj_body(x_ref, w0, w1, w2, w3, b0, b1, b2, b3, o_ref, obf_ref):
    h = x_ref[...]
    for w, b in ((w0, b0), (w1, b1), (w2, b2), (w3, b3)):
        h = jnp.maximum(_bdot(h.astype(_BF), w[...]) + b[...], 0.0)
    z = jnp.zeros_like(h)
    o_ref[...] = jnp.concatenate([h, z], axis=1)
    obf_ref[...] = jnp.concatenate([_rnd(h), z], axis=1)


def _proj(x, ws, bs):
    return pl.pallas_call(
        _proj_body,
        grid=(N // NB,),
        in_specs=[pl.BlockSpec((NB, D_IN), lambda i: (i, 0)),
                  _full((D_IN, H)), _full((H, H)), _full((H, H)), _full((H, H)),
                  _full((1, H)), _full((1, H)), _full((1, H)), _full((1, H))],
        out_specs=[pl.BlockSpec((NB, K), lambda i: (i, 0)),
                   pl.BlockSpec((NB, K), lambda i: (i, 0))],
        out_shape=[jax.ShapeDtypeStruct((N, K), _F32),
                   jax.ShapeDtypeStruct((N, K), _F32)],
    )(x, *ws, *bs)


def _edgeg_body(a_ref, w0, w1, w2, b0, b1, b2, o_ref):
    h = a_ref[...]
    for w, b in ((w0, b0), (w1, b1), (w2, b2)):
        h = jnp.maximum(_bdot(h.astype(_BF), w[...]) + b[...], 0.0)
    o_ref[...] = h.astype(_BF)


def _edgeg(ea_pad, ws, bs):
    return pl.pallas_call(
        _edgeg_body,
        grid=(E // EGB,),
        in_specs=[pl.BlockSpec((EGB, K), lambda i: (i, 0)),
                  _full((K, K)), _full((K, K)), _full((K, K)),
                  _full((1, K)), _full((1, K)), _full((1, K))],
        out_specs=pl.BlockSpec((EGB, K), lambda i: (i, 0)),
        out_shape=jax.ShapeDtypeStruct((E, K), _BF),
    )(ea_pad, *ws, *bs)


def _msg_body(hs_ref, g_ref, v_ref, b3_ref, bmat_ref, o_ref):
    hs = hs_ref[...][:, :H]
    w = _bdot(g_ref[...], v_ref[...]) + b3_ref[...]
    w = _rnd(w)
    hs_bcast = _bdot(hs.astype(_BF), bmat_ref[...])
    acc = jnp.zeros((EB, K), _F32)
    for j in range(H * H // K):
        acc = acc + hs_bcast[:, j * K:(j + 1) * K] * w[:, j * K:(j + 1) * K]
    msg = acc[:, :H] + acc[:, H:]
    o_ref[...] = jnp.concatenate([msg, jnp.zeros_like(msg)], axis=1)


def _msg(hsrc, g_pad, v_bf, b3row, bmat):
    return pl.pallas_call(
        _msg_body,
        grid=(E_PAD // EB,),
        in_specs=[pl.BlockSpec((EB, K), lambda i: (i, 0)),
                  pl.BlockSpec((EB, K), lambda i: (i, 0)),
                  _full((K, H * H)), _full((1, H * H)), _full((H, H * H))],
        out_specs=pl.BlockSpec((EB, K), lambda i: (i, 0)),
        out_shape=jax.ShapeDtypeStruct((E_PAD, K), _F32),
    )(hsrc, g_pad, v_bf, b3row, bmat)


def _sigmoid(x):
    return 1.0 / (1.0 + jnp.exp(-x))


def _gru_body(p_ref, hid_ref, wih, whh, bih, bhh, cb, o_ref, obf_ref):
    p = p_ref[...]
    hid = hid_ref[...][:, :H]
    a = jnp.maximum(p[0, :, :H] + p[1, :, :H] + cb[...], 0.0)
    gi = _bdot(a.astype(_BF), wih[...]) + bih[...]
    gh = _bdot(hid.astype(_BF), whh[...]) + bhh[...]
    r = _sigmoid(gi[:, :H] + gh[:, :H])
    z = _sigmoid(gi[:, H:2 * H] + gh[:, H:2 * H])
    n = jnp.tanh(gi[:, 2 * H:] + r * gh[:, 2 * H:])
    new = (1.0 - z) * n + z * hid
    zz = jnp.zeros_like(new)
    o_ref[...] = jnp.concatenate([new, zz], axis=1)
    obf_ref[...] = jnp.concatenate([_rnd(new), zz], axis=1)


def _gru(parts, hid, wih, whh, bih, bhh, cb):
    return pl.pallas_call(
        _gru_body,
        grid=(N // NB,),
        in_specs=[pl.BlockSpec((2, NB, K), lambda i: (0, i, 0)),
                  pl.BlockSpec((NB, K), lambda i: (i, 0)),
                  _full((H, 3 * H)), _full((H, 3 * H)),
                  _full((1, 3 * H)), _full((1, 3 * H)), _full((1, H))],
        out_specs=[pl.BlockSpec((NB, K), lambda i: (i, 0)),
                   pl.BlockSpec((NB, K), lambda i: (i, 0))],
        out_shape=[jax.ShapeDtypeStruct((N, K), _F32),
                   jax.ShapeDtypeStruct((N, K), _F32)],
    )(parts, hid, wih, whh, bih, bhh, cb)


def _pred_body(h_ref, w0, w1, w2, b0, b1, b2, o_ref):
    h = h_ref[...][:, :H]
    h = jnp.maximum(_bdot(h.astype(_BF), w0[...]) + b0[...], 0.0)
    h = jnp.maximum(_bdot(h.astype(_BF), w1[...]) + b1[...], 0.0)
    o_ref[...] = _bdot(h.astype(_BF), w2[...]) + b2[...]


def _pred(h, w0, w1, w2p, b0, b1, b2p):
    return pl.pallas_call(
        _pred_body,
        grid=(N // NB,),
        in_specs=[pl.BlockSpec((NB, K), lambda i: (i, 0)),
                  _full((H, PH)), _full((PH, PH)), _full((PH, K)),
                  _full((1, PH)), _full((1, PH)), _full((1, K))],
        out_specs=pl.BlockSpec((NB, K), lambda i: (i, 0)),
        out_shape=jax.ShapeDtypeStruct((N, K), _F32),
    )(h, w0, w1, w2p, b0, b1, b2p)



@functools.cache
def _sc_kernels():
    mesh = plsc.VectorSubcoreMesh(core_axis_name="c", subcore_axis_name="s",
                                  num_cores=NC, num_subcores=NS)

    @functools.partial(
        pl.kernel,
        out_type=jax.ShapeDtypeStruct((E_PAD, K), _F32),
        mesh=mesh,
        scratch_types=[pltpu.VMEM((NCHUNK, CH), jnp.int32),
                       pltpu.VMEM((CH, K), _F32),
                       pltpu.SemaphoreType.DMA],
    )
    def sc_gather(nf_hbm, idx_hbm, out_hbm, idx_v, rows_v, sem):
        wid = lax.axis_index("c") * NS + lax.axis_index("s")
        pltpu.sync_copy(idx_hbm.at[wid], idx_v)

        def body(j, carry):
            pltpu.async_copy(nf_hbm.at[idx_v.at[j]], rows_v, sem).wait()
            pltpu.sync_copy(rows_v, out_hbm.at[pl.ds(wid * EPW + j * CH, CH)])
            return carry

        lax.fori_loop(0, NCHUNK, body, 0)

    @functools.partial(
        pl.kernel,
        out_type=jax.ShapeDtypeStruct((NC, N_PAD, K), _F32),
        mesh=mesh,
        scratch_types=[pltpu.VMEM((NCHUNK, CH), jnp.int32),
                       pltpu.VMEM((CH, K), _F32),
                       pltpu.VMEM_SHARED((N_PAD, K), _F32)],
    )
    def sc_scatter(msg_hbm, dst_hbm, zeros_hbm, out_hbm, idx_v, rows_v, acc_sh):
        c = lax.axis_index("c")
        s = lax.axis_index("s")
        wid = c * NS + s
        pltpu.sync_copy(zeros_hbm.at[pl.ds(s * RPT, RPT)],
                        acc_sh.at[pl.ds(s * RPT, RPT)])
        plsc.subcore_barrier()
        pltpu.sync_copy(dst_hbm.at[wid], idx_v)

        def body(j, carry):
            pltpu.sync_copy(msg_hbm.at[pl.ds(wid * EPW + j * CH, CH)], rows_v)
            pltpu.sync_copy(rows_v, acc_sh.at[idx_v.at[j]], add=True)
            return carry

        lax.fori_loop(0, NCHUNK, body, 0)
        plsc.subcore_barrier()
        pltpu.sync_copy(acc_sh.at[pl.ds(s * RPT, RPT)],
                        out_hbm.at[c, pl.ds(s * RPT, RPT)])

    return sc_gather, sc_scatter



def kernel(x, edge_index, edge_attr, params):
    p = params
    src = edge_index[0]
    dst = edge_index[1]
    pad = E_PAD - E
    src3 = jnp.concatenate(
        [src, jnp.zeros((pad,), jnp.int32)]).reshape(NW, NCHUNK, CH)
    dst3 = jnp.concatenate(
        [dst, jnp.full((pad,), N, jnp.int32)]).reshape(NW, NCHUNK, CH)

    h, h_bf = _proj(x, [w.astype(_BF) for w in p['proj_W']],
                    [b.reshape(1, -1) for b in p['proj_b']])

    ea_pad = jnp.pad(edge_attr, ((0, 0), (0, K - D_EDGE)))
    w0_pad = jnp.pad(p['edge_W'][0], ((0, K - D_EDGE), (0, 0)))
    g = _edgeg(ea_pad,
               [w0_pad.astype(_BF), p['edge_W'][1].astype(_BF),
                p['edge_W'][2].astype(_BF)],
               [b.reshape(1, -1) for b in p['edge_b'][:3]])
    g_pad = jnp.concatenate([g, jnp.zeros((pad, K), _BF)])

    v_bf = p['edge_W'][3].astype(_BF)
    b3row = p['edge_b'][3].reshape(1, H * H)
    bmat = jnp.repeat(jnp.eye(H, dtype=_BF), H, axis=1)
    zeros_buf = jnp.zeros((N_PAD, K), _F32)

    gru_w = (p['gru_Wih'].astype(_BF), p['gru_Whh'].astype(_BF),
             p['gru_bih'].reshape(1, -1), p['gru_bhh'].reshape(1, -1),
             p['conv_b'].reshape(1, -1))

    sc_gather, sc_scatter = _sc_kernels()
    hid = h
    nf_bf = h_bf
    for _ in range(STEPS):
        hsrc = sc_gather(nf_bf, src3)
        msg = _msg(hsrc, g_pad, v_bf, b3row, bmat)
        parts = sc_scatter(msg, dst3, zeros_buf)
        hid, nf_bf = _gru(parts, hid, *gru_w)

    w2p = jnp.pad(p['pred_W'][2], ((0, 0), (0, K - 1)))
    b2p = jnp.pad(p['pred_b'][2], ((0, K - 1),)).reshape(1, -1)
    out = _pred(hid, p['pred_W'][0].astype(_BF), p['pred_W'][1].astype(_BF),
                w2p.astype(_BF), p['pred_b'][0].reshape(1, -1),
                p['pred_b'][1].reshape(1, -1), b2p)
    return out[:, 0]

# --- scband reference (transcript-rebuilt; emitter-appended) ---
"""Pipeline reference for scband-nmr-mpnn-32109175505578 (READ-ONLY COPY).

The authoritative reference and input builder live on the scoring server;
editing this copy changes nothing except your own understanding.
"""

import jax, jax.numpy as jnp
import numpy as np

N = 10000
E = 160000
D_IN = 128
D_EDGE = 16
H = 64
EH = 128
PH = 512
STEPS = 6

def _init(key, shape):
    scale = 1.0 / np.sqrt(shape[0])
    return (scale * jax.random.normal(key, shape)).astype(jnp.float32)

def _make_params(key):
    ks = jax.random.split(key, 16)
    p = {}
    dims_p = [D_IN, H, H, H, H]
    p['proj_W'] = [_init(ks[i], (dims_p[i], dims_p[i + 1])) for i in range(4)]
    p['proj_b'] = [jnp.zeros((dims_p[i + 1],), jnp.float32) for i in range(4)]
    dims_e = [D_EDGE, EH, EH, EH, H * H]
    p['edge_W'] = [_init(ks[4 + i], (dims_e[i], dims_e[i + 1])) for i in range(4)]
    p['edge_b'] = [jnp.zeros((dims_e[i + 1],), jnp.float32) for i in range(4)]
    p['gru_Wih'] = _init(ks[8], (H, 3 * H))
    p['gru_Whh'] = _init(ks[9], (H, 3 * H))
    p['gru_bih'] = jnp.zeros((3 * H,), jnp.float32)
    p['gru_bhh'] = jnp.zeros((3 * H,), jnp.float32)
    p['conv_b'] = jnp.zeros((H,), jnp.float32)
    dims_o = [H, PH, PH, 1]
    p['pred_W'] = [_init(ks[10 + i], (dims_o[i], dims_o[i + 1])) for i in range(3)]
    p['pred_b'] = [jnp.zeros((dims_o[i + 1],), jnp.float32) for i in range(3)]
    return p

def setup_inputs(seed: int = 0):
    key = jax.random.key(seed)
    k1, k2, k3, k4 = jax.random.split(key, 4)
    x = jax.random.normal(k1, (N, D_IN), dtype=jnp.float32)
    edge_index = jax.random.randint(k2, (2, E), 0, N, dtype=jnp.int32)
    edge_attr = jax.random.normal(k3, (E, D_EDGE), dtype=jnp.float32)
    params = _make_params(k4)
    return {'x': x, 'edge_index': edge_index, 'edge_attr': edge_attr, 'params': params}

def _mlp(h, Ws, bs, relu_last):
    n = len(Ws)
    for i in range(n):
        h = h @ Ws[i] + bs[i]
        if relu_last or i < n - 1:
            h = jax.nn.relu(h)
    return h

def _forward(x, edge_attr, params, edge_index):
    # project_node_feats: 4 Linear layers each followed by ReLU
    h = _mlp(x, params['proj_W'], params['proj_b'], True)
    # NNConv edge network: edge_attr depends only on the graph, so the per-edge
    # weight matrices are identical every message-passing step; compute once.
    W_edge = _mlp(edge_attr, params['edge_W'], params['edge_b'], False).reshape(E, H, H)
    src = edge_index[0]
    dst = edge_index[1]
    nf = h
    hid = h  # hidden_feats = node_feats.unsqueeze(0)
    for _ in range(STEPS):
        # NNConv (aggregator 'sum'): msg_e = h_src @ W_e ; scatter-add to dst ; + bias
        msg = jnp.einsum('ei,eio->eo', nf[src], W_edge)
        agg = jnp.zeros((N, H), jnp.float32).at[dst].add(msg) + params['conv_b']
        a = jax.nn.relu(agg)
        # single-step GRU (PyTorch gate ordering r, z, n)
        gi = a @ params['gru_Wih'] + params['gru_bih']
        gh = hid @ params['gru_Whh'] + params['gru_bhh']
        r = jax.nn.sigmoid(gi[:, :H] + gh[:, :H])
        z = jax.nn.sigmoid(gi[:, H:2 * H] + gh[:, H:2 * H])
        n = jnp.tanh(gi[:, 2 * H:] + r * gh[:, 2 * H:])
        hid = (1.0 - z) * n + z * hid
        nf = hid
    # predict head (Dropout in eval mode -> identity)
    out = _mlp(nf, params['pred_W'], params['pred_b'], False)
    return out.reshape(-1)

def reference(x, edge_index, edge_attr, params):
    return _forward(x, edge_attr, params, edge_index)

if __name__ == "__main__":
    import jax
    _d = setup_inputs()
    print(jax.jit(kernel)(*tuple(_d.values())))

</pallas_src>

<mosaic_0001>
#map = affine_map<(d0, d1) -> (0, 0)>
#map1 = affine_map<(d0, d1) -> (0, 0, 0)>
module attributes {stable_mosaic.version = 14 : i64} {
  func.func @sc_gather(%arg0: i32, %arg1: i32, %arg2: memref<10000x128xf32, #tpu.memory_space<hbm>>, %arg3: memref<32x40x128xi32, #tpu.memory_space<hbm>>, %arg4: memref<163840x128xf32, #tpu.memory_space<hbm>>, %arg5: memref<40x128xi32, #tpu.memory_space<vmem>>, %arg6: memref<128x128xf32, #tpu.memory_space<vmem>>, %arg7: memref<!tpu.dma_semaphore, #tpu.memory_space<semaphore_mem>>) attributes {dimension_semantics = [#tpu.dimension_semantics<core_parallel>, #tpu.dimension_semantics<subcore_parallel>], iteration_bounds = array<i64: 2, 16>, scalar_prefetch = 0 : i64, scratch_operands = 3 : i64, tpu.core_type = #tpu.core_type<sc_vector_subcore>, window_params = [{transform_indices = #map}, {transform_indices = #map1}, {transform_indices = #map}]} {
    %mul3A = arith.constant 16 : i32
    %mul3A_0 = arith.muli %arg0, %mul3A : i32
    %add3A = arith.addi %mul3A_0, %arg1 : i32
    "tpu.region"() ({
      %run_scoped3A = tpu.sem_alloc : memref<!tpu.dma_semaphore, #tpu.memory_space<semaphore_mem>>
      %dma_start3A = arith.constant 0 : i32
      %dma_start3A_6 = arith.constant 0 : i32
      %dma_start3A_7 = tpu.memref_slice %arg3[%add3A, %dma_start3A, %dma_start3A_6] : memref<32x40x128xi32, #tpu.memory_space<hbm>> -> memref<1x40x128xi32, #tpu.memory_space<hbm>>
      %dma_start3A_8 = tpu.memref_squeeze %dma_start3A_7 : memref<1x40x128xi32, #tpu.memory_space<hbm>> -> memref<40x128xi32, #tpu.memory_space<hbm>>
      %dma_start3A_9 = arith.constant 0 : i32
      %dma_start3A_10 = arith.constant 0 : i32
      %dma_start3A_11 = tpu.memref_slice %arg3[%add3A, %dma_start3A_9, %dma_start3A_10] : memref<32x40x128xi32, #tpu.memory_space<hbm>> -> memref<1x40x128xi32, #tpu.memory_space<hbm>>
      %dma_start3A_12 = tpu.memref_squeeze %dma_start3A_11 : memref<1x40x128xi32, #tpu.memory_space<hbm>> -> memref<40x128xi32, #tpu.memory_space<hbm>>
      tpu.enqueue_dma source(%dma_start3A_12 : memref<40x128xi32, #tpu.memory_space<hbm>>) target(%arg5 : memref<40x128xi32, #tpu.memory_space<vmem>>) target_semaphore(%run_scoped3A : memref<!tpu.dma_semaphore, #tpu.memory_space<semaphore_mem>>)
      %dma_wait3A = arith.constant 0 : i32
      %dma_wait3A_13 = arith.constant 0 : i32
      %dma_wait3A_14 = tpu.memref_slice %arg3[%add3A, %dma_wait3A, %dma_wait3A_13] : memref<32x40x128xi32, #tpu.memory_space<hbm>> -> memref<1x40x128xi32, #tpu.memory_space<hbm>>
      %dma_wait3A_15 = tpu.memref_squeeze %dma_wait3A_14 : memref<1x40x128xi32, #tpu.memory_space<hbm>> -> memref<40x128xi32, #tpu.memory_space<hbm>>
      %dma_wait3A_16 = arith.constant 0 : i32
      %dma_wait3A_17 = arith.constant 0 : i32
      %dma_wait3A_18 = tpu.memref_slice %arg3[%add3A, %dma_wait3A_16, %dma_wait3A_17] : memref<32x40x128xi32, #tpu.memory_space<hbm>> -> memref<1x40x128xi32, #tpu.memory_space<hbm>>
      %dma_wait3A_19 = tpu.memref_squeeze %dma_wait3A_18 : memref<1x40x128xi32, #tpu.memory_space<hbm>> -> memref<40x128xi32, #tpu.memory_space<hbm>>
      tpu.wait_dma2 semaphore(%run_scoped3A : memref<!tpu.dma_semaphore, #tpu.memory_space<semaphore_mem>>) src(%dma_wait3A_19 : memref<40x128xi32, #tpu.memory_space<hbm>>) dst(%arg5 : memref<40x128xi32, #tpu.memory_space<vmem>>)
      tpu.yield
    }) : () -> ()
    %scan3A = arith.constant 0 : i32
    %scan3A_1 = arith.constant 0 : i32
    %scan3A_2 = arith.constant 40 : i32
    %scan3A_3 = arith.addi %scan3A_1, %scan3A_2 : i32
    %scan3A_4 = arith.constant 1 : i32
    scf.for %scan3A_6 = %scan3A_1 to %scan3A_3 step %scan3A_4  : i32 {
      %dma_start3A = arith.constant 0 : i32
      %dma_start3A_7 = tpu.memref_slice %arg5[%scan3A_6, %dma_start3A] : memref<40x128xi32, #tpu.memory_space<vmem>> -> memref<1x128xi32, #tpu.memory_space<vmem>>
      %dma_start3A_8 = tpu.memref_squeeze %dma_start3A_7 : memref<1x128xi32, #tpu.memory_space<vmem>> -> memref<128xi32, #tpu.memory_space<vmem>>
      %dma_start3A_9 = arith.constant 0 : i32
      %dma_start3A_10 = arith.constant 0 : i32
      %dma_start3A_11 = tpu.memref_slice %arg2[%dma_start3A_9, %dma_start3A_10] : memref<10000x128xf32, #tpu.memory_space<hbm>> -> memref<10000x128xf32, #tpu.memory_space<hbm>>
      tpu.enqueue_indirect_dma source(%dma_start3A_11 : memref<10000x128xf32, #tpu.memory_space<hbm>>) target(%arg6 : memref<128x128xf32, #tpu.memory_space<vmem>>) offsets(%dma_start3A_8 : memref<128xi32, #tpu.memory_space<vmem>>) semaphore(%arg7 : memref<!tpu.dma_semaphore, #tpu.memory_space<semaphore_mem>>)
      %dma_wait3A = arith.constant 0 : i32
      %dma_wait3A_12 = tpu.memref_slice %arg5[%scan3A_6, %dma_wait3A] : memref<40x128xi32, #tpu.memory_space<vmem>> -> memref<1x128xi32, #tpu.memory_space<vmem>>
      %dma_wait3A_13 = tpu.memref_squeeze %dma_wait3A_12 : memref<1x128xi32, #tpu.memory_space<vmem>> -> memref<128xi32, #tpu.memory_space<vmem>>
      %dma_wait3A_14 = arith.constant 0 : i32
      %dma_wait3A_15 = arith.constant 0 : i32
      %dma_wait3A_16 = tpu.memref_slice %arg2[%dma_wait3A_14, %dma_wait3A_15] : memref<10000x128xf32, #tpu.memory_space<hbm>> -> memref<10000x128xf32, #tpu.memory_space<hbm>>
      tpu.wait_indirect_dma semaphore(%arg7 : memref<!tpu.dma_semaphore, #tpu.memory_space<semaphore_mem>>) src(%dma_wait3A_16 : memref<10000x128xf32, #tpu.memory_space<hbm>>) dst(%arg6 : memref<128x128xf32, #tpu.memory_space<vmem>>)
      %mul3A_17 = arith.constant 5120 : i32
      %mul3A_18 = arith.muli %add3A, %mul3A_17 : i32
      %mul3A_19 = arith.constant 128 : i32
      %mul3A_20 = arith.muli %scan3A_6, %mul3A_19 : i32
      %add3A_21 = arith.addi %mul3A_18, %mul3A_20 : i32
      "tpu.region"() ({
        %run_scoped3A = tpu.sem_alloc : memref<!tpu.dma_semaphore, #tpu.memory_space<semaphore_mem>>
        %dma_start3A_22 = arith.constant 0 : i32
        %dma_start3A_23 = tpu.memref_slice %arg4[%add3A_21, %dma_start3A_22] : memref<163840x128xf32, #tpu.memory_space<hbm>> -> memref<128x128xf32, #tpu.memory_space<hbm>>
        %dma_start3A_24 = arith.constant 0 : i32
        %dma_start3A_25 = tpu.memref_slice %arg4[%add3A_21, %dma_start3A_24] : memref<163840x128xf32, #tpu.memory_space<hbm>> -> memref<128x128xf32, #tpu.memory_space<hbm>>
        tpu.enqueue_dma source(%arg6 : memref<128x128xf32, #tpu.memory_space<vmem>>) target(%dma_start3A_25 : memref<128x128xf32, #tpu.memory_space<hbm>>) target_semaphore(%run_scoped3A : memref<!tpu.dma_semaphore, #tpu.memory_space<semaphore_mem>>)
        %dma_wait3A_26 = arith.constant 0 : i32
        %dma_wait3A_27 = tpu.memref_slice %arg4[%add3A_21, %dma_wait3A_26] : memref<163840x128xf32, #tpu.memory_space<hbm>> -> memref<128x128xf32, #tpu.memory_space<hbm>>
        %dma_wait3A_28 = arith.constant 0 : i32
        %dma_wait3A_29 = tpu.memref_slice %arg4[%add3A_21, %dma_wait3A_28] : memref<163840x128xf32, #tpu.memory_space<hbm>> -> memref<128x128xf32, #tpu.memory_space<hbm>>
        tpu.wait_dma2 semaphore(%run_scoped3A : memref<!tpu.dma_semaphore, #tpu.memory_space<semaphore_mem>>) src(%arg6 : memref<128x128xf32, #tpu.memory_space<vmem>>) dst(%dma_wait3A_29 : memref<128x128xf32, #tpu.memory_space<hbm>>)
        tpu.yield
      }) : () -> ()
    }
    %scan3A_5 = arith.constant 40 : i32
    return
  }
}

#map = affine_map<(d0, d1) -> (0, 0)>
#map1 = affine_map<(d0, d1) -> (0, 0, 0)>
module attributes {stable_mosaic.version = 14 : i64} {
  func.func @sc_gather(%arg0: i32, %arg1: i32, %arg2: memref<10000x128xf32, #tpu.memory_space<hbm>>, %arg3: memref<32x40x128xi32, #tpu.memory_space<hbm>>, %arg4: memref<163840x128xf32, #tpu.memory_space<hbm>>, %arg5: memref<40x128xi32, #tpu.memory_space<vmem>>, %arg6: memref<128x128xf32, #tpu.memory_space<vmem>>, %arg7: memref<!tpu.dma_semaphore, #tpu.memory_space<semaphore_mem>>) attributes {dimension_semantics = [#tpu.dimension_semantics<core_parallel>, #tpu.dimension_semantics<subcore_parallel>], iteration_bounds = array<i64: 2, 16>, scalar_prefetch = 0 : i64, scratch_operands = 3 : i64, tpu.core_type = #tpu.core_type<sc_vector_subcore>, window_params = [{transform_indices = #map}, {transform_indices = #map1}, {transform_indices = #map}]} {
    %mul3A = arith.constant 16 : i32
    %mul3A_0 = arith.muli %arg0, %mul3A : i32
    %add3A = arith.addi %mul3A_0, %arg1 : i32
    "tpu.region"() ({
      %run_scoped3A = tpu.sem_alloc : memref<!tpu.dma_semaphore, #tpu.memory_space<semaphore_mem>>
      %dma_start3A = arith.constant 0 : i32
      %dma_start3A_6 = arith.constant 0 : i32
      %dma_start3A_7 = tpu.memref_slice %arg3[%add3A, %dma_start3A, %dma_start3A_6] : memref<32x40x128xi32, #tpu.memory_space<hbm>> -> memref<1x40x128xi32, #tpu.memory_space<hbm>>
      %dma_start3A_8 = tpu.memref_squeeze %dma_start3A_7 : memref<1x40x128xi32, #tpu.memory_space<hbm>> -> memref<40x128xi32, #tpu.memory_space<hbm>>
      %dma_start3A_9 = arith.constant 0 : i32
      %dma_start3A_10 = arith.constant 0 : i32
      %dma_start3A_11 = tpu.memref_slice %arg3[%add3A, %dma_start3A_9, %dma_start3A_10] : memref<32x40x128xi32, #tpu.memory_space<hbm>> -> memref<1x40x128xi32, #tpu.memory_space<hbm>>
      %dma_start3A_12 = tpu.memref_squeeze %dma_start3A_11 : memref<1x40x128xi32, #tpu.memory_space<hbm>> -> memref<40x128xi32, #tpu.memory_space<hbm>>
      tpu.enqueue_dma source(%dma_start3A_12 : memref<40x128xi32, #tpu.memory_space<hbm>>) target(%arg5 : memref<40x128xi32, #tpu.memory_space<vmem>>) target_semaphore(%run_scoped3A : memref<!tpu.dma_semaphore, #tpu.memory_space<semaphore_mem>>)
      %dma_wait3A = arith.constant 0 : i32
      %dma_wait3A_13 = arith.constant 0 : i32
      %dma_wait3A_14 = tpu.memref_slice %arg3[%add3A, %dma_wait3A, %dma_wait3A_13] : memref<32x40x128xi32, #tpu.memory_space<hbm>> -> memref<1x40x128xi32, #tpu.memory_space<hbm>>
      %dma_wait3A_15 = tpu.memref_squeeze %dma_wait3A_14 : memref<1x40x128xi32, #tpu.memory_space<hbm>> -> memref<40x128xi32, #tpu.memory_space<hbm>>
      %dma_wait3A_16 = arith.constant 0 : i32
      %dma_wait3A_17 = arith.constant 0 : i32
      %dma_wait3A_18 = tpu.memref_slice %arg3[%add3A, %dma_wait3A_16, %dma_wait3A_17] : memref<32x40x128xi32, #tpu.memory_space<hbm>> -> memref<1x40x128xi32, #tpu.memory_space<hbm>>
      %dma_wait3A_19 = tpu.memref_squeeze %dma_wait3A_18 : memref<1x40x128xi32, #tpu.memory_space<hbm>> -> memref<40x128xi32, #tpu.memory_space<hbm>>
      tpu.wait_dma2 semaphore(%run_scoped3A : memref<!tpu.dma_semaphore, #tpu.memory_space<semaphore_mem>>) src(%dma_wait3A_19 : memref<40x128xi32, #tpu.memory_space<hbm>>) dst(%arg5 : memref<40x128xi32, #tpu.memory_space<vmem>>)
      tpu.yield
    }) : () -> ()
    %scan3A = arith.constant 0 : i32
    %scan3A_1 = arith.constant 0 : i32
    %scan3A_2 = arith.constant 40 : i32
    %scan3A_3 = arith.addi %scan3A_1, %scan3A_2 : i32
    %scan3A_4 = arith.constant 1 : i32
    scf.for %scan3A_6 = %scan3A_1 to %scan3A_3 step %scan3A_4  : i32 {
      %dma_start3A = arith.constant 0 : i32
      %dma_start3A_7 = tpu.memref_slice %arg5[%scan3A_6, %dma_start3A] : memref<40x128xi32, #tpu.memory_space<vmem>> -> memref<1x128xi32, #tpu.memory_space<vmem>>
      %dma_start3A_8 = tpu.memref_squeeze %dma_start3A_7 : memref<1x128xi32, #tpu.memory_space<vmem>> -> memref<128xi32, #tpu.memory_space<vmem>>
      %dma_start3A_9 = arith.constant 0 : i32
      %dma_start3A_10 = arith.constant 0 : i32
      %dma_start3A_11 = tpu.memref_slice %arg2[%dma_start3A_9, %dma_start3A_10] : memref<10000x128xf32, #tpu.memory_space<hbm>> -> memref<10000x128xf32, #tpu.memory_space<hbm>>
      tpu.enqueue_indirect_dma source(%dma_start3A_11 : memref<10000x128xf32, #tpu.memory_space<hbm>>) target(%arg6 : memref<128x128xf32, #tpu.memory_space<vmem>>) offsets(%dma_start3A_8 : memref<128xi32, #tpu.memory_space<vmem>>) semaphore(%arg7 : memref<!tpu.dma_semaphore, #tpu.memory_space<semaphore_mem>>)
      %dma_wait3A = arith.constant 0 : i32
      %dma_wait3A_12 = tpu.memref_slice %arg5[%scan3A_6, %dma_wait3A] : memref<40x128xi32, #tpu.memory_space<vmem>> -> memref<1x128xi32, #tpu.memory_space<vmem>>
      %dma_wait3A_13 = tpu.memref_squeeze %dma_wait3A_12 : memref<1x128xi32, #tpu.memory_space<vmem>> -> memref<128xi32, #tpu.memory_space<vmem>>
      %dma_wait3A_14 = arith.constant 0 : i32
      %dma_wait3A_15 = arith.constant 0 : i32
      %dma_wait3A_16 = tpu.memref_slice %arg2[%dma_wait3A_14, %dma_wait3A_15] : memref<10000x128xf32, #tpu.memory_space<hbm>> -> memref<10000x128xf32, #tpu.memory_space<hbm>>
      tpu.wait_indirect_dma semaphore(%arg7 : memref<!tpu.dma_semaphore, #tpu.memory_space<semaphore_mem>>) src(%dma_wait3A_16 : memref<10000x128xf32, #tpu.memory_space<hbm>>) dst(%arg6 : memref<128x128xf32, #tpu.memory_space<vmem>>)
      %mul3A_17 = arith.constant 5120 : i32
      %mul3A_18 = arith.muli %add3A, %mul3A_17 : i32
      %mul3A_19 = arith.constant 128 : i32
      %mul3A_20 = arith.muli %scan3A_6, %mul3A_19 : i32
      %add3A_21 = arith.addi %mul3A_18, %mul3A_20 : i32
      "tpu.region"() ({
        %run_scoped3A = tpu.sem_alloc : memref<!tpu.dma_semaphore, #tpu.memory_space<semaphore_mem>>
        %dma_start3A_22 = arith.constant 0 : i32
        %dma_start3A_23 = tpu.memref_slice %arg4[%add3A_21, %dma_start3A_22] : memref<163840x128xf32, #tpu.memory_space<hbm>> -> memref<128x128xf32, #tpu.memory_space<hbm>>
        %dma_start3A_24 = arith.constant 0 : i32
        %dma_start3A_25 = tpu.memref_slice %arg4[%add3A_21, %dma_start3A_24] : memref<163840x128xf32, #tpu.memory_space<hbm>> -> memref<128x128xf32, #tpu.memory_space<hbm>>
        tpu.enqueue_dma source(%arg6 : memref<128x128xf32, #tpu.memory_space<vmem>>) target(%dma_start3A_25 : memref<128x128xf32, #tpu.memory_space<hbm>>) target_semaphore(%run_scoped3A : memref<!tpu.dma_semaphore, #tpu.memory_space<semaphore_mem>>)
        %dma_wait3A_26 = arith.constant 0 : i32
        %dma_wait3A_27 = tpu.memref_slice %arg4[%add3A_21, %dma_wait3A_26] : memref<163840x128xf32, #tpu.memory_space<hbm>> -> memref<128x128xf32, #tpu.memory_space<hbm>>
        %dma_wait3A_28 = arith.constant 0 : i32
        %dma_wait3A_29 = tpu.memref_slice %arg4[%add3A_21, %dma_wait3A_28] : memref<163840x128xf32, #tpu.memory_space<hbm>> -> memref<128x128xf32, #tpu.memory_space<hbm>>
        tpu.wait_dma2 semaphore(%run_scoped3A : memref<!tpu.dma_semaphore, #tpu.memory_space<semaphore_mem>>) src(%arg6 : memref<128x128xf32, #tpu.memory_space<vmem>>) dst(%dma_wait3A_29 : memref<128x128xf32, #tpu.memory_space<hbm>>)
        tpu.yield
      }) : () -> ()
    }
    %scan3A_5 = arith.constant 40 : i32
    return
  }
}

#map = affine_map<(d0, d1) -> (0, 0)>
#map1 = affine_map<(d0, d1) -> (0, 0, 0)>
module attributes {stable_mosaic.version = 14 : i64} {
  func.func @sc_scatter(%arg0: i32, %arg1: i32, %arg2: memref<163840x128xf32, #tpu.memory_space<hbm>>, %arg3: memref<32x40x128xi32, #tpu.memory_space<hbm>>, %arg4: memref<10112x128xf32, #tpu.memory_space<hbm>>, %arg5: memref<2x10112x128xf32, #tpu.memory_space<hbm>>, %arg6: memref<40x128xi32, #tpu.memory_space<vmem>>, %arg7: memref<128x128xf32, #tpu.memory_space<vmem>>, %arg8: memref<10112x128xf32, #tpu.memory_space<vmem_shared>>) attributes {dimension_semantics = [#tpu.dimension_semantics<core_parallel>, #tpu.dimension_semantics<subcore_parallel>], iteration_bounds = array<i64: 2, 16>, scalar_prefetch = 0 : i64, scratch_operands = 3 : i64, tpu.core_type = #tpu.core_type<sc_vector_subcore>, window_params = [{transform_indices = #map}, {transform_indices = #map1}, {transform_indices = #map}, {transform_indices = #map1}]} {
    %mul3A = arith.constant 16 : i32
    %mul3A_0 = arith.muli %arg0, %mul3A : i32
    %add3A = arith.addi %mul3A_0, %arg1 : i32
    %mul3A_1 = arith.constant 632 : i32
    %mul3A_2 = arith.muli %arg1, %mul3A_1 : i32
    %mul3A_3 = arith.constant 632 : i32
    %mul3A_4 = arith.muli %arg1, %mul3A_3 : i32
    "tpu.region"() ({
      %run_scoped3A = tpu.sem_alloc : memref<!tpu.dma_semaphore, #tpu.memory_space<semaphore_mem>>
      %dma_start3A = arith.constant 0 : i32
      %dma_start3A_15 = tpu.memref_slice %arg8[%mul3A_4, %dma_start3A] : memref<10112x128xf32, #tpu.memory_space<vmem_shared>> -> memref<632x128xf32, #tpu.memory_space<vmem_shared>>
      %dma_start3A_16 = arith.constant 0 : i32
      %dma_start3A_17 = tpu.memref_slice %arg4[%mul3A_2, %dma_start3A_16] : memref<10112x128xf32, #tpu.memory_space<hbm>> -> memref<632x128xf32, #tpu.memory_space<hbm>>
      tpu.enqueue_dma source(%dma_start3A_17 : memref<632x128xf32, #tpu.memory_space<hbm>>) target(%dma_start3A_15 : memref<632x128xf32, #tpu.memory_space<vmem_shared>>) target_semaphore(%run_scoped3A : memref<!tpu.dma_semaphore, #tpu.memory_space<semaphore_mem>>)
      %dma_wait3A = arith.constant 0 : i32
      %dma_wait3A_18 = tpu.memref_slice %arg8[%mul3A_4, %dma_wait3A] : memref<10112x128xf32, #tpu.memory_space<vmem_shared>> -> memref<632x128xf32, #tpu.memory_space<vmem_shared>>
      %dma_wait3A_19 = arith.constant 0 : i32
      %dma_wait3A_20 = tpu.memref_slice %arg4[%mul3A_2, %dma_wait3A_19] : memref<10112x128xf32, #tpu.memory_space<hbm>> -> memref<632x128xf32, #tpu.memory_space<hbm>>
      tpu.wait_dma2 semaphore(%run_scoped3A : memref<!tpu.dma_semaphore, #tpu.memory_space<semaphore_mem>>) src(%dma_wait3A_20 : memref<632x128xf32, #tpu.memory_space<hbm>>) dst(%dma_wait3A_18 : memref<632x128xf32, #tpu.memory_space<vmem_shared>>)
      tpu.yield
    }) : () -> ()
    %barrier3A = arith.constant 0 : index
    tpu.barrier barrier_id(%barrier3A)
    "tpu.region"() ({
      %run_scoped3A = tpu.sem_alloc : memref<!tpu.dma_semaphore, #tpu.memory_space<semaphore_mem>>
      %dma_start3A = arith.constant 0 : i32
      %dma_start3A_15 = arith.constant 0 : i32
      %dma_start3A_16 = tpu.memref_slice %arg3[%add3A, %dma_start3A, %dma_start3A_15] : memref<32x40x128xi32, #tpu.memory_space<hbm>> -> memref<1x40x128xi32, #tpu.memory_space<hbm>>
      %dma_start3A_17 = tpu.memref_squeeze %dma_start3A_16 : memref<1x40x128xi32, #tpu.memory_space<hbm>> -> memref<40x128xi32, #tpu.memory_space<hbm>>
      %dma_start3A_18 = arith.constant 0 : i32
      %dma_start3A_19 = arith.constant 0 : i32
      %dma_start3A_20 = tpu.memref_slice %arg3[%add3A, %dma_start3A_18, %dma_start3A_19] : memref<32x40x128xi32, #tpu.memory_space<hbm>> -> memref<1x40x128xi32, #tpu.memory_space<hbm>>
      %dma_start3A_21 = tpu.memref_squeeze %dma_start3A_20 : memref<1x40x128xi32, #tpu.memory_space<hbm>> -> memref<40x128xi32, #tpu.memory_space<hbm>>
      tpu.enqueue_dma source(%dma_start3A_21 : memref<40x128xi32, #tpu.memory_space<hbm>>) target(%arg6 : memref<40x128xi32, #tpu.memory_space<vmem>>) target_semaphore(%run_scoped3A : memref<!tpu.dma_semaphore, #tpu.memory_space<semaphore_mem>>)
      %dma_wait3A = arith.constant 0 : i32
      %dma_wait3A_22 = arith.constant 0 : i32
      %dma_wait3A_23 = tpu.memref_slice %arg3[%add3A, %dma_wait3A, %dma_wait3A_22] : memref<32x40x128xi32, #tpu.memory_space<hbm>> -> memref<1x40x128xi32, #tpu.memory_space<hbm>>
      %dma_wait3A_24 = tpu.memref_squeeze %dma_wait3A_23 : memref<1x40x128xi32, #tpu.memory_space<hbm>> -> memref<40x128xi32, #tpu.memory_space<hbm>>
      %dma_wait3A_25 = arith.constant 0 : i32
      %dma_wait3A_26 = arith.constant 0 : i32
      %dma_wait3A_27 = tpu.memref_slice %arg3[%add3A, %dma_wait3A_25, %dma_wait3A_26] : memref<32x40x128xi32, #tpu.memory_space<hbm>> -> memref<1x40x128xi32, #tpu.memory_space<hbm>>
      %dma_wait3A_28 = tpu.memref_squeeze %dma_wait3A_27 : memref<1x40x128xi32, #tpu.memory_space<hbm>> -> memref<40x128xi32, #tpu.memory_space<hbm>>
      tpu.wait_dma2 semaphore(%run_scoped3A : memref<!tpu.dma_semaphore, #tpu.memory_space<semaphore_mem>>) src(%dma_wait3A_28 : memref<40x128xi32, #tpu.memory_space<hbm>>) dst(%arg6 : memref<40x128xi32, #tpu.memory_space<vmem>>)
      tpu.yield
    }) : () -> ()
    %scan3A = arith.constant 0 : i32
    %scan3A_5 = arith.constant 0 : i32
    %scan3A_6 = arith.constant 40 : i32
    %scan3A_7 = arith.addi %scan3A_5, %scan3A_6 : i32
    %scan3A_8 = arith.constant 1 : i32
    scf.for %scan3A_15 = %scan3A_5 to %scan3A_7 step %scan3A_8  : i32 {
      %mul3A_16 = arith.constant 5120 : i32
      %mul3A_17 = arith.muli %add3A, %mul3A_16 : i32
      %mul3A_18 = arith.constant 128 : i32
      %mul3A_19 = arith.muli %scan3A_15, %mul3A_18 : i32
      %add3A_20 = arith.addi %mul3A_17, %mul3A_19 : i32
      "tpu.region"() ({
        %run_scoped3A = tpu.sem_alloc : memref<!tpu.dma_semaphore, #tpu.memory_space<semaphore_mem>>
        %dma_start3A = arith.constant 0 : i32
        %dma_start3A_21 = tpu.memref_slice %arg2[%add3A_20, %dma_start3A] : memref<163840x128xf32, #tpu.memory_space<hbm>> -> memref<128x128xf32, #tpu.memory_space<hbm>>
        %dma_start3A_22 = arith.constant 0 : i32
        %dma_start3A_23 = tpu.memref_slice %arg2[%add3A_20, %dma_start3A_22] : memref<163840x128xf32, #tpu.memory_space<hbm>> -> memref<128x128xf32, #tpu.memory_space<hbm>>
        tpu.enqueue_dma source(%dma_start3A_23 : memref<128x128xf32, #tpu.memory_space<hbm>>) target(%arg7 : memref<128x128xf32, #tpu.memory_space<vmem>>) target_semaphore(%run_scoped3A : memref<!tpu.dma_semaphore, #tpu.memory_space<semaphore_mem>>)
        %dma_wait3A = arith.constant 0 : i32
        %dma_wait3A_24 = tpu.memref_slice %arg2[%add3A_20, %dma_wait3A] : memref<163840x128xf32, #tpu.memory_space<hbm>> -> memref<128x128xf32, #tpu.memory_space<hbm>>
        %dma_wait3A_25 = arith.constant 0 : i32
        %dma_wait3A_26 = tpu.memref_slice %arg2[%add3A_20, %dma_wait3A_25] : memref<163840x128xf32, #tpu.memory_space<hbm>> -> memref<128x128xf32, #tpu.memory_space<hbm>>
        tpu.wait_dma2 semaphore(%run_scoped3A : memref<!tpu.dma_semaphore, #tpu.memory_space<semaphore_mem>>) src(%dma_wait3A_26 : memref<128x128xf32, #tpu.memory_space<hbm>>) dst(%arg7 : memref<128x128xf32, #tpu.memory_space<vmem>>)
        tpu.yield
      }) : () -> ()
      "tpu.region"() ({
        %run_scoped3A = tpu.sem_alloc : memref<!tpu.dma_semaphore, #tpu.memory_space<semaphore_mem>>
        %dma_start3A = arith.constant 0 : i32
        %dma_start3A_21 = tpu.memref_slice %arg6[%scan3A_15, %dma_start3A] : memref<40x128xi32, #tpu.memory_space<vmem>> -> memref<1x128xi32, #tpu.memory_space<vmem>>
        %dma_start3A_22 = tpu.memref_squeeze %dma_start3A_21 : memref<1x128xi32, #tpu.memory_space<vmem>> -> memref<128xi32, #tpu.memory_space<vmem>>
        %dma_start3A_23 = arith.constant 0 : i32
        %dma_start3A_24 = arith.constant 0 : i32
        %dma_start3A_25 = tpu.memref_slice %arg8[%dma_start3A_23, %dma_start3A_24] : memref<10112x128xf32, #tpu.memory_space<vmem_shared>> -> memref<10112x128xf32, #tpu.memory_space<vmem_shared>>
        tpu.enqueue_indirect_dma source(%arg7 : memref<128x128xf32, #tpu.memory_space<vmem>>) target(%dma_start3A_25 : memref<10112x128xf32, #tpu.memory_space<vmem_shared>>) offsets(%dma_start3A_22 : memref<128xi32, #tpu.memory_space<vmem>>) semaphore(%run_scoped3A : memref<!tpu.dma_semaphore, #tpu.memory_space<semaphore_mem>>) {add = true}
        %dma_wait3A = arith.constant 0 : i32
        %dma_wait3A_26 = tpu.memref_slice %arg6[%scan3A_15, %dma_wait3A] : memref<40x128xi32, #tpu.memory_space<vmem>> -> memref<1x128xi32, #tpu.memory_space<vmem>>
        %dma_wait3A_27 = tpu.memref_squeeze %dma_wait3A_26 : memref<1x128xi32, #tpu.memory_space<vmem>> -> memref<128xi32, #tpu.memory_space<vmem>>
        %dma_wait3A_28 = arith.constant 0 : i32
        %dma_wait3A_29 = arith.constant 0 : i32
        %dma_wait3A_30 = tpu.memref_slice %arg8[%dma_wait3A_28, %dma_wait3A_29] : memref<10112x128xf32, #tpu.memory_space<vmem_shared>> -> memref<10112x128xf32, #tpu.memory_space<vmem_shared>>
        tpu.wait_indirect_dma semaphore(%run_scoped3A : memref<!tpu.dma_semaphore, #tpu.memory_space<semaphore_mem>>) src(%arg7 : memref<128x128xf32, #tpu.memory_space<vmem>>) dst(%dma_wait3A_30 : memref<10112x128xf32, #tpu.memory_space<vmem_shared>>)
        tpu.yield
      }) : () -> ()
    }
    %scan3A_9 = arith.constant 40 : i32
    %barrier3A_10 = arith.constant 0 : index
    tpu.barrier barrier_id(%barrier3A_10)
    %mul3A_11 = arith.constant 632 : i32
    %mul3A_12 = arith.muli %arg1, %mul3A_11 : i32
    %mul3A_13 = arith.constant 632 : i32
    %mul3A_14 = arith.muli %arg1, %mul3A_13 : i32
    "tpu.region"() ({
      %run_scoped3A = tpu.sem_alloc : memref<!tpu.dma_semaphore, #tpu.memory_space<semaphore_mem>>
      %dma_start3A = arith.constant 0 : i32
      %dma_start3A_15 = tpu.memref_slice %arg5[%arg0, %mul3A_14, %dma_start3A] : memref<2x10112x128xf32, #tpu.memory_space<hbm>> -> memref<1x632x128xf32, #tpu.memory_space<hbm>>
      %dma_start3A_16 = tpu.memref_squeeze %dma_start3A_15 : memref<1x632x128xf32, #tpu.memory_space<hbm>> -> memref<632x128xf32, #tpu.memory_space<hbm>>
      %dma_start3A_17 = arith.constant 0 : i32
      %dma_start3A_18 = tpu.memref_slice %arg8[%mul3A_12, %dma_start3A_17] : memref<10112x128xf32, #tpu.memory_space<vmem_shared>> -> memref<632x128xf32, #tpu.memory_space<vmem_shared>>
      tpu.enqueue_dma source(%dma_start3A_18 : memref<632x128xf32, #tpu.memory_space<vmem_shared>>) target(%dma_start3A_16 : memref<632x128xf32, #tpu.memory_space<hbm>>) target_semaphore(%run_scoped3A : memref<!tpu.dma_semaphore, #tpu.memory_space<semaphore_mem>>)
      %dma_wait3A = arith.constant 0 : i32
      %dma_wait3A_19 = tpu.memref_slice %arg5[%arg0, %mul3A_14, %dma_wait3A] : memref<2x10112x128xf32, #tpu.memory_space<hbm>> -> memref<1x632x128xf32, #tpu.memory_space<hbm>>
      %dma_wait3A_20 = tpu.memref_squeeze %dma_wait3A_19 : memref<1x632x128xf32, #tpu.memory_space<hbm>> -> memref<632x128xf32, #tpu.memory_space<hbm>>
      %dma_wait3A_21 = arith.constant 0 : i32
      %dma_wait3A_22 = tpu.memref_slice %arg8[%mul3A_12, %dma_wait3A_21] : memref<10112x128xf32, #tpu.memory_space<vmem_shared>> -> memref<632x128xf32, #tpu.memory_space<vmem_shared>>
      tpu.wait_dma2 semaphore(%run_scoped3A : memref<!tpu.dma_semaphore, #tpu.memory_space<semaphore_mem>>) src(%dma_wait3A_22 : memref<632x128xf32, #tpu.memory_space<vmem_shared>>) dst(%dma_wait3A_20 : memref<632x128xf32, #tpu.memory_space<hbm>>)
      tpu.yield
    }) : () -> ()
    return
  }
}

#map = affine_map<(d0, d1) -> (0, 0)>
#map1 = affine_map<(d0, d1) -> (0, 0, 0)>
module attributes {stable_mosaic.version = 14 : i64} {
  func.func @sc_scatter(%arg0: i32, %arg1: i32, %arg2: memref<163840x128xf32, #tpu.memory_space<hbm>>, %arg3: memref<32x40x128xi32, #tpu.memory_space<hbm>>, %arg4: memref<10112x128xf32, #tpu.memory_space<hbm>>, %arg5: memref<2x10112x128xf32, #tpu.memory_space<hbm>>, %arg6: memref<40x128xi32, #tpu.memory_space<vmem>>, %arg7: memref<128x128xf32, #tpu.memory_space<vmem>>, %arg8: memref<10112x128xf32, #tpu.memory_space<vmem_shared>>) attributes {dimension_semantics = [#tpu.dimension_semantics<core_parallel>, #tpu.dimension_semantics<subcore_parallel>], iteration_bounds = array<i64: 2, 16>, scalar_prefetch = 0 : i64, scratch_operands = 3 : i64, tpu.core_type = #tpu.core_type<sc_vector_subcore>, window_params = [{transform_indices = #map}, {transform_indices = #map1}, {transform_indices = #map}, {transform_indices = #map1}]} {
    %mul3A = arith.constant 16 : i32
    %mul3A_0 = arith.muli %arg0, %mul3A : i32
    %add3A = arith.addi %mul3A_0, %arg1 : i32
    %mul3A_1 = arith.constant 632 : i32
    %mul3A_2 = arith.muli %arg1, %mul3A_1 : i32
    %mul3A_3 = arith.constant 632 : i32
    %mul3A_4 = arith.muli %arg1, %mul3A_3 : i32
    "tpu.region"() ({
      %run_scoped3A = tpu.sem_alloc : memref<!tpu.dma_semaphore, #tpu.memory_space<semaphore_mem>>
      %dma_start3A = arith.constant 0 : i32
      %dma_start3A_15 = tpu.memref_slice %arg8[%mul3A_4, %dma_start3A] : memref<10112x128xf32, #tpu.memory_space<vmem_shared>> -> memref<632x128xf32, #tpu.memory_space<vmem_shared>>
      %dma_start3A_16 = arith.constant 0 : i32
      %dma_start3A_17 = tpu.memref_slice %arg4[%mul3A_2, %dma_start3A_16] : memref<10112x128xf32, #tpu.memory_space<hbm>> -> memref<632x128xf32, #tpu.memory_space<hbm>>
      tpu.enqueue_dma source(%dma_start3A_17 : memref<632x128xf32, #tpu.memory_space<hbm>>) target(%dma_start3A_15 : memref<632x128xf32, #tpu.memory_space<vmem_shared>>) target_semaphore(%run_scoped3A : memref<!tpu.dma_semaphore, #tpu.memory_space<semaphore_mem>>)
      %dma_wait3A = arith.constant 0 : i32
      %dma_wait3A_18 = tpu.memref_slice %arg8[%mul3A_4, %dma_wait3A] : memref<10112x128xf32, #tpu.memory_space<vmem_shared>> -> memref<632x128xf32, #tpu.memory_space<vmem_shared>>
      %dma_wait3A_19 = arith.constant 0 : i32
      %dma_wait3A_20 = tpu.memref_slice %arg4[%mul3A_2, %dma_wait3A_19] : memref<10112x128xf32, #tpu.memory_space<hbm>> -> memref<632x128xf32, #tpu.memory_space<hbm>>
      tpu.wait_dma2 semaphore(%run_scoped3A : memref<!tpu.dma_semaphore, #tpu.memory_space<semaphore_mem>>) src(%dma_wait3A_20 : memref<632x128xf32, #tpu.memory_space<hbm>>) dst(%dma_wait3A_18 : memref<632x128xf32, #tpu.memory_space<vmem_shared>>)
      tpu.yield
    }) : () -> ()
    %barrier3A = arith.constant 0 : index
    tpu.barrier barrier_id(%barrier3A)
    "tpu.region"() ({
      %run_scoped3A = tpu.sem_alloc : memref<!tpu.dma_semaphore, #tpu.memory_space<semaphore_mem>>
      %dma_start3A = arith.constant 0 : i32
      %dma_start3A_15 = arith.constant 0 : i32
      %dma_start3A_16 = tpu.memref_slice %arg3[%add3A, %dma_start3A, %dma_start3A_15] : memref<32x40x128xi32, #tpu.memory_space<hbm>> -> memref<1x40x128xi32, #tpu.memory_space<hbm>>
      %dma_start3A_17 = tpu.memref_squeeze %dma_start3A_16 : memref<1x40x128xi32, #tpu.memory_space<hbm>> -> memref<40x128xi32, #tpu.memory_space<hbm>>
      %dma_start3A_18 = arith.constant 0 : i32
      %dma_start3A_19 = arith.constant 0 : i32
      %dma_start3A_20 = tpu.memref_slice %arg3[%add3A, %dma_start3A_18, %dma_start3A_19] : memref<32x40x128xi32, #tpu.memory_space<hbm>> -> memref<1x40x128xi32, #tpu.memory_space<hbm>>
      %dma_start3A_21 = tpu.memref_squeeze %dma_start3A_20 : memref<1x40x128xi32, #tpu.memory_space<hbm>> -> memref<40x128xi32, #tpu.memory_space<hbm>>
      tpu.enqueue_dma source(%dma_start3A_21 : memref<40x128xi32, #tpu.memory_space<hbm>>) target(%arg6 : memref<40x128xi32, #tpu.memory_space<vmem>>) target_semaphore(%run_scoped3A : memref<!tpu.dma_semaphore, #tpu.memory_space<semaphore_mem>>)
      %dma_wait3A = arith.constant 0 : i32
      %dma_wait3A_22 = arith.constant 0 : i32
      %dma_wait3A_23 = tpu.memref_slice %arg3[%add3A, %dma_wait3A, %dma_wait3A_22] : memref<32x40x128xi32, #tpu.memory_space<hbm>> -> memref<1x40x128xi32, #tpu.memory_space<hbm>>
      %dma_wait3A_24 = tpu.memref_squeeze %dma_wait3A_23 : memref<1x40x128xi32, #tpu.memory_space<hbm>> -> memref<40x128xi32, #tpu.memory_space<hbm>>
      %dma_wait3A_25 = arith.constant 0 : i32
      %dma_wait3A_26 = arith.constant 0 : i32
      %dma_wait3A_27 = tpu.memref_slice %arg3[%add3A, %dma_wait3A_25, %dma_wait3A_26] : memref<32x40x128xi32, #tpu.memory_space<hbm>> -> memref<1x40x128xi32, #tpu.memory_space<hbm>>
      %dma_wait3A_28 = tpu.memref_squeeze %dma_wait3A_27 : memref<1x40x128xi32, #tpu.memory_space<hbm>> -> memref<40x128xi32, #tpu.memory_space<hbm>>
      tpu.wait_dma2 semaphore(%run_scoped3A : memref<!tpu.dma_semaphore, #tpu.memory_space<semaphore_mem>>) src(%dma_wait3A_28 : memref<40x128xi32, #tpu.memory_space<hbm>>) dst(%arg6 : memref<40x128xi32, #tpu.memory_space<vmem>>)
      tpu.yield
    }) : () -> ()
    %scan3A = arith.constant 0 : i32
    %scan3A_5 = arith.constant 0 : i32
    %scan3A_6 = arith.constant 40 : i32
    %scan3A_7 = arith.addi %scan3A_5, %scan3A_6 : i32
    %scan3A_8 = arith.constant 1 : i32
    scf.for %scan3A_15 = %scan3A_5 to %scan3A_7 step %scan3A_8  : i32 {
      %mul3A_16 = arith.constant 5120 : i32
      %mul3A_17 = arith.muli %add3A, %mul3A_16 : i32
      %mul3A_18 = arith.constant 128 : i32
      %mul3A_19 = arith.muli %scan3A_15, %mul3A_18 : i32
      %add3A_20 = arith.addi %mul3A_17, %mul3A_19 : i32
      "tpu.region"() ({
        %run_scoped3A = tpu.sem_alloc : memref<!tpu.dma_semaphore, #tpu.memory_space<semaphore_mem>>
        %dma_start3A = arith.constant 0 : i32
        %dma_start3A_21 = tpu.memref_slice %arg2[%add3A_20, %dma_start3A] : memref<163840x128xf32, #tpu.memory_space<hbm>> -> memref<128x128xf32, #tpu.memory_space<hbm>>
        %dma_start3A_22 = arith.constant 0 : i32
        %dma_start3A_23 = tpu.memref_slice %arg2[%add3A_20, %dma_start3A_22] : memref<163840x128xf32, #tpu.memory_space<hbm>> -> memref<128x128xf32, #tpu.memory_space<hbm>>
        tpu.enqueue_dma source(%dma_start3A_23 : memref<128x128xf32, #tpu.memory_space<hbm>>) target(%arg7 : memref<128x128xf32, #tpu.memory_space<vmem>>) target_semaphore(%run_scoped3A : memref<!tpu.dma_semaphore, #tpu.memory_space<semaphore_mem>>)
        %dma_wait3A = arith.constant 0 : i32
        %dma_wait3A_24 = tpu.memref_slice %arg2[%add3A_20, %dma_wait3A] : memref<163840x128xf32, #tpu.memory_space<hbm>> -> memref<128x128xf32, #tpu.memory_space<hbm>>
        %dma_wait3A_25 = arith.constant 0 : i32
        %dma_wait3A_26 = tpu.memref_slice %arg2[%add3A_20, %dma_wait3A_25] : memref<163840x128xf32, #tpu.memory_space<hbm>> -> memref<128x128xf32, #tpu.memory_space<hbm>>
        tpu.wait_dma2 semaphore(%run_scoped3A : memref<!tpu.dma_semaphore, #tpu.memory_space<semaphore_mem>>) src(%dma_wait3A_26 : memref<128x128xf32, #tpu.memory_space<hbm>>) dst(%arg7 : memref<128x128xf32, #tpu.memory_space<vmem>>)
        tpu.yield
      }) : () -> ()
      "tpu.region"() ({
        %run_scoped3A = tpu.sem_alloc : memref<!tpu.dma_semaphore, #tpu.memory_space<semaphore_mem>>
        %dma_start3A = arith.constant 0 : i32
        %dma_start3A_21 = tpu.memref_slice %arg6[%scan3A_15, %dma_start3A] : memref<40x128xi32, #tpu.memory_space<vmem>> -> memref<1x128xi32, #tpu.memory_space<vmem>>
        %dma_start3A_22 = tpu.memref_squeeze %dma_start3A_21 : memref<1x128xi32, #tpu.memory_space<vmem>> -> memref<128xi32, #tpu.memory_space<vmem>>
        %dma_start3A_23 = arith.constant 0 : i32
        %dma_start3A_24 = arith.constant 0 : i32
        %dma_start3A_25 = tpu.memref_slice %arg8[%dma_start3A_23, %dma_start3A_24] : memref<10112x128xf32, #tpu.memory_space<vmem_shared>> -> memref<10112x128xf32, #tpu.memory_space<vmem_shared>>
        tpu.enqueue_indirect_dma source(%arg7 : memref<128x128xf32, #tpu.memory_space<vmem>>) target(%dma_start3A_25 : memref<10112x128xf32, #tpu.memory_space<vmem_shared>>) offsets(%dma_start3A_22 : memref<128xi32, #tpu.memory_space<vmem>>) semaphore(%run_scoped3A : memref<!tpu.dma_semaphore, #tpu.memory_space<semaphore_mem>>) {add = true}
        %dma_wait3A = arith.constant 0 : i32
        %dma_wait3A_26 = tpu.memref_slice %arg6[%scan3A_15, %dma_wait3A] : memref<40x128xi32, #tpu.memory_space<vmem>> -> memref<1x128xi32, #tpu.memory_space<vmem>>
        %dma_wait3A_27 = tpu.memref_squeeze %dma_wait3A_26 : memref<1x128xi32, #tpu.memory_space<vmem>> -> memref<128xi32, #tpu.memory_space<vmem>>
        %dma_wait3A_28 = arith.constant 0 : i32
        %dma_wait3A_29 = arith.constant 0 : i32
        %dma_wait3A_30 = tpu.memref_slice %arg8[%dma_wait3A_28, %dma_wait3A_29] : memref<10112x128xf32, #tpu.memory_space<vmem_shared>> -> memref<10112x128xf32, #tpu.memory_space<vmem_shared>>
        tpu.wait_indirect_dma semaphore(%run_scoped3A : memref<!tpu.dma_semaphore, #tpu.memory_space<semaphore_mem>>) src(%arg7 : memref<128x128xf32, #tpu.memory_space<vmem>>) dst(%dma_wait3A_30 : memref<10112x128xf32, #tpu.memory_space<vmem_shared>>)
        tpu.yield
      }) : () -> ()
    }
    %scan3A_9 = arith.constant 40 : i32
    %barrier3A_10 = arith.constant 0 : index
    tpu.barrier barrier_id(%barrier3A_10)
    %mul3A_11 = arith.constant 632 : i32
    %mul3A_12 = arith.muli %arg1, %mul3A_11 : i32
    %mul3A_13 = arith.constant 632 : i32
    %mul3A_14 = arith.muli %arg1, %mul3A_13 : i32
    "tpu.region"() ({
      %run_scoped3A = tpu.sem_alloc : memref<!tpu.dma_semaphore, #tpu.memory_space<semaphore_mem>>
      %dma_start3A = arith.constant 0 : i32
      %dma_start3A_15 = tpu.memref_slice %arg5[%arg0, %mul3A_14, %dma_start3A] : memref<2x10112x128xf32, #tpu.memory_space<hbm>> -> memref<1x632x128xf32, #tpu.memory_space<hbm>>
      %dma_start3A_16 = tpu.memref_squeeze %dma_start3A_15 : memref<1x632x128xf32, #tpu.memory_space<hbm>> -> memref<632x128xf32, #tpu.memory_space<hbm>>
      %dma_start3A_17 = arith.constant 0 : i32
      %dma_start3A_18 = tpu.memref_slice %arg8[%mul3A_12, %dma_start3A_17] : memref<10112x128xf32, #tpu.memory_space<vmem_shared>> -> memref<632x128xf32, #tpu.memory_space<vmem_shared>>
      tpu.enqueue_dma source(%dma_start3A_18 : memref<632x128xf32, #tpu.memory_space<vmem_shared>>) target(%dma_start3A_16 : memref<632x128xf32, #tpu.memory_space<hbm>>) target_semaphore(%run_scoped3A : memref<!tpu.dma_semaphore, #tpu.memory_space<semaphore_mem>>)
      %dma_wait3A = arith.constant 0 : i32
      %dma_wait3A_19 = tpu.memref_slice %arg5[%arg0, %mul3A_14, %dma_wait3A] : memref<2x10112x128xf32, #tpu.memory_space<hbm>> -> memref<1x632x128xf32, #tpu.memory_space<hbm>>
      %dma_wait3A_20 = tpu.memref_squeeze %dma_wait3A_19 : memref<1x632x128xf32, #tpu.memory_space<hbm>> -> memref<632x128xf32, #tpu.memory_space<hbm>>
      %dma_wait3A_21 = arith.constant 0 : i32
      %dma_wait3A_22 = tpu.memref_slice %arg8[%mul3A_12, %dma_wait3A_21] : memref<10112x128xf32, #tpu.memory_space<vmem_shared>> -> memref<632x128xf32, #tpu.memory_space<vmem_shared>>
      tpu.wait_dma2 semaphore(%run_scoped3A : memref<!tpu.dma_semaphore, #tpu.memory_space<semaphore_mem>>) src(%dma_wait3A_22 : memref<632x128xf32, #tpu.memory_space<vmem_shared>>) dst(%dma_wait3A_20 : memref<632x128xf32, #tpu.memory_space<hbm>>)
      tpu.yield
    }) : () -> ()
    return
  }
}

#map = affine_map<(d0, d1) -> (0, 0)>
#map1 = affine_map<(d0, d1) -> (0, 0, 0)>
module attributes {stable_mosaic.version = 14 : i64} {
  func.func @sc_gather(%arg0: i32, %arg1: i32, %arg2: memref<10000x128xf32, #tpu.memory_space<hbm>>, %arg3: memref<32x40x128xi32, #tpu.memory_space<hbm>>, %arg4: memref<163840x128xf32, #tpu.memory_space<hbm>>, %arg5: memref<40x128xi32, #tpu.memory_space<vmem>>, %arg6: memref<128x128xf32, #tpu.memory_space<vmem>>, %arg7: memref<!tpu.dma_semaphore, #tpu.memory_space<semaphore_mem>>) attributes {dimension_semantics = [#tpu.dimension_semantics<core_parallel>, #tpu.dimension_semantics<subcore_parallel>], iteration_bounds = array<i64: 2, 16>, scalar_prefetch = 0 : i64, scratch_operands = 3 : i64, tpu.core_type = #tpu.core_type<sc_vector_subcore>, window_params = [{transform_indices = #map}, {transform_indices = #map1}, {transform_indices = #map}]} {
    %mul3A = arith.constant 16 : i32
    %mul3A_0 = arith.muli %arg0, %mul3A : i32
    %add3A = arith.addi %mul3A_0, %arg1 : i32
    "tpu.region"() ({
      %run_scoped3A = tpu.sem_alloc : memref<!tpu.dma_semaphore, #tpu.memory_space<semaphore_mem>>
      %dma_start3A = arith.constant 0 : i32
      %dma_start3A_6 = arith.constant 0 : i32
      %dma_start3A_7 = tpu.memref_slice %arg3[%add3A, %dma_start3A, %dma_start3A_6] : memref<32x40x128xi32, #tpu.memory_space<hbm>> -> memref<1x40x128xi32, #tpu.memory_space<hbm>>
      %dma_start3A_8 = tpu.memref_squeeze %dma_start3A_7 : memref<1x40x128xi32, #tpu.memory_space<hbm>> -> memref<40x128xi32, #tpu.memory_space<hbm>>
      %dma_start3A_9 = arith.constant 0 : i32
      %dma_start3A_10 = arith.constant 0 : i32
      %dma_start3A_11 = tpu.memref_slice %arg3[%add3A, %dma_start3A_9, %dma_start3A_10] : memref<32x40x128xi32, #tpu.memory_space<hbm>> -> memref<1x40x128xi32, #tpu.memory_space<hbm>>
      %dma_start3A_12 = tpu.memref_squeeze %dma_start3A_11 : memref<1x40x128xi32, #tpu.memory_space<hbm>> -> memref<40x128xi32, #tpu.memory_space<hbm>>
      tpu.enqueue_dma source(%dma_start3A_12 : memref<40x128xi32, #tpu.memory_space<hbm>>) target(%arg5 : memref<40x128xi32, #tpu.memory_space<vmem>>) target_semaphore(%run_scoped3A : memref<!tpu.dma_semaphore, #tpu.memory_space<semaphore_mem>>)
      %dma_wait3A = arith.constant 0 : i32
      %dma_wait3A_13 = arith.constant 0 : i32
      %dma_wait3A_14 = tpu.memref_slice %arg3[%add3A, %dma_wait3A, %dma_wait3A_13] : memref<32x40x128xi32, #tpu.memory_space<hbm>> -> memref<1x40x128xi32, #tpu.memory_space<hbm>>
      %dma_wait3A_15 = tpu.memref_squeeze %dma_wait3A_14 : memref<1x40x128xi32, #tpu.memory_space<hbm>> -> memref<40x128xi32, #tpu.memory_space<hbm>>
      %dma_wait3A_16 = arith.constant 0 : i32
      %dma_wait3A_17 = arith.constant 0 : i32
      %dma_wait3A_18 = tpu.memref_slice %arg3[%add3A, %dma_wait3A_16, %dma_wait3A_17] : memref<32x40x128xi32, #tpu.memory_space<hbm>> -> memref<1x40x128xi32, #tpu.memory_space<hbm>>
      %dma_wait3A_19 = tpu.memref_squeeze %dma_wait3A_18 : memref<1x40x128xi32, #tpu.memory_space<hbm>> -> memref<40x128xi32, #tpu.memory_space<hbm>>
      tpu.wait_dma2 semaphore(%run_scoped3A : memref<!tpu.dma_semaphore, #tpu.memory_space<semaphore_mem>>) src(%dma_wait3A_19 : memref<40x128xi32, #tpu.memory_space<hbm>>) dst(%arg5 : memref<40x128xi32, #tpu.memory_space<vmem>>)
      tpu.yield
    }) : () -> ()
    %scan3A = arith.constant 0 : i32
    %scan3A_1 = arith.constant 0 : i32
    %scan3A_2 = arith.constant 40 : i32
    %scan3A_3 = arith.addi %scan3A_1, %scan3A_2 : i32
    %scan3A_4 = arith.constant 1 : i32
    scf.for %scan3A_6 = %scan3A_1 to %scan3A_3 step %scan3A_4  : i32 {
      %dma_start3A = arith.constant 0 : i32
      %dma_start3A_7 = tpu.memref_slice %arg5[%scan3A_6, %dma_start3A] : memref<40x128xi32, #tpu.memory_space<vmem>> -> memref<1x128xi32, #tpu.memory_space<vmem>>
      %dma_start3A_8 = tpu.memref_squeeze %dma_start3A_7 : memref<1x128xi32, #tpu.memory_space<vmem>> -> memref<128xi32, #tpu.memory_space<vmem>>
      %dma_start3A_9 = arith.constant 0 : i32
      %dma_start3A_10 = arith.constant 0 : i32
      %dma_start3A_11 = tpu.memref_slice %arg2[%dma_start3A_9, %dma_start3A_10] : memref<10000x128xf32, #tpu.memory_space<hbm>> -> memref<10000x128xf32, #tpu.memory_space<hbm>>
      tpu.enqueue_indirect_dma source(%dma_start3A_11 : memref<10000x128xf32, #tpu.memory_space<hbm>>) target(%arg6 : memref<128x128xf32, #tpu.memory_space<vmem>>) offsets(%dma_start3A_8 : memref<128xi32, #tpu.memory_space<vmem>>) semaphore(%arg7 : memref<!tpu.dma_semaphore, #tpu.memory_space<semaphore_mem>>)
      %dma_wait3A = arith.constant 0 : i32
      %dma_wait3A_12 = tpu.memref_slice %arg5[%scan3A_6, %dma_wait3A] : memref<40x128xi32, #tpu.memory_space<vmem>> -> memref<1x128xi32, #tpu.memory_space<vmem>>
      %dma_wait3A_13 = tpu.memref_squeeze %dma_wait3A_12 : memref<1x128xi32, #tpu.memory_space<vmem>> -> memref<128xi32, #tpu.memory_space<vmem>>
      %dma_wait3A_14 = arith.constant 0 : i32
      %dma_wait3A_15 = arith.constant 0 : i32
      %dma_wait3A_16 = tpu.memref_slice %arg2[%dma_wait3A_14, %dma_wait3A_15] : memref<10000x128xf32, #tpu.memory_space<hbm>> -> memref<10000x128xf32, #tpu.memory_space<hbm>>
      tpu.wait_indirect_dma semaphore(%arg7 : memref<!tpu.dma_semaphore, #tpu.memory_space<semaphore_mem>>) src(%dma_wait3A_16 : memref<10000x128xf32, #tpu.memory_space<hbm>>) dst(%arg6 : memref<128x128xf32, #tpu.memory_space<vmem>>)
      %mul3A_17 = arith.constant 5120 : i32
      %mul3A_18 = arith.muli %add3A, %mul3A_17 : i32
      %mul3A_19 = arith.constant 128 : i32
      %mul3A_20 = arith.muli %scan3A_6, %mul3A_19 : i32
      %add3A_21 = arith.addi %mul3A_18, %mul3A_20 : i32
      "tpu.region"() ({
        %run_scoped3A = tpu.sem_alloc : memref<!tpu.dma_semaphore, #tpu.memory_space<semaphore_mem>>
        %dma_start3A_22 = arith.constant 0 : i32
        %dma_start3A_23 = tpu.memref_slice %arg4[%add3A_21, %dma_start3A_22] : memref<163840x128xf32, #tpu.memory_space<hbm>> -> memref<128x128xf32, #tpu.memory_space<hbm>>
        %dma_start3A_24 = arith.constant 0 : i32
        %dma_start3A_25 = tpu.memref_slice %arg4[%add3A_21, %dma_start3A_24] : memref<163840x128xf32, #tpu.memory_space<hbm>> -> memref<128x128xf32, #tpu.memory_space<hbm>>
        tpu.enqueue_dma source(%arg6 : memref<128x128xf32, #tpu.memory_space<vmem>>) target(%dma_start3A_25 : memref<128x128xf32, #tpu.memory_space<hbm>>) target_semaphore(%run_scoped3A : memref<!tpu.dma_semaphore, #tpu.memory_space<semaphore_mem>>)
        %dma_wait3A_26 = arith.constant 0 : i32
        %dma_wait3A_27 = tpu.memref_slice %arg4[%add3A_21, %dma_wait3A_26] : memref<163840x128xf32, #tpu.memory_space<hbm>> -> memref<128x128xf32, #tpu.memory_space<hbm>>
        %dma_wait3A_28 = arith.constant 0 : i32
        %dma_wait3A_29 = tpu.memref_slice %arg4[%add3A_21, %dma_wait3A_28] : memref<163840x128xf32, #tpu.memory_space<hbm>> -> memref<128x128xf32, #tpu.memory_space<hbm>>
        tpu.wait_dma2 semaphore(%run_scoped3A : memref<!tpu.dma_semaphore, #tpu.memory_space<semaphore_mem>>) src(%arg6 : memref<128x128xf32, #tpu.memory_space<vmem>>) dst(%dma_wait3A_29 : memref<128x128xf32, #tpu.memory_space<hbm>>)
        tpu.yield
      }) : () -> ()
    }
    %scan3A_5 = arith.constant 40 : i32
    return
  }
}

#map = affine_map<(d0, d1) -> (0, 0)>
#map1 = affine_map<(d0, d1) -> (0, 0, 0)>
module attributes {stable_mosaic.version = 14 : i64} {
  func.func @sc_scatter(%arg0: i32, %arg1: i32, %arg2: memref<163840x128xf32, #tpu.memory_space<hbm>>, %arg3: memref<32x40x128xi32, #tpu.memory_space<hbm>>, %arg4: memref<10112x128xf32, #tpu.memory_space<hbm>>, %arg5: memref<2x10112x128xf32, #tpu.memory_space<hbm>>, %arg6: memref<40x128xi32, #tpu.memory_space<vmem>>, %arg7: memref<128x128xf32, #tpu.memory_space<vmem>>, %arg8: memref<10112x128xf32, #tpu.memory_space<vmem_shared>>) attributes {dimension_semantics = [#tpu.dimension_semantics<core_parallel>, #tpu.dimension_semantics<subcore_parallel>], iteration_bounds = array<i64: 2, 16>, scalar_prefetch = 0 : i64, scratch_operands = 3 : i64, tpu.core_type = #tpu.core_type<sc_vector_subcore>, window_params = [{transform_indices = #map}, {transform_indices = #map1}, {transform_indices = #map}, {transform_indices = #map1}]} {
    %mul3A = arith.constant 16 : i32
    %mul3A_0 = arith.muli %arg0, %mul3A : i32
    %add3A = arith.addi %mul3A_0, %arg1 : i32
    %mul3A_1 = arith.constant 632 : i32
    %mul3A_2 = arith.muli %arg1, %mul3A_1 : i32
    %mul3A_3 = arith.constant 632 : i32
    %mul3A_4 = arith.muli %arg1, %mul3A_3 : i32
    "tpu.region"() ({
      %run_scoped3A = tpu.sem_alloc : memref<!tpu.dma_semaphore, #tpu.memory_space<semaphore_mem>>
      %dma_start3A = arith.constant 0 : i32
      %dma_start3A_15 = tpu.memref_slice %arg8[%mul3A_4, %dma_start3A] : memref<10112x128xf32, #tpu.memory_space<vmem_shared>> -> memref<632x128xf32, #tpu.memory_space<vmem_shared>>
      %dma_start3A_16 = arith.constant 0 : i32
      %dma_start3A_17 = tpu.memref_slice %arg4[%mul3A_2, %dma_start3A_16] : memref<10112x128xf32, #tpu.memory_space<hbm>> -> memref<632x128xf32, #tpu.memory_space<hbm>>
      tpu.enqueue_dma source(%dma_start3A_17 : memref<632x128xf32, #tpu.memory_space<hbm>>) target(%dma_start3A_15 : memref<632x128xf32, #tpu.memory_space<vmem_shared>>) target_semaphore(%run_scoped3A : memref<!tpu.dma_semaphore, #tpu.memory_space<semaphore_mem>>)
      %dma_wait3A = arith.constant 0 : i32
      %dma_wait3A_18 = tpu.memref_slice %arg8[%mul3A_4, %dma_wait3A] : memref<10112x128xf32, #tpu.memory_space<vmem_shared>> -> memref<632x128xf32, #tpu.memory_space<vmem_shared>>
      %dma_wait3A_19 = arith.constant 0 : i32
      %dma_wait3A_20 = tpu.memref_slice %arg4[%mul3A_2, %dma_wait3A_19] : memref<10112x128xf32, #tpu.memory_space<hbm>> -> memref<632x128xf32, #tpu.memory_space<hbm>>
      tpu.wait_dma2 semaphore(%run_scoped3A : memref<!tpu.dma_semaphore, #tpu.memory_space<semaphore_mem>>) src(%dma_wait3A_20 : memref<632x128xf32, #tpu.memory_space<hbm>>) dst(%dma_wait3A_18 : memref<632x128xf32, #tpu.memory_space<vmem_shared>>)
      tpu.yield
    }) : () -> ()
    %barrier3A = arith.constant 0 : index
    tpu.barrier barrier_id(%barrier3A)
    "tpu.region"() ({
      %run_scoped3A = tpu.sem_alloc : memref<!tpu.dma_semaphore, #tpu.memory_space<semaphore_mem>>
      %dma_start3A = arith.constant 0 : i32
      %dma_start3A_15 = arith.constant 0 : i32
      %dma_start3A_16 = tpu.memref_slice %arg3[%add3A, %dma_start3A, %dma_start3A_15] : memref<32x40x128xi32, #tpu.memory_space<hbm>> -> memref<1x40x128xi32, #tpu.memory_space<hbm>>
      %dma_start3A_17 = tpu.memref_squeeze %dma_start3A_16 : memref<1x40x128xi32, #tpu.memory_space<hbm>> -> memref<40x128xi32, #tpu.memory_space<hbm>>
      %dma_start3A_18 = arith.constant 0 : i32
      %dma_start3A_19 = arith.constant 0 : i32
      %dma_start3A_20 = tpu.memref_slice %arg3[%add3A, %dma_start3A_18, %dma_start3A_19] : memref<32x40x128xi32, #tpu.memory_space<hbm>> -> memref<1x40x128xi32, #tpu.memory_space<hbm>>
      %dma_start3A_21 = tpu.memref_squeeze %dma_start3A_20 : memref<1x40x128xi32, #tpu.memory_space<hbm>> -> memref<40x128xi32, #tpu.memory_space<hbm>>
      tpu.enqueue_dma source(%dma_start3A_21 : memref<40x128xi32, #tpu.memory_space<hbm>>) target(%arg6 : memref<40x128xi32, #tpu.memory_space<vmem>>) target_semaphore(%run_scoped3A : memref<!tpu.dma_semaphore, #tpu.memory_space<semaphore_mem>>)
      %dma_wait3A = arith.constant 0 : i32
      %dma_wait3A_22 = arith.constant 0 : i32
      %dma_wait3A_23 = tpu.memref_slice %arg3[%add3A, %dma_wait3A, %dma_wait3A_22] : memref<32x40x128xi32, #tpu.memory_space<hbm>> -> memref<1x40x128xi32, #tpu.memory_space<hbm>>
      %dma_wait3A_24 = tpu.memref_squeeze %dma_wait3A_23 : memref<1x40x128xi32, #tpu.memory_space<hbm>> -> memref<40x128xi32, #tpu.memory_space<hbm>>
      %dma_wait3A_25 = arith.constant 0 : i32
      %dma_wait3A_26 = arith.constant 0 : i32
      %dma_wait3A_27 = tpu.memref_slice %arg3[%add3A, %dma_wait3A_25, %dma_wait3A_26] : memref<32x40x128xi32, #tpu.memory_space<hbm>> -> memref<1x40x128xi32, #tpu.memory_space<hbm>>
      %dma_wait3A_28 = tpu.memref_squeeze %dma_wait3A_27 : memref<1x40x128xi32, #tpu.memory_space<hbm>> -> memref<40x128xi32, #tpu.memory_space<hbm>>
      tpu.wait_dma2 semaphore(%run_scoped3A : memref<!tpu.dma_semaphore, #tpu.memory_space<semaphore_mem>>) src(%dma_wait3A_28 : memref<40x128xi32, #tpu.memory_space<hbm>>) dst(%arg6 : memref<40x128xi32, #tpu.memory_space<vmem>>)
      tpu.yield
    }) : () -> ()
    %scan3A = arith.constant 0 : i32
    %scan3A_5 = arith.constant 0 : i32
    %scan3A_6 = arith.constant 40 : i32
    %scan3A_7 = arith.addi %scan3A_5, %scan3A_6 : i32
    %scan3A_8 = arith.constant 1 : i32
    scf.for %scan3A_15 = %scan3A_5 to %scan3A_7 step %scan3A_8  : i32 {
      %mul3A_16 = arith.constant 5120 : i32
      %mul3A_17 = arith.muli %add3A, %mul3A_16 : i32
      %mul3A_18 = arith.constant 128 : i32
      %mul3A_19 = arith.muli %scan3A_15, %mul3A_18 : i32
      %add3A_20 = arith.addi %mul3A_17, %mul3A_19 : i32
      "tpu.region"() ({
        %run_scoped3A = tpu.sem_alloc : memref<!tpu.dma_semaphore, #tpu.memory_space<semaphore_mem>>
        %dma_start3A = arith.constant 0 : i32
        %dma_start3A_21 = tpu.memref_slice %arg2[%add3A_20, %dma_start3A] : memref<163840x128xf32, #tpu.memory_space<hbm>> -> memref<128x128xf32, #tpu.memory_space<hbm>>
        %dma_start3A_22 = arith.constant 0 : i32
        %dma_start3A_23 = tpu.memref_slice %arg2[%add3A_20, %dma_start3A_22] : memref<163840x128xf32, #tpu.memory_space<hbm>> -> memref<128x128xf32, #tpu.memory_space<hbm>>
        tpu.enqueue_dma source(%dma_start3A_23 : memref<128x128xf32, #tpu.memory_space<hbm>>) target(%arg7 : memref<128x128xf32, #tpu.memory_space<vmem>>) target_semaphore(%run_scoped3A : memref<!tpu.dma_semaphore, #tpu.memory_space<semaphore_mem>>)
        %dma_wait3A = arith.constant 0 : i32
        %dma_wait3A_24 = tpu.memref_slice %arg2[%add3A_20, %dma_wait3A] : memref<163840x128xf32, #tpu.memory_space<hbm>> -> memref<128x128xf32, #tpu.memory_space<hbm>>
        %dma_wait3A_25 = arith.constant 0 : i32
        %dma_wait3A_26 = tpu.memref_slice %arg2[%add3A_20, %dma_wait3A_25] : memref<163840x128xf32, #tpu.memory_space<hbm>> -> memref<128x128xf32, #tpu.memory_space<hbm>>
        tpu.wait_dma2 semaphore(%run_scoped3A : memref<!tpu.dma_semaphore, #tpu.memory_space<semaphore_mem>>) src(%dma_wait3A_26 : memref<128x128xf32, #tpu.memory_space<hbm>>) dst(%arg7 : memref<128x128xf32, #tpu.memory_space<vmem>>)
        tpu.yield
      }) : () -> ()
      "tpu.region"() ({
        %run_scoped3A = tpu.sem_alloc : memref<!tpu.dma_semaphore, #tpu.memory_space<semaphore_mem>>
        %dma_start3A = arith.constant 0 : i32
        %dma_start3A_21 = tpu.memref_slice %arg6[%scan3A_15, %dma_start3A] : memref<40x128xi32, #tpu.memory_space<vmem>> -> memref<1x128xi32, #tpu.memory_space<vmem>>
        %dma_start3A_22 = tpu.memref_squeeze %dma_start3A_21 : memref<1x128xi32, #tpu.memory_space<vmem>> -> memref<128xi32, #tpu.memory_space<vmem>>
        %dma_start3A_23 = arith.constant 0 : i32
        %dma_start3A_24 = arith.constant 0 : i32
        %dma_start3A_25 = tpu.memref_slice %arg8[%dma_start3A_23, %dma_start3A_24] : memref<10112x128xf32, #tpu.memory_space<vmem_shared>> -> memref<10112x128xf32, #tpu.memory_space<vmem_shared>>
        tpu.enqueue_indirect_dma source(%arg7 : memref<128x128xf32, #tpu.memory_space<vmem>>) target(%dma_start3A_25 : memref<10112x128xf32, #tpu.memory_space<vmem_shared>>) offsets(%dma_start3A_22 : memref<128xi32, #tpu.memory_space<vmem>>) semaphore(%run_scoped3A : memref<!tpu.dma_semaphore, #tpu.memory_space<semaphore_mem>>) {add = true}
        %dma_wait3A = arith.constant 0 : i32
        %dma_wait3A_26 = tpu.memref_slice %arg6[%scan3A_15, %dma_wait3A] : memref<40x128xi32, #tpu.memory_space<vmem>> -> memref<1x128xi32, #tpu.memory_space<vmem>>
        %dma_wait3A_27 = tpu.memref_squeeze %dma_wait3A_26 : memref<1x128xi32, #tpu.memory_space<vmem>> -> memref<128xi32, #tpu.memory_space<vmem>>
        %dma_wait3A_28 = arith.constant 0 : i32
        %dma_wait3A_29 = arith.constant 0 : i32
        %dma_wait3A_30 = tpu.memref_slice %arg8[%dma_wait3A_28, %dma_wait3A_29] : memref<10112x128xf32, #tpu.memory_space<vmem_shared>> -> memref<10112x128xf32, #tpu.memory_space<vmem_shared>>
        tpu.wait_indirect_dma semaphore(%run_scoped3A : memref<!tpu.dma_semaphore, #tpu.memory_space<semaphore_mem>>) src(%arg7 : memref<128x128xf32, #tpu.memory_space<vmem>>) dst(%dma_wait3A_30 : memref<10112x128xf32, #tpu.memory_space<vmem_shared>>)
        tpu.yield
      }) : () -> ()
    }
    %scan3A_9 = arith.constant 40 : i32
    %barrier3A_10 = arith.constant 0 : index
    tpu.barrier barrier_id(%barrier3A_10)
    %mul3A_11 = arith.constant 632 : i32
    %mul3A_12 = arith.muli %arg1, %mul3A_11 : i32
    %mul3A_13 = arith.constant 632 : i32
    %mul3A_14 = arith.muli %arg1, %mul3A_13 : i32
    "tpu.region"() ({
      %run_scoped3A = tpu.sem_alloc : memref<!tpu.dma_semaphore, #tpu.memory_space<semaphore_mem>>
      %dma_start3A = arith.constant 0 : i32
      %dma_start3A_15 = tpu.memref_slice %arg5[%arg0, %mul3A_14, %dma_start3A] : memref<2x10112x128xf32, #tpu.memory_space<hbm>> -> memref<1x632x128xf32, #tpu.memory_space<hbm>>
      %dma_start3A_16 = tpu.memref_squeeze %dma_start3A_15 : memref<1x632x128xf32, #tpu.memory_space<hbm>> -> memref<632x128xf32, #tpu.memory_space<hbm>>
      %dma_start3A_17 = arith.constant 0 : i32
      %dma_start3A_18 = tpu.memref_slice %arg8[%mul3A_12, %dma_start3A_17] : memref<10112x128xf32, #tpu.memory_space<vmem_shared>> -> memref<632x128xf32, #tpu.memory_space<vmem_shared>>
      tpu.enqueue_dma source(%dma_start3A_18 : memref<632x128xf32, #tpu.memory_space<vmem_shared>>) target(%dma_start3A_16 : memref<632x128xf32, #tpu.memory_space<hbm>>) target_semaphore(%run_scoped3A : memref<!tpu.dma_semaphore, #tpu.memory_space<semaphore_mem>>)
      %dma_wait3A = arith.constant 0 : i32
      %dma_wait3A_19 = tpu.memref_slice %arg5[%arg0, %mul3A_14, %dma_wait3A] : memref<2x10112x128xf32, #tpu.memory_space<hbm>> -> memref<1x632x128xf32, #tpu.memory_space<hbm>>
      %dma_wait3A_20 = tpu.memref_squeeze %dma_wait3A_19 : memref<1x632x128xf32, #tpu.memory_space<hbm>> -> memref<632x128xf32, #tpu.memory_space<hbm>>
      %dma_wait3A_21 = arith.constant 0 : i32
      %dma_wait3A_22 = tpu.memref_slice %arg8[%mul3A_12, %dma_wait3A_21] : memref<10112x128xf32, #tpu.memory_space<vmem_shared>> -> memref<632x128xf32, #tpu.memory_space<vmem_shared>>
      tpu.wait_dma2 semaphore(%run_scoped3A : memref<!tpu.dma_semaphore, #tpu.memory_space<semaphore_mem>>) src(%dma_wait3A_22 : memref<632x128xf32, #tpu.memory_space<vmem_shared>>) dst(%dma_wait3A_20 : memref<632x128xf32, #tpu.memory_space<hbm>>)
      tpu.yield
    }) : () -> ()
    return
  }
}

#map = affine_map<(d0, d1) -> (0, 0)>
#map1 = affine_map<(d0, d1) -> (0, 0, 0)>
module attributes {stable_mosaic.version = 14 : i64} {
  func.func @sc_gather(%arg0: i32, %arg1: i32, %arg2: memref<10000x128xf32, #tpu.memory_space<hbm>>, %arg3: memref<32x40x128xi32, #tpu.memory_space<hbm>>, %arg4: memref<163840x128xf32, #tpu.memory_space<hbm>>, %arg5: memref<40x128xi32, #tpu.memory_space<vmem>>, %arg6: memref<128x128xf32, #tpu.memory_space<vmem>>, %arg7: memref<!tpu.dma_semaphore, #tpu.memory_space<semaphore_mem>>) attributes {dimension_semantics = [#tpu.dimension_semantics<core_parallel>, #tpu.dimension_semantics<subcore_parallel>], iteration_bounds = array<i64: 2, 16>, scalar_prefetch = 0 : i64, scratch_operands = 3 : i64, tpu.core_type = #tpu.core_type<sc_vector_subcore>, window_params = [{transform_indices = #map}, {transform_indices = #map1}, {transform_indices = #map}]} {
    %mul3A = arith.constant 16 : i32
    %mul3A_0 = arith.muli %arg0, %mul3A : i32
    %add3A = arith.addi %mul3A_0, %arg1 : i32
    "tpu.region"() ({
      %run_scoped3A = tpu.sem_alloc : memref<!tpu.dma_semaphore, #tpu.memory_space<semaphore_mem>>
      %dma_start3A = arith.constant 0 : i32
      %dma_start3A_6 = arith.constant 0 : i32
      %dma_start3A_7 = tpu.memref_slice %arg3[%add3A, %dma_start3A, %dma_start3A_6] : memref<32x40x128xi32, #tpu.memory_space<hbm>> -> memref<1x40x128xi32, #tpu.memory_space<hbm>>
      %dma_start3A_8 = tpu.memref_squeeze %dma_start3A_7 : memref<1x40x128xi32, #tpu.memory_space<hbm>> -> memref<40x128xi32, #tpu.memory_space<hbm>>
      %dma_start3A_9 = arith.constant 0 : i32
      %dma_start3A_10 = arith.constant 0 : i32
      %dma_start3A_11 = tpu.memref_slice %arg3[%add3A, %dma_start3A_9, %dma_start3A_10] : memref<32x40x128xi32, #tpu.memory_space<hbm>> -> memref<1x40x128xi32, #tpu.memory_space<hbm>>
      %dma_start3A_12 = tpu.memref_squeeze %dma_start3A_11 : memref<1x40x128xi32, #tpu.memory_space<hbm>> -> memref<40x128xi32, #tpu.memory_space<hbm>>
      tpu.enqueue_dma source(%dma_start3A_12 : memref<40x128xi32, #tpu.memory_space<hbm>>) target(%arg5 : memref<40x128xi32, #tpu.memory_space<vmem>>) target_semaphore(%run_scoped3A : memref<!tpu.dma_semaphore, #tpu.memory_space<semaphore_mem>>)
      %dma_wait3A = arith.constant 0 : i32
      %dma_wait3A_13 = arith.constant 0 : i32
      %dma_wait3A_14 = tpu.memref_slice %arg3[%add3A, %dma_wait3A, %dma_wait3A_13] : memref<32x40x128xi32, #tpu.memory_space<hbm>> -> memref<1x40x128xi32, #tpu.memory_space<hbm>>
      %dma_wait3A_15 = tpu.memref_squeeze %dma_wait3A_14 : memref<1x40x128xi32, #tpu.memory_space<hbm>> -> memref<40x128xi32, #tpu.memory_space<hbm>>
      %dma_wait3A_16 = arith.constant 0 : i32
      %dma_wait3A_17 = arith.constant 0 : i32
      %dma_wait3A_18 = tpu.memref_slice %arg3[%add3A, %dma_wait3A_16, %dma_wait3A_17] : memref<32x40x128xi32, #tpu.memory_space<hbm>> -> memref<1x40x128xi32, #tpu.memory_space<hbm>>
      %dma_wait3A_19 = tpu.memref_squeeze %dma_wait3A_18 : memref<1x40x128xi32, #tpu.memory_space<hbm>> -> memref<40x128xi32, #tpu.memory_space<hbm>>
      tpu.wait_dma2 semaphore(%run_scoped3A : memref<!tpu.dma_semaphore, #tpu.memory_space<semaphore_mem>>) src(%dma_wait3A_19 : memref<40x128xi32, #tpu.memory_space<hbm>>) dst(%arg5 : memref<40x128xi32, #tpu.memory_space<vmem>>)
      tpu.yield
    }) : () -> ()
    %scan3A = arith.constant 0 : i32
    %scan3A_1 = arith.constant 0 : i32
    %scan3A_2 = arith.constant 40 : i32
    %scan3A_3 = arith.addi %scan3A_1, %scan3A_2 : i32
    %scan3A_4 = arith.constant 1 : i32
    scf.for %scan3A_6 = %scan3A_1 to %scan3A_3 step %scan3A_4  : i32 {
      %dma_start3A = arith.constant 0 : i32
      %dma_start3A_7 = tpu.memref_slice %arg5[%scan3A_6, %dma_start3A] : memref<40x128xi32, #tpu.memory_space<vmem>> -> memref<1x128xi32, #tpu.memory_space<vmem>>
      %dma_start3A_8 = tpu.memref_squeeze %dma_start3A_7 : memref<1x128xi32, #tpu.memory_space<vmem>> -> memref<128xi32, #tpu.memory_space<vmem>>
      %dma_start3A_9 = arith.constant 0 : i32
      %dma_start3A_10 = arith.constant 0 : i32
      %dma_start3A_11 = tpu.memref_slice %arg2[%dma_start3A_9, %dma_start3A_10] : memref<10000x128xf32, #tpu.memory_space<hbm>> -> memref<10000x128xf32, #tpu.memory_space<hbm>>
      tpu.enqueue_indirect_dma source(%dma_start3A_11 : memref<10000x128xf32, #tpu.memory_space<hbm>>) target(%arg6 : memref<128x128xf32, #tpu.memory_space<vmem>>) offsets(%dma_start3A_8 : memref<128xi32, #tpu.memory_space<vmem>>) semaphore(%arg7 : memref<!tpu.dma_semaphore, #tpu.memory_space<semaphore_mem>>)
      %dma_wait3A = arith.constant 0 : i32
      %dma_wait3A_12 = tpu.memref_slice %arg5[%scan3A_6, %dma_wait3A] : memref<40x128xi32, #tpu.memory_space<vmem>> -> memref<1x128xi32, #tpu.memory_space<vmem>>
      %dma_wait3A_13 = tpu.memref_squeeze %dma_wait3A_12 : memref<1x128xi32, #tpu.memory_space<vmem>> -> memref<128xi32, #tpu.memory_space<vmem>>
      %dma_wait3A_14 = arith.constant 0 : i32
      %dma_wait3A_15 = arith.constant 0 : i32
      %dma_wait3A_16 = tpu.memref_slice %arg2[%dma_wait3A_14, %dma_wait3A_15] : memref<10000x128xf32, #tpu.memory_space<hbm>> -> memref<10000x128xf32, #tpu.memory_space<hbm>>
      tpu.wait_indirect_dma semaphore(%arg7 : memref<!tpu.dma_semaphore, #tpu.memory_space<semaphore_mem>>) src(%dma_wait3A_16 : memref<10000x128xf32, #tpu.memory_space<hbm>>) dst(%arg6 : memref<128x128xf32, #tpu.memory_space<vmem>>)
      %mul3A_17 = arith.constant 5120 : i32
      %mul3A_18 = arith.muli %add3A, %mul3A_17 : i32
      %mul3A_19 = arith.constant 128 : i32
      %mul3A_20 = arith.muli %scan3A_6, %mul3A_19 : i32
      %add3A_21 = arith.addi %mul3A_18, %mul3A_20 : i32
      "tpu.region"() ({
        %run_scoped3A = tpu.sem_alloc : memref<!tpu.dma_semaphore, #tpu.memory_space<semaphore_mem>>
        %dma_start3A_22 = arith.constant 0 : i32
        %dma_start3A_23 = tpu.memref_slice %arg4[%add3A_21, %dma_start3A_22] : memref<163840x128xf32, #tpu.memory_space<hbm>> -> memref<128x128xf32, #tpu.memory_space<hbm>>
        %dma_start3A_24 = arith.constant 0 : i32
        %dma_start3A_25 = tpu.memref_slice %arg4[%add3A_21, %dma_start3A_24] : memref<163840x128xf32, #tpu.memory_space<hbm>> -> memref<128x128xf32, #tpu.memory_space<hbm>>
        tpu.enqueue_dma source(%arg6 : memref<128x128xf32, #tpu.memory_space<vmem>>) target(%dma_start3A_25 : memref<128x128xf32, #tpu.memory_space<hbm>>) target_semaphore(%run_scoped3A : memref<!tpu.dma_semaphore, #tpu.memory_space<semaphore_mem>>)
        %dma_wait3A_26 = arith.constant 0 : i32
        %dma_wait3A_27 = tpu.memref_slice %arg4[%add3A_21, %dma_wait3A_26] : memref<163840x128xf32, #tpu.memory_space<hbm>> -> memref<128x128xf32, #tpu.memory_space<hbm>>
        %dma_wait3A_28 = arith.constant 0 : i32
        %dma_wait3A_29 = tpu.memref_slice %arg4[%add3A_21, %dma_wait3A_28] : memref<163840x128xf32, #tpu.memory_space<hbm>> -> memref<128x128xf32, #tpu.memory_space<hbm>>
        tpu.wait_dma2 semaphore(%run_scoped3A : memref<!tpu.dma_semaphore, #tpu.memory_space<semaphore_mem>>) src(%arg6 : memref<128x128xf32, #tpu.memory_space<vmem>>) dst(%dma_wait3A_29 : memref<128x128xf32, #tpu.memory_space<hbm>>)
        tpu.yield
      }) : () -> ()
    }
    %scan3A_5 = arith.constant 40 : i32
    return
  }
}

#map = affine_map<(d0, d1) -> (0, 0)>
#map1 = affine_map<(d0, d1) -> (0, 0, 0)>
module attributes {stable_mosaic.version = 14 : i64} {
  func.func @sc_scatter(%arg0: i32, %arg1: i32, %arg2: memref<163840x128xf32, #tpu.memory_space<hbm>>, %arg3: memref<32x40x128xi32, #tpu.memory_space<hbm>>, %arg4: memref<10112x128xf32, #tpu.memory_space<hbm>>, %arg5: memref<2x10112x128xf32, #tpu.memory_space<hbm>>, %arg6: memref<40x128xi32, #tpu.memory_space<vmem>>, %arg7: memref<128x128xf32, #tpu.memory_space<vmem>>, %arg8: memref<10112x128xf32, #tpu.memory_space<vmem_shared>>) attributes {dimension_semantics = [#tpu.dimension_semantics<core_parallel>, #tpu.dimension_semantics<subcore_parallel>], iteration_bounds = array<i64: 2, 16>, scalar_prefetch = 0 : i64, scratch_operands = 3 : i64, tpu.core_type = #tpu.core_type<sc_vector_subcore>, window_params = [{transform_indices = #map}, {transform_indices = #map1}, {transform_indices = #map}, {transform_indices = #map1}]} {
    %mul3A = arith.constant 16 : i32
    %mul3A_0 = arith.muli %arg0, %mul3A : i32
    %add3A = arith.addi %mul3A_0, %arg1 : i32
    %mul3A_1 = arith.constant 632 : i32
    %mul3A_2 = arith.muli %arg1, %mul3A_1 : i32
    %mul3A_3 = arith.constant 632 : i32
    %mul3A_4 = arith.muli %arg1, %mul3A_3 : i32
    "tpu.region"() ({
      %run_scoped3A = tpu.sem_alloc : memref<!tpu.dma_semaphore, #tpu.memory_space<semaphore_mem>>
      %dma_start3A = arith.constant 0 : i32
      %dma_start3A_15 = tpu.memref_slice %arg8[%mul3A_4, %dma_start3A] : memref<10112x128xf32, #tpu.memory_space<vmem_shared>> -> memref<632x128xf32, #tpu.memory_space<vmem_shared>>
      %dma_start3A_16 = arith.constant 0 : i32
      %dma_start3A_17 = tpu.memref_slice %arg4[%mul3A_2, %dma_start3A_16] : memref<10112x128xf32, #tpu.memory_space<hbm>> -> memref<632x128xf32, #tpu.memory_space<hbm>>
      tpu.enqueue_dma source(%dma_start3A_17 : memref<632x128xf32, #tpu.memory_space<hbm>>) target(%dma_start3A_15 : memref<632x128xf32, #tpu.memory_space<vmem_shared>>) target_semaphore(%run_scoped3A : memref<!tpu.dma_semaphore, #tpu.memory_space<semaphore_mem>>)
      %dma_wait3A = arith.constant 0 : i32
      %dma_wait3A_18 = tpu.memref_slice %arg8[%mul3A_4, %dma_wait3A] : memref<10112x128xf32, #tpu.memory_space<vmem_shared>> -> memref<632x128xf32, #tpu.memory_space<vmem_shared>>
      %dma_wait3A_19 = arith.constant 0 : i32
      %dma_wait3A_20 = tpu.memref_slice %arg4[%mul3A_2, %dma_wait3A_19] : memref<10112x128xf32, #tpu.memory_space<hbm>> -> memref<632x128xf32, #tpu.memory_space<hbm>>
      tpu.wait_dma2 semaphore(%run_scoped3A : memref<!tpu.dma_semaphore, #tpu.memory_space<semaphore_mem>>) src(%dma_wait3A_20 : memref<632x128xf32, #tpu.memory_space<hbm>>) dst(%dma_wait3A_18 : memref<632x128xf32, #tpu.memory_space<vmem_shared>>)
      tpu.yield
    }) : () -> ()
    %barrier3A = arith.constant 0 : index
    tpu.barrier barrier_id(%barrier3A)
    "tpu.region"() ({
      %run_scoped3A = tpu.sem_alloc : memref<!tpu.dma_semaphore, #tpu.memory_space<semaphore_mem>>
      %dma_start3A = arith.constant 0 : i32
      %dma_start3A_15 = arith.constant 0 : i32
      %dma_start3A_16 = tpu.memref_slice %arg3[%add3A, %dma_start3A, %dma_start3A_15] : memref<32x40x128xi32, #tpu.memory_space<hbm>> -> memref<1x40x128xi32, #tpu.memory_space<hbm>>
      %dma_start3A_17 = tpu.memref_squeeze %dma_start3A_16 : memref<1x40x128xi32, #tpu.memory_space<hbm>> -> memref<40x128xi32, #tpu.memory_space<hbm>>
      %dma_start3A_18 = arith.constant 0 : i32
      %dma_start3A_19 = arith.constant 0 : i32
      %dma_start3A_20 = tpu.memref_slice %arg3[%add3A, %dma_start3A_18, %dma_start3A_19] : memref<32x40x128xi32, #tpu.memory_space<hbm>> -> memref<1x40x128xi32, #tpu.memory_space<hbm>>
      %dma_start3A_21 = tpu.memref_squeeze %dma_start3A_20 : memref<1x40x128xi32, #tpu.memory_space<hbm>> -> memref<40x128xi32, #tpu.memory_space<hbm>>
      tpu.enqueue_dma source(%dma_start3A_21 : memref<40x128xi32, #tpu.memory_space<hbm>>) target(%arg6 : memref<40x128xi32, #tpu.memory_space<vmem>>) target_semaphore(%run_scoped3A : memref<!tpu.dma_semaphore, #tpu.memory_space<semaphore_mem>>)
      %dma_wait3A = arith.constant 0 : i32
      %dma_wait3A_22 = arith.constant 0 : i32
      %dma_wait3A_23 = tpu.memref_slice %arg3[%add3A, %dma_wait3A, %dma_wait3A_22] : memref<32x40x128xi32, #tpu.memory_space<hbm>> -> memref<1x40x128xi32, #tpu.memory_space<hbm>>
      %dma_wait3A_24 = tpu.memref_squeeze %dma_wait3A_23 : memref<1x40x128xi32, #tpu.memory_space<hbm>> -> memref<40x128xi32, #tpu.memory_space<hbm>>
      %dma_wait3A_25 = arith.constant 0 : i32
      %dma_wait3A_26 = arith.constant 0 : i32
      %dma_wait3A_27 = tpu.memref_slice %arg3[%add3A, %dma_wait3A_25, %dma_wait3A_26] : memref<32x40x128xi32, #tpu.memory_space<hbm>> -> memref<1x40x128xi32, #tpu.memory_space<hbm>>
      %dma_wait3A_28 = tpu.memref_squeeze %dma_wait3A_27 : memref<1x40x128xi32, #tpu.memory_space<hbm>> -> memref<40x128xi32, #tpu.memory_space<hbm>>
      tpu.wait_dma2 semaphore(%run_scoped3A : memref<!tpu.dma_semaphore, #tpu.memory_space<semaphore_mem>>) src(%dma_wait3A_28 : memref<40x128xi32, #tpu.memory_space<hbm>>) dst(%arg6 : memref<40x128xi32, #tpu.memory_space<vmem>>)
      tpu.yield
    }) : () -> ()
    %scan3A = arith.constant 0 : i32
    %scan3A_5 = arith.constant 0 : i32
    %scan3A_6 = arith.constant 40 : i32
    %scan3A_7 = arith.addi %scan3A_5, %scan3A_6 : i32
    %scan3A_8 = arith.constant 1 : i32
    scf.for %scan3A_15 = %scan3A_5 to %scan3A_7 step %scan3A_8  : i32 {
      %mul3A_16 = arith.constant 5120 : i32
      %mul3A_17 = arith.muli %add3A, %mul3A_16 : i32
      %mul3A_18 = arith.constant 128 : i32
      %mul3A_19 = arith.muli %scan3A_15, %mul3A_18 : i32
      %add3A_20 = arith.addi %mul3A_17, %mul3A_19 : i32
      "tpu.region"() ({
        %run_scoped3A = tpu.sem_alloc : memref<!tpu.dma_semaphore, #tpu.memory_space<semaphore_mem>>
        %dma_start3A = arith.constant 0 : i32
        %dma_start3A_21 = tpu.memref_slice %arg2[%add3A_20, %dma_start3A] : memref<163840x128xf32, #tpu.memory_space<hbm>> -> memref<128x128xf32, #tpu.memory_space<hbm>>
        %dma_start3A_22 = arith.constant 0 : i32
        %dma_start3A_23 = tpu.memref_slice %arg2[%add3A_20, %dma_start3A_22] : memref<163840x128xf32, #tpu.memory_space<hbm>> -> memref<128x128xf32, #tpu.memory_space<hbm>>
        tpu.enqueue_dma source(%dma_start3A_23 : memref<128x128xf32, #tpu.memory_space<hbm>>) target(%arg7 : memref<128x128xf32, #tpu.memory_space<vmem>>) target_semaphore(%run_scoped3A : memref<!tpu.dma_semaphore, #tpu.memory_space<semaphore_mem>>)
        %dma_wait3A = arith.constant 0 : i32
        %dma_wait3A_24 = tpu.memref_slice %arg2[%add3A_20, %dma_wait3A] : memref<163840x128xf32, #tpu.memory_space<hbm>> -> memref<128x128xf32, #tpu.memory_space<hbm>>
        %dma_wait3A_25 = arith.constant 0 : i32
        %dma_wait3A_26 = tpu.memref_slice %arg2[%add3A_20, %dma_wait3A_25] : memref<163840x128xf32, #tpu.memory_space<hbm>> -> memref<128x128xf32, #tpu.memory_space<hbm>>
        tpu.wait_dma2 semaphore(%run_scoped3A : memref<!tpu.dma_semaphore, #tpu.memory_space<semaphore_mem>>) src(%dma_wait3A_26 : memref<128x128xf32, #tpu.memory_space<hbm>>) dst(%arg7 : memref<128x128xf32, #tpu.memory_space<vmem>>)
        tpu.yield
      }) : () -> ()
      "tpu.region"() ({
        %run_scoped3A = tpu.sem_alloc : memref<!tpu.dma_semaphore, #tpu.memory_space<semaphore_mem>>
        %dma_start3A = arith.constant 0 : i32
        %dma_start3A_21 = tpu.memref_slice %arg6[%scan3A_15, %dma_start3A] : memref<40x128xi32, #tpu.memory_space<vmem>> -> memref<1x128xi32, #tpu.memory_space<vmem>>
        %dma_start3A_22 = tpu.memref_squeeze %dma_start3A_21 : memref<1x128xi32, #tpu.memory_space<vmem>> -> memref<128xi32, #tpu.memory_space<vmem>>
        %dma_start3A_23 = arith.constant 0 : i32
        %dma_start3A_24 = arith.constant 0 : i32
        %dma_start3A_25 = tpu.memref_slice %arg8[%dma_start3A_23, %dma_start3A_24] : memref<10112x128xf32, #tpu.memory_space<vmem_shared>> -> memref<10112x128xf32, #tpu.memory_space<vmem_shared>>
        tpu.enqueue_indirect_dma source(%arg7 : memref<128x128xf32, #tpu.memory_space<vmem>>) target(%dma_start3A_25 : memref<10112x128xf32, #tpu.memory_space<vmem_shared>>) offsets(%dma_start3A_22 : memref<128xi32, #tpu.memory_space<vmem>>) semaphore(%run_scoped3A : memref<!tpu.dma_semaphore, #tpu.memory_space<semaphore_mem>>) {add = true}
        %dma_wait3A = arith.constant 0 : i32
        %dma_wait3A_26 = tpu.memref_slice %arg6[%scan3A_15, %dma_wait3A] : memref<40x128xi32, #tpu.memory_space<vmem>> -> memref<1x128xi32, #tpu.memory_space<vmem>>
        %dma_wait3A_27 = tpu.memref_squeeze %dma_wait3A_26 : memref<1x128xi32, #tpu.memory_space<vmem>> -> memref<128xi32, #tpu.memory_space<vmem>>
        %dma_wait3A_28 = arith.constant 0 : i32
        %dma_wait3A_29 = arith.constant 0 : i32
        %dma_wait3A_30 = tpu.memref_slice %arg8[%dma_wait3A_28, %dma_wait3A_29] : memref<10112x128xf32, #tpu.memory_space<vmem_shared>> -> memref<10112x128xf32, #tpu.memory_space<vmem_shared>>
        tpu.wait_indirect_dma semaphore(%run_scoped3A : memref<!tpu.dma_semaphore, #tpu.memory_space<semaphore_mem>>) src(%arg7 : memref<128x128xf32, #tpu.memory_space<vmem>>) dst(%dma_wait3A_30 : memref<10112x128xf32, #tpu.memory_space<vmem_shared>>)
        tpu.yield
      }) : () -> ()
    }
    %scan3A_9 = arith.constant 40 : i32
    %barrier3A_10 = arith.constant 0 : index
    tpu.barrier barrier_id(%barrier3A_10)
    %mul3A_11 = arith.constant 632 : i32
    %mul3A_12 = arith.muli %arg1, %mul3A_11 : i32
    %mul3A_13 = arith.constant 632 : i32
    %mul3A_14 = arith.muli %arg1, %mul3A_13 : i32
    "tpu.region"() ({
      %run_scoped3A = tpu.sem_alloc : memref<!tpu.dma_semaphore, #tpu.memory_space<semaphore_mem>>
      %dma_start3A = arith.constant 0 : i32
      %dma_start3A_15 = tpu.memref_slice %arg5[%arg0, %mul3A_14, %dma_start3A] : memref<2x10112x128xf32, #tpu.memory_space<hbm>> -> memref<1x632x128xf32, #tpu.memory_space<hbm>>
      %dma_start3A_16 = tpu.memref_squeeze %dma_start3A_15 : memref<1x632x128xf32, #tpu.memory_space<hbm>> -> memref<632x128xf32, #tpu.memory_space<hbm>>
      %dma_start3A_17 = arith.constant 0 : i32
      %dma_start3A_18 = tpu.memref_slice %arg8[%mul3A_12, %dma_start3A_17] : memref<10112x128xf32, #tpu.memory_space<vmem_shared>> -> memref<632x128xf32, #tpu.memory_space<vmem_shared>>
      tpu.enqueue_dma source(%dma_start3A_18 : memref<632x128xf32, #tpu.memory_space<vmem_shared>>) target(%dma_start3A_16 : memref<632x128xf32, #tpu.memory_space<hbm>>) target_semaphore(%run_scoped3A : memref<!tpu.dma_semaphore, #tpu.memory_space<semaphore_mem>>)
      %dma_wait3A = arith.constant 0 : i32
      %dma_wait3A_19 = tpu.memref_slice %arg5[%arg0, %mul3A_14, %dma_wait3A] : memref<2x10112x128xf32, #tpu.memory_space<hbm>> -> memref<1x632x128xf32, #tpu.memory_space<hbm>>
      %dma_wait3A_20 = tpu.memref_squeeze %dma_wait3A_19 : memref<1x632x128xf32, #tpu.memory_space<hbm>> -> memref<632x128xf32, #tpu.memory_space<hbm>>
      %dma_wait3A_21 = arith.constant 0 : i32
      %dma_wait3A_22 = tpu.memref_slice %arg8[%mul3A_12, %dma_wait3A_21] : memref<10112x128xf32, #tpu.memory_space<vmem_shared>> -> memref<632x128xf32, #tpu.memory_space<vmem_shared>>
      tpu.wait_dma2 semaphore(%run_scoped3A : memref<!tpu.dma_semaphore, #tpu.memory_space<semaphore_mem>>) src(%dma_wait3A_22 : memref<632x128xf32, #tpu.memory_space<vmem_shared>>) dst(%dma_wait3A_20 : memref<632x128xf32, #tpu.memory_space<hbm>>)
      tpu.yield
    }) : () -> ()
    return
  }
}

#map = affine_map<(d0, d1) -> (0, 0)>
#map1 = affine_map<(d0, d1) -> (0, 0, 0)>
module attributes {stable_mosaic.version = 14 : i64} {
  func.func @sc_gather(%arg0: i32, %arg1: i32, %arg2: memref<10000x128xf32, #tpu.memory_space<hbm>>, %arg3: memref<32x40x128xi32, #tpu.memory_space<hbm>>, %arg4: memref<163840x128xf32, #tpu.memory_space<hbm>>, %arg5: memref<40x128xi32, #tpu.memory_space<vmem>>, %arg6: memref<128x128xf32, #tpu.memory_space<vmem>>, %arg7: memref<!tpu.dma_semaphore, #tpu.memory_space<semaphore_mem>>) attributes {dimension_semantics = [#tpu.dimension_semantics<core_parallel>, #tpu.dimension_semantics<subcore_parallel>], iteration_bounds = array<i64: 2, 16>, scalar_prefetch = 0 : i64, scratch_operands = 3 : i64, tpu.core_type = #tpu.core_type<sc_vector_subcore>, window_params = [{transform_indices = #map}, {transform_indices = #map1}, {transform_indices = #map}]} {
    %mul3A = arith.constant 16 : i32
    %mul3A_0 = arith.muli %arg0, %mul3A : i32
    %add3A = arith.addi %mul3A_0, %arg1 : i32
    "tpu.region"() ({
      %run_scoped3A = tpu.sem_alloc : memref<!tpu.dma_semaphore, #tpu.memory_space<semaphore_mem>>
      %dma_start3A = arith.constant 0 : i32
      %dma_start3A_6 = arith.constant 0 : i32
      %dma_start3A_7 = tpu.memref_slice %arg3[%add3A, %dma_start3A, %dma_start3A_6] : memref<32x40x128xi32, #tpu.memory_space<hbm>> -> memref<1x40x128xi32, #tpu.memory_space<hbm>>
      %dma_start3A_8 = tpu.memref_squeeze %dma_start3A_7 : memref<1x40x128xi32, #tpu.memory_space<hbm>> -> memref<40x128xi32, #tpu.memory_space<hbm>>
      %dma_start3A_9 = arith.constant 0 : i32
      %dma_start3A_10 = arith.constant 0 : i32
      %dma_start3A_11 = tpu.memref_slice %arg3[%add3A, %dma_start3A_9, %dma_start3A_10] : memref<32x40x128xi32, #tpu.memory_space<hbm>> -> memref<1x40x128xi32, #tpu.memory_space<hbm>>
      %dma_start3A_12 = tpu.memref_squeeze %dma_start3A_11 : memref<1x40x128xi32, #tpu.memory_space<hbm>> -> memref<40x128xi32, #tpu.memory_space<hbm>>
      tpu.enqueue_dma source(%dma_start3A_12 : memref<40x128xi32, #tpu.memory_space<hbm>>) target(%arg5 : memref<40x128xi32, #tpu.memory_space<vmem>>) target_semaphore(%run_scoped3A : memref<!tpu.dma_semaphore, #tpu.memory_space<semaphore_mem>>)
      %dma_wait3A = arith.constant 0 : i32
      %dma_wait3A_13 = arith.constant 0 : i32
      %dma_wait3A_14 = tpu.memref_slice %arg3[%add3A, %dma_wait3A, %dma_wait3A_13] : memref<32x40x128xi32, #tpu.memory_space<hbm>> -> memref<1x40x128xi32, #tpu.memory_space<hbm>>
      %dma_wait3A_15 = tpu.memref_squeeze %dma_wait3A_14 : memref<1x40x128xi32, #tpu.memory_space<hbm>> -> memref<40x128xi32, #tpu.memory_space<hbm>>
      %dma_wait3A_16 = arith.constant 0 : i32
      %dma_wait3A_17 = arith.constant 0 : i32
      %dma_wait3A_18 = tpu.memref_slice %arg3[%add3A, %dma_wait3A_16, %dma_wait3A_17] : memref<32x40x128xi32, #tpu.memory_space<hbm>> -> memref<1x40x128xi32, #tpu.memory_space<hbm>>
      %dma_wait3A_19 = tpu.memref_squeeze %dma_wait3A_18 : memref<1x40x128xi32, #tpu.memory_space<hbm>> -> memref<40x128xi32, #tpu.memory_space<hbm>>
      tpu.wait_dma2 semaphore(%run_scoped3A : memref<!tpu.dma_semaphore, #tpu.memory_space<semaphore_mem>>) src(%dma_wait3A_19 : memref<40x128xi32, #tpu.memory_space<hbm>>) dst(%arg5 : memref<40x128xi32, #tpu.memory_space<vmem>>)
      tpu.yield
    }) : () -> ()
    %scan3A = arith.constant 0 : i32
    %scan3A_1 = arith.constant 0 : i32
    %scan3A_2 = arith.constant 40 : i32
    %scan3A_3 = arith.addi %scan3A_1, %scan3A_2 : i32
    %scan3A_4 = arith.constant 1 : i32
    scf.for %scan3A_6 = %scan3A_1 to %scan3A_3 step %scan3A_4  : i32 {
      %dma_start3A = arith.constant 0 : i32
      %dma_start3A_7 = tpu.memref_slice %arg5[%scan3A_6, %dma_start3A] : memref<40x128xi32, #tpu.memory_space<vmem>> -> memref<1x128xi32, #tpu.memory_space<vmem>>
      %dma_start3A_8 = tpu.memref_squeeze %dma_start3A_7 : memref<1x128xi32, #tpu.memory_space<vmem>> -> memref<128xi32, #tpu.memory_space<vmem>>
      %dma_start3A_9 = arith.constant 0 : i32
      %dma_start3A_10 = arith.constant 0 : i32
      %dma_start3A_11 = tpu.memref_slice %arg2[%dma_start3A_9, %dma_start3A_10] : memref<10000x128xf32, #tpu.memory_space<hbm>> -> memref<10000x128xf32, #tpu.memory_space<hbm>>
      tpu.enqueue_indirect_dma source(%dma_start3A_11 : memref<10000x128xf32, #tpu.memory_space<hbm>>) target(%arg6 : memref<128x128xf32, #tpu.memory_space<vmem>>) offsets(%dma_start3A_8 : memref<128xi32, #tpu.memory_space<vmem>>) semaphore(%arg7 : memref<!tpu.dma_semaphore, #tpu.memory_space<semaphore_mem>>)
      %dma_wait3A = arith.constant 0 : i32
      %dma_wait3A_12 = tpu.memref_slice %arg5[%scan3A_6, %dma_wait3A] : memref<40x128xi32, #tpu.memory_space<vmem>> -> memref<1x128xi32, #tpu.memory_space<vmem>>
      %dma_wait3A_13 = tpu.memref_squeeze %dma_wait3A_12 : memref<1x128xi32, #tpu.memory_space<vmem>> -> memref<128xi32, #tpu.memory_space<vmem>>
      %dma_wait3A_14 = arith.constant 0 : i32
      %dma_wait3A_15 = arith.constant 0 : i32
      %dma_wait3A_16 = tpu.memref_slice %arg2[%dma_wait3A_14, %dma_wait3A_15] : memref<10000x128xf32, #tpu.memory_space<hbm>> -> memref<10000x128xf32, #tpu.memory_space<hbm>>
      tpu.wait_indirect_dma semaphore(%arg7 : memref<!tpu.dma_semaphore, #tpu.memory_space<semaphore_mem>>) src(%dma_wait3A_16 : memref<10000x128xf32, #tpu.memory_space<hbm>>) dst(%arg6 : memref<128x128xf32, #tpu.memory_space<vmem>>)
      %mul3A_17 = arith.constant 5120 : i32
      %mul3A_18 = arith.muli %add3A, %mul3A_17 : i32
      %mul3A_19 = arith.constant 128 : i32
      %mul3A_20 = arith.muli %scan3A_6, %mul3A_19 : i32
      %add3A_21 = arith.addi %mul3A_18, %mul3A_20 : i32
      "tpu.region"() ({
        %run_scoped3A = tpu.sem_alloc : memref<!tpu.dma_semaphore, #tpu.memory_space<semaphore_mem>>
        %dma_start3A_22 = arith.constant 0 : i32
        %dma_start3A_23 = tpu.memref_slice %arg4[%add3A_21, %dma_start3A_22] : memref<163840x128xf32, #tpu.memory_space<hbm>> -> memref<128x128xf32, #tpu.memory_space<hbm>>
        %dma_start3A_24 = arith.constant 0 : i32
        %dma_start3A_25 = tpu.memref_slice %arg4[%add3A_21, %dma_start3A_24] : memref<163840x128xf32, #tpu.memory_space<hbm>> -> memref<128x128xf32, #tpu.memory_space<hbm>>
        tpu.enqueue_dma source(%arg6 : memref<128x128xf32, #tpu.memory_space<vmem>>) target(%dma_start3A_25 : memref<128x128xf32, #tpu.memory_space<hbm>>) target_semaphore(%run_scoped3A : memref<!tpu.dma_semaphore, #tpu.memory_space<semaphore_mem>>)
        %dma_wait3A_26 = arith.constant 0 : i32
        %dma_wait3A_27 = tpu.memref_slice %arg4[%add3A_21, %dma_wait3A_26] : memref<163840x128xf32, #tpu.memory_space<hbm>> -> memref<128x128xf32, #tpu.memory_space<hbm>>
        %dma_wait3A_28 = arith.constant 0 : i32
        %dma_wait3A_29 = tpu.memref_slice %arg4[%add3A_21, %dma_wait3A_28] : memref<163840x128xf32, #tpu.memory_space<hbm>> -> memref<128x128xf32, #tpu.memory_space<hbm>>
        tpu.wait_dma2 semaphore(%run_scoped3A : memref<!tpu.dma_semaphore, #tpu.memory_space<semaphore_mem>>) src(%arg6 : memref<128x128xf32, #tpu.memory_space<vmem>>) dst(%dma_wait3A_29 : memref<128x128xf32, #tpu.memory_space<hbm>>)
        tpu.yield
      }) : () -> ()
    }
    %scan3A_5 = arith.constant 40 : i32
    return
  }
}

#map = affine_map<(d0, d1) -> (0, 0)>
#map1 = affine_map<(d0, d1) -> (0, 0, 0)>
module attributes {stable_mosaic.version = 14 : i64} {
  func.func @sc_gather(%arg0: i32, %arg1: i32, %arg2: memref<10000x128xf32, #tpu.memory_space<hbm>>, %arg3: memref<32x40x128xi32, #tpu.memory_space<hbm>>, %arg4: memref<163840x128xf32, #tpu.memory_space<hbm>>, %arg5: memref<40x128xi32, #tpu.memory_space<vmem>>, %arg6: memref<128x128xf32, #tpu.memory_space<vmem>>, %arg7: memref<!tpu.dma_semaphore, #tpu.memory_space<semaphore_mem>>) attributes {dimension_semantics = [#tpu.dimension_semantics<core_parallel>, #tpu.dimension_semantics<subcore_parallel>], iteration_bounds = array<i64: 2, 16>, scalar_prefetch = 0 : i64, scratch_operands = 3 : i64, tpu.core_type = #tpu.core_type<sc_vector_subcore>, window_params = [{transform_indices = #map}, {transform_indices = #map1}, {transform_indices = #map}]} {
    %mul3A = arith.constant 16 : i32
    %mul3A_0 = arith.muli %arg0, %mul3A : i32
    %add3A = arith.addi %mul3A_0, %arg1 : i32
    "tpu.region"() ({
      %run_scoped3A = tpu.sem_alloc : memref<!tpu.dma_semaphore, #tpu.memory_space<semaphore_mem>>
      %dma_start3A = arith.constant 0 : i32
      %dma_start3A_6 = arith.constant 0 : i32
      %dma_start3A_7 = tpu.memref_slice %arg3[%add3A, %dma_start3A, %dma_start3A_6] : memref<32x40x128xi32, #tpu.memory_space<hbm>> -> memref<1x40x128xi32, #tpu.memory_space<hbm>>
      %dma_start3A_8 = tpu.memref_squeeze %dma_start3A_7 : memref<1x40x128xi32, #tpu.memory_space<hbm>> -> memref<40x128xi32, #tpu.memory_space<hbm>>
      %dma_start3A_9 = arith.constant 0 : i32
      %dma_start3A_10 = arith.constant 0 : i32
      %dma_start3A_11 = tpu.memref_slice %arg3[%add3A, %dma_start3A_9, %dma_start3A_10] : memref<32x40x128xi32, #tpu.memory_space<hbm>> -> memref<1x40x128xi32, #tpu.memory_space<hbm>>
      %dma_start3A_12 = tpu.memref_squeeze %dma_start3A_11 : memref<1x40x128xi32, #tpu.memory_space<hbm>> -> memref<40x128xi32, #tpu.memory_space<hbm>>
      tpu.enqueue_dma source(%dma_start3A_12 : memref<40x128xi32, #tpu.memory_space<hbm>>) target(%arg5 : memref<40x128xi32, #tpu.memory_space<vmem>>) target_semaphore(%run_scoped3A : memref<!tpu.dma_semaphore, #tpu.memory_space<semaphore_mem>>)
      %dma_wait3A = arith.constant 0 : i32
      %dma_wait3A_13 = arith.constant 0 : i32
      %dma_wait3A_14 = tpu.memref_slice %arg3[%add3A, %dma_wait3A, %dma_wait3A_13] : memref<32x40x128xi32, #tpu.memory_space<hbm>> -> memref<1x40x128xi32, #tpu.memory_space<hbm>>
      %dma_wait3A_15 = tpu.memref_squeeze %dma_wait3A_14 : memref<1x40x128xi32, #tpu.memory_space<hbm>> -> memref<40x128xi32, #tpu.memory_space<hbm>>
      %dma_wait3A_16 = arith.constant 0 : i32
      %dma_wait3A_17 = arith.constant 0 : i32
      %dma_wait3A_18 = tpu.memref_slice %arg3[%add3A, %dma_wait3A_16, %dma_wait3A_17] : memref<32x40x128xi32, #tpu.memory_space<hbm>> -> memref<1x40x128xi32, #tpu.memory_space<hbm>>
      %dma_wait3A_19 = tpu.memref_squeeze %dma_wait3A_18 : memref<1x40x128xi32, #tpu.memory_space<hbm>> -> memref<40x128xi32, #tpu.memory_space<hbm>>
      tpu.wait_dma2 semaphore(%run_scoped3A : memref<!tpu.dma_semaphore, #tpu.memory_space<semaphore_mem>>) src(%dma_wait3A_19 : memref<40x128xi32, #tpu.memory_space<hbm>>) dst(%arg5 : memref<40x128xi32, #tpu.memory_space<vmem>>)
      tpu.yield
    }) : () -> ()
    %scan3A = arith.constant 0 : i32
    %scan3A_1 = arith.constant 0 : i32
    %scan3A_2 = arith.constant 40 : i32
    %scan3A_3 = arith.addi %scan3A_1, %scan3A_2 : i32
    %scan3A_4 = arith.constant 1 : i32
    scf.for %scan3A_6 = %scan3A_1 to %scan3A_3 step %scan3A_4  : i32 {
      %dma_start3A = arith.constant 0 : i32
      %dma_start3A_7 = tpu.memref_slice %arg5[%scan3A_6, %dma_start3A] : memref<40x128xi32, #tpu.memory_space<vmem>> -> memref<1x128xi32, #tpu.memory_space<vmem>>
      %dma_start3A_8 = tpu.memref_squeeze %dma_start3A_7 : memref<1x128xi32, #tpu.memory_space<vmem>> -> memref<128xi32, #tpu.memory_space<vmem>>
      %dma_start3A_9 = arith.constant 0 : i32
      %dma_start3A_10 = arith.constant 0 : i32
      %dma_start3A_11 = tpu.memref_slice %arg2[%dma_start3A_9, %dma_start3A_10] : memref<10000x128xf32, #tpu.memory_space<hbm>> -> memref<10000x128xf32, #tpu.memory_space<hbm>>
      tpu.enqueue_indirect_dma source(%dma_start3A_11 : memref<10000x128xf32, #tpu.memory_space<hbm>>) target(%arg6 : memref<128x128xf32, #tpu.memory_space<vmem>>) offsets(%dma_start3A_8 : memref<128xi32, #tpu.memory_space<vmem>>) semaphore(%arg7 : memref<!tpu.dma_semaphore, #tpu.memory_space<semaphore_mem>>)
      %dma_wait3A = arith.constant 0 : i32
      %dma_wait3A_12 = tpu.memref_slice %arg5[%scan3A_6, %dma_wait3A] : memref<40x128xi32, #tpu.memory_space<vmem>> -> memref<1x128xi32, #tpu.memory_space<vmem>>
      %dma_wait3A_13 = tpu.memref_squeeze %dma_wait3A_12 : memref<1x128xi32, #tpu.memory_space<vmem>> -> memref<128xi32, #tpu.memory_space<vmem>>
      %dma_wait3A_14 = arith.constant 0 : i32
      %dma_wait3A_15 = arith.constant 0 : i32
      %dma_wait3A_16 = tpu.memref_slice %arg2[%dma_wait3A_14, %dma_wait3A_15] : memref<10000x128xf32, #tpu.memory_space<hbm>> -> memref<10000x128xf32, #tpu.memory_space<hbm>>
      tpu.wait_indirect_dma semaphore(%arg7 : memref<!tpu.dma_semaphore, #tpu.memory_space<semaphore_mem>>) src(%dma_wait3A_16 : memref<10000x128xf32, #tpu.memory_space<hbm>>) dst(%arg6 : memref<128x128xf32, #tpu.memory_space<vmem>>)
      %mul3A_17 = arith.constant 5120 : i32
      %mul3A_18 = arith.muli %add3A, %mul3A_17 : i32
      %mul3A_19 = arith.constant 128 : i32
      %mul3A_20 = arith.muli %scan3A_6, %mul3A_19 : i32
      %add3A_21 = arith.addi %mul3A_18, %mul3A_20 : i32
      "tpu.region"() ({
        %run_scoped3A = tpu.sem_alloc : memref<!tpu.dma_semaphore, #tpu.memory_space<semaphore_mem>>
        %dma_start3A_22 = arith.constant 0 : i32
        %dma_start3A_23 = tpu.memref_slice %arg4[%add3A_21, %dma_start3A_22] : memref<163840x128xf32, #tpu.memory_space<hbm>> -> memref<128x128xf32, #tpu.memory_space<hbm>>
        %dma_start3A_24 = arith.constant 0 : i32
        %dma_start3A_25 = tpu.memref_slice %arg4[%add3A_21, %dma_start3A_24] : memref<163840x128xf32, #tpu.memory_space<hbm>> -> memref<128x128xf32, #tpu.memory_space<hbm>>
        tpu.enqueue_dma source(%arg6 : memref<128x128xf32, #tpu.memory_space<vmem>>) target(%dma_start3A_25 : memref<128x128xf32, #tpu.memory_space<hbm>>) target_semaphore(%run_scoped3A : memref<!tpu.dma_semaphore, #tpu.memory_space<semaphore_mem>>)
        %dma_wait3A_26 = arith.constant 0 : i32
        %dma_wait3A_27 = tpu.memref_slice %arg4[%add3A_21, %dma_wait3A_26] : memref<163840x128xf32, #tpu.memory_space<hbm>> -> memref<128x128xf32, #tpu.memory_space<hbm>>
        %dma_wait3A_28 = arith.constant 0 : i32
        %dma_wait3A_29 = tpu.memref_slice %arg4[%add3A_21, %dma_wait3A_28] : memref<163840x128xf32, #tpu.memory_space<hbm>> -> memref<128x128xf32, #tpu.memory_space<hbm>>
        tpu.wait_dma2 semaphore(%run_scoped3A : memref<!tpu.dma_semaphore, #tpu.memory_space<semaphore_mem>>) src(%arg6 : memref<128x128xf32, #tpu.memory_space<vmem>>) dst(%dma_wait3A_29 : memref<128x128xf32, #tpu.memory_space<hbm>>)
        tpu.yield
      }) : () -> ()
    }
    %scan3A_5 = arith.constant 40 : i32
    return
  }
}

#map = affine_map<(d0, d1) -> (0, 0)>
#map1 = affine_map<(d0, d1) -> (0, 0, 0)>
module attributes {stable_mosaic.version = 14 : i64} {
  func.func @sc_scatter(%arg0: i32, %arg1: i32, %arg2: memref<163840x128xf32, #tpu.memory_space<hbm>>, %arg3: memref<32x40x128xi32, #tpu.memory_space<hbm>>, %arg4: memref<10112x128xf32, #tpu.memory_space<hbm>>, %arg5: memref<2x10112x128xf32, #tpu.memory_space<hbm>>, %arg6: memref<40x128xi32, #tpu.memory_space<vmem>>, %arg7: memref<128x128xf32, #tpu.memory_space<vmem>>, %arg8: memref<10112x128xf32, #tpu.memory_space<vmem_shared>>) attributes {dimension_semantics = [#tpu.dimension_semantics<core_parallel>, #tpu.dimension_semantics<subcore_parallel>], iteration_bounds = array<i64: 2, 16>, scalar_prefetch = 0 : i64, scratch_operands = 3 : i64, tpu.core_type = #tpu.core_type<sc_vector_subcore>, window_params = [{transform_indices = #map}, {transform_indices = #map1}, {transform_indices = #map}, {transform_indices = #map1}]} {
    %mul3A = arith.constant 16 : i32
    %mul3A_0 = arith.muli %arg0, %mul3A : i32
    %add3A = arith.addi %mul3A_0, %arg1 : i32
    %mul3A_1 = arith.constant 632 : i32
    %mul3A_2 = arith.muli %arg1, %mul3A_1 : i32
    %mul3A_3 = arith.constant 632 : i32
    %mul3A_4 = arith.muli %arg1, %mul3A_3 : i32
    "tpu.region"() ({
      %run_scoped3A = tpu.sem_alloc : memref<!tpu.dma_semaphore, #tpu.memory_space<semaphore_mem>>
      %dma_start3A = arith.constant 0 : i32
      %dma_start3A_15 = tpu.memref_slice %arg8[%mul3A_4, %dma_start3A] : memref<10112x128xf32, #tpu.memory_space<vmem_shared>> -> memref<632x128xf32, #tpu.memory_space<vmem_shared>>
      %dma_start3A_16 = arith.constant 0 : i32
      %dma_start3A_17 = tpu.memref_slice %arg4[%mul3A_2, %dma_start3A_16] : memref<10112x128xf32, #tpu.memory_space<hbm>> -> memref<632x128xf32, #tpu.memory_space<hbm>>
      tpu.enqueue_dma source(%dma_start3A_17 : memref<632x128xf32, #tpu.memory_space<hbm>>) target(%dma_start3A_15 : memref<632x128xf32, #tpu.memory_space<vmem_shared>>) target_semaphore(%run_scoped3A : memref<!tpu.dma_semaphore, #tpu.memory_space<semaphore_mem>>)
      %dma_wait3A = arith.constant 0 : i32
      %dma_wait3A_18 = tpu.memref_slice %arg8[%mul3A_4, %dma_wait3A] : memref<10112x128xf32, #tpu.memory_space<vmem_shared>> -> memref<632x128xf32, #tpu.memory_space<vmem_shared>>
      %dma_wait3A_19 = arith.constant 0 : i32
      %dma_wait3A_20 = tpu.memref_slice %arg4[%mul3A_2, %dma_wait3A_19] : memref<10112x128xf32, #tpu.memory_space<hbm>> -> memref<632x128xf32, #tpu.memory_space<hbm>>
      tpu.wait_dma2 semaphore(%run_scoped3A : memref<!tpu.dma_semaphore, #tpu.memory_space<semaphore_mem>>) src(%dma_wait3A_20 : memref<632x128xf32, #tpu.memory_space<hbm>>) dst(%dma_wait3A_18 : memref<632x128xf32, #tpu.memory_space<vmem_shared>>)
      tpu.yield
    }) : () -> ()
    %barrier3A = arith.constant 0 : index
    tpu.barrier barrier_id(%barrier3A)
    "tpu.region"() ({
      %run_scoped3A = tpu.sem_alloc : memref<!tpu.dma_semaphore, #tpu.memory_space<semaphore_mem>>
      %dma_start3A = arith.constant 0 : i32
      %dma_start3A_15 = arith.constant 0 : i32
      %dma_start3A_16 = tpu.memref_slice %arg3[%add3A, %dma_start3A, %dma_start3A_15] : memref<32x40x128xi32, #tpu.memory_space<hbm>> -> memref<1x40x128xi32, #tpu.memory_space<hbm>>
      %dma_start3A_17 = tpu.memref_squeeze %dma_start3A_16 : memref<1x40x128xi32, #tpu.memory_space<hbm>> -> memref<40x128xi32, #tpu.memory_space<hbm>>
      %dma_start3A_18 = arith.constant 0 : i32
      %dma_start3A_19 = arith.constant 0 : i32
      %dma_start3A_20 = tpu.memref_slice %arg3[%add3A, %dma_start3A_18, %dma_start3A_19] : memref<32x40x128xi32, #tpu.memory_space<hbm>> -> memref<1x40x128xi32, #tpu.memory_space<hbm>>
      %dma_start3A_21 = tpu.memref_squeeze %dma_start3A_20 : memref<1x40x128xi32, #tpu.memory_space<hbm>> -> memref<40x128xi32, #tpu.memory_space<hbm>>
      tpu.enqueue_dma source(%dma_start3A_21 : memref<40x128xi32, #tpu.memory_space<hbm>>) target(%arg6 : memref<40x128xi32, #tpu.memory_space<vmem>>) target_semaphore(%run_scoped3A : memref<!tpu.dma_semaphore, #tpu.memory_space<semaphore_mem>>)
      %dma_wait3A = arith.constant 0 : i32
      %dma_wait3A_22 = arith.constant 0 : i32
      %dma_wait3A_23 = tpu.memref_slice %arg3[%add3A, %dma_wait3A, %dma_wait3A_22] : memref<32x40x128xi32, #tpu.memory_space<hbm>> -> memref<1x40x128xi32, #tpu.memory_space<hbm>>
      %dma_wait3A_24 = tpu.memref_squeeze %dma_wait3A_23 : memref<1x40x128xi32, #tpu.memory_space<hbm>> -> memref<40x128xi32, #tpu.memory_space<hbm>>
      %dma_wait3A_25 = arith.constant 0 : i32
      %dma_wait3A_26 = arith.constant 0 : i32
      %dma_wait3A_27 = tpu.memref_slice %arg3[%add3A, %dma_wait3A_25, %dma_wait3A_26] : memref<32x40x128xi32, #tpu.memory_space<hbm>> -> memref<1x40x128xi32, #tpu.memory_space<hbm>>
      %dma_wait3A_28 = tpu.memref_squeeze %dma_wait3A_27 : memref<1x40x128xi32, #tpu.memory_space<hbm>> -> memref<40x128xi32, #tpu.memory_space<hbm>>
      tpu.wait_dma2 semaphore(%run_scoped3A : memref<!tpu.dma_semaphore, #tpu.memory_space<semaphore_mem>>) src(%dma_wait3A_28 : memref<40x128xi32, #tpu.memory_space<hbm>>) dst(%arg6 : memref<40x128xi32, #tpu.memory_space<vmem>>)
      tpu.yield
    }) : () -> ()
    %scan3A = arith.constant 0 : i32
    %scan3A_5 = arith.constant 0 : i32
    %scan3A_6 = arith.constant 40 : i32
    %scan3A_7 = arith.addi %scan3A_5, %scan3A_6 : i32
    %scan3A_8 = arith.constant 1 : i32
    scf.for %scan3A_15 = %scan3A_5 to %scan3A_7 step %scan3A_8  : i32 {
      %mul3A_16 = arith.constant 5120 : i32
      %mul3A_17 = arith.muli %add3A, %mul3A_16 : i32
      %mul3A_18 = arith.constant 128 : i32
      %mul3A_19 = arith.muli %scan3A_15, %mul3A_18 : i32
      %add3A_20 = arith.addi %mul3A_17, %mul3A_19 : i32
      "tpu.region"() ({
        %run_scoped3A = tpu.sem_alloc : memref<!tpu.dma_semaphore, #tpu.memory_space<semaphore_mem>>
        %dma_start3A = arith.constant 0 : i32
        %dma_start3A_21 = tpu.memref_slice %arg2[%add3A_20, %dma_start3A] : memref<163840x128xf32, #tpu.memory_space<hbm>> -> memref<128x128xf32, #tpu.memory_space<hbm>>
        %dma_start3A_22 = arith.constant 0 : i32
        %dma_start3A_23 = tpu.memref_slice %arg2[%add3A_20, %dma_start3A_22] : memref<163840x128xf32, #tpu.memory_space<hbm>> -> memref<128x128xf32, #tpu.memory_space<hbm>>
        tpu.enqueue_dma source(%dma_start3A_23 : memref<128x128xf32, #tpu.memory_space<hbm>>) target(%arg7 : memref<128x128xf32, #tpu.memory_space<vmem>>) target_semaphore(%run_scoped3A : memref<!tpu.dma_semaphore, #tpu.memory_space<semaphore_mem>>)
        %dma_wait3A = arith.constant 0 : i32
        %dma_wait3A_24 = tpu.memref_slice %arg2[%add3A_20, %dma_wait3A] : memref<163840x128xf32, #tpu.memory_space<hbm>> -> memref<128x128xf32, #tpu.memory_space<hbm>>
        %dma_wait3A_25 = arith.constant 0 : i32
        %dma_wait3A_26 = tpu.memref_slice %arg2[%add3A_20, %dma_wait3A_25] : memref<163840x128xf32, #tpu.memory_space<hbm>> -> memref<128x128xf32, #tpu.memory_space<hbm>>
        tpu.wait_dma2 semaphore(%run_scoped3A : memref<!tpu.dma_semaphore, #tpu.memory_space<semaphore_mem>>) src(%dma_wait3A_26 : memref<128x128xf32, #tpu.memory_space<hbm>>) dst(%arg7 : memref<128x128xf32, #tpu.memory_space<vmem>>)
        tpu.yield
      }) : () -> ()
      "tpu.region"() ({
        %run_scoped3A = tpu.sem_alloc : memref<!tpu.dma_semaphore, #tpu.memory_space<semaphore_mem>>
        %dma_start3A = arith.constant 0 : i32
        %dma_start3A_21 = tpu.memref_slice %arg6[%scan3A_15, %dma_start3A] : memref<40x128xi32, #tpu.memory_space<vmem>> -> memref<1x128xi32, #tpu.memory_space<vmem>>
        %dma_start3A_22 = tpu.memref_squeeze %dma_start3A_21 : memref<1x128xi32, #tpu.memory_space<vmem>> -> memref<128xi32, #tpu.memory_space<vmem>>
        %dma_start3A_23 = arith.constant 0 : i32
        %dma_start3A_24 = arith.constant 0 : i32
        %dma_start3A_25 = tpu.memref_slice %arg8[%dma_start3A_23, %dma_start3A_24] : memref<10112x128xf32, #tpu.memory_space<vmem_shared>> -> memref<10112x128xf32, #tpu.memory_space<vmem_shared>>
        tpu.enqueue_indirect_dma source(%arg7 : memref<128x128xf32, #tpu.memory_space<vmem>>) target(%dma_start3A_25 : memref<10112x128xf32, #tpu.memory_space<vmem_shared>>) offsets(%dma_start3A_22 : memref<128xi32, #tpu.memory_space<vmem>>) semaphore(%run_scoped3A : memref<!tpu.dma_semaphore, #tpu.memory_space<semaphore_mem>>) {add = true}
        %dma_wait3A = arith.constant 0 : i32
        %dma_wait3A_26 = tpu.memref_slice %arg6[%scan3A_15, %dma_wait3A] : memref<40x128xi32, #tpu.memory_space<vmem>> -> memref<1x128xi32, #tpu.memory_space<vmem>>
        %dma_wait3A_27 = tpu.memref_squeeze %dma_wait3A_26 : memref<1x128xi32, #tpu.memory_space<vmem>> -> memref<128xi32, #tpu.memory_space<vmem>>
        %dma_wait3A_28 = arith.constant 0 : i32
        %dma_wait3A_29 = arith.constant 0 : i32
        %dma_wait3A_30 = tpu.memref_slice %arg8[%dma_wait3A_28, %dma_wait3A_29] : memref<10112x128xf32, #tpu.memory_space<vmem_shared>> -> memref<10112x128xf32, #tpu.memory_space<vmem_shared>>
        tpu.wait_indirect_dma semaphore(%run_scoped3A : memref<!tpu.dma_semaphore, #tpu.memory_space<semaphore_mem>>) src(%arg7 : memref<128x128xf32, #tpu.memory_space<vmem>>) dst(%dma_wait3A_30 : memref<10112x128xf32, #tpu.memory_space<vmem_shared>>)
        tpu.yield
      }) : () -> ()
    }
    %scan3A_9 = arith.constant 40 : i32
    %barrier3A_10 = arith.constant 0 : index
    tpu.barrier barrier_id(%barrier3A_10)
    %mul3A_11 = arith.constant 632 : i32
    %mul3A_12 = arith.muli %arg1, %mul3A_11 : i32
    %mul3A_13 = arith.constant 632 : i32
    %mul3A_14 = arith.muli %arg1, %mul3A_13 : i32
    "tpu.region"() ({
      %run_scoped3A = tpu.sem_alloc : memref<!tpu.dma_semaphore, #tpu.memory_space<semaphore_mem>>
      %dma_start3A = arith.constant 0 : i32
      %dma_start3A_15 = tpu.memref_slice %arg5[%arg0, %mul3A_14, %dma_start3A] : memref<2x10112x128xf32, #tpu.memory_space<hbm>> -> memref<1x632x128xf32, #tpu.memory_space<hbm>>
      %dma_start3A_16 = tpu.memref_squeeze %dma_start3A_15 : memref<1x632x128xf32, #tpu.memory_space<hbm>> -> memref<632x128xf32, #tpu.memory_space<hbm>>
      %dma_start3A_17 = arith.constant 0 : i32
      %dma_start3A_18 = tpu.memref_slice %arg8[%mul3A_12, %dma_start3A_17] : memref<10112x128xf32, #tpu.memory_space<vmem_shared>> -> memref<632x128xf32, #tpu.memory_space<vmem_shared>>
      tpu.enqueue_dma source(%dma_start3A_18 : memref<632x128xf32, #tpu.memory_space<vmem_shared>>) target(%dma_start3A_16 : memref<632x128xf32, #tpu.memory_space<hbm>>) target_semaphore(%run_scoped3A : memref<!tpu.dma_semaphore, #tpu.memory_space<semaphore_mem>>)
      %dma_wait3A = arith.constant 0 : i32
      %dma_wait3A_19 = tpu.memref_slice %arg5[%arg0, %mul3A_14, %dma_wait3A] : memref<2x10112x128xf32, #tpu.memory_space<hbm>> -> memref<1x632x128xf32, #tpu.memory_space<hbm>>
      %dma_wait3A_20 = tpu.memref_squeeze %dma_wait3A_19 : memref<1x632x128xf32, #tpu.memory_space<hbm>> -> memref<632x128xf32, #tpu.memory_space<hbm>>
      %dma_wait3A_21 = arith.constant 0 : i32
      %dma_wait3A_22 = tpu.memref_slice %arg8[%mul3A_12, %dma_wait3A_21] : memref<10112x128xf32, #tpu.memory_space<vmem_shared>> -> memref<632x128xf32, #tpu.memory_space<vmem_shared>>
      tpu.wait_dma2 semaphore(%run_scoped3A : memref<!tpu.dma_semaphore, #tpu.memory_space<semaphore_mem>>) src(%dma_wait3A_22 : memref<632x128xf32, #tpu.memory_space<vmem_shared>>) dst(%dma_wait3A_20 : memref<632x128xf32, #tpu.memory_space<hbm>>)
      tpu.yield
    }) : () -> ()
    return
  }
}

#map = affine_map<(d0, d1) -> (0, 0)>
#map1 = affine_map<(d0, d1) -> (0, 0, 0)>
module attributes {stable_mosaic.version = 14 : i64} {
  func.func @sc_scatter(%arg0: i32, %arg1: i32, %arg2: memref<163840x128xf32, #tpu.memory_space<hbm>>, %arg3: memref<32x40x128xi32, #tpu.memory_space<hbm>>, %arg4: memref<10112x128xf32, #tpu.memory_space<hbm>>, %arg5: memref<2x10112x128xf32, #tpu.memory_space<hbm>>, %arg6: memref<40x128xi32, #tpu.memory_space<vmem>>, %arg7: memref<128x128xf32, #tpu.memory_space<vmem>>, %arg8: memref<10112x128xf32, #tpu.memory_space<vmem_shared>>) attributes {dimension_semantics = [#tpu.dimension_semantics<core_parallel>, #tpu.dimension_semantics<subcore_parallel>], iteration_bounds = array<i64: 2, 16>, scalar_prefetch = 0 : i64, scratch_operands = 3 : i64, tpu.core_type = #tpu.core_type<sc_vector_subcore>, window_params = [{transform_indices = #map}, {transform_indices = #map1}, {transform_indices = #map}, {transform_indices = #map1}]} {
    %mul3A = arith.constant 16 : i32
    %mul3A_0 = arith.muli %arg0, %mul3A : i32
    %add3A = arith.addi %mul3A_0, %arg1 : i32
    %mul3A_1 = arith.constant 632 : i32
    %mul3A_2 = arith.muli %arg1, %mul3A_1 : i32
    %mul3A_3 = arith.constant 632 : i32
    %mul3A_4 = arith.muli %arg1, %mul3A_3 : i32
    "tpu.region"() ({
      %run_scoped3A = tpu.sem_alloc : memref<!tpu.dma_semaphore, #tpu.memory_space<semaphore_mem>>
      %dma_start3A = arith.constant 0 : i32
      %dma_start3A_15 = tpu.memref_slice %arg8[%mul3A_4, %dma_start3A] : memref<10112x128xf32, #tpu.memory_space<vmem_shared>> -> memref<632x128xf32, #tpu.memory_space<vmem_shared>>
      %dma_start3A_16 = arith.constant 0 : i32
      %dma_start3A_17 = tpu.memref_slice %arg4[%mul3A_2, %dma_start3A_16] : memref<10112x128xf32, #tpu.memory_space<hbm>> -> memref<632x128xf32, #tpu.memory_space<hbm>>
      tpu.enqueue_dma source(%dma_start3A_17 : memref<632x128xf32, #tpu.memory_space<hbm>>) target(%dma_start3A_15 : memref<632x128xf32, #tpu.memory_space<vmem_shared>>) target_semaphore(%run_scoped3A : memref<!tpu.dma_semaphore, #tpu.memory_space<semaphore_mem>>)
      %dma_wait3A = arith.constant 0 : i32
      %dma_wait3A_18 = tpu.memref_slice %arg8[%mul3A_4, %dma_wait3A] : memref<10112x128xf32, #tpu.memory_space<vmem_shared>> -> memref<632x128xf32, #tpu.memory_space<vmem_shared>>
      %dma_wait3A_19 = arith.constant 0 : i32
      %dma_wait3A_20 = tpu.memref_slice %arg4[%mul3A_2, %dma_wait3A_19] : memref<10112x128xf32, #tpu.memory_space<hbm>> -> memref<632x128xf32, #tpu.memory_space<hbm>>
      tpu.wait_dma2 semaphore(%run_scoped3A : memref<!tpu.dma_semaphore, #tpu.memory_space<semaphore_mem>>) src(%dma_wait3A_20 : memref<632x128xf32, #tpu.memory_space<hbm>>) dst(%dma_wait3A_18 : memref<632x128xf32, #tpu.memory_space<vmem_shared>>)
      tpu.yield
    }) : () -> ()
    %barrier3A = arith.constant 0 : index
    tpu.barrier barrier_id(%barrier3A)
    "tpu.region"() ({
      %run_scoped3A = tpu.sem_alloc : memref<!tpu.dma_semaphore, #tpu.memory_space<semaphore_mem>>
      %dma_start3A = arith.constant 0 : i32
      %dma_start3A_15 = arith.constant 0 : i32
      %dma_start3A_16 = tpu.memref_slice %arg3[%add3A, %dma_start3A, %dma_start3A_15] : memref<32x40x128xi32, #tpu.memory_space<hbm>> -> memref<1x40x128xi32, #tpu.memory_space<hbm>>
      %dma_start3A_17 = tpu.memref_squeeze %dma_start3A_16 : memref<1x40x128xi32, #tpu.memory_space<hbm>> -> memref<40x128xi32, #tpu.memory_space<hbm>>
      %dma_start3A_18 = arith.constant 0 : i32
      %dma_start3A_19 = arith.constant 0 : i32
      %dma_start3A_20 = tpu.memref_slice %arg3[%add3A, %dma_start3A_18, %dma_start3A_19] : memref<32x40x128xi32, #tpu.memory_space<hbm>> -> memref<1x40x128xi32, #tpu.memory_space<hbm>>
      %dma_start3A_21 = tpu.memref_squeeze %dma_start3A_20 : memref<1x40x128xi32, #tpu.memory_space<hbm>> -> memref<40x128xi32, #tpu.memory_space<hbm>>
      tpu.enqueue_dma source(%dma_start3A_21 : memref<40x128xi32, #tpu.memory_space<hbm>>) target(%arg6 : memref<40x128xi32, #tpu.memory_space<vmem>>) target_semaphore(%run_scoped3A : memref<!tpu.dma_semaphore, #tpu.memory_space<semaphore_mem>>)
      %dma_wait3A = arith.constant 0 : i32
      %dma_wait3A_22 = arith.constant 0 : i32
      %dma_wait3A_23 = tpu.memref_slice %arg3[%add3A, %dma_wait3A, %dma_wait3A_22] : memref<32x40x128xi32, #tpu.memory_space<hbm>> -> memref<1x40x128xi32, #tpu.memory_space<hbm>>
      %dma_wait3A_24 = tpu.memref_squeeze %dma_wait3A_23 : memref<1x40x128xi32, #tpu.memory_space<hbm>> -> memref<40x128xi32, #tpu.memory_space<hbm>>
      %dma_wait3A_25 = arith.constant 0 : i32
      %dma_wait3A_26 = arith.constant 0 : i32
      %dma_wait3A_27 = tpu.memref_slice %arg3[%add3A, %dma_wait3A_25, %dma_wait3A_26] : memref<32x40x128xi32, #tpu.memory_space<hbm>> -> memref<1x40x128xi32, #tpu.memory_space<hbm>>
      %dma_wait3A_28 = tpu.memref_squeeze %dma_wait3A_27 : memref<1x40x128xi32, #tpu.memory_space<hbm>> -> memref<40x128xi32, #tpu.memory_space<hbm>>
      tpu.wait_dma2 semaphore(%run_scoped3A : memref<!tpu.dma_semaphore, #tpu.memory_space<semaphore_mem>>) src(%dma_wait3A_28 : memref<40x128xi32, #tpu.memory_space<hbm>>) dst(%arg6 : memref<40x128xi32, #tpu.memory_space<vmem>>)
      tpu.yield
    }) : () -> ()
    %scan3A = arith.constant 0 : i32
    %scan3A_5 = arith.constant 0 : i32
    %scan3A_6 = arith.constant 40 : i32
    %scan3A_7 = arith.addi %scan3A_5, %scan3A_6 : i32
    %scan3A_8 = arith.constant 1 : i32
    scf.for %scan3A_15 = %scan3A_5 to %scan3A_7 step %scan3A_8  : i32 {
      %mul3A_16 = arith.constant 5120 : i32
      %mul3A_17 = arith.muli %add3A, %mul3A_16 : i32
      %mul3A_18 = arith.constant 128 : i32
      %mul3A_19 = arith.muli %scan3A_15, %mul3A_18 : i32
      %add3A_20 = arith.addi %mul3A_17, %mul3A_19 : i32
      "tpu.region"() ({
        %run_scoped3A = tpu.sem_alloc : memref<!tpu.dma_semaphore, #tpu.memory_space<semaphore_mem>>
        %dma_start3A = arith.constant 0 : i32
        %dma_start3A_21 = tpu.memref_slice %arg2[%add3A_20, %dma_start3A] : memref<163840x128xf32, #tpu.memory_space<hbm>> -> memref<128x128xf32, #tpu.memory_space<hbm>>
        %dma_start3A_22 = arith.constant 0 : i32
        %dma_start3A_23 = tpu.memref_slice %arg2[%add3A_20, %dma_start3A_22] : memref<163840x128xf32, #tpu.memory_space<hbm>> -> memref<128x128xf32, #tpu.memory_space<hbm>>
        tpu.enqueue_dma source(%dma_start3A_23 : memref<128x128xf32, #tpu.memory_space<hbm>>) target(%arg7 : memref<128x128xf32, #tpu.memory_space<vmem>>) target_semaphore(%run_scoped3A : memref<!tpu.dma_semaphore, #tpu.memory_space<semaphore_mem>>)
        %dma_wait3A = arith.constant 0 : i32
        %dma_wait3A_24 = tpu.memref_slice %arg2[%add3A_20, %dma_wait3A] : memref<163840x128xf32, #tpu.memory_space<hbm>> -> memref<128x128xf32, #tpu.memory_space<hbm>>
        %dma_wait3A_25 = arith.constant 0 : i32
        %dma_wait3A_26 = tpu.memref_slice %arg2[%add3A_20, %dma_wait3A_25] : memref<163840x128xf32, #tpu.memory_space<hbm>> -> memref<128x128xf32, #tpu.memory_space<hbm>>
        tpu.wait_dma2 semaphore(%run_scoped3A : memref<!tpu.dma_semaphore, #tpu.memory_space<semaphore_mem>>) src(%dma_wait3A_26 : memref<128x128xf32, #tpu.memory_space<hbm>>) dst(%arg7 : memref<128x128xf32, #tpu.memory_space<vmem>>)
        tpu.yield
      }) : () -> ()
      "tpu.region"() ({
        %run_scoped3A = tpu.sem_alloc : memref<!tpu.dma_semaphore, #tpu.memory_space<semaphore_mem>>
        %dma_start3A = arith.constant 0 : i32
        %dma_start3A_21 = tpu.memref_slice %arg6[%scan3A_15, %dma_start3A] : memref<40x128xi32, #tpu.memory_space<vmem>> -> memref<1x128xi32, #tpu.memory_space<vmem>>
        %dma_start3A_22 = tpu.memref_squeeze %dma_start3A_21 : memref<1x128xi32, #tpu.memory_space<vmem>> -> memref<128xi32, #tpu.memory_space<vmem>>
        %dma_start3A_23 = arith.constant 0 : i32
        %dma_start3A_24 = arith.constant 0 : i32
        %dma_start3A_25 = tpu.memref_slice %arg8[%dma_start3A_23, %dma_start3A_24] : memref<10112x128xf32, #tpu.memory_space<vmem_shared>> -> memref<10112x128xf32, #tpu.memory_space<vmem_shared>>
        tpu.enqueue_indirect_dma source(%arg7 : memref<128x128xf32, #tpu.memory_space<vmem>>) target(%dma_start3A_25 : memref<10112x128xf32, #tpu.memory_space<vmem_shared>>) offsets(%dma_start3A_22 : memref<128xi32, #tpu.memory_space<vmem>>) semaphore(%run_scoped3A : memref<!tpu.dma_semaphore, #tpu.memory_space<semaphore_mem>>) {add = true}
        %dma_wait3A = arith.constant 0 : i32
        %dma_wait3A_26 = tpu.memref_slice %arg6[%scan3A_15, %dma_wait3A] : memref<40x128xi32, #tpu.memory_space<vmem>> -> memref<1x128xi32, #tpu.memory_space<vmem>>
        %dma_wait3A_27 = tpu.memref_squeeze %dma_wait3A_26 : memref<1x128xi32, #tpu.memory_space<vmem>> -> memref<128xi32, #tpu.memory_space<vmem>>
        %dma_wait3A_28 = arith.constant 0 : i32
        %dma_wait3A_29 = arith.constant 0 : i32
        %dma_wait3A_30 = tpu.memref_slice %arg8[%dma_wait3A_28, %dma_wait3A_29] : memref<10112x128xf32, #tpu.memory_space<vmem_shared>> -> memref<10112x128xf32, #tpu.memory_space<vmem_shared>>
        tpu.wait_indirect_dma semaphore(%run_scoped3A : memref<!tpu.dma_semaphore, #tpu.memory_space<semaphore_mem>>) src(%arg7 : memref<128x128xf32, #tpu.memory_space<vmem>>) dst(%dma_wait3A_30 : memref<10112x128xf32, #tpu.memory_space<vmem_shared>>)
        tpu.yield
      }) : () -> ()
    }
    %scan3A_9 = arith.constant 40 : i32
    %barrier3A_10 = arith.constant 0 : index
    tpu.barrier barrier_id(%barrier3A_10)
    %mul3A_11 = arith.constant 632 : i32
    %mul3A_12 = arith.muli %arg1, %mul3A_11 : i32
    %mul3A_13 = arith.constant 632 : i32
    %mul3A_14 = arith.muli %arg1, %mul3A_13 : i32
    "tpu.region"() ({
      %run_scoped3A = tpu.sem_alloc : memref<!tpu.dma_semaphore, #tpu.memory_space<semaphore_mem>>
      %dma_start3A = arith.constant 0 : i32
      %dma_start3A_15 = tpu.memref_slice %arg5[%arg0, %mul3A_14, %dma_start3A] : memref<2x10112x128xf32, #tpu.memory_space<hbm>> -> memref<1x632x128xf32, #tpu.memory_space<hbm>>
      %dma_start3A_16 = tpu.memref_squeeze %dma_start3A_15 : memref<1x632x128xf32, #tpu.memory_space<hbm>> -> memref<632x128xf32, #tpu.memory_space<hbm>>
      %dma_start3A_17 = arith.constant 0 : i32
      %dma_start3A_18 = tpu.memref_slice %arg8[%mul3A_12, %dma_start3A_17] : memref<10112x128xf32, #tpu.memory_space<vmem_shared>> -> memref<632x128xf32, #tpu.memory_space<vmem_shared>>
      tpu.enqueue_dma source(%dma_start3A_18 : memref<632x128xf32, #tpu.memory_space<vmem_shared>>) target(%dma_start3A_16 : memref<632x128xf32, #tpu.memory_space<hbm>>) target_semaphore(%run_scoped3A : memref<!tpu.dma_semaphore, #tpu.memory_space<semaphore_mem>>)
      %dma_wait3A = arith.constant 0 : i32
      %dma_wait3A_19 = tpu.memref_slice %arg5[%arg0, %mul3A_14, %dma_wait3A] : memref<2x10112x128xf32, #tpu.memory_space<hbm>> -> memref<1x632x128xf32, #tpu.memory_space<hbm>>
      %dma_wait3A_20 = tpu.memref_squeeze %dma_wait3A_19 : memref<1x632x128xf32, #tpu.memory_space<hbm>> -> memref<632x128xf32, #tpu.memory_space<hbm>>
      %dma_wait3A_21 = arith.constant 0 : i32
      %dma_wait3A_22 = tpu.memref_slice %arg8[%mul3A_12, %dma_wait3A_21] : memref<10112x128xf32, #tpu.memory_space<vmem_shared>> -> memref<632x128xf32, #tpu.memory_space<vmem_shared>>
      tpu.wait_dma2 semaphore(%run_scoped3A : memref<!tpu.dma_semaphore, #tpu.memory_space<semaphore_mem>>) src(%dma_wait3A_22 : memref<632x128xf32, #tpu.memory_space<vmem_shared>>) dst(%dma_wait3A_20 : memref<632x128xf32, #tpu.memory_space<hbm>>)
      tpu.yield
    }) : () -> ()
    return
  }
}

module attributes {stable_mosaic.version = 14 : i64} {
  func.func @_proj_body(%arg0: i32, %arg1: memref<1000x128xf32, #tpu.memory_space<vmem>>, %arg2: memref<128x64xbf16, #tpu.memory_space<vmem>>, %arg3: memref<64x64xbf16, #tpu.memory_space<vmem>>, %arg4: memref<64x64xbf16, #tpu.memory_space<vmem>>, %arg5: memref<64x64xbf16, #tpu.memory_space<vmem>>, %arg6: memref<1x64xf32, #tpu.memory_space<vmem>>, %arg7: memref<1x64xf32, #tpu.memory_space<vmem>>, %arg8: memref<1x64xf32, #tpu.memory_space<vmem>>, %arg9: memref<1x64xf32, #tpu.memory_space<vmem>>, %arg10: memref<1000x128xf32, #tpu.memory_space<vmem>>, %arg11: memref<1000x128xf32, #tpu.memory_space<vmem>>) attributes {dimension_semantics = [#tpu.dimension_semantics<arbitrary>], iteration_bounds = array<i64: 10>, scalar_prefetch = 0 : i64, scratch_operands = 0 : i64, tpu.core_type = #tpu.core_type<tc>, window_params = [{transform_indices = @transform_0, window_bounds = array<i64: 1000, 128>}, {pipeline_mode = #tpu.pipeline_mode<synchronous>, transform_indices = @transform_1, window_bounds = array<i64: 128, 64>}, {pipeline_mode = #tpu.pipeline_mode<synchronous>, transform_indices = @transform_2, window_bounds = array<i64: 64, 64>}, {pipeline_mode = #tpu.pipeline_mode<synchronous>, transform_indices = @transform_3, window_bounds = array<i64: 64, 64>}, {pipeline_mode = #tpu.pipeline_mode<synchronous>, transform_indices = @transform_4, window_bounds = array<i64: 64, 64>}, {pipeline_mode = #tpu.pipeline_mode<synchronous>, transform_indices = @transform_5, window_bounds = array<i64: 1, 64>}, {pipeline_mode = #tpu.pipeline_mode<synchronous>, transform_indices = @transform_6, window_bounds = array<i64: 1, 64>}, {pipeline_mode = #tpu.pipeline_mode<synchronous>, transform_indices = @transform_7, window_bounds = array<i64: 1, 64>}, {pipeline_mode = #tpu.pipeline_mode<synchronous>, transform_indices = @transform_8, window_bounds = array<i64: 1, 64>}, {transform_indices = @transform_9, window_bounds = array<i64: 1000, 128>}, {transform_indices = @transform_10, window_bounds = array<i64: 1000, 128>}]} {
    %get3A = arith.constant 0 : index
    %get3A_0 = arith.constant 0 : index
    %get3A_1 = vector.load %arg1[%get3A, %get3A_0] : memref<1000x128xf32, #tpu.memory_space<vmem>>, vector<1000x128xf32>
    %convert_element_type3A = arith.truncf %get3A_1 : vector<1000x128xf32> to vector<1000x128xbf16>
    %get3A_2 = arith.constant 0 : index
    %get3A_3 = arith.constant 0 : index
    %get3A_4 = vector.load %arg2[%get3A_2, %get3A_3] : memref<128x64xbf16, #tpu.memory_space<vmem>>, vector<128x64xbf16>
    %dot_general3A = arith.constant dense<0.000000e+00> : vector<1000x64xf32>
    %dot_general3A_5 = tpu.matmul %convert_element_type3A, %get3A_4, %dot_general3A {dimension_numbers = #tpu.dot_dimension_numbers<[1], [0], [0], [1], [0, 0, 1, 1], [], []>, transpose_lhs_hint = false} : vector<1000x128xbf16>, vector<128x64xbf16>, vector<1000x64xf32> -> vector<1000x64xf32>
    %get3A_6 = arith.constant 0 : index
    %get3A_7 = arith.constant 0 : index
    %get3A_8 = vector.load %arg6[%get3A_6, %get3A_7] : memref<1x64xf32, #tpu.memory_space<vmem>>, vector<1x64xf32>
    %add3A = vector.broadcast %get3A_8 : vector<1x64xf32> to vector<1000x64xf32>
    %add3A_9 = arith.addf %dot_general3A_5, %add3A : vector<1000x64xf32>
    %max3A = arith.constant 0.000000e+00 : f32
    %max3A_10 = vector.broadcast %max3A : f32 to vector<1000x64xf32>
    %max3A_11 = arith.maximumf %add3A_9, %max3A_10 : vector<1000x64xf32>
    %convert_element_type3A_12 = arith.truncf %max3A_11 : vector<1000x64xf32> to vector<1000x64xbf16>
    %get3A_13 = arith.constant 0 : index
    %get3A_14 = arith.constant 0 : index
    %get3A_15 = vector.load %arg3[%get3A_13, %get3A_14] : memref<64x64xbf16, #tpu.memory_space<vmem>>, vector<64x64xbf16>
    %dot_general3A_16 = arith.constant dense<0.000000e+00> : vector<1000x64xf32>
    %dot_general3A_17 = tpu.matmul %convert_element_type3A_12, %get3A_15, %dot_general3A_16 {dimension_numbers = #tpu.dot_dimension_numbers<[1], [0], [0], [1], [0, 0, 1, 1], [], []>, transpose_lhs_hint = false} : vector<1000x64xbf16>, vector<64x64xbf16>, vector<1000x64xf32> -> vector<1000x64xf32>
    %get3A_18 = arith.constant 0 : index
    %get3A_19 = arith.constant 0 : index
    %get3A_20 = vector.load %arg7[%get3A_18, %get3A_19] : memref<1x64xf32, #tpu.memory_space<vmem>>, vector<1x64xf32>
    %add3A_21 = vector.broadcast %get3A_20 : vector<1x64xf32> to vector<1000x64xf32>
    %add3A_22 = arith.addf %dot_general3A_17, %add3A_21 : vector<1000x64xf32>
    %max3A_23 = arith.constant 0.000000e+00 : f32
    %max3A_24 = vector.broadcast %max3A_23 : f32 to vector<1000x64xf32>
    %max3A_25 = arith.maximumf %add3A_22, %max3A_24 : vector<1000x64xf32>
    %convert_element_type3A_26 = arith.truncf %max3A_25 : vector<1000x64xf32> to vector<1000x64xbf16>
    %get3A_27 = arith.constant 0 : index
    %get3A_28 = arith.constant 0 : index
    %get3A_29 = vector.load %arg4[%get3A_27, %get3A_28] : memref<64x64xbf16, #tpu.memory_space<vmem>>, vector<64x64xbf16>
    %dot_general3A_30 = arith.constant dense<0.000000e+00> : vector<1000x64xf32>
    %dot_general3A_31 = tpu.matmul %convert_element_type3A_26, %get3A_29, %dot_general3A_30 {dimension_numbers = #tpu.dot_dimension_numbers<[1], [0], [0], [1], [0, 0, 1, 1], [], []>, transpose_lhs_hint = false} : vector<1000x64xbf16>, vector<64x64xbf16>, vector<1000x64xf32> -> vector<1000x64xf32>
    %get3A_32 = arith.constant 0 : index
    %get3A_33 = arith.constant 0 : index
    %get3A_34 = vector.load %arg8[%get3A_32, %get3A_33] : memref<1x64xf32, #tpu.memory_space<vmem>>, vector<1x64xf32>
    %add3A_35 = vector.broadcast %get3A_34 : vector<1x64xf32> to vector<1000x64xf32>
    %add3A_36 = arith.addf %dot_general3A_31, %add3A_35 : vector<1000x64xf32>
    %max3A_37 = arith.constant 0.000000e+00 : f32
    %max3A_38 = vector.broadcast %max3A_37 : f32 to vector<1000x64xf32>
    %max3A_39 = arith.maximumf %add3A_36, %max3A_38 : vector<1000x64xf32>
    %convert_element_type3A_40 = arith.truncf %max3A_39 : vector<1000x64xf32> to vector<1000x64xbf16>
    %get3A_41 = arith.constant 0 : index
    %get3A_42 = arith.constant 0 : index
    %get3A_43 = vector.load %arg5[%get3A_41, %get3A_42] : memref<64x64xbf16, #tpu.memory_space<vmem>>, vector<64x64xbf16>
    %dot_general3A_44 = arith.constant dense<0.000000e+00> : vector<1000x64xf32>
    %dot_general3A_45 = tpu.matmul %convert_element_type3A_40, %get3A_43, %dot_general3A_44 {dimension_numbers = #tpu.dot_dimension_numbers<[1], [0], [0], [1], [0, 0, 1, 1], [], []>, transpose_lhs_hint = false} : vector<1000x64xbf16>, vector<64x64xbf16>, vector<1000x64xf32> -> vector<1000x64xf32>
    %get3A_46 = arith.constant 0 : index
    %get3A_47 = arith.constant 0 : index
    %get3A_48 = vector.load %arg9[%get3A_46, %get3A_47] : memref<1x64xf32, #tpu.memory_space<vmem>>, vector<1x64xf32>
    %add3A_49 = vector.broadcast %get3A_48 : vector<1x64xf32> to vector<1000x64xf32>
    %add3A_50 = arith.addf %dot_general3A_45, %add3A_49 : vector<1000x64xf32>
    %max3A_51 = arith.constant 0.000000e+00 : f32
    %max3A_52 = vector.broadcast %max3A_51 : f32 to vector<1000x64xf32>
    %max3A_53 = arith.maximumf %add3A_50, %max3A_52 : vector<1000x64xf32>
    %broadcast_in_dim3A = arith.constant 0.000000e+00 : f32
    %broadcast_in_dim3A_54 = vector.broadcast %broadcast_in_dim3A : f32 to vector<1000x64xf32>
    %concatenate3A = tpu.concatenate %max3A_53, %broadcast_in_dim3A_54 in 1 : vector<1000x64xf32>, vector<1000x64xf32> -> vector<1000x128xf32>
    %swap3A = arith.constant 0 : index
    %swap3A_55 = arith.constant 0 : index
    %swap3A_56 = vector.load %arg10[%swap3A, %swap3A_55] : memref<1000x128xf32, #tpu.memory_space<vmem>>, vector<1000x128xf32>
    tpu.vector_store %arg10[%swap3A, %swap3A_55], %concatenate3A {strides = array<i32>} : memref<1000x128xf32, #tpu.memory_space<vmem>>, vector<1000x128xf32>,
    %convert_element_type3A_57 = arith.truncf %max3A_53 : vector<1000x64xf32> to vector<1000x64xbf16>
    %convert_element_type3A_58 = arith.extf %convert_element_type3A_57 : vector<1000x64xbf16> to vector<1000x64xf32>
    %concatenate3A_59 = tpu.concatenate %convert_element_type3A_58, %broadcast_in_dim3A_54 in 1 : vector<1000x64xf32>, vector<1000x64xf32> -> vector<1000x128xf32>
    %swap3A_60 = arith.constant 0 : index
    %swap3A_61 = arith.constant 0 : index
    %swap3A_62 = vector.load %arg11[%swap3A_60, %swap3A_61] : memref<1000x128xf32, #tpu.memory_space<vmem>>, vector<1000x128xf32>
    tpu.vector_store %arg11[%swap3A_60, %swap3A_61], %concatenate3A_59 {strides = array<i32>} : memref<1000x128xf32, #tpu.memory_space<vmem>>, vector<1000x128xf32>,
    return
  }
  func.func @transform_0(%arg0: i32) -> (i32, i32) {
    %c0_i32 = arith.constant 0 : i32
    %c0_i32_0 = arith.constant 0 : i32
    return %arg0, %c0_i32 : i32, i32
  }
  func.func @transform_1(%arg0: i32) -> (i32, i32) {
    %c0_i32 = arith.constant 0 : i32
    %c0_i32_0 = arith.constant 0 : i32
    %c0_i32_1 = arith.constant 0 : i32
    return %c0_i32, %c0_i32_0 : i32, i32
  }
  func.func @transform_2(%arg0: i32) -> (i32, i32) {
    %c0_i32 = arith.constant 0 : i32
    %c0_i32_0 = arith.constant 0 : i32
    %c0_i32_1 = arith.constant 0 : i32
    return %c0_i32, %c0_i32_0 : i32, i32
  }
  func.func @transform_3(%arg0: i32) -> (i32, i32) {
    %c0_i32 = arith.constant 0 : i32
    %c0_i32_0 = arith.constant 0 : i32
    %c0_i32_1 = arith.constant 0 : i32
    return %c0_i32, %c0_i32_0 : i32, i32
  }
  func.func @transform_4(%arg0: i32) -> (i32, i32) {
    %c0_i32 = arith.constant 0 : i32
    %c0_i32_0 = arith.constant 0 : i32
    %c0_i32_1 = arith.constant 0 : i32
    return %c0_i32, %c0_i32_0 : i32, i32
  }
  func.func @transform_5(%arg0: i32) -> (i32, i32) {
    %c0_i32 = arith.constant 0 : i32
    %c0_i32_0 = arith.constant 0 : i32
    %c0_i32_1 = arith.constant 0 : i32
    return %c0_i32, %c0_i32_0 : i32, i32
  }
  func.func @transform_6(%arg0: i32) -> (i32, i32) {
    %c0_i32 = arith.constant 0 : i32
    %c0_i32_0 = arith.constant 0 : i32
    %c0_i32_1 = arith.constant 0 : i32
    return %c0_i32, %c0_i32_0 : i32, i32
  }
  func.func @transform_7(%arg0: i32) -> (i32, i32) {
    %c0_i32 = arith.constant 0 : i32
    %c0_i32_0 = arith.constant 0 : i32
    %c0_i32_1 = arith.constant 0 : i32
    return %c0_i32, %c0_i32_0 : i32, i32
  }
  func.func @transform_8(%arg0: i32) -> (i32, i32) {
    %c0_i32 = arith.constant 0 : i32
    %c0_i32_0 = arith.constant 0 : i32
    %c0_i32_1 = arith.constant 0 : i32
    return %c0_i32, %c0_i32_0 : i32, i32
  }
  func.func @transform_9(%arg0: i32) -> (i32, i32) {
    %c0_i32 = arith.constant 0 : i32
    %c0_i32_0 = arith.constant 0 : i32
    return %arg0, %c0_i32 : i32, i32
  }
  func.func @transform_10(%arg0: i32) -> (i32, i32) {
    %c0_i32 = arith.constant 0 : i32
    %c0_i32_0 = arith.constant 0 : i32
    return %arg0, %c0_i32 : i32, i32
  }
}

module attributes {stable_mosaic.version = 14 : i64} {
  func.func @_edgeg_body(%arg0: i32, %arg1: memref<2000x128xf32, #tpu.memory_space<vmem>>, %arg2: memref<128x128xbf16, #tpu.memory_space<vmem>>, %arg3: memref<128x128xbf16, #tpu.memory_space<vmem>>, %arg4: memref<128x128xbf16, #tpu.memory_space<vmem>>, %arg5: memref<1x128xf32, #tpu.memory_space<vmem>>, %arg6: memref<1x128xf32, #tpu.memory_space<vmem>>, %arg7: memref<1x128xf32, #tpu.memory_space<vmem>>, %arg8: memref<2000x128xbf16, #tpu.memory_space<vmem>>) attributes {dimension_semantics = [#tpu.dimension_semantics<arbitrary>], iteration_bounds = array<i64: 80>, scalar_prefetch = 0 : i64, scratch_operands = 0 : i64, tpu.core_type = #tpu.core_type<tc>, window_params = [{transform_indices = @transform_0, window_bounds = array<i64: 2000, 128>}, {pipeline_mode = #tpu.pipeline_mode<synchronous>, transform_indices = @transform_1, window_bounds = array<i64: 128, 128>}, {pipeline_mode = #tpu.pipeline_mode<synchronous>, transform_indices = @transform_2, window_bounds = array<i64: 128, 128>}, {pipeline_mode = #tpu.pipeline_mode<synchronous>, transform_indices = @transform_3, window_bounds = array<i64: 128, 128>}, {pipeline_mode = #tpu.pipeline_mode<synchronous>, transform_indices = @transform_4, window_bounds = array<i64: 1, 128>}, {pipeline_mode = #tpu.pipeline_mode<synchronous>, transform_indices = @transform_5, window_bounds = array<i64: 1, 128>}, {pipeline_mode = #tpu.pipeline_mode<synchronous>, transform_indices = @transform_6, window_bounds = array<i64: 1, 128>}, {transform_indices = @transform_7, window_bounds = array<i64: 2000, 128>}]} {
    %get3A = arith.constant 0 : index
    %get3A_0 = arith.constant 0 : index
    %get3A_1 = vector.load %arg1[%get3A, %get3A_0] : memref<2000x128xf32, #tpu.memory_space<vmem>>, vector<2000x128xf32>
    %convert_element_type3A = arith.truncf %get3A_1 : vector<2000x128xf32> to vector<2000x128xbf16>
    %get3A_2 = arith.constant 0 : index
    %get3A_3 = arith.constant 0 : index
    %get3A_4 = vector.load %arg2[%get3A_2, %get3A_3] : memref<128x128xbf16, #tpu.memory_space<vmem>>, vector<128x128xbf16>
    %dot_general3A = arith.constant dense<0.000000e+00> : vector<2000x128xf32>
    %dot_general3A_5 = tpu.matmul %convert_element_type3A, %get3A_4, %dot_general3A {dimension_numbers = #tpu.dot_dimension_numbers<[1], [0], [0], [1], [0, 0, 1, 1], [], []>, transpose_lhs_hint = false} : vector<2000x128xbf16>, vector<128x128xbf16>, vector<2000x128xf32> -> vector<2000x128xf32>
    %get3A_6 = arith.constant 0 : index
    %get3A_7 = arith.constant 0 : index
    %get3A_8 = vector.load %arg5[%get3A_6, %get3A_7] : memref<1x128xf32, #tpu.memory_space<vmem>>, vector<1x128xf32>
    %add3A = vector.broadcast %get3A_8 : vector<1x128xf32> to vector<2000x128xf32>
    %add3A_9 = arith.addf %dot_general3A_5, %add3A : vector<2000x128xf32>
    %max3A = arith.constant 0.000000e+00 : f32
    %max3A_10 = vector.broadcast %max3A : f32 to vector<2000x128xf32>
    %max3A_11 = arith.maximumf %add3A_9, %max3A_10 : vector<2000x128xf32>
    %convert_element_type3A_12 = arith.truncf %max3A_11 : vector<2000x128xf32> to vector<2000x128xbf16>
    %get3A_13 = arith.constant 0 : index
    %get3A_14 = arith.constant 0 : index
    %get3A_15 = vector.load %arg3[%get3A_13, %get3A_14] : memref<128x128xbf16, #tpu.memory_space<vmem>>, vector<128x128xbf16>
    %dot_general3A_16 = arith.constant dense<0.000000e+00> : vector<2000x128xf32>
    %dot_general3A_17 = tpu.matmul %convert_element_type3A_12, %get3A_15, %dot_general3A_16 {dimension_numbers = #tpu.dot_dimension_numbers<[1], [0], [0], [1], [0, 0, 1, 1], [], []>, transpose_lhs_hint = false} : vector<2000x128xbf16>, vector<128x128xbf16>, vector<2000x128xf32> -> vector<2000x128xf32>
    %get3A_18 = arith.constant 0 : index
    %get3A_19 = arith.constant 0 : index
    %get3A_20 = vector.load %arg6[%get3A_18, %get3A_19] : memref<1x128xf32, #tpu.memory_space<vmem>>, vector<1x128xf32>
    %add3A_21 = vector.broadcast %get3A_20 : vector<1x128xf32> to vector<2000x128xf32>
    %add3A_22 = arith.addf %dot_general3A_17, %add3A_21 : vector<2000x128xf32>
    %max3A_23 = arith.constant 0.000000e+00 : f32
    %max3A_24 = vector.broadcast %max3A_23 : f32 to vector<2000x128xf32>
    %max3A_25 = arith.maximumf %add3A_22, %max3A_24 : vector<2000x128xf32>
    %convert_element_type3A_26 = arith.truncf %max3A_25 : vector<2000x128xf32> to vector<2000x128xbf16>
    %get3A_27 = arith.constant 0 : index
    %get3A_28 = arith.constant 0 : index
    %get3A_29 = vector.load %arg4[%get3A_27, %get3A_28] : memref<128x128xbf16, #tpu.memory_space<vmem>>, vector<128x128xbf16>
    %dot_general3A_30 = arith.constant dense<0.000000e+00> : vector<2000x128xf32>
    %dot_general3A_31 = tpu.matmul %convert_element_type3A_26, %get3A_29, %dot_general3A_30 {dimension_numbers = #tpu.dot_dimension_numbers<[1], [0], [0], [1], [0, 0, 1, 1], [], []>, transpose_lhs_hint = false} : vector<2000x128xbf16>, vector<128x128xbf16>, vector<2000x128xf32> -> vector<2000x128xf32>
    %get3A_32 = arith.constant 0 : index
    %get3A_33 = arith.constant 0 : index
    %get3A_34 = vector.load %arg7[%get3A_32, %get3A_33] : memref<1x128xf32, #tpu.memory_space<vmem>>, vector<1x128xf32>
    %add3A_35 = vector.broadcast %get3A_34 : vector<1x128xf32> to vector<2000x128xf32>
    %add3A_36 = arith.addf %dot_general3A_31, %add3A_35 : vector<2000x128xf32>
    %max3A_37 = arith.constant 0.000000e+00 : f32
    %max3A_38 = vector.broadcast %max3A_37 : f32 to vector<2000x128xf32>
    %max3A_39 = arith.maximumf %add3A_36, %max3A_38 : vector<2000x128xf32>
    %convert_element_type3A_40 = arith.truncf %max3A_39 : vector<2000x128xf32> to vector<2000x128xbf16>
    %swap3A = arith.constant 0 : index
    %swap3A_41 = arith.constant 0 : index
    %swap3A_42 = vector.load %arg8[%swap3A, %swap3A_41] : memref<2000x128xbf16, #tpu.memory_space<vmem>>, vector<2000x128xbf16>
    tpu.vector_store %arg8[%swap3A, %swap3A_41], %convert_element_type3A_40 {strides = array<i32>} : memref<2000x128xbf16, #tpu.memory_space<vmem>>, vector<2000x128xbf16>,
    return
  }
  func.func @transform_0(%arg0: i32) -> (i32, i32) {
    %c0_i32 = arith.constant 0 : i32
    %c0_i32_0 = arith.constant 0 : i32
    return %arg0, %c0_i32 : i32, i32
  }
  func.func @transform_1(%arg0: i32) -> (i32, i32) {
    %c0_i32 = arith.constant 0 : i32
    %c0_i32_0 = arith.constant 0 : i32
    %c0_i32_1 = arith.constant 0 : i32
    return %c0_i32, %c0_i32_0 : i32, i32
  }
  func.func @transform_2(%arg0: i32) -> (i32, i32) {
    %c0_i32 = arith.constant 0 : i32
    %c0_i32_0 = arith.constant 0 : i32
    %c0_i32_1 = arith.constant 0 : i32
    return %c0_i32, %c0_i32_0 : i32, i32
  }
  func.func @transform_3(%arg0: i32) -> (i32, i32) {
    %c0_i32 = arith.constant 0 : i32
    %c0_i32_0 = arith.constant 0 : i32
    %c0_i32_1 = arith.constant 0 : i32
    return %c0_i32, %c0_i32_0 : i32, i32
  }
  func.func @transform_4(%arg0: i32) -> (i32, i32) {
    %c0_i32 = arith.constant 0 : i32
    %c0_i32_0 = arith.constant 0 : i32
    %c0_i32_1 = arith.constant 0 : i32
    return %c0_i32, %c0_i32_0 : i32, i32
  }
  func.func @transform_5(%arg0: i32) -> (i32, i32) {
    %c0_i32 = arith.constant 0 : i32
    %c0_i32_0 = arith.constant 0 : i32
    %c0_i32_1 = arith.constant 0 : i32
    return %c0_i32, %c0_i32_0 : i32, i32
  }
  func.func @transform_6(%arg0: i32) -> (i32, i32) {
    %c0_i32 = arith.constant 0 : i32
    %c0_i32_0 = arith.constant 0 : i32
    %c0_i32_1 = arith.constant 0 : i32
    return %c0_i32, %c0_i32_0 : i32, i32
  }
  func.func @transform_7(%arg0: i32) -> (i32, i32) {
    %c0_i32 = arith.constant 0 : i32
    %c0_i32_0 = arith.constant 0 : i32
    return %arg0, %c0_i32 : i32, i32
  }
}

module attributes {stable_mosaic.version = 14 : i64} {
  func.func @_msg_body(%arg0: i32, %arg1: memref<512x128xf32, #tpu.memory_space<vmem>>, %arg2: memref<512x128xbf16, #tpu.memory_space<vmem>>, %arg3: memref<128x4096xbf16, #tpu.memory_space<vmem>>, %arg4: memref<1x4096xf32, #tpu.memory_space<vmem>>, %arg5: memref<64x4096xbf16, #tpu.memory_space<vmem>>, %arg6: memref<512x128xf32, #tpu.memory_space<vmem>>) attributes {dimension_semantics = [#tpu.dimension_semantics<arbitrary>], iteration_bounds = array<i64: 320>, scalar_prefetch = 0 : i64, scratch_operands = 0 : i64, tpu.core_type = #tpu.core_type<tc>, window_params = [{transform_indices = @transform_0, window_bounds = array<i64: 512, 128>}, {transform_indices = @transform_1, window_bounds = array<i64: 512, 128>}, {pipeline_mode = #tpu.pipeline_mode<synchronous>, transform_indices = @transform_2, window_bounds = array<i64: 128, 4096>}, {pipeline_mode = #tpu.pipeline_mode<synchronous>, transform_indices = @transform_3, window_bounds = array<i64: 1, 4096>}, {pipeline_mode = #tpu.pipeline_mode<synchronous>, transform_indices = @transform_4, window_bounds = array<i64: 64, 4096>}, {transform_indices = @transform_5, window_bounds = array<i64: 512, 128>}]} {
    %get3A = arith.constant 0 : index
    %get3A_0 = arith.constant 0 : index
    %get3A_1 = vector.load %arg1[%get3A, %get3A_0] : memref<512x128xf32, #tpu.memory_space<vmem>>, vector<512x128xf32>
    %slice3A = vector.extract_strided_slice %get3A_1 {offsets = [0, 0], sizes = [512, 64], strides = [1, 1]} : vector<512x128xf32> to vector<512x64xf32>
    %get3A_2 = arith.constant 0 : index
    %get3A_3 = arith.constant 0 : index
    %get3A_4 = vector.load %arg2[%get3A_2, %get3A_3] : memref<512x128xbf16, #tpu.memory_space<vmem>>, vector<512x128xbf16>
    %get3A_5 = arith.constant 0 : index
    %get3A_6 = arith.constant 0 : index
    %get3A_7 = vector.load %arg3[%get3A_5, %get3A_6] : memref<128x4096xbf16, #tpu.memory_space<vmem>>, vector<128x4096xbf16>
    %dot_general3A = arith.constant dense<0.000000e+00> : vector<512x4096xf32>
    %dot_general3A_8 = tpu.matmul %get3A_4, %get3A_7, %dot_general3A {dimension_numbers = #tpu.dot_dimension_numbers<[1], [0], [0], [1], [0, 0, 1, 1], [], []>, transpose_lhs_hint = false} : vector<512x128xbf16>, vector<128x4096xbf16>, vector<512x4096xf32> -> vector<512x4096xf32>
    %get3A_9 = arith.constant 0 : index
    %get3A_10 = arith.constant 0 : index
    %get3A_11 = vector.load %arg4[%get3A_9, %get3A_10] : memref<1x4096xf32, #tpu.memory_space<vmem>>, vector<1x4096xf32>
    %add3A = vector.broadcast %get3A_11 : vector<1x4096xf32> to vector<512x4096xf32>
    %add3A_12 = arith.addf %dot_general3A_8, %add3A : vector<512x4096xf32>
    %convert_element_type3A = arith.truncf %add3A_12 : vector<512x4096xf32> to vector<512x4096xbf16>
    %convert_element_type3A_13 = arith.extf %convert_element_type3A : vector<512x4096xbf16> to vector<512x4096xf32>
    %convert_element_type3A_14 = arith.truncf %slice3A : vector<512x64xf32> to vector<512x64xbf16>
    %get3A_15 = arith.constant 0 : index
    %get3A_16 = arith.constant 0 : index
    %get3A_17 = vector.load %arg5[%get3A_15, %get3A_16] : memref<64x4096xbf16, #tpu.memory_space<vmem>>, vector<64x4096xbf16>
    %dot_general3A_18 = arith.constant dense<0.000000e+00> : vector<512x4096xf32>
    %dot_general3A_19 = tpu.matmul %convert_element_type3A_14, %get3A_17, %dot_general3A_18 {dimension_numbers = #tpu.dot_dimension_numbers<[1], [0], [0], [1], [0, 0, 1, 1], [], []>, transpose_lhs_hint = false} : vector<512x64xbf16>, vector<64x4096xbf16>, vector<512x4096xf32> -> vector<512x4096xf32>
    %broadcast_in_dim3A = arith.constant 0.000000e+00 : f32
    %broadcast_in_dim3A_20 = vector.broadcast %broadcast_in_dim3A : f32 to vector<512x128xf32>
    %slice3A_21 = vector.extract_strided_slice %dot_general3A_19 {offsets = [0, 0], sizes = [512, 128], strides = [1, 1]} : vector<512x4096xf32> to vector<512x128xf32>
    %slice3A_22 = vector.extract_strided_slice %convert_element_type3A_13 {offsets = [0, 0], sizes = [512, 128], strides = [1, 1]} : vector<512x4096xf32> to vector<512x128xf32>
    %mul3A = arith.mulf %slice3A_21, %slice3A_22 : vector<512x128xf32>
    %add3A_23 = arith.addf %broadcast_in_dim3A_20, %mul3A : vector<512x128xf32>
    %slice3A_24 = vector.extract_strided_slice %dot_general3A_19 {offsets = [0, 128], sizes = [512, 128], strides = [1, 1]} : vector<512x4096xf32> to vector<512x128xf32>
    %slice3A_25 = vector.extract_strided_slice %convert_element_type3A_13 {offsets = [0, 128], sizes = [512, 128], strides = [1, 1]} : vector<512x4096xf32> to vector<512x128xf32>
    %mul3A_26 = arith.mulf %slice3A_24, %slice3A_25 : vector<512x128xf32>
    %add3A_27 = arith.addf %add3A_23, %mul3A_26 : vector<512x128xf32>
    %slice3A_28 = vector.extract_strided_slice %dot_general3A_19 {offsets = [0, 256], sizes = [512, 128], strides = [1, 1]} : vector<512x4096xf32> to vector<512x128xf32>
    %slice3A_29 = vector.extract_strided_slice %convert_element_type3A_13 {offsets = [0, 256], sizes = [512, 128], strides = [1, 1]} : vector<512x4096xf32> to vector<512x128xf32>
    %mul3A_30 = arith.mulf %slice3A_28, %slice3A_29 : vector<512x128xf32>
    %add3A_31 = arith.addf %add3A_27, %mul3A_30 : vector<512x128xf32>
    %slice3A_32 = vector.extract_strided_slice %dot_general3A_19 {offsets = [0, 384], sizes = [512, 128], strides = [1, 1]} : vector<512x4096xf32> to vector<512x128xf32>
    %slice3A_33 = vector.extract_strided_slice %convert_element_type3A_13 {offsets = [0, 384], sizes = [512, 128], strides = [1, 1]} : vector<512x4096xf32> to vector<512x128xf32>
    %mul3A_34 = arith.mulf %slice3A_32, %slice3A_33 : vector<512x128xf32>
    %add3A_35 = arith.addf %add3A_31, %mul3A_34 : vector<512x128xf32>
    %slice3A_36 = vector.extract_strided_slice %dot_general3A_19 {offsets = [0, 512], sizes = [512, 128], strides = [1, 1]} : vector<512x4096xf32> to vector<512x128xf32>
    %slice3A_37 = vector.extract_strided_slice %convert_element_type3A_13 {offsets = [0, 512], sizes = [512, 128], strides = [1, 1]} : vector<512x4096xf32> to vector<512x128xf32>
    %mul3A_38 = arith.mulf %slice3A_36, %slice3A_37 : vector<512x128xf32>
    %add3A_39 = arith.addf %add3A_35, %mul3A_38 : vector<512x128xf32>
    %slice3A_40 = vector.extract_strided_slice %dot_general3A_19 {offsets = [0, 640], sizes = [512, 128], strides = [1, 1]} : vector<512x4096xf32> to vector<512x128xf32>
    %slice3A_41 = vector.extract_strided_slice %convert_element_type3A_13 {offsets = [0, 640], sizes = [512, 128], strides = [1, 1]} : vector<512x4096xf32> to vector<512x128xf32>
    %mul3A_42 = arith.mulf %slice3A_40, %slice3A_41 : vector<512x128xf32>
    %add3A_43 = arith.addf %add3A_39, %mul3A_42 : vector<512x128xf32>
    %slice3A_44 = vector.extract_strided_slice %dot_general3A_19 {offsets = [0, 768], sizes = [512, 128], strides = [1, 1]} : vector<512x4096xf32> to vector<512x128xf32>
    %slice3A_45 = vector.extract_strided_slice %convert_element_type3A_13 {offsets = [0, 768], sizes = [512, 128], strides = [1, 1]} : vector<512x4096xf32> to vector<512x128xf32>
    %mul3A_46 = arith.mulf %slice3A_44, %slice3A_45 : vector<512x128xf32>
    %add3A_47 = arith.addf %add3A_43, %mul3A_46 : vector<512x128xf32>
    %slice3A_48 = vector.extract_strided_slice %dot_general3A_19 {offsets = [0, 896], sizes = [512, 128], strides = [1, 1]} : vector<512x4096xf32> to vector<512x128xf32>
    %slice3A_49 = vector.extract_strided_slice %convert_element_type3A_13 {offsets = [0, 896], sizes = [512, 128], strides = [1, 1]} : vector<512x4096xf32> to vector<512x128xf32>
    %mul3A_50 = arith.mulf %slice3A_48, %slice3A_49 : vector<512x128xf32>
    %add3A_51 = arith.addf %add3A_47, %mul3A_50 : vector<512x128xf32>
    %slice3A_52 = vector.extract_strided_slice %dot_general3A_19 {offsets = [0, 1024], sizes = [512, 128], strides = [1, 1]} : vector<512x4096xf32> to vector<512x128xf32>
    %slice3A_53 = vector.extract_strided_slice %convert_element_type3A_13 {offsets = [0, 1024], sizes = [512, 128], strides = [1, 1]} : vector<512x4096xf32> to vector<512x128xf32>
    %mul3A_54 = arith.mulf %slice3A_52, %slice3A_53 : vector<512x128xf32>
    %add3A_55 = arith.addf %add3A_51, %mul3A_54 : vector<512x128xf32>
    %slice3A_56 = vector.extract_strided_slice %dot_general3A_19 {offsets = [0, 1152], sizes = [512, 128], strides = [1, 1]} : vector<512x4096xf32> to vector<512x128xf32>
    %slice3A_57 = vector.extract_strided_slice %convert_element_type3A_13 {offsets = [0, 1152], sizes = [512, 128], strides = [1, 1]} : vector<512x4096xf32> to vector<512x128xf32>
    %mul3A_58 = arith.mulf %slice3A_56, %slice3A_57 : vector<512x128xf32>
    %add3A_59 = arith.addf %add3A_55, %mul3A_58 : vector<512x128xf32>
    %slice3A_60 = vector.extract_strided_slice %dot_general3A_19 {offsets = [0, 1280], sizes = [512, 128], strides = [1, 1]} : vector<512x4096xf32> to vector<512x128xf32>
    %slice3A_61 = vector.extract_strided_slice %convert_element_type3A_13 {offsets = [0, 1280], sizes = [512, 128], strides = [1, 1]} : vector<512x4096xf32> to vector<512x128xf32>
    %mul3A_62 = arith.mulf %slice3A_60, %slice3A_61 : vector<512x128xf32>
    %add3A_63 = arith.addf %add3A_59, %mul3A_62 : vector<512x128xf32>
    %slice3A_64 = vector.extract_strided_slice %dot_general3A_19 {offsets = [0, 1408], sizes = [512, 128], strides = [1, 1]} : vector<512x4096xf32> to vector<512x128xf32>
    %slice3A_65 = vector.extract_strided_slice %convert_element_type3A_13 {offsets = [0, 1408], sizes = [512, 128], strides = [1, 1]} : vector<512x4096xf32> to vector<512x128xf32>
    %mul3A_66 = arith.mulf %slice3A_64, %slice3A_65 : vector<512x128xf32>
    %add3A_67 = arith.addf %add3A_63, %mul3A_66 : vector<512x128xf32>
    %slice3A_68 = vector.extract_strided_slice %dot_general3A_19 {offsets = [0, 1536], sizes = [512, 128], strides = [1, 1]} : vector<512x4096xf32> to vector<512x128xf32>
    %slice3A_69 = vector.extract_strided_slice %convert_element_type3A_13 {offsets = [0, 1536], sizes = [512, 128], strides = [1, 1]} : vector<512x4096xf32> to vector<512x128xf32>
    %mul3A_70 = arith.mulf %slice3A_68, %slice3A_69 : vector<512x128xf32>
    %add3A_71 = arith.addf %add3A_67, %mul3A_70 : vector<512x128xf32>
    %slice3A_72 = vector.extract_strided_slice %dot_general3A_19 {offsets = [0, 1664], sizes = [512, 128], strides = [1, 1]} : vector<512x4096xf32> to vector<512x128xf32>
    %slice3A_73 = vector.extract_strided_slice %convert_element_type3A_13 {offsets = [0, 1664], sizes = [512, 128], strides = [1, 1]} : vector<512x4096xf32> to vector<512x128xf32>
    %mul3A_74 = arith.mulf %slice3A_72, %slice3A_73 : vector<512x128xf32>
    %add3A_75 = arith.addf %add3A_71, %mul3A_74 : vector<512x128xf32>
    %slice3A_76 = vector.extract_strided_slice %dot_general3A_19 {offsets = [0, 1792], sizes = [512, 128], strides = [1, 1]} : vector<512x4096xf32> to vector<512x128xf32>
    %slice3A_77 = vector.extract_strided_slice %convert_element_type3A_13 {offsets = [0, 1792], sizes = [512, 128], strides = [1, 1]} : vector<512x4096xf32> to vector<512x128xf32>
    %mul3A_78 = arith.mulf %slice3A_76, %slice3A_77 : vector<512x128xf32>
    %add3A_79 = arith.addf %add3A_75, %mul3A_78 : vector<512x128xf32>
    %slice3A_80 = vector.extract_strided_slice %dot_general3A_19 {offsets = [0, 1920], sizes = [512, 128], strides = [1, 1]} : vector<512x4096xf32> to vector<512x128xf32>
    %slice3A_81 = vector.extract_strided_slice %convert_element_type3A_13 {offsets = [0, 1920], sizes = [512, 128], strides = [1, 1]} : vector<512x4096xf32> to vector<512x128xf32>
    %mul3A_82 = arith.mulf %slice3A_80, %slice3A_81 : vector<512x128xf32>
    %add3A_83 = arith.addf %add3A_79, %mul3A_82 : vector<512x128xf32>
    %slice3A_84 = vector.extract_strided_slice %dot_general3A_19 {offsets = [0, 2048], sizes = [512, 128], strides = [1, 1]} : vector<512x4096xf32> to vector<512x128xf32>
    %slice3A_85 = vector.extract_strided_slice %convert_element_type3A_13 {offsets = [0, 2048], sizes = [512, 128], strides = [1, 1]} : vector<512x4096xf32> to vector<512x128xf32>
    %mul3A_86 = arith.mulf %slice3A_84, %slice3A_85 : vector<512x128xf32>
    %add3A_87 = arith.addf %add3A_83, %mul3A_86 : vector<512x128xf32>
    %slice3A_88 = vector.extract_strided_slice %dot_general3A_19 {offsets = [0, 2176], sizes = [512, 128], strides = [1, 1]} : vector<512x4096xf32> to vector<512x128xf32>
    %slice3A_89 = vector.extract_strided_slice %convert_element_type3A_13 {offsets = [0, 2176], sizes = [512, 128], strides = [1, 1]} : vector<512x4096xf32> to vector<512x128xf32>
    %mul3A_90 = arith.mulf %slice3A_88, %slice3A_89 : vector<512x128xf32>
    %add3A_91 = arith.addf %add3A_87, %mul3A_90 : vector<512x128xf32>
    %slice3A_92 = vector.extract_strided_slice %dot_general3A_19 {offsets = [0, 2304], sizes = [512, 128], strides = [1, 1]} : vector<512x4096xf32> to vector<512x128xf32>
    %slice3A_93 = vector.extract_strided_slice %convert_element_type3A_13 {offsets = [0, 2304], sizes = [512, 128], strides = [1, 1]} : vector<512x4096xf32> to vector<512x128xf32>
    %mul3A_94 = arith.mulf %slice3A_92, %slice3A_93 : vector<512x128xf32>
    %add3A_95 = arith.addf %add3A_91, %mul3A_94 : vector<512x128xf32>
    %slice3A_96 = vector.extract_strided_slice %dot_general3A_19 {offsets = [0, 2432], sizes = [512, 128], strides = [1, 1]} : vector<512x4096xf32> to vector<512x128xf32>
    %slice3A_97 = vector.extract_strided_slice %convert_element_type3A_13 {offsets = [0, 2432], sizes = [512, 128], strides = [1, 1]} : vector<512x4096xf32> to vector<512x128xf32>
    %mul3A_98 = arith.mulf %slice3A_96, %slice3A_97 : vector<512x128xf32>
    %add3A_99 = arith.addf %add3A_95, %mul3A_98 : vector<512x128xf32>
    %slice3A_100 = vector.extract_strided_slice %dot_general3A_19 {offsets = [0, 2560], sizes = [512, 128], strides = [1, 1]} : vector<512x4096xf32> to vector<512x128xf32>
    %slice3A_101 = vector.extract_strided_slice %convert_element_type3A_13 {offsets = [0, 2560], sizes = [512, 128], strides = [1, 1]} : vector<512x4096xf32> to vector<512x128xf32>
    %mul3A_102 = arith.mulf %slice3A_100, %slice3A_101 : vector<512x128xf32>
    %add3A_103 = arith.addf %add3A_99, %mul3A_102 : vector<512x128xf32>
    %slice3A_104 = vector.extract_strided_slice %dot_general3A_19 {offsets = [0, 2688], sizes = [512, 128], strides = [1, 1]} : vector<512x4096xf32> to vector<512x128xf32>
    %slice3A_105 = vector.extract_strided_slice %convert_element_type3A_13 {offsets = [0, 2688], sizes = [512, 128], strides = [1, 1]} : vector<512x4096xf32> to vector<512x128xf32>
    %mul3A_106 = arith.mulf %slice3A_104, %slice3A_105 : vector<512x128xf32>
    %add3A_107 = arith.addf %add3A_103, %mul3A_106 : vector<512x128xf32>
    %slice3A_108 = vector.extract_strided_slice %dot_general3A_19 {offsets = [0, 2816], sizes = [512, 128], strides = [1, 1]} : vector<512x4096xf32> to vector<512x128xf32>
    %slice3A_109 = vector.extract_strided_slice %convert_element_type3A_13 {offsets = [0, 2816], sizes = [512, 128], strides = [1, 1]} : vector<512x4096xf32> to vector<512x128xf32>
    %mul3A_110 = arith.mulf %slice3A_108, %slice3A_109 : vector<512x128xf32>
    %add3A_111 = arith.addf %add3A_107, %mul3A_110 : vector<512x128xf32>
    %slice3A_112 = vector.extract_strided_slice %dot_general3A_19 {offsets = [0, 2944], sizes = [512, 128], strides = [1, 1]} : vector<512x4096xf32> to vector<512x128xf32>
    %slice3A_113 = vector.extract_strided_slice %convert_element_type3A_13 {offsets = [0, 2944], sizes = [512, 128], strides = [1, 1]} : vector<512x4096xf32> to vector<512x128xf32>
    %mul3A_114 = arith.mulf %slice3A_112, %slice3A_113 : vector<512x128xf32>
    %add3A_115 = arith.addf %add3A_111, %mul3A_114 : vector<512x128xf32>
    %slice3A_116 = vector.extract_strided_slice %dot_general3A_19 {offsets = [0, 3072], sizes = [512, 128], strides = [1, 1]} : vector<512x4096xf32> to vector<512x128xf32>
    %slice3A_117 = vector.extract_strided_slice %convert_element_type3A_13 {offsets = [0, 3072], sizes = [512, 128], strides = [1, 1]} : vector<512x4096xf32> to vector<512x128xf32>
    %mul3A_118 = arith.mulf %slice3A_116, %slice3A_117 : vector<512x128xf32>
    %add3A_119 = arith.addf %add3A_115, %mul3A_118 : vector<512x128xf32>
    %slice3A_120 = vector.extract_strided_slice %dot_general3A_19 {offsets = [0, 3200], sizes = [512, 128], strides = [1, 1]} : vector<512x4096xf32> to vector<512x128xf32>
    %slice3A_121 = vector.extract_strided_slice %convert_element_type3A_13 {offsets = [0, 3200], sizes = [512, 128], strides = [1, 1]} : vector<512x4096xf32> to vector<512x128xf32>
    %mul3A_122 = arith.mulf %slice3A_120, %slice3A_121 : vector<512x128xf32>
    %add3A_123 = arith.addf %add3A_119, %mul3A_122 : vector<512x128xf32>
    %slice3A_124 = vector.extract_strided_slice %dot_general3A_19 {offsets = [0, 3328], sizes = [512, 128], strides = [1, 1]} : vector<512x4096xf32> to vector<512x128xf32>
    %slice3A_125 = vector.extract_strided_slice %convert_element_type3A_13 {offsets = [0, 3328], sizes = [512, 128], strides = [1, 1]} : vector<512x4096xf32> to vector<512x128xf32>
    %mul3A_126 = arith.mulf %slice3A_124, %slice3A_125 : vector<512x128xf32>
    %add3A_127 = arith.addf %add3A_123, %mul3A_126 : vector<512x128xf32>
    %slice3A_128 = vector.extract_strided_slice %dot_general3A_19 {offsets = [0, 3456], sizes = [512, 128], strides = [1, 1]} : vector<512x4096xf32> to vector<512x128xf32>
    %slice3A_129 = vector.extract_strided_slice %convert_element_type3A_13 {offsets = [0, 3456], sizes = [512, 128], strides = [1, 1]} : vector<512x4096xf32> to vector<512x128xf32>
    %mul3A_130 = arith.mulf %slice3A_128, %slice3A_129 : vector<512x128xf32>
    %add3A_131 = arith.addf %add3A_127, %mul3A_130 : vector<512x128xf32>
    %slice3A_132 = vector.extract_strided_slice %dot_general3A_19 {offsets = [0, 3584], sizes = [512, 128], strides = [1, 1]} : vector<512x4096xf32> to vector<512x128xf32>
    %slice3A_133 = vector.extract_strided_slice %convert_element_type3A_13 {offsets = [0, 3584], sizes = [512, 128], strides = [1, 1]} : vector<512x4096xf32> to vector<512x128xf32>
    %mul3A_134 = arith.mulf %slice3A_132, %slice3A_133 : vector<512x128xf32>
    %add3A_135 = arith.addf %add3A_131, %mul3A_134 : vector<512x128xf32>
    %slice3A_136 = vector.extract_strided_slice %dot_general3A_19 {offsets = [0, 3712], sizes = [512, 128], strides = [1, 1]} : vector<512x4096xf32> to vector<512x128xf32>
    %slice3A_137 = vector.extract_strided_slice %convert_element_type3A_13 {offsets = [0, 3712], sizes = [512, 128], strides = [1, 1]} : vector<512x4096xf32> to vector<512x128xf32>
    %mul3A_138 = arith.mulf %slice3A_136, %slice3A_137 : vector<512x128xf32>
    %add3A_139 = arith.addf %add3A_135, %mul3A_138 : vector<512x128xf32>
    %slice3A_140 = vector.extract_strided_slice %dot_general3A_19 {offsets = [0, 3840], sizes = [512, 128], strides = [1, 1]} : vector<512x4096xf32> to vector<512x128xf32>
    %slice3A_141 = vector.extract_strided_slice %convert_element_type3A_13 {offsets = [0, 3840], sizes = [512, 128], strides = [1, 1]} : vector<512x4096xf32> to vector<512x128xf32>
    %mul3A_142 = arith.mulf %slice3A_140, %slice3A_141 : vector<512x128xf32>
    %add3A_143 = arith.addf %add3A_139, %mul3A_142 : vector<512x128xf32>
    %slice3A_144 = vector.extract_strided_slice %dot_general3A_19 {offsets = [0, 3968], sizes = [512, 128], strides = [1, 1]} : vector<512x4096xf32> to vector<512x128xf32>
    %slice3A_145 = vector.extract_strided_slice %convert_element_type3A_13 {offsets = [0, 3968], sizes = [512, 128], strides = [1, 1]} : vector<512x4096xf32> to vector<512x128xf32>
    %mul3A_146 = arith.mulf %slice3A_144, %slice3A_145 : vector<512x128xf32>
    %add3A_147 = arith.addf %add3A_143, %mul3A_146 : vector<512x128xf32>
    %slice3A_148 = vector.extract_strided_slice %add3A_147 {offsets = [0, 0], sizes = [512, 64], strides = [1, 1]} : vector<512x128xf32> to vector<512x64xf32>
    %slice3A_149 = vector.extract_strided_slice %add3A_147 {offsets = [0, 64], sizes = [512, 64], strides = [1, 1]} : vector<512x128xf32> to vector<512x64xf32>
    %add3A_150 = arith.addf %slice3A_148, %slice3A_149 : vector<512x64xf32>
    %broadcast_in_dim3A_151 = arith.constant 0.000000e+00 : f32
    %broadcast_in_dim3A_152 = vector.broadcast %broadcast_in_dim3A_151 : f32 to vector<512x64xf32>
    %concatenate3A = tpu.concatenate %add3A_150, %broadcast_in_dim3A_152 in 1 : vector<512x64xf32>, vector<512x64xf32> -> vector<512x128xf32>
    %swap3A = arith.constant 0 : index
    %swap3A_153 = arith.constant 0 : index
    %swap3A_154 = vector.load %arg6[%swap3A, %swap3A_153] : memref<512x128xf32, #tpu.memory_space<vmem>>, vector<512x128xf32>
    tpu.vector_store %arg6[%swap3A, %swap3A_153], %concatenate3A {strides = array<i32>} : memref<512x128xf32, #tpu.memory_space<vmem>>, vector<512x128xf32>,
    return
  }
  func.func @transform_0(%arg0: i32) -> (i32, i32) {
    %c0_i32 = arith.constant 0 : i32
    %c0_i32_0 = arith.constant 0 : i32
    return %arg0, %c0_i32 : i32, i32
  }
  func.func @transform_1(%arg0: i32) -> (i32, i32) {
    %c0_i32 = arith.constant 0 : i32
    %c0_i32_0 = arith.constant 0 : i32
    return %arg0, %c0_i32 : i32, i32
  }
  func.func @transform_2(%arg0: i32) -> (i32, i32) {
    %c0_i32 = arith.constant 0 : i32
    %c0_i32_0 = arith.constant 0 : i32
    %c0_i32_1 = arith.constant 0 : i32
    return %c0_i32, %c0_i32_0 : i32, i32
  }
  func.func @transform_3(%arg0: i32) -> (i32, i32) {
    %c0_i32 = arith.constant 0 : i32
    %c0_i32_0 = arith.constant 0 : i32
    %c0_i32_1 = arith.constant 0 : i32
    return %c0_i32, %c0_i32_0 : i32, i32
  }
  func.func @transform_4(%arg0: i32) -> (i32, i32) {
    %c0_i32 = arith.constant 0 : i32
    %c0_i32_0 = arith.constant 0 : i32
    %c0_i32_1 = arith.constant 0 : i32
    return %c0_i32, %c0_i32_0 : i32, i32
  }
  func.func @transform_5(%arg0: i32) -> (i32, i32) {
    %c0_i32 = arith.constant 0 : i32
    %c0_i32_0 = arith.constant 0 : i32
    return %arg0, %c0_i32 : i32, i32
  }
}

module attributes {stable_mosaic.version = 14 : i64} {
  func.func @_gru_body(%arg0: i32, %arg1: memref<2x1000x128xf32, #tpu.memory_space<vmem>>, %arg2: memref<1000x128xf32, #tpu.memory_space<vmem>>, %arg3: memref<64x192xbf16, #tpu.memory_space<vmem>>, %arg4: memref<64x192xbf16, #tpu.memory_space<vmem>>, %arg5: memref<1x192xf32, #tpu.memory_space<vmem>>, %arg6: memref<1x192xf32, #tpu.memory_space<vmem>>, %arg7: memref<1x64xf32, #tpu.memory_space<vmem>>, %arg8: memref<1000x128xf32, #tpu.memory_space<vmem>>, %arg9: memref<1000x128xf32, #tpu.memory_space<vmem>>) attributes {dimension_semantics = [#tpu.dimension_semantics<arbitrary>], iteration_bounds = array<i64: 10>, scalar_prefetch = 0 : i64, scratch_operands = 0 : i64, tpu.core_type = #tpu.core_type<tc>, window_params = [{transform_indices = @transform_0, window_bounds = array<i64: 2, 1000, 128>}, {transform_indices = @transform_1, window_bounds = array<i64: 1000, 128>}, {pipeline_mode = #tpu.pipeline_mode<synchronous>, transform_indices = @transform_2, window_bounds = array<i64: 64, 192>}, {pipeline_mode = #tpu.pipeline_mode<synchronous>, transform_indices = @transform_3, window_bounds = array<i64: 64, 192>}, {pipeline_mode = #tpu.pipeline_mode<synchronous>, transform_indices = @transform_4, window_bounds = array<i64: 1, 192>}, {pipeline_mode = #tpu.pipeline_mode<synchronous>, transform_indices = @transform_5, window_bounds = array<i64: 1, 192>}, {pipeline_mode = #tpu.pipeline_mode<synchronous>, transform_indices = @transform_6, window_bounds = array<i64: 1, 64>}, {transform_indices = @transform_7, window_bounds = array<i64: 1000, 128>}, {transform_indices = @transform_8, window_bounds = array<i64: 1000, 128>}]} {
    %get3A = arith.constant 0 : index
    %get3A_0 = arith.constant 0 : index
    %get3A_1 = arith.constant 0 : index
    %get3A_2 = vector.load %arg1[%get3A, %get3A_0, %get3A_1] : memref<2x1000x128xf32, #tpu.memory_space<vmem>>, vector<2x1000x128xf32>
    %get3A_3 = arith.constant 0 : index
    %get3A_4 = arith.constant 0 : index
    %get3A_5 = vector.load %arg2[%get3A_3, %get3A_4] : memref<1000x128xf32, #tpu.memory_space<vmem>>, vector<1000x128xf32>
    %slice3A = vector.extract_strided_slice %get3A_5 {offsets = [0, 0], sizes = [1000, 64], strides = [1, 1]} : vector<1000x128xf32> to vector<1000x64xf32>
    %slice3A_6 = vector.extract_strided_slice %get3A_2 {offsets = [0, 0, 0], sizes = [1, 1000, 64], strides = [1, 1, 1]} : vector<2x1000x128xf32> to vector<1x1000x64xf32>
    %squeeze3A = vector.shape_cast %slice3A_6 : vector<1x1000x64xf32> to vector<1000x64xf32>
    %slice3A_7 = vector.extract_strided_slice %get3A_2 {offsets = [1, 0, 0], sizes = [1, 1000, 64], strides = [1, 1, 1]} : vector<2x1000x128xf32> to vector<1x1000x64xf32>
    %squeeze3A_8 = vector.shape_cast %slice3A_7 : vector<1x1000x64xf32> to vector<1000x64xf32>
    %add3A = arith.addf %squeeze3A, %squeeze3A_8 : vector<1000x64xf32>
    %get3A_9 = arith.constant 0 : index
    %get3A_10 = arith.constant 0 : index
    %get3A_11 = vector.load %arg7[%get3A_9, %get3A_10] : memref<1x64xf32, #tpu.memory_space<vmem>>, vector<1x64xf32>
    %add3A_12 = vector.broadcast %get3A_11 : vector<1x64xf32> to vector<1000x64xf32>
    %add3A_13 = arith.addf %add3A, %add3A_12 : vector<1000x64xf32>
    %max3A = arith.constant 0.000000e+00 : f32
    %max3A_14 = vector.broadcast %max3A : f32 to vector<1000x64xf32>
    %max3A_15 = arith.maximumf %add3A_13, %max3A_14 : vector<1000x64xf32>
    %convert_element_type3A = arith.truncf %max3A_15 : vector<1000x64xf32> to vector<1000x64xbf16>
    %get3A_16 = arith.constant 0 : index
    %get3A_17 = arith.constant 0 : index
    %get3A_18 = vector.load %arg3[%get3A_16, %get3A_17] : memref<64x192xbf16, #tpu.memory_space<vmem>>, vector<64x192xbf16>
    %dot_general3A = arith.constant dense<0.000000e+00> : vector<1000x192xf32>
    %dot_general3A_19 = tpu.matmul %convert_element_type3A, %get3A_18, %dot_general3A {dimension_numbers = #tpu.dot_dimension_numbers<[1], [0], [0], [1], [0, 0, 1, 1], [], []>, transpose_lhs_hint = false} : vector<1000x64xbf16>, vector<64x192xbf16>, vector<1000x192xf32> -> vector<1000x192xf32>
    %get3A_20 = arith.constant 0 : index
    %get3A_21 = arith.constant 0 : index
    %get3A_22 = vector.load %arg5[%get3A_20, %get3A_21] : memref<1x192xf32, #tpu.memory_space<vmem>>, vector<1x192xf32>
    %add3A_23 = vector.broadcast %get3A_22 : vector<1x192xf32> to vector<1000x192xf32>
    %add3A_24 = arith.addf %dot_general3A_19, %add3A_23 : vector<1000x192xf32>
    %convert_element_type3A_25 = arith.truncf %slice3A : vector<1000x64xf32> to vector<1000x64xbf16>
    %get3A_26 = arith.constant 0 : index
    %get3A_27 = arith.constant 0 : index
    %get3A_28 = vector.load %arg4[%get3A_26, %get3A_27] : memref<64x192xbf16, #tpu.memory_space<vmem>>, vector<64x192xbf16>
    %dot_general3A_29 = arith.constant dense<0.000000e+00> : vector<1000x192xf32>
    %dot_general3A_30 = tpu.matmul %convert_element_type3A_25, %get3A_28, %dot_general3A_29 {dimension_numbers = #tpu.dot_dimension_numbers<[1], [0], [0], [1], [0, 0, 1, 1], [], []>, transpose_lhs_hint = false} : vector<1000x64xbf16>, vector<64x192xbf16>, vector<1000x192xf32> -> vector<1000x192xf32>
    %get3A_31 = arith.constant 0 : index
    %get3A_32 = arith.constant 0 : index
    %get3A_33 = vector.load %arg6[%get3A_31, %get3A_32] : memref<1x192xf32, #tpu.memory_space<vmem>>, vector<1x192xf32>
    %add3A_34 = vector.broadcast %get3A_33 : vector<1x192xf32> to vector<1000x192xf32>
    %add3A_35 = arith.addf %dot_general3A_30, %add3A_34 : vector<1000x192xf32>
    %slice3A_36 = vector.extract_strided_slice %add3A_24 {offsets = [0, 0], sizes = [1000, 64], strides = [1, 1]} : vector<1000x192xf32> to vector<1000x64xf32>
    %slice3A_37 = vector.extract_strided_slice %add3A_35 {offsets = [0, 0], sizes = [1000, 64], strides = [1, 1]} : vector<1000x192xf32> to vector<1000x64xf32>
    %add3A_38 = arith.addf %slice3A_36, %slice3A_37 : vector<1000x64xf32>
    %neg3A = arith.constant 0.000000e+00 : f32
    %neg3A_39 = vector.broadcast %neg3A : f32 to vector<1000x64xf32>
    %neg3A_40 = arith.subf %neg3A_39, %add3A_38 : vector<1000x64xf32>
    %exp3A = math.exp %neg3A_40 : vector<1000x64xf32>
    %add3A_41 = arith.constant 1.000000e+00 : f32
    %add3A_42 = vector.broadcast %add3A_41 : f32 to vector<1000x64xf32>
    %add3A_43 = arith.addf %add3A_42, %exp3A : vector<1000x64xf32>
    %div3A = arith.constant 1.000000e+00 : f32
    %div3A_44 = vector.broadcast %div3A : f32 to vector<1000x64xf32>
    %div3A_45 = arith.divf %div3A_44, %add3A_43 : vector<1000x64xf32>
    %slice3A_46 = vector.extract_strided_slice %add3A_24 {offsets = [0, 64], sizes = [1000, 64], strides = [1, 1]} : vector<1000x192xf32> to vector<1000x64xf32>
    %slice3A_47 = vector.extract_strided_slice %add3A_35 {offsets = [0, 64], sizes = [1000, 64], strides = [1, 1]} : vector<1000x192xf32> to vector<1000x64xf32>
    %add3A_48 = arith.addf %slice3A_46, %slice3A_47 : vector<1000x64xf32>
    %neg3A_49 = arith.constant 0.000000e+00 : f32
    %neg3A_50 = vector.broadcast %neg3A_49 : f32 to vector<1000x64xf32>
    %neg3A_51 = arith.subf %neg3A_50, %add3A_48 : vector<1000x64xf32>
    %exp3A_52 = math.exp %neg3A_51 : vector<1000x64xf32>
    %add3A_53 = arith.constant 1.000000e+00 : f32
    %add3A_54 = vector.broadcast %add3A_53 : f32 to vector<1000x64xf32>
    %add3A_55 = arith.addf %add3A_54, %exp3A_52 : vector<1000x64xf32>
    %div3A_56 = arith.constant 1.000000e+00 : f32
    %div3A_57 = vector.broadcast %div3A_56 : f32 to vector<1000x64xf32>
    %div3A_58 = arith.divf %div3A_57, %add3A_55 : vector<1000x64xf32>
    %slice3A_59 = vector.extract_strided_slice %add3A_24 {offsets = [0, 128], sizes = [1000, 64], strides = [1, 1]} : vector<1000x192xf32> to vector<1000x64xf32>
    %slice3A_60 = vector.extract_strided_slice %add3A_35 {offsets = [0, 128], sizes = [1000, 64], strides = [1, 1]} : vector<1000x192xf32> to vector<1000x64xf32>
    %mul3A = arith.mulf %div3A_45, %slice3A_60 : vector<1000x64xf32>
    %add3A_61 = arith.addf %slice3A_59, %mul3A : vector<1000x64xf32>
    %tanh3A = math.tanh %add3A_61 : vector<1000x64xf32>
    %sub3A = arith.constant 1.000000e+00 : f32
    %sub3A_62 = vector.broadcast %sub3A : f32 to vector<1000x64xf32>
    %sub3A_63 = arith.subf %sub3A_62, %div3A_58 : vector<1000x64xf32>
    %mul3A_64 = arith.mulf %sub3A_63, %tanh3A : vector<1000x64xf32>
    %mul3A_65 = arith.mulf %div3A_58, %slice3A : vector<1000x64xf32>
    %add3A_66 = arith.addf %mul3A_64, %mul3A_65 : vector<1000x64xf32>
    %broadcast_in_dim3A = arith.constant 0.000000e+00 : f32
    %broadcast_in_dim3A_67 = vector.broadcast %broadcast_in_dim3A : f32 to vector<1000x64xf32>
    %concatenate3A = tpu.concatenate %add3A_66, %broadcast_in_dim3A_67 in 1 : vector<1000x64xf32>, vector<1000x64xf32> -> vector<1000x128xf32>
    %swap3A = arith.constant 0 : index
    %swap3A_68 = arith.constant 0 : index
    %swap3A_69 = vector.load %arg8[%swap3A, %swap3A_68] : memref<1000x128xf32, #tpu.memory_space<vmem>>, vector<1000x128xf32>
    tpu.vector_store %arg8[%swap3A, %swap3A_68], %concatenate3A {strides = array<i32>} : memref<1000x128xf32, #tpu.memory_space<vmem>>, vector<1000x128xf32>,
    %convert_element_type3A_70 = arith.truncf %add3A_66 : vector<1000x64xf32> to vector<1000x64xbf16>
    %convert_element_type3A_71 = arith.extf %convert_element_type3A_70 : vector<1000x64xbf16> to vector<1000x64xf32>
    %concatenate3A_72 = tpu.concatenate %convert_element_type3A_71, %broadcast_in_dim3A_67 in 1 : vector<1000x64xf32>, vector<1000x64xf32> -> vector<1000x128xf32>
    %swap3A_73 = arith.constant 0 : index
    %swap3A_74 = arith.constant 0 : index
    %swap3A_75 = vector.load %arg9[%swap3A_73, %swap3A_74] : memref<1000x128xf32, #tpu.memory_space<vmem>>, vector<1000x128xf32>
    tpu.vector_store %arg9[%swap3A_73, %swap3A_74], %concatenate3A_72 {strides = array<i32>} : memref<1000x128xf32, #tpu.memory_space<vmem>>, vector<1000x128xf32>,
    return
  }
  func.func @transform_0(%arg0: i32) -> (i32, i32, i32) {
    %c0_i32 = arith.constant 0 : i32
    %c0_i32_0 = arith.constant 0 : i32
    %c0_i32_1 = arith.constant 0 : i32
    return %c0_i32, %arg0, %c0_i32_0 : i32, i32, i32
  }
  func.func @transform_1(%arg0: i32) -> (i32, i32) {
    %c0_i32 = arith.constant 0 : i32
    %c0_i32_0 = arith.constant 0 : i32
    return %arg0, %c0_i32 : i32, i32
  }
  func.func @transform_2(%arg0: i32) -> (i32, i32) {
    %c0_i32 = arith.constant 0 : i32
    %c0_i32_0 = arith.constant 0 : i32
    %c0_i32_1 = arith.constant 0 : i32
    return %c0_i32, %c0_i32_0 : i32, i32
  }
  func.func @transform_3(%arg0: i32) -> (i32, i32) {
    %c0_i32 = arith.constant 0 : i32
    %c0_i32_0 = arith.constant 0 : i32
    %c0_i32_1 = arith.constant 0 : i32
    return %c0_i32, %c0_i32_0 : i32, i32
  }
  func.func @transform_4(%arg0: i32) -> (i32, i32) {
    %c0_i32 = arith.constant 0 : i32
    %c0_i32_0 = arith.constant 0 : i32
    %c0_i32_1 = arith.constant 0 : i32
    return %c0_i32, %c0_i32_0 : i32, i32
  }
  func.func @transform_5(%arg0: i32) -> (i32, i32) {
    %c0_i32 = arith.constant 0 : i32
    %c0_i32_0 = arith.constant 0 : i32
    %c0_i32_1 = arith.constant 0 : i32
    return %c0_i32, %c0_i32_0 : i32, i32
  }
  func.func @transform_6(%arg0: i32) -> (i32, i32) {
    %c0_i32 = arith.constant 0 : i32
    %c0_i32_0 = arith.constant 0 : i32
    %c0_i32_1 = arith.constant 0 : i32
    return %c0_i32, %c0_i32_0 : i32, i32
  }
  func.func @transform_7(%arg0: i32) -> (i32, i32) {
    %c0_i32 = arith.constant 0 : i32
    %c0_i32_0 = arith.constant 0 : i32
    return %arg0, %c0_i32 : i32, i32
  }
  func.func @transform_8(%arg0: i32) -> (i32, i32) {
    %c0_i32 = arith.constant 0 : i32
    %c0_i32_0 = arith.constant 0 : i32
    return %arg0, %c0_i32 : i32, i32
  }
}

module attributes {stable_mosaic.version = 14 : i64} {
  func.func @_gru_body(%arg0: i32, %arg1: memref<2x1000x128xf32, #tpu.memory_space<vmem>>, %arg2: memref<1000x128xf32, #tpu.memory_space<vmem>>, %arg3: memref<64x192xbf16, #tpu.memory_space<vmem>>, %arg4: memref<64x192xbf16, #tpu.memory_space<vmem>>, %arg5: memref<1x192xf32, #tpu.memory_space<vmem>>, %arg6: memref<1x192xf32, #tpu.memory_space<vmem>>, %arg7: memref<1x64xf32, #tpu.memory_space<vmem>>, %arg8: memref<1000x128xf32, #tpu.memory_space<vmem>>, %arg9: memref<1000x128xf32, #tpu.memory_space<vmem>>) attributes {dimension_semantics = [#tpu.dimension_semantics<arbitrary>], iteration_bounds = array<i64: 10>, scalar_prefetch = 0 : i64, scratch_operands = 0 : i64, tpu.core_type = #tpu.core_type<tc>, window_params = [{transform_indices = @transform_0, window_bounds = array<i64: 2, 1000, 128>}, {transform_indices = @transform_1, window_bounds = array<i64: 1000, 128>}, {pipeline_mode = #tpu.pipeline_mode<synchronous>, transform_indices = @transform_2, window_bounds = array<i64: 64, 192>}, {pipeline_mode = #tpu.pipeline_mode<synchronous>, transform_indices = @transform_3, window_bounds = array<i64: 64, 192>}, {pipeline_mode = #tpu.pipeline_mode<synchronous>, transform_indices = @transform_4, window_bounds = array<i64: 1, 192>}, {pipeline_mode = #tpu.pipeline_mode<synchronous>, transform_indices = @transform_5, window_bounds = array<i64: 1, 192>}, {pipeline_mode = #tpu.pipeline_mode<synchronous>, transform_indices = @transform_6, window_bounds = array<i64: 1, 64>}, {transform_indices = @transform_7, window_bounds = array<i64: 1000, 128>}, {transform_indices = @transform_8, window_bounds = array<i64: 1000, 128>}]} {
    %get3A = arith.constant 0 : index
    %get3A_0 = arith.constant 0 : index
    %get3A_1 = arith.constant 0 : index
    %get3A_2 = vector.load %arg1[%get3A, %get3A_0, %get3A_1] : memref<2x1000x128xf32, #tpu.memory_space<vmem>>, vector<2x1000x128xf32>
    %get3A_3 = arith.constant 0 : index
    %get3A_4 = arith.constant 0 : index
    %get3A_5 = vector.load %arg2[%get3A_3, %get3A_4] : memref<1000x128xf32, #tpu.memory_space<vmem>>, vector<1000x128xf32>
    %slice3A = vector.extract_strided_slice %get3A_5 {offsets = [0, 0], sizes = [1000, 64], strides = [1, 1]} : vector<1000x128xf32> to vector<1000x64xf32>
    %slice3A_6 = vector.extract_strided_slice %get3A_2 {offsets = [0, 0, 0], sizes = [1, 1000, 64], strides = [1, 1, 1]} : vector<2x1000x128xf32> to vector<1x1000x64xf32>
    %squeeze3A = vector.shape_cast %slice3A_6 : vector<1x1000x64xf32> to vector<1000x64xf32>
    %slice3A_7 = vector.extract_strided_slice %get3A_2 {offsets = [1, 0, 0], sizes = [1, 1000, 64], strides = [1, 1, 1]} : vector<2x1000x128xf32> to vector<1x1000x64xf32>
    %squeeze3A_8 = vector.shape_cast %slice3A_7 : vector<1x1000x64xf32> to vector<1000x64xf32>
    %add3A = arith.addf %squeeze3A, %squeeze3A_8 : vector<1000x64xf32>
    %get3A_9 = arith.constant 0 : index
    %get3A_10 = arith.constant 0 : index
    %get3A_11 = vector.load %arg7[%get3A_9, %get3A_10] : memref<1x64xf32, #tpu.memory_space<vmem>>, vector<1x64xf32>
    %add3A_12 = vector.broadcast %get3A_11 : vector<1x64xf32> to vector<1000x64xf32>
    %add3A_13 = arith.addf %add3A, %add3A_12 : vector<1000x64xf32>
    %max3A = arith.constant 0.000000e+00 : f32
    %max3A_14 = vector.broadcast %max3A : f32 to vector<1000x64xf32>
    %max3A_15 = arith.maximumf %add3A_13, %max3A_14 : vector<1000x64xf32>
    %convert_element_type3A = arith.truncf %max3A_15 : vector<1000x64xf32> to vector<1000x64xbf16>
    %get3A_16 = arith.constant 0 : index
    %get3A_17 = arith.constant 0 : index
    %get3A_18 = vector.load %arg3[%get3A_16, %get3A_17] : memref<64x192xbf16, #tpu.memory_space<vmem>>, vector<64x192xbf16>
    %dot_general3A = arith.constant dense<0.000000e+00> : vector<1000x192xf32>
    %dot_general3A_19 = tpu.matmul %convert_element_type3A, %get3A_18, %dot_general3A {dimension_numbers = #tpu.dot_dimension_numbers<[1], [0], [0], [1], [0, 0, 1, 1], [], []>, transpose_lhs_hint = false} : vector<1000x64xbf16>, vector<64x192xbf16>, vector<1000x192xf32> -> vector<1000x192xf32>
    %get3A_20 = arith.constant 0 : index
    %get3A_21 = arith.constant 0 : index
    %get3A_22 = vector.load %arg5[%get3A_20, %get3A_21] : memref<1x192xf32, #tpu.memory_space<vmem>>, vector<1x192xf32>
    %add3A_23 = vector.broadcast %get3A_22 : vector<1x192xf32> to vector<1000x192xf32>
    %add3A_24 = arith.addf %dot_general3A_19, %add3A_23 : vector<1000x192xf32>
    %convert_element_type3A_25 = arith.truncf %slice3A : vector<1000x64xf32> to vector<1000x64xbf16>
    %get3A_26 = arith.constant 0 : index
    %get3A_27 = arith.constant 0 : index
    %get3A_28 = vector.load %arg4[%get3A_26, %get3A_27] : memref<64x192xbf16, #tpu.memory_space<vmem>>, vector<64x192xbf16>
    %dot_general3A_29 = arith.constant dense<0.000000e+00> : vector<1000x192xf32>
    %dot_general3A_30 = tpu.matmul %convert_element_type3A_25, %get3A_28, %dot_general3A_29 {dimension_numbers = #tpu.dot_dimension_numbers<[1], [0], [0], [1], [0, 0, 1, 1], [], []>, transpose_lhs_hint = false} : vector<1000x64xbf16>, vector<64x192xbf16>, vector<1000x192xf32> -> vector<1000x192xf32>
    %get3A_31 = arith.constant 0 : index
    %get3A_32 = arith.constant 0 : index
    %get3A_33 = vector.load %arg6[%get3A_31, %get3A_32] : memref<1x192xf32, #tpu.memory_space<vmem>>, vector<1x192xf32>
    %add3A_34 = vector.broadcast %get3A_33 : vector<1x192xf32> to vector<1000x192xf32>
    %add3A_35 = arith.addf %dot_general3A_30, %add3A_34 : vector<1000x192xf32>
    %slice3A_36 = vector.extract_strided_slice %add3A_24 {offsets = [0, 0], sizes = [1000, 64], strides = [1, 1]} : vector<1000x192xf32> to vector<1000x64xf32>
    %slice3A_37 = vector.extract_strided_slice %add3A_35 {offsets = [0, 0], sizes = [1000, 64], strides = [1, 1]} : vector<1000x192xf32> to vector<1000x64xf32>
    %add3A_38 = arith.addf %slice3A_36, %slice3A_37 : vector<1000x64xf32>
    %neg3A = arith.constant 0.000000e+00 : f32
    %neg3A_39 = vector.broadcast %neg3A : f32 to vector<1000x64xf32>
    %neg3A_40 = arith.subf %neg3A_39, %add3A_38 : vector<1000x64xf32>
    %exp3A = math.exp %neg3A_40 : vector<1000x64xf32>
    %add3A_41 = arith.constant 1.000000e+00 : f32
    %add3A_42 = vector.broadcast %add3A_41 : f32 to vector<1000x64xf32>
    %add3A_43 = arith.addf %add3A_42, %exp3A : vector<1000x64xf32>
    %div3A = arith.constant 1.000000e+00 : f32
    %div3A_44 = vector.broadcast %div3A : f32 to vector<1000x64xf32>
    %div3A_45 = arith.divf %div3A_44, %add3A_43 : vector<1000x64xf32>
    %slice3A_46 = vector.extract_strided_slice %add3A_24 {offsets = [0, 64], sizes = [1000, 64], strides = [1, 1]} : vector<1000x192xf32> to vector<1000x64xf32>
    %slice3A_47 = vector.extract_strided_slice %add3A_35 {offsets = [0, 64], sizes = [1000, 64], strides = [1, 1]} : vector<1000x192xf32> to vector<1000x64xf32>
    %add3A_48 = arith.addf %slice3A_46, %slice3A_47 : vector<1000x64xf32>
    %neg3A_49 = arith.constant 0.000000e+00 : f32
    %neg3A_50 = vector.broadcast %neg3A_49 : f32 to vector<1000x64xf32>
    %neg3A_51 = arith.subf %neg3A_50, %add3A_48 : vector<1000x64xf32>
    %exp3A_52 = math.exp %neg3A_51 : vector<1000x64xf32>
    %add3A_53 = arith.constant 1.000000e+00 : f32
    %add3A_54 = vector.broadcast %add3A_53 : f32 to vector<1000x64xf32>
    %add3A_55 = arith.addf %add3A_54, %exp3A_52 : vector<1000x64xf32>
    %div3A_56 = arith.constant 1.000000e+00 : f32
    %div3A_57 = vector.broadcast %div3A_56 : f32 to vector<1000x64xf32>
    %div3A_58 = arith.divf %div3A_57, %add3A_55 : vector<1000x64xf32>
    %slice3A_59 = vector.extract_strided_slice %add3A_24 {offsets = [0, 128], sizes = [1000, 64], strides = [1, 1]} : vector<1000x192xf32> to vector<1000x64xf32>
    %slice3A_60 = vector.extract_strided_slice %add3A_35 {offsets = [0, 128], sizes = [1000, 64], strides = [1, 1]} : vector<1000x192xf32> to vector<1000x64xf32>
    %mul3A = arith.mulf %div3A_45, %slice3A_60 : vector<1000x64xf32>
    %add3A_61 = arith.addf %slice3A_59, %mul3A : vector<1000x64xf32>
    %tanh3A = math.tanh %add3A_61 : vector<1000x64xf32>
    %sub3A = arith.constant 1.000000e+00 : f32
    %sub3A_62 = vector.broadcast %sub3A : f32 to vector<1000x64xf32>
    %sub3A_63 = arith.subf %sub3A_62, %div3A_58 : vector<1000x64xf32>
    %mul3A_64 = arith.mulf %sub3A_63, %tanh3A : vector<1000x64xf32>
    %mul3A_65 = arith.mulf %div3A_58, %slice3A : vector<1000x64xf32>
    %add3A_66 = arith.addf %mul3A_64, %mul3A_65 : vector<1000x64xf32>
    %broadcast_in_dim3A = arith.constant 0.000000e+00 : f32
    %broadcast_in_dim3A_67 = vector.broadcast %broadcast_in_dim3A : f32 to vector<1000x64xf32>
    %concatenate3A = tpu.concatenate %add3A_66, %broadcast_in_dim3A_67 in 1 : vector<1000x64xf32>, vector<1000x64xf32> -> vector<1000x128xf32>
    %swap3A = arith.constant 0 : index
    %swap3A_68 = arith.constant 0 : index
    %swap3A_69 = vector.load %arg8[%swap3A, %swap3A_68] : memref<1000x128xf32, #tpu.memory_space<vmem>>, vector<1000x128xf32>
    tpu.vector_store %arg8[%swap3A, %swap3A_68], %concatenate3A {strides = array<i32>} : memref<1000x128xf32, #tpu.memory_space<vmem>>, vector<1000x128xf32>,
    %convert_element_type3A_70 = arith.truncf %add3A_66 : vector<1000x64xf32> to vector<1000x64xbf16>
    %convert_element_type3A_71 = arith.extf %convert_element_type3A_70 : vector<1000x64xbf16> to vector<1000x64xf32>
    %concatenate3A_72 = tpu.concatenate %convert_element_type3A_71, %broadcast_in_dim3A_67 in 1 : vector<1000x64xf32>, vector<1000x64xf32> -> vector<1000x128xf32>
    %swap3A_73 = arith.constant 0 : index
    %swap3A_74 = arith.constant 0 : index
    %swap3A_75 = vector.load %arg9[%swap3A_73, %swap3A_74] : memref<1000x128xf32, #tpu.memory_space<vmem>>, vector<1000x128xf32>
    tpu.vector_store %arg9[%swap3A_73, %swap3A_74], %concatenate3A_72 {strides = array<i32>} : memref<1000x128xf32, #tpu.memory_space<vmem>>, vector<1000x128xf32>,
    return
  }
  func.func @transform_0(%arg0: i32) -> (i32, i32, i32) {
    %c0_i32 = arith.constant 0 : i32
    %c0_i32_0 = arith.constant 0 : i32
    %c0_i32_1 = arith.constant 0 : i32
    return %c0_i32, %arg0, %c0_i32_0 : i32, i32, i32
  }
  func.func @transform_1(%arg0: i32) -> (i32, i32) {
    %c0_i32 = arith.constant 0 : i32
    %c0_i32_0 = arith.constant 0 : i32
    return %arg0, %c0_i32 : i32, i32
  }
  func.func @transform_2(%arg0: i32) -> (i32, i32) {
    %c0_i32 = arith.constant 0 : i32
    %c0_i32_0 = arith.constant 0 : i32
    %c0_i32_1 = arith.constant 0 : i32
    return %c0_i32, %c0_i32_0 : i32, i32
  }
  func.func @transform_3(%arg0: i32) -> (i32, i32) {
    %c0_i32 = arith.constant 0 : i32
    %c0_i32_0 = arith.constant 0 : i32
    %c0_i32_1 = arith.constant 0 : i32
    return %c0_i32, %c0_i32_0 : i32, i32
  }
  func.func @transform_4(%arg0: i32) -> (i32, i32) {
    %c0_i32 = arith.constant 0 : i32
    %c0_i32_0 = arith.constant 0 : i32
    %c0_i32_1 = arith.constant 0 : i32
    return %c0_i32, %c0_i32_0 : i32, i32
  }
  func.func @transform_5(%arg0: i32) -> (i32, i32) {
    %c0_i32 = arith.constant 0 : i32
    %c0_i32_0 = arith.constant 0 : i32
    %c0_i32_1 = arith.constant 0 : i32
    return %c0_i32, %c0_i32_0 : i32, i32
  }
  func.func @transform_6(%arg0: i32) -> (i32, i32) {
    %c0_i32 = arith.constant 0 : i32
    %c0_i32_0 = arith.constant 0 : i32
    %c0_i32_1 = arith.constant 0 : i32
    return %c0_i32, %c0_i32_0 : i32, i32
  }
  func.func @transform_7(%arg0: i32) -> (i32, i32) {
    %c0_i32 = arith.constant 0 : i32
    %c0_i32_0 = arith.constant 0 : i32
    return %arg0, %c0_i32 : i32, i32
  }
  func.func @transform_8(%arg0: i32) -> (i32, i32) {
    %c0_i32 = arith.constant 0 : i32
    %c0_i32_0 = arith.constant 0 : i32
    return %arg0, %c0_i32 : i32, i32
  }
}

module attributes {stable_mosaic.version = 14 : i64} {
  func.func @_pred_body(%arg0: i32, %arg1: memref<1000x128xf32, #tpu.memory_space<vmem>>, %arg2: memref<64x512xbf16, #tpu.memory_space<vmem>>, %arg3: memref<512x512xbf16, #tpu.memory_space<vmem>>, %arg4: memref<512x128xbf16, #tpu.memory_space<vmem>>, %arg5: memref<1x512xf32, #tpu.memory_space<vmem>>, %arg6: memref<1x512xf32, #tpu.memory_space<vmem>>, %arg7: memref<1x128xf32, #tpu.memory_space<vmem>>, %arg8: memref<1000x128xf32, #tpu.memory_space<vmem>>) attributes {dimension_semantics = [#tpu.dimension_semantics<arbitrary>], iteration_bounds = array<i64: 10>, scalar_prefetch = 0 : i64, scratch_operands = 0 : i64, tpu.core_type = #tpu.core_type<tc>, window_params = [{transform_indices = @transform_0, window_bounds = array<i64: 1000, 128>}, {pipeline_mode = #tpu.pipeline_mode<synchronous>, transform_indices = @transform_1, window_bounds = array<i64: 64, 512>}, {pipeline_mode = #tpu.pipeline_mode<synchronous>, transform_indices = @transform_2, window_bounds = array<i64: 512, 512>}, {pipeline_mode = #tpu.pipeline_mode<synchronous>, transform_indices = @transform_3, window_bounds = array<i64: 512, 128>}, {pipeline_mode = #tpu.pipeline_mode<synchronous>, transform_indices = @transform_4, window_bounds = array<i64: 1, 512>}, {pipeline_mode = #tpu.pipeline_mode<synchronous>, transform_indices = @transform_5, window_bounds = array<i64: 1, 512>}, {pipeline_mode = #tpu.pipeline_mode<synchronous>, transform_indices = @transform_6, window_bounds = array<i64: 1, 128>}, {transform_indices = @transform_7, window_bounds = array<i64: 1000, 128>}]} {
    %get3A = arith.constant 0 : index
    %get3A_0 = arith.constant 0 : index
    %get3A_1 = vector.load %arg1[%get3A, %get3A_0] : memref<1000x128xf32, #tpu.memory_space<vmem>>, vector<1000x128xf32>
    %slice3A = vector.extract_strided_slice %get3A_1 {offsets = [0, 0], sizes = [1000, 64], strides = [1, 1]} : vector<1000x128xf32> to vector<1000x64xf32>
    %convert_element_type3A = arith.truncf %slice3A : vector<1000x64xf32> to vector<1000x64xbf16>
    %get3A_2 = arith.constant 0 : index
    %get3A_3 = arith.constant 0 : index
    %get3A_4 = vector.load %arg2[%get3A_2, %get3A_3] : memref<64x512xbf16, #tpu.memory_space<vmem>>, vector<64x512xbf16>
    %dot_general3A = arith.constant dense<0.000000e+00> : vector<1000x512xf32>
    %dot_general3A_5 = tpu.matmul %convert_element_type3A, %get3A_4, %dot_general3A {dimension_numbers = #tpu.dot_dimension_numbers<[1], [0], [0], [1], [0, 0, 1, 1], [], []>, transpose_lhs_hint = false} : vector<1000x64xbf16>, vector<64x512xbf16>, vector<1000x512xf32> -> vector<1000x512xf32>
    %get3A_6 = arith.constant 0 : index
    %get3A_7 = arith.constant 0 : index
    %get3A_8 = vector.load %arg5[%get3A_6, %get3A_7] : memref<1x512xf32, #tpu.memory_space<vmem>>, vector<1x512xf32>
    %add3A = vector.broadcast %get3A_8 : vector<1x512xf32> to vector<1000x512xf32>
    %add3A_9 = arith.addf %dot_general3A_5, %add3A : vector<1000x512xf32>
    %max3A = arith.constant 0.000000e+00 : f32
    %max3A_10 = vector.broadcast %max3A : f32 to vector<1000x512xf32>
    %max3A_11 = arith.maximumf %add3A_9, %max3A_10 : vector<1000x512xf32>
    %convert_element_type3A_12 = arith.truncf %max3A_11 : vector<1000x512xf32> to vector<1000x512xbf16>
    %get3A_13 = arith.constant 0 : index
    %get3A_14 = arith.constant 0 : index
    %get3A_15 = vector.load %arg3[%get3A_13, %get3A_14] : memref<512x512xbf16, #tpu.memory_space<vmem>>, vector<512x512xbf16>
    %dot_general3A_16 = arith.constant dense<0.000000e+00> : vector<1000x512xf32>
    %dot_general3A_17 = tpu.matmul %convert_element_type3A_12, %get3A_15, %dot_general3A_16 {dimension_numbers = #tpu.dot_dimension_numbers<[1], [0], [0], [1], [0, 0, 1, 1], [], []>, transpose_lhs_hint = false} : vector<1000x512xbf16>, vector<512x512xbf16>, vector<1000x512xf32> -> vector<1000x512xf32>
    %get3A_18 = arith.constant 0 : index
    %get3A_19 = arith.constant 0 : index
    %get3A_20 = vector.load %arg6[%get3A_18, %get3A_19] : memref<1x512xf32, #tpu.memory_space<vmem>>, vector<1x512xf32>
    %add3A_21 = vector.broadcast %get3A_20 : vector<1x512xf32> to vector<1000x512xf32>
    %add3A_22 = arith.addf %dot_general3A_17, %add3A_21 : vector<1000x512xf32>
    %max3A_23 = arith.constant 0.000000e+00 : f32
    %max3A_24 = vector.broadcast %max3A_23 : f32 to vector<1000x512xf32>
    %max3A_25 = arith.maximumf %add3A_22, %max3A_24 : vector<1000x512xf32>
    %convert_element_type3A_26 = arith.truncf %max3A_25 : vector<1000x512xf32> to vector<1000x512xbf16>
    %get3A_27 = arith.constant 0 : index
    %get3A_28 = arith.constant 0 : index
    %get3A_29 = vector.load %arg4[%get3A_27, %get3A_28] : memref<512x128xbf16, #tpu.memory_space<vmem>>, vector<512x128xbf16>
    %dot_general3A_30 = arith.constant dense<0.000000e+00> : vector<1000x128xf32>
    %dot_general3A_31 = tpu.matmul %convert_element_type3A_26, %get3A_29, %dot_general3A_30 {dimension_numbers = #tpu.dot_dimension_numbers<[1], [0], [0], [1], [0, 0, 1, 1], [], []>, transpose_lhs_hint = false} : vector<1000x512xbf16>, vector<512x128xbf16>, vector<1000x128xf32> -> vector<1000x128xf32>
    %get3A_32 = arith.constant 0 : index
    %get3A_33 = arith.constant 0 : index
    %get3A_34 = vector.load %arg7[%get3A_32, %get3A_33] : memref<1x128xf32, #tpu.memory_space<vmem>>, vector<1x128xf32>
    %add3A_35 = vector.broadcast %get3A_34 : vector<1x128xf32> to vector<1000x128xf32>
    %add3A_36 = arith.addf %dot_general3A_31, %add3A_35 : vector<1000x128xf32>
    %swap3A = arith.constant 0 : index
    %swap3A_37 = arith.constant 0 : index
    %swap3A_38 = vector.load %arg8[%swap3A, %swap3A_37] : memref<1000x128xf32, #tpu.memory_space<vmem>>, vector<1000x128xf32>
    tpu.vector_store %arg8[%swap3A, %swap3A_37], %add3A_36 {strides = array<i32>} : memref<1000x128xf32, #tpu.memory_space<vmem>>, vector<1000x128xf32>,
    return
  }
  func.func @transform_0(%arg0: i32) -> (i32, i32) {
    %c0_i32 = arith.constant 0 : i32
    %c0_i32_0 = arith.constant 0 : i32
    return %arg0, %c0_i32 : i32, i32
  }
  func.func @transform_1(%arg0: i32) -> (i32, i32) {
    %c0_i32 = arith.constant 0 : i32
    %c0_i32_0 = arith.constant 0 : i32
    %c0_i32_1 = arith.constant 0 : i32
    return %c0_i32, %c0_i32_0 : i32, i32
  }
  func.func @transform_2(%arg0: i32) -> (i32, i32) {
    %c0_i32 = arith.constant 0 : i32
    %c0_i32_0 = arith.constant 0 : i32
    %c0_i32_1 = arith.constant 0 : i32
    return %c0_i32, %c0_i32_0 : i32, i32
  }
  func.func @transform_3(%arg0: i32) -> (i32, i32) {
    %c0_i32 = arith.constant 0 : i32
    %c0_i32_0 = arith.constant 0 : i32
    %c0_i32_1 = arith.constant 0 : i32
    return %c0_i32, %c0_i32_0 : i32, i32
  }
  func.func @transform_4(%arg0: i32) -> (i32, i32) {
    %c0_i32 = arith.constant 0 : i32
    %c0_i32_0 = arith.constant 0 : i32
    %c0_i32_1 = arith.constant 0 : i32
    return %c0_i32, %c0_i32_0 : i32, i32
  }
  func.func @transform_5(%arg0: i32) -> (i32, i32) {
    %c0_i32 = arith.constant 0 : i32
    %c0_i32_0 = arith.constant 0 : i32
    %c0_i32_1 = arith.constant 0 : i32
    return %c0_i32, %c0_i32_0 : i32, i32
  }
  func.func @transform_6(%arg0: i32) -> (i32, i32) {
    %c0_i32 = arith.constant 0 : i32
    %c0_i32_0 = arith.constant 0 : i32
    %c0_i32_1 = arith.constant 0 : i32
    return %c0_i32, %c0_i32_0 : i32, i32
  }
  func.func @transform_7(%arg0: i32) -> (i32, i32) {
    %c0_i32 = arith.constant 0 : i32
    %c0_i32_0 = arith.constant 0 : i32
    return %arg0, %c0_i32 : i32, i32
  }
}

</mosaic_0001>

<sc_bundles>
// kernel: kernel.29.cloned.1.call-start
scs
__scs_entry_jumppad:
0x0: {  	(pc) =	sbr.rel $0x88, $3  }
0x1: {  	(tag) =	ssettag $0x0;
	lr =	simm.s32 $0x1  }
0x2: {  	[smem:$0x3F83] =	sst lr;
	_ =	strace $0xD0000000  }
0x3: {  	_ = 	snop  }
0x4: {  	_ = 	snop  }
0x5: {  	_ = 	snop  }
0x6: {  	_ = 	snop  }
0x7: {  	_ = 	snop  }
__scs_overlays_trampoline_lowered:
0x8: {  	[smem:$0x3F92] =	sst s0  }
0x9: {  	[smem:$0x3F93] =	sst s1  }
0xa: {  	[smem:$0x3F94] =	sst s2  }
0xb: {  	[smem:$0x3F95] =	sst s3  }
0xc: {  	[smem:$0x3F96] =	sst s4  }
0xd: {  	[smem:$0x3F97] =	sst s5  }
0xe: {  	[smem:$0x3F98] =	sst s6  }
0xf: {  	[smem:$0x3F99] =	sst s7  }
0x10: {  	[smem:$0x3F9A] =	sst s8  }
0x11: {  	[smem:$0x3F9B] =	sst s9;
	s0 =	simm.s32 @!p0 $0x0  }
0x12: {  	s1 =	sld [smem:$0x3F81];
	s0 =	simm.s32 @p0 $0x1  }
0x13: {  	[smem:$0x3F9C] =	sst s0;
	s0 =	simm.s32 @!p1 $0x0  }
0x14: {  	s2 =	sld [smem:$0x3F80];
	s0 =	simm.s32 @p1 $0x1  }
0x15: {  	[smem:$0x3F9D] =	sst s0;
	s0 =	simm.s32 @!p2 $0x0  }
0x16: {  	s3 =	sld [smem:$0x3FDB];
	s0 =	simm.s32 @p2 $0x1  }
0x17: {  	s4 =	simm.s32 $0x1BF5;
	[smem:$0x3F9F] =	sst s0  }
0x18: {  	s0 =	sld [smem:$0x3F82];
	_ =	swait.ge [sflag:s4], $0x0  }
0x19: {  	s7 =	sld [smem:$0x3F83]  }
0x1a: {  	s8 =	sadd.s32 $0xFFFFE003, lr  }
0x1b: {  	s9 =	sadd.s32 $0xFFFFFEF7, lr;
	s5 =	simm.s32 $0xFFFFFFFF;
	p2 =	slt.u32 s8, $0xFFFFF086  }
0x1c: {  	p1 =	slt.u32 s9, $0xF7A;
	s5 =	simm.s32 @!p2 $0x0  }
0x1d: {  	s5 =	simm.s32 @p1 $0x1;
	p0 =	seq.s32 s7, s2  }
0x1e: {  	s7 =	smul.u32 @!p0 $0xF7A, s2;
	p2 =	seq.s32 @!p0 s5, $0x0  }
0x1f: {  	s9 =	smul.u32 $0xF7A, s1;
	s8 =	simm.s32 @!p0 $0x1BF5;
	p2 =	por !p2, p0  }
0x20: {  	[sflag:s8] =	ssyncset.s32 @!p0 $0xFFFFF086;
	s6 =	sadd.s32 @!p0 s3, s7;
	s7 =	simm.s32 @!p0 $0x108  }
0x21: {  	s3 =	sadd.s32 s3, s9;
	s6 =	sadd.s32 @!p0 $0x88, s6;
	s7 =	simm.s32 @p2 $0x1082  }
0x22: {  	[simem:s7], [sflag:s8] =	dma.local @!p0 [hbm:s6], $0xF7A  }
0x23: {  	s9 =	sor.u32 $0xD0000000, s2;
	s6 =	simm.s32 $0x108;
	_ =	swait.ge @!p0 [sflag:s8], $0x0  }
0x24: {  	s3 =	sadd.s32 $0x88, s3;
	s6 =	simm.s32 @!p1 $0x1082;
	[sflag:s4] =	ssyncset.s32 $0xFFFFF086  }
0x25: {  	[simem:s6], [sflag:s4] =	dma.local [hbm:s3], $0xF7A  }
0x26: {  	[smem:$0x3F83] =	sst s1;
	(tag) =	ssettag s2;
	_ =	strace s9  }
0x27: {  	s1 =	sld [smem:$0x3F93]  }
0x28: {  	s2 =	sld [smem:$0x3F94]  }
0x29: {  	s4 =	sld [smem:$0x3F96]  }
0x2a: {  	p0 =	seq.s32 s5, $0x0;
	s5 =	sld [smem:$0x3F97]  }
0x2b: {  	s6 =	sld [smem:$0x3F98]  }
0x2c: {  	s7 =	sld [smem:$0x3F99]  }
0x2d: {  	s3 =	simm.s32 $0x108;
	s8 =	sld [smem:$0x3F9A]  }
0x2e: {  	s3 =	simm.s32 @!p0 $0x1082;
	s9 =	sld [smem:$0x3F9B]  }
0x2f: {  	lr =	sadd.s32 s0, s3;
	s0 =	sld [smem:$0x3F92]  }
0x30: {  	s3 =	sld [smem:$0x3F95]  }
0x31: {  	[smem:$0x3F9E] =	sst s10  }
0x32: {  	s10 =	sld [smem:$0x3F9C];
	_ =	sdelay $0x3  }
0x33: {  	p0 =	seq.s32 s10, $0x1;
	s10 =	sld [smem:$0x3F9E];
	_ =	sdelay $0x3  }
0x34: {  	[smem:$0x3F9E] =	sst s10  }
0x35: {  	s10 =	sld [smem:$0x3F9D];
	_ =	sdelay $0x3  }
0x36: {  	p1 =	seq.s32 s10, $0x1;
	s10 =	sld [smem:$0x3F9E];
	_ =	sdelay $0x3  }
0x37: {  	[smem:$0x3F9E] =	sst s10  }
0x38: {  	s10 =	sld [smem:$0x3F9F]  }
0x39: {  	_ = 	snop;
	(pc) =	sbr.ind lr, $3  }
0x3a: {  	_ = 	snop  }
0x3b: {  	_ = 	snop  }
0x3c: {  	p2 =	seq.s32 s10, $0x1;
	s10 =	sld [smem:$0x3F9E]  }
0x3d: {  	_ =	shalt  }
0x3e: {  	_ =	shalt  }
0x3f: {  	_ =	shalt  }
0x40: {  	_ =	shalt  }
0x41: {  	_ =	shalt  }
0x42: {  	_ =	shalt  }
0x43: {  	_ =	shalt  }
0x44: {  	_ =	shalt  }
0x45: {  	_ =	shalt  }
0x46: {  	_ =	shalt  }
0x47: {  	_ =	shalt  }
0x48: {  	_ =	shalt  }
0x49: {  	_ =	shalt  }
0x4a: {  	_ =	shalt  }
0x4b: {  	_ =	shalt  }
0x4c: {  	_ =	shalt  }
0x4d: {  	_ =	shalt  }
0x4e: {  	_ =	shalt  }
0x4f: {  	_ =	shalt  }
0x50: {  	_ =	shalt  }
0x51: {  	_ =	shalt  }
0x52: {  	_ =	shalt  }
0x53: {  	_ =	shalt  }
0x54: {  	_ =	shalt  }
0x55: {  	_ =	shalt  }
0x56: {  	_ =	shalt  }
0x57: {  	_ =	shalt  }
0x58: {  	_ =	shalt  }
0x59: {  	_ =	shalt  }
0x5a: {  	_ =	shalt  }
0x5b: {  	_ =	shalt  }
0x5c: {  	_ =	shalt  }
0x5d: {  	_ =	shalt  }
0x5e: {  	_ =	shalt  }
0x5f: {  	_ =	shalt  }
0x60: {  	_ =	shalt  }
0x61: {  	_ =	shalt  }
0x62: {  	_ =	shalt  }
0x63: {  	_ =	shalt  }
0x64: {  	_ =	shalt  }
0x65: {  	_ =	shalt  }
0x66: {  	_ =	shalt  }
0x67: {  	_ =	shalt  }
0x68: {  	_ =	shalt  }
0x69: {  	_ =	shalt  }
0x6a: {  	_ =	shalt  }
0x6b: {  	_ =	shalt  }
0x6c: {  	_ =	shalt  }
0x6d: {  	_ =	shalt  }
0x6e: {  	_ =	shalt  }
0x6f: {  	_ =	shalt  }
0x70: {  	_ =	shalt  }
0x71: {  	_ =	shalt  }
0x72: {  	_ =	shalt  }
0x73: {  	_ =	shalt  }
0x74: {  	_ =	shalt  }
0x75: {  	_ =	shalt  }
0x76: {  	_ =	shalt  }
0x77: {  	_ =	shalt  }
0x78: {  	_ =	shalt  }
0x79: {  	_ =	shalt  }
0x7a: {  	_ =	shalt  }
0x7b: {  	_ =	shalt  }
0x7c: {  	_ =	shalt  }
0x7d: {  	_ =	shalt  }
0x7e: {  	_ =	shalt  }
0x7f: {  	_ =	shalt  }
0x80: {  	_ =	shalt  }
0x81: {  	_ =	shalt  }
0x82: {  	_ =	shalt  }
0x83: {  	_ =	shalt  }
0x84: {  	_ =	shalt  }
0x85: {  	_ =	shalt  }
0x86: {  	_ =	shalt  }
0x87: {  	_ =	shalt  }
.Lfunc_end0:
.L_simem_size_0:
called_computation_lowered:
.L_overlay_start_0:
0x88: {  	s2 =	sld [smem:$0x3FD9]  }
0x89: {  	s3 =	sld [smem:$0x3FFE];
	_ =	sdelay $0x1  }
0x8a: {  	s1 =	srdreg.scid  }
0x8b: {  	s0 =	sand.u32 $0x1, s1  }
0x8c: {  	s16 =	sshll.u32 s0, $0xA;
	s2 =	sadd.s32 s3, s2  }
0x8d: {  	s2 =	sadd.s32 s2, s16  }
0x8e: {  	[smem:$0x3FAA] =	sst s2  }
0x8f: {  	_ = 	snop  }
0x90: {  	(tm) =	ssettm $0x1  }
0x91: {  	s17 =	sld [smem:$0x3FFB];
	_ =	sdelay $0x3  }
0x92: {  	_ =	strace s17  }
0x93: {  	s2 =	sld [smem:$0x3FFC];
	_ =	sdelay $0x3  }
0x94: {  	_ =	strace s2  }
0x95: {  	s2 =	sld [smem:$0x3FFD];
	_ =	sdelay $0x3  }
0x96: {  	_ =	strace s2  }
0x97: {  	_ =	strace $0x8FFFFFFF  }
0x98: {  	s18 =	sld [smem:$0x3FDB];
	_ =	sdelay $0x1  }
0x99: {  	s19 =	simm.s32 $_scs_section_size  }
0x9a: {  	s4 =	simm.s32 $_size__tile_overlayer_lowered;
	s5 =	simm.s32 $_tile_overlayer_lowered  }
0x9b: {  	s22 =	simm.s32 $0x1BFF;
	s21 =	sshll.u32 s5, $0x1;
	s2 =	sadd.s32 s19, s18  }
0x9c: {  	s6 =	simm.s32 $0x0;
	s20 =	sshll.u32 s4, $0x1;
	s4 =	sadd.s32 s21, s2  }
0x9d: {  	[timem:s6], [sflag:s22] =	dma.local [hbm:s4], s20  }
0x9e: {  	_ =	swait.ge [sflag:s22], s20  }
0x9f: {  	s3 =	ssub.s32 $0x0, s20;
	[sflag:s22] =	ssyncset.done $0x0  }
0xa0: {  	[sflag:s22] =	ssyncadd.s32 s3;
	_ =	sdelay $0x1  }
0xa1: {  	s23 =	simm.s32 $0x1B8B  }
0xa2: {  	_ =	swait.ge [sflag:s23], $0x1  }
0xa3: {  	[sflag:s23] =	ssyncset.done $0x0  }
0xa4: {  	s25 =	simm.s32 $0x1B8E;
	s24 =	sld [smem:$0x3FFE];
	[sflag:s23] =	ssyncadd.s32 $0xFFFFFFFF  }
0xa5: {  	s26 =	simm.s32 $execute0_lowered;
	[smem:$0x3FD2] =	sst s25  }
0xa6: {  	s4 =	sshll.u32 s26, $0x1;
	_ =	strace $0x80000046;
	[dreg:$0x1] =	wrdreg $0xFFFFFFFF  }
0xa7: {  	s28 =	simm.s32 $_size_execute0_lowered;
	s2 =	sadd.s32 s2, s4;
	[dreg:$0x0] =	wrdreg $0x0  }
0xa8: {  	s4 =	sshll.u32 s28, $0x1;
	[dreg:$0x2] =	wrdreg s2  }
0xa9: {  	[dreg:$0x3] =	wrdreg s4  }
0xaa: {  	[dreg:$0x4] =	wrdreg $0xC0  }
0xab: {  	_ =	task [dreg:s6], $0x5FFFF  }
0xac: {  	[dreg:$0x1] =	wrdreg $0xFFFFFFFF  }
0xad: {  	[dreg:$0x0] =	wrdreg $0x60  }
0xae: {  	[dreg:$0x2] =	wrdreg s24  }
0xaf: {  	[dreg:$0x3] =	wrdreg $0x9  }
0xb0: {  	_ =	task.clear_ibuf [dreg:s6], $0x4FFFF;
	_ =	strace $0x90000046  }
0xb1: {  	s29 =	simm.s32 $0x9;
	_ =	strace $0x80000048  }
0xb2: {  	_ =	swait.ge [sflag:s29], $0x1  }
0xb3: {  	[sflag:s29] =	ssyncadd.s32 $0xFFFFFFFF  }
0xb4: {  	_ =	strace $0x90000048  }
0xb5: {  	_ =	sfence  }
0xb6: {  	s30 =	sld [smem:$0x0];
	_ =	sdelay $0x2  }
0xb7: {  	s31 =	sshll.u32 s1, $0xD;
	s1 =	sshrl.u32 s1, $0x2  }
0xb8: {  	s3 =	sand.u32 $0x4000, s31;
	s1 =	sadd.s32 s1, s30  }
0xb9: {  	s0 =	sor.u32 s3, s0;
	s1 =	sshll.u32 s1, $0x11  }
0xba: {  	s0 =	sor.u32 s1, s0  }
0xbb: {  	s0 =	sadd.s32 $0x8F2B, s0  }
0xbc: {  	[sflag:s0] =	ssyncadd.remote.s32 $0x1  }
0xbd: {  	_ =	sfence.sel $0xFFFF  }
0xbe: {  	[dreg:$0x0] =	wrdreg $0xFFFFFFFF;
	(pc) =	sbr.abs _section_cstart, $3  }
0xbf: {  	[dreg:$0x1] =	wrdreg $0xFFFFFFFF  }
0xc0: {  	_ =	task.clear_ibuf [dreg:s6], $0x2FFFF;
	_ =	strace $0x9FFFFFFF  }
0xc1: {  	(tm) =	ssettm $0x7FFFFFFF  }
tec
execute0_lowered:
.L_overlay_start_1:
0x0: {  	(tag) =	ssettag $0x1  }
0x1: {  	s4 =	rddreg [dreg:$0x0];
	s1 =	srdreg.scid  }
0x2: {  	s0 =	rddreg [dreg:$0x1];
	s2 =	simm.s32 $0x0;
	s10 =	simm.s32 $0x1  }
0x3: {  	s11 =	simm.s32 $0x0;
	s5 =	sand.u32 $0x1, s1;
	s1 =	stileid.u32  }
0x4: {  	[smem:$0x7FF] =	sst s2;
	s3 =	sshll.u32 s5, $0x4;
	s7 =	smul.u32 $0x140000, s5  }
0x5: {  	s5 =	ssub.s32 $0x2, s5;
	s9 =	smul.u32 $0x14000, s1;
	s3 =	sor.u32 s1, s3  }
0x6: {  	_ =	strace $0x80000047;
	s8 =	sshrl.u32 s5, $0x1;
	s6 =	smul.u32 $0x1400, s3  }
0x7: {  	s3 =	sadd.s32 $0x1AC00, s4;
	s7 =	sadd.s32 s7, s4;
	s5 =	ssub.s32 s5, s8  }
0x8: {  	s8 =	simm.s32 $0x80;
	s5 =	smax.u32 s5, $0x1;
	s6 =	sshrl.u32 s6, $0x3  }
0x9: {  	s31 =	sadd.s32 s9, s7;
	s7 =	simm.s32 $0x2;
	s6 =	sadd.s32 s6, s4  }
0xa: {  	s9 =	simm.s32 $0x1400;
	s4 =	sadd.s32 $0x15C00, s6;
	s6 =	sadd.s32 $0x69000, s31  }
.LBB2_1:
0xb: {  	[tilespmem:s2], [sflag:$0x2] =	stream.linear.gather [hbm4b:s4+s2], $0x1400, $0x38;
	[tilespmem:$0x5400] =	vst v63  }
0xc: {  	_ =	swait.ge [sflag:s7], $0x1400  }
0xd: {  	[sflag:s7] =	ssyncset.done $0x0  }
0xe: {  	s12 =	simm.s32 $0x0;
	[sflag:s7] =	ssyncadd.s32 $0xFFFFEC00  }
0xf: {  	[tilespmem:s9], [sflag:$0x1] =	stream.indirect.gather [hbm4b:s3+s8], $0x80, s12, s8, $0xb8;
	[tilespmem:$0x5400] =	vst v63  }
0x10: {  	_ =	swait.ge [sflag:s10], $0x4000  }
0x11: {  	[sflag:s10] =	ssyncset.done $0x0  }
0x12: {  	[sflag:s10] =	ssyncadd.s32 $0xFFFFC000  }
0x13: {  	[hbm4b:s6+s2] =	stream.linear.scatter [tilespmem:s9], [sflag:$0x2], $0x4000, $0x38;
	[tilespmem:$0x5400] =	vst v63  }
0x14: {  	s13 =	simm.s32 $0x200;
	_ =	swait.ge [sflag:s7], $0x4000  }
0x15: {  	s14 =	simm.s32 $0x400;
	s12 =	sadd.s32 $0x800, s6;
	[sflag:s7] =	ssyncset.done $0x0  }
.LBB2_2:
0x16: {  	s15 =	sshra.s32 s13, $0x2  }
0x17: {  	[sflag:s7] =	ssyncadd.s32 $0xFFFFC000;
	s13 =	smov.u32 s14;
	s16 =	sadd.s32 $0x200, s14  }
0x18: {  	[tilespmem:s9], [sflag:$0x1] =	stream.indirect.gather [hbm4b:s3+s8], $0x80, s15, s8, $0xb8;
	[tilespmem:$0x5400] =	vst v63  }
0x19: {  	p0 =	sne.s32 s14, $0x4E00;
	_ =	swait.ge [sflag:s10], $0x4000  }
.Ltmp0:
0x1a: {  	[sflag:s10] =	ssyncset.done $0x0;
	(pc) =	sbr.rel @p0 .LBB2_2-.Ltmp0, $4  }
0x1b: {  	[sflag:s10] =	ssyncadd.s32 $0xFFFFC000  }
0x1c: {  	[hbm4b:s12+s2] =	stream.linear.scatter [tilespmem:s9], [sflag:$0x2], $0x4000, $0x38;
	[tilespmem:$0x5400] =	vst v63  }
0x1d: {  	_ =	swait.ge [sflag:s7], $0x4000  }
0x1e: {  	s14 =	smov.u32 s16;
	s12 =	sadd.s32 $0x800, s12;
	[sflag:s7] =	ssyncset.done $0x0  }
0x1f: {  	s13 =	sshra.s32 s13, $0x2;
	[sflag:s7] =	ssyncadd.s32 $0xFFFFC000  }
0x20: {  	[tilespmem:s9], [sflag:$0x1] =	stream.indirect.gather [hbm4b:s3+s8], $0x80, s13, s8, $0xb8;
	[tilespmem:$0x5400] =	vst v63  }
0x21: {  	s11 =	sadd.s32 $0x1, s11;
	_ =	swait.ge [sflag:s10], $0x4000  }
0x22: {  	p0 =	sne.s32 s11, s5;
	[sflag:s10] =	ssyncset.done $0x0  }
.Ltmp1:
0x23: {  	[sflag:s10] =	ssyncadd.s32 $0xFFFFC000;
	(pc) =	sbr.rel @p0 .LBB2_1-.Ltmp1, $4  }
0x24: {  	[hbm4b:s12+s2] =	stream.linear.scatter [tilespmem:s9], [sflag:$0x2], $0x4000, $0x38;
	[tilespmem:$0x5400] =	vst v63  }
0x25: {  	_ =	swait.ge [sflag:s7], $0x4000  }
0x26: {  	[sflag:s7] =	ssyncset.done $0x0  }
0x27: {  	[sflag:s7] =	ssyncadd.s32 $0xFFFFC000  }
0x28: {  	_ =	sfence.sel $0x180000  }
0x29: {  	[bflag:$0x0] =	sbarrier.arrive $0xFFFF  }
0x2a: {  	p0 =	sne.s32 s1, $0x0;
	_ =	strace $0x90000047  }
0x2b: {  	s0 =	sadd.s32 @!p0 $0x100000, s0;
	[bflag:$0x2] =	sbarrier.arrive $0xFFFF  }
0x2c: {  	[sflag:s0] =	ssyncadd.tile.s32 @!p0 $0x1;
	_ =	shalt  }
.Lfunc_end2:
_tile_overlayer_lowered:
.L_overlay_start_2:
0x2d: {  	(tag) =	ssettag $0x2  }
0x2e: {  	s0 =	rddreg [dreg:$0x0];
	s2 =	stileid.u32  }
0x2f: {  	s1 =	rddreg [dreg:$0x1];
	p0 =	sne.s32 s2, $0x0  }
0x30: {  	s3 =	rddreg [dreg:$0x2];
	[bflag:$0x3] =	sbarrier.arrive $0xFFFF;
	s2 =	simm.s32 @!p0 $0x1C02  }
0x31: {  	[timem:s3], [sflag:s2] =	dma.local @!p0 [hbm:s0], s1  }
0x32: {  	s0 =	simm.s32 @!p0 $0x2  }
0x33: {  	_ =	swait.ge @!p0 [sflag:s0], s1  }
0x34: {  	s1 =	ssub.s32 @!p0 $0x0, s1;
	[sflag:s0] =	ssyncset.done @!p0 $0x0  }
0x35: {  	[sflag:s0] =	ssyncadd.s32 @!p0 s1  }
0x36: {  	[bflag:$0x3] =	sbarrier.arrive $0xFFFF  }
0x37: {  	_ =	shalt  }

// kernel: kernel.32.cloned.1.call-start
scs
__scs_entry_jumppad:
0x0: {  	(pc) =	sbr.rel $0x88, $3  }
0x1: {  	(tag) =	ssettag $0x0;
	lr =	simm.s32 $0x1  }
0x2: {  	[smem:$0x3F83] =	sst lr;
	_ =	strace $0xD0000000  }
0x3: {  	_ = 	snop  }
0x4: {  	_ = 	snop  }
0x5: {  	_ = 	snop  }
0x6: {  	_ = 	snop  }
0x7: {  	_ = 	snop  }
__scs_overlays_trampoline_lowered:
0x8: {  	[smem:$0x3F92] =	sst s0  }
0x9: {  	[smem:$0x3F93] =	sst s1  }
0xa: {  	[smem:$0x3F94] =	sst s2  }
0xb: {  	[smem:$0x3F95] =	sst s3  }
0xc: {  	[smem:$0x3F96] =	sst s4  }
0xd: {  	[smem:$0x3F97] =	sst s5  }
0xe: {  	[smem:$0x3F98] =	sst s6  }
0xf: {  	[smem:$0x3F99] =	sst s7  }
0x10: {  	[smem:$0x3F9A] =	sst s8  }
0x11: {  	[smem:$0x3F9B] =	sst s9;
	s0 =	simm.s32 @!p0 $0x0  }
0x12: {  	s1 =	sld [smem:$0x3F81];
	s0 =	simm.s32 @p0 $0x1  }
0x13: {  	[smem:$0x3F9C] =	sst s0;
	s0 =	simm.s32 @!p1 $0x0  }
0x14: {  	s2 =	sld [smem:$0x3F80];
	s0 =	simm.s32 @p1 $0x1  }
0x15: {  	[smem:$0x3F9D] =	sst s0;
	s0 =	simm.s32 @!p2 $0x0  }
0x16: {  	s3 =	sld [smem:$0x3FDB];
	s0 =	simm.s32 @p2 $0x1  }
0x17: {  	s4 =	simm.s32 $0x1BF5;
	[smem:$0x3F9F] =	sst s0  }
0x18: {  	s0 =	sld [smem:$0x3F82];
	_ =	swait.ge [sflag:s4], $0x0  }
0x19: {  	s7 =	sld [smem:$0x3F83]  }
0x1a: {  	s8 =	sadd.s32 $0xFFFFE003, lr  }
0x1b: {  	s9 =	sadd.s32 $0xFFFFFEF7, lr;
	s5 =	simm.s32 $0xFFFFFFFF;
	p2 =	slt.u32 s8, $0xFFFFF086  }
0x1c: {  	p1 =	slt.u32 s9, $0xF7A;
	s5 =	simm.s32 @!p2 $0x0  }
0x1d: {  	s5 =	simm.s32 @p1 $0x1;
	p0 =	seq.s32 s7, s2  }
0x1e: {  	s7 =	smul.u32 @!p0 $0xF7A, s2;
	p2 =	seq.s32 @!p0 s5, $0x0  }
0x1f: {  	s9 =	smul.u32 $0xF7A, s1;
	s8 =	simm.s32 @!p0 $0x1BF5;
	p2 =	por !p2, p0  }
0x20: {  	[sflag:s8] =	ssyncset.s32 @!p0 $0xFFFFF086;
	s6 =	sadd.s32 @!p0 s3, s7;
	s7 =	simm.s32 @!p0 $0x108  }
0x21: {  	s3 =	sadd.s32 s3, s9;
	s6 =	sadd.s32 @!p0 $0x88, s6;
	s7 =	simm.s32 @p2 $0x1082  }
0x22: {  	[simem:s7], [sflag:s8] =	dma.local @!p0 [hbm:s6], $0xF7A  }
0x23: {  	s9 =	sor.u32 $0xD0000000, s2;
	s6 =	simm.s32 $0x108;
	_ =	swait.ge @!p0 [sflag:s8], $0x0  }
0x24: {  	s3 =	sadd.s32 $0x88, s3;
	s6 =	simm.s32 @!p1 $0x1082;
	[sflag:s4] =	ssyncset.s32 $0xFFFFF086  }
0x25: {  	[simem:s6], [sflag:s4] =	dma.local [hbm:s3], $0xF7A  }
0x26: {  	[smem:$0x3F83] =	sst s1;
	(tag) =	ssettag s2;
	_ =	strace s9  }
0x27: {  	s1 =	sld [smem:$0x3F93]  }
0x28: {  	s2 =	sld [smem:$0x3F94]  }
0x29: {  	s4 =	sld [smem:$0x3F96]  }
0x2a: {  	p0 =	seq.s32 s5, $0x0;
	s5 =	sld [smem:$0x3F97]  }
0x2b: {  	s6 =	sld [smem:$0x3F98]  }
0x2c: {  	s7 =	sld [smem:$0x3F99]  }
0x2d: {  	s3 =	simm.s32 $0x108;
	s8 =	sld [smem:$0x3F9A]  }
0x2e: {  	s3 =	simm.s32 @!p0 $0x1082;
	s9 =	sld [smem:$0x3F9B]  }
0x2f: {  	lr =	sadd.s32 s0, s3;
	s0 =	sld [smem:$0x3F92]  }
0x30: {  	s3 =	sld [smem:$0x3F95]  }
0x31: {  	[smem:$0x3F9E] =	sst s10  }
0x32: {  	s10 =	sld [smem:$0x3F9C];
	_ =	sdelay $0x3  }
0x33: {  	p0 =	seq.s32 s10, $0x1;
	s10 =	sld [smem:$0x3F9E];
	_ =	sdelay $0x3  }
0x34: {  	[smem:$0x3F9E] =	sst s10  }
0x35: {  	s10 =	sld [smem:$0x3F9D];
	_ =	sdelay $0x3  }
0x36: {  	p1 =	seq.s32 s10, $0x1;
	s10 =	sld [smem:$0x3F9E];
	_ =	sdelay $0x3  }
0x37: {  	[smem:$0x3F9E] =	sst s10  }
0x38: {  	s10 =	sld [smem:$0x3F9F]  }
0x39: {  	_ = 	snop;
	(pc) =	sbr.ind lr, $3  }
0x3a: {  	_ = 	snop  }
0x3b: {  	_ = 	snop  }
0x3c: {  	p2 =	seq.s32 s10, $0x1;
	s10 =	sld [smem:$0x3F9E]  }
0x3d: {  	_ =	shalt  }
0x3e: {  	_ =	shalt  }
0x3f: {  	_ =	shalt  }
0x40: {  	_ =	shalt  }
0x41: {  	_ =	shalt  }
0x42: {  	_ =	shalt  }
0x43: {  	_ =	shalt  }
0x44: {  	_ =	shalt  }
0x45: {  	_ =	shalt  }
0x46: {  	_ =	shalt  }
0x47: {  	_ =	shalt  }
0x48: {  	_ =	shalt  }
0x49: {  	_ =	shalt  }
0x4a: {  	_ =	shalt  }
0x4b: {  	_ =	shalt  }
0x4c: {  	_ =	shalt  }
0x4d: {  	_ =	shalt  }
0x4e: {  	_ =	shalt  }
0x4f: {  	_ =	shalt  }
0x50: {  	_ =	shalt  }
0x51: {  	_ =	shalt  }
0x52: {  	_ =	shalt  }
0x53: {  	_ =	shalt  }
0x54: {  	_ =	shalt  }
0x55: {  	_ =	shalt  }
0x56: {  	_ =	shalt  }
0x57: {  	_ =	shalt  }
0x58: {  	_ =	shalt  }
0x59: {  	_ =	shalt  }
0x5a: {  	_ =	shalt  }
0x5b: {  	_ =	shalt  }
0x5c: {  	_ =	shalt  }
0x5d: {  	_ =	shalt  }
0x5e: {  	_ =	shalt  }
0x5f: {  	_ =	shalt  }
0x60: {  	_ =	shalt  }
0x61: {  	_ =	shalt  }
0x62: {  	_ =	shalt  }
0x63: {  	_ =	shalt  }
0x64: {  	_ =	shalt  }
0x65: {  	_ =	shalt  }
0x66: {  	_ =	shalt  }
0x67: {  	_ =	shalt  }
0x68: {  	_ =	shalt  }
0x69: {  	_ =	shalt  }
0x6a: {  	_ =	shalt  }
0x6b: {  	_ =	shalt  }
0x6c: {  	_ =	shalt  }
0x6d: {  	_ =	shalt  }
0x6e: {  	_ =	shalt  }
0x6f: {  	_ =	shalt  }
0x70: {  	_ =	shalt  }
0x71: {  	_ =	shalt  }
0x72: {  	_ =	shalt  }
0x73: {  	_ =	shalt  }
0x74: {  	_ =	shalt  }
0x75: {  	_ =	shalt  }
0x76: {  	_ =	shalt  }
0x77: {  	_ =	shalt  }
0x78: {  	_ =	shalt  }
0x79: {  	_ =	shalt  }
0x7a: {  	_ =	shalt  }
0x7b: {  	_ =	shalt  }
0x7c: {  	_ =	shalt  }
0x7d: {  	_ =	shalt  }
0x7e: {  	_ =	shalt  }
0x7f: {  	_ =	shalt  }
0x80: {  	_ =	shalt  }
0x81: {  	_ =	shalt  }
0x82: {  	_ =	shalt  }
0x83: {  	_ =	shalt  }
0x84: {  	_ =	shalt  }
0x85: {  	_ =	shalt  }
0x86: {  	_ =	shalt  }
0x87: {  	_ =	shalt  }
.Lfunc_end0:
.L_simem_size_0:
called_computation.1_lowered:
.L_overlay_start_0:
0x88: {  	s2 =	sld [smem:$0x3FD9]  }
0x89: {  	s3 =	sld [smem:$0x3FFE];
	_ =	sdelay $0x1  }
0x8a: {  	s1 =	srdreg.scid  }
0x8b: {  	s0 =	sand.u32 $0x1, s1  }
0x8c: {  	s16 =	sshll.u32 s0, $0xA;
	s2 =	sadd.s32 s3, s2  }
0x8d: {  	s2 =	sadd.s32 s2, s16  }
0x8e: {  	[smem:$0x3FAA] =	sst s2  }
0x8f: {  	_ = 	snop  }
0x90: {  	(tm) =	ssettm $0x1  }
0x91: {  	s17 =	sld [smem:$0x3FFB];
	_ =	sdelay $0x3  }
0x92: {  	_ =	strace s17  }
0x93: {  	s2 =	sld [smem:$0x3FFC];
	_ =	sdelay $0x3  }
0x94: {  	_ =	strace s2  }
0x95: {  	s2 =	sld [smem:$0x3FFD];
	_ =	sdelay $0x3  }
0x96: {  	_ =	strace s2  }
0x97: {  	_ =	strace $0x8FFFFFFF  }
0x98: {  	s18 =	sld [smem:$0x3FDB];
	_ =	sdelay $0x1  }
0x99: {  	s19 =	simm.s32 $_scs_section_size  }
0x9a: {  	s4 =	simm.s32 $_size__tile_overlayer_lowered;
	s5 =	simm.s32 $_tile_overlayer_lowered  }
0x9b: {  	s22 =	simm.s32 $0x1BFF;
	s21 =	sshll.u32 s5, $0x1;
	s2 =	sadd.s32 s19, s18  }
0x9c: {  	s6 =	simm.s32 $0x0;
	s20 =	sshll.u32 s4, $0x1;
	s4 =	sadd.s32 s21, s2  }
0x9d: {  	[timem:s6], [sflag:s22] =	dma.local [hbm:s4], s20  }
0x9e: {  	_ =	swait.ge [sflag:s22], s20  }
0x9f: {  	s3 =	ssub.s32 $0x0, s20;
	[sflag:s22] =	ssyncset.done $0x0  }
0xa0: {  	[sflag:s22] =	ssyncadd.s32 s3;
	_ =	sdelay $0x1  }
0xa1: {  	s23 =	simm.s32 $0x1B8B  }
0xa2: {  	_ =	swait.ge [sflag:s23], $0x1  }
0xa3: {  	[sflag:s23] =	ssyncset.done $0x0  }
0xa4: {  	s25 =	simm.s32 $0x1B8E;
	s24 =	sld [smem:$0x3FFE];
	[sflag:s23] =	ssyncadd.s32 $0xFFFFFFFF  }
0xa5: {  	s26 =	simm.s32 $execute0_lowered;
	[smem:$0x3FD2] =	sst s25  }
0xa6: {  	s4 =	sshll.u32 s26, $0x1;
	_ =	strace $0x80000049;
	[dreg:$0x1] =	wrdreg $0xFFFFFFFF  }
0xa7: {  	s28 =	simm.s32 $_size_execute0_lowered;
	s2 =	sadd.s32 s2, s4;
	[dreg:$0x0] =	wrdreg $0x0  }
0xa8: {  	s4 =	sshll.u32 s28, $0x1;
	[dreg:$0x2] =	wrdreg s2  }
0xa9: {  	[dreg:$0x3] =	wrdreg s4  }
0xaa: {  	[dreg:$0x4] =	wrdreg $0xC0  }
0xab: {  	_ =	task [dreg:s6], $0x5FFFF  }
0xac: {  	[dreg:$0x1] =	wrdreg $0xFFFFFFFF  }
0xad: {  	[dreg:$0x0] =	wrdreg $0x60  }
0xae: {  	[dreg:$0x2] =	wrdreg s24  }
0xaf: {  	[dreg:$0x3] =	wrdreg $0x54000  }
0xb0: {  	[dreg:$0x4] =	wrdreg $0x9  }
0xb1: {  	_ =	task.clear_ibuf [dreg:s6], $0x5FFFF;
	_ =	strace $0x90000049  }
0xb2: {  	s29 =	simm.s32 $0x9;
	_ =	strace $0x8000004B  }
0xb3: {  	_ =	swait.ge [sflag:s29], $0x1  }
0xb4: {  	[sflag:s29] =	ssyncadd.s32 $0xFFFFFFFF  }
0xb5: {  	_ =	strace $0x9000004B  }
0xb6: {  	_ =	sfence  }
0xb7: {  	s30 =	sld [smem:$0x0];
	_ =	sdelay $0x2  }
0xb8: {  	s31 =	sshll.u32 s1, $0xD;
	s1 =	sshrl.u32 s1, $0x2  }
0xb9: {  	s3 =	sand.u32 $0x4000, s31;
	s1 =	sadd.s32 s1, s30  }
0xba: {  	s0 =	sor.u32 s3, s0;
	s1 =	sshll.u32 s1, $0x11  }
0xbb: {  	s0 =	sor.u32 s1, s0  }
0xbc: {  	s0 =	sadd.s32 $0x8F2B, s0  }
0xbd: {  	[sflag:s0] =	ssyncadd.remote.s32 $0x1  }
0xbe: {  	_ =	sfence.sel $0xFFFF  }
0xbf: {  	[dreg:$0x0] =	wrdreg $0xFFFFFFFF;
	(pc) =	sbr.abs _section_cstart, $3  }
0xc0: {  	[dreg:$0x1] =	wrdreg $0xFFFFFFFF  }
0xc1: {  	_ =	task.clear_ibuf [dreg:s6], $0x2FFFF;
	_ =	strace $0x9FFFFFFF  }
0xc2: {  	(tm) =	ssettm $0x7FFFFFFF  }
0xc3: {  	_ =	shalt  }
tec
execute0_lowered:
.L_overlay_start_1:
0x0: {  	(tag) =	ssettag $0x1  }
0x1: {  	s0 =	srdreg.scid;
	s5 =	rddreg [dreg:$0x0]  }
0x2: {  	s2 =	rddreg [dreg:$0x1];
	s4 =	sand.u32 $0x1, s0  }
0x3: {  	s3 =	simm.s32 $0x0;
	s0 =	stileid.u32;
	s6 =	smul.u32 $0x140000, s4  }
0x4: {  	s13 =	simm.s32 $0x80;
	s14 =	simm.s32 $0x0;
	s8 =	smul.u32 $0x13C00, s0  }
0x5: {  	[smem:$0x7FF] =	sst s3;
	s1 =	sshll.u32 s4, $0x4;
	s9 =	smul.u32 $0x13C000, s4  }
0x6: {  	s4 =	ssub.s32 $0x2, s4;
	s28 =	smul.u32 $0x4F000, s0;
	s30 =	sshll.u32 s0, $0x6  }
0x7: {  	s31 =	smul.u32 $0x14000, s0;
	s7 =	sor.u32 s0, s1;
	s1 =	rddreg [dreg:$0x2]  }
0x8: {  	_ =	strace $0x8000004A;
	s11 =	sshrl.u32 s4, $0x1;
	s7 =	smul.u32 $0x1400, s7  }
0x9: {  	s10 =	sadd.s32 s6, s5;
	s26 =	sshrl.u32 s8, $0x3;
	s8 =	sadd.s32 s8, s9  }
0xa: {  	s11 =	ssub.s32 s4, s11;
	s29 =	sshrl.u32 s28, $0x2;
	s8 =	sshrl.u32 s8, $0x3  }
0xb: {  	s12 =	sadd.s32 s29, s2;
	s9 =	sadd.s32 s31, s10;
	s7 =	sshrl.u32 s7, $0x3  }
0xc: {  	s8 =	sadd.s32 s8, s5;
	s9 =	sadd.s32 $0x56D800, s9;
	s10 =	sshrl.u32 s12, $0x3  }
0xd: {  	s12 =	simm.s32 $0x1400;
	s25 =	sadd.s32 s7, s5;
	s7 =	sadd.s32 s26, s5  }
0xe: {  	s5 =	sor.u32 $0x1C01, s30;
	s4 =	sadd.s32 $0x2FA000, s7;
	s6 =	sadd.s32 $0x2F5000, s25  }
0xf: {  	s7 =	sadd.s32 $0x321800, s8;
	s8 =	smax.u32 s11, $0x1;
	s11 =	simm.s32 $0x1  }
.LBB2_1:
0x10: {  	[spmem:s10], [sflag:s5] =	dma.local [hbm:s4], $0x2780  }
0x11: {  	_ =	swait.ge [sflag:s11], $0x2780  }
0x12: {  	[sflag:s11] =	ssyncset.done $0x0  }
0x13: {  	[sflag:s11] =	ssyncadd.s32 $0xFFFFD880  }
0x14: {  	[bflag:$0x0] =	sbarrier.arrive $0xFFFF  }
0x15: {  	[tilespmem:s3], [sflag:$0x1] =	stream.linear.gather [hbm4b:s6+s3], $0x1400, $0x38;
	[tilespmem:$0x19000] =	vst v63  }
0x16: {  	_ =	swait.ge [sflag:s11], $0x1400  }
0x17: {  	[sflag:s11] =	ssyncset.done $0x0  }
0x18: {  	[sflag:s11] =	ssyncadd.s32 $0xFFFFEC00  }
0x19: {  	[tilespmem:s12], [sflag:$0x1] =	stream.linear.gather [hbm4b:s9+s3], $0x4000, $0x38;
	[tilespmem:$0x19000] =	vst v63  }
0x1a: {  	_ =	swait.ge [sflag:s11], $0x4000  }
0x1b: {  	[sflag:s11] =	ssyncset.done $0x0  }
0x1c: {  	s15 =	simm.s32 $0x0;
	[sflag:s11] =	ssyncadd.s32 $0xFFFFC000  }
0x1d: {  	[spmem:s2] =	stream.indirect.scatter.add.f32 [tilespmem:s12], [sflag:$0x1], $0x80, s15, s13, $0xb8;
	[tilespmem:$0x19000] =	vst v63  }
0x1e: {  	_ =	swait.ge [sflag:s11], $0x4000  }
0x1f: {  	s16 =	smov.u32 s9;
	s15 =	simm.s32 $0x200;
	[sflag:s11] =	ssyncset.done $0x0  }
.LBB2_2:
0x20: {  	p0 =	sne.s32 s15, $0x4E00;
	[sflag:s11] =	ssyncadd.s32 $0xFFFFC000;
	s16 =	sadd.s32 $0x800, s16  }
0x21: {  	[tilespmem:s12], [sflag:$0x1] =	stream.linear.gather [hbm4b:s16+s3], $0x4000, $0x38;
	[tilespmem:$0x19000] =	vst v63  }
0x22: {  	s17 =	smov.u32 s15;
	s15 =	sadd.s32 $0x200, s15;
	_ =	swait.ge [sflag:s11], $0x4000  }
.Ltmp0:
0x23: {  	[sflag:s11] =	ssyncset.done $0x0;
	(pc) =	sbr.rel @p0 .LBB2_2-.Ltmp0, $4  }
0x24: {  	s17 =	sshra.s32 s17, $0x2;
	[sflag:s11] =	ssyncadd.s32 $0xFFFFC000  }
0x25: {  	[spmem:s2] =	stream.indirect.scatter.add.f32 [tilespmem:s12], [sflag:$0x1], $0x80, s17, s13, $0xb8;
	[tilespmem:$0x19000] =	vst v63  }
0x26: {  	_ =	swait.ge [sflag:s11], $0x4000  }
0x27: {  	[sflag:s11] =	ssyncset.done $0x0  }
0x28: {  	s14 =	sadd.s32 $0x1, s14  }
0x29: {  	[sflag:s11] =	ssyncadd.s32 $0xFFFFC000;
	p0 =	sne.s32 s14, s8  }
.Ltmp1:
0x2a: {  	[bflag:$0x0] =	sbarrier.arrive $0xFFFF;
	(pc) =	sbr.rel @p0 .LBB2_1-.Ltmp1, $4  }
0x2b: {  	[hbm:s7], [sflag:s5] =	dma.local [spmem:s10], $0x2780  }
0x2c: {  	_ =	swait.ge [sflag:s11], $0x2780  }
0x2d: {  	[sflag:s11] =	ssyncset.done $0x0  }
0x2e: {  	[sflag:s11] =	ssyncadd.s32 $0xFFFFD880  }
0x2f: {  	_ =	sfence.sel $0x180000  }
0x30: {  	[bflag:$0x0] =	sbarrier.arrive $0xFFFF  }
0x31: {  	p0 =	sne.s32 s0, $0x0;
	_ =	strace $0x9000004A  }
0x32: {  	s0 =	sadd.s32 @!p0 $0x100000, s1;
	[bflag:$0x2] =	sbarrier.arrive $0xFFFF  }
0x33: {  	[sflag:s0] =	ssyncadd.tile.s32 @!p0 $0x1;
	_ =	shalt  }
.Lfunc_end2:
_tile_overlayer_lowered:
.L_overlay_start_2:
0x34: {  	(tag) =	ssettag $0x2  }
0x35: {  	s0 =	rddreg [dreg:$0x0];
	s2 =	stileid.u32  }
0x36: {  	s1 =	rddreg [dreg:$0x1];
	p0 =	sne.s32 s2, $0x0  }
0x37: {  	s3 =	rddreg [dreg:$0x2];
	[bflag:$0x3] =	sbarrier.arrive $0xFFFF;
	s2 =	simm.s32 @!p0 $0x1C01  }
0x38: {  	[timem:s3], [sflag:s2] =	dma.local @!p0 [hbm:s0], s1  }
0x39: {  	s0 =	simm.s32 @!p0 $0x1  }
0x3a: {  	_ =	swait.ge @!p0 [sflag:s0], s1  }
0x3b: {  	s1 =	ssub.s32 @!p0 $0x0, s1;
	[sflag:s0] =	ssyncset.done @!p0 $0x0  }
0x3c: {  	[sflag:s0] =	ssyncadd.s32 @!p0 s1  }
0x3d: {  	[bflag:$0x3] =	sbarrier.arrive $0xFFFF  }
0x3e: {  	_ =	shalt  }

// kernel: kernel.35.cloned.1.call-start
scs
__scs_entry_jumppad:
0x0: {  	(pc) =	sbr.rel $0x88, $3  }
0x1: {  	(tag) =	ssettag $0x0;
	lr =	simm.s32 $0x1  }
0x2: {  	[smem:$0x3F83] =	sst lr;
	_ =	strace $0xD0000000  }
0x3: {  	_ = 	snop  }
0x4: {  	_ = 	snop  }
0x5: {  	_ = 	snop  }
0x6: {  	_ = 	snop  }
0x7: {  	_ = 	snop  }
__scs_overlays_trampoline_lowered:
0x8: {  	[smem:$0x3F92] =	sst s0  }
0x9: {  	[smem:$0x3F93] =	sst s1  }
0xa: {  	[smem:$0x3F94] =	sst s2  }
0xb: {  	[smem:$0x3F95] =	sst s3  }
0xc: {  	[smem:$0x3F96] =	sst s4  }
0xd: {  	[smem:$0x3F97] =	sst s5  }
0xe: {  	[smem:$0x3F98] =	sst s6  }
0xf: {  	[smem:$0x3F99] =	sst s7  }
0x10: {  	[smem:$0x3F9A] =	sst s8  }
0x11: {  	[smem:$0x3F9B] =	sst s9;
	s0 =	simm.s32 @!p0 $0x0  }
0x12: {  	s1 =	sld [smem:$0x3F81];
	s0 =	simm.s32 @p0 $0x1  }
0x13: {  	[smem:$0x3F9C] =	sst s0;
	s0 =	simm.s32 @!p1 $0x0  }
0x14: {  	s2 =	sld [smem:$0x3F80];
	s0 =	simm.s32 @p1 $0x1  }
0x15: {  	[smem:$0x3F9D] =	sst s0;
	s0 =	simm.s32 @!p2 $0x0  }
0x16: {  	s3 =	sld [smem:$0x3FDB];
	s0 =	simm.s32 @p2 $0x1  }
0x17: {  	s4 =	simm.s32 $0x1BF5;
	[smem:$0x3F9F] =	sst s0  }
0x18: {  	s0 =	sld [smem:$0x3F82];
	_ =	swait.ge [sflag:s4], $0x0  }
0x19: {  	s7 =	sld [smem:$0x3F83]  }
0x1a: {  	s8 =	sadd.s32 $0xFFFFE003, lr  }
0x1b: {  	s9 =	sadd.s32 $0xFFFFFEF7, lr;
	s5 =	simm.s32 $0xFFFFFFFF;
	p2 =	slt.u32 s8, $0xFFFFF086  }
0x1c: {  	p1 =	slt.u32 s9, $0xF7A;
	s5 =	simm.s32 @!p2 $0x0  }
0x1d: {  	s5 =	simm.s32 @p1 $0x1;
	p0 =	seq.s32 s7, s2  }
0x1e: {  	s7 =	smul.u32 @!p0 $0xF7A, s2;
	p2 =	seq.s32 @!p0 s5, $0x0  }
0x1f: {  	s9 =	smul.u32 $0xF7A, s1;
	s8 =	simm.s32 @!p0 $0x1BF5;
	p2 =	por !p2, p0  }
0x20: {  	[sflag:s8] =	ssyncset.s32 @!p0 $0xFFFFF086;
	s6 =	sadd.s32 @!p0 s3, s7;
	s7 =	simm.s32 @!p0 $0x108  }
0x21: {  	s3 =	sadd.s32 s3, s9;
	s6 =	sadd.s32 @!p0 $0x88, s6;
	s7 =	simm.s32 @p2 $0x1082  }
0x22: {  	[simem:s7], [sflag:s8] =	dma.local @!p0 [hbm:s6], $0xF7A  }
0x23: {  	s9 =	sor.u32 $0xD0000000, s2;
	s6 =	simm.s32 $0x108;
	_ =	swait.ge @!p0 [sflag:s8], $0x0  }
0x24: {  	s3 =	sadd.s32 $0x88, s3;
	s6 =	simm.s32 @!p1 $0x1082;
	[sflag:s4] =	ssyncset.s32 $0xFFFFF086  }
0x25: {  	[simem:s6], [sflag:s4] =	dma.local [hbm:s3], $0xF7A  }
0x26: {  	[smem:$0x3F83] =	sst s1;
	(tag) =	ssettag s2;
	_ =	strace s9  }
0x27: {  	s1 =	sld [smem:$0x3F93]  }
0x28: {  	s2 =	sld [smem:$0x3F94]  }
0x29: {  	s4 =	sld [smem:$0x3F96]  }
0x2a: {  	p0 =	seq.s32 s5, $0x0;
	s5 =	sld [smem:$0x3F97]  }
0x2b: {  	s6 =	sld [smem:$0x3F98]  }
0x2c: {  	s7 =	sld [smem:$0x3F99]  }
0x2d: {  	s3 =	simm.s32 $0x108;
	s8 =	sld [smem:$0x3F9A]  }
0x2e: {  	s3 =	simm.s32 @!p0 $0x1082;
	s9 =	sld [smem:$0x3F9B]  }
0x2f: {  	lr =	sadd.s32 s0, s3;
	s0 =	sld [smem:$0x3F92]  }
0x30: {  	s3 =	sld [smem:$0x3F95]  }
0x31: {  	[smem:$0x3F9E] =	sst s10  }
0x32: {  	s10 =	sld [smem:$0x3F9C];
	_ =	sdelay $0x3  }
0x33: {  	p0 =	seq.s32 s10, $0x1;
	s10 =	sld [smem:$0x3F9E];
	_ =	sdelay $0x3  }
0x34: {  	[smem:$0x3F9E] =	sst s10  }
0x35: {  	s10 =	sld [smem:$0x3F9D];
	_ =	sdelay $0x3  }
0x36: {  	p1 =	seq.s32 s10, $0x1;
	s10 =	sld [smem:$0x3F9E];
	_ =	sdelay $0x3  }
0x37: {  	[smem:$0x3F9E] =	sst s10  }
0x38: {  	s10 =	sld [smem:$0x3F9F]  }
0x39: {  	_ = 	snop;
	(pc) =	sbr.ind lr, $3  }
0x3a: {  	_ = 	snop  }
0x3b: {  	_ = 	snop  }
0x3c: {  	p2 =	seq.s32 s10, $0x1;
	s10 =	sld [smem:$0x3F9E]  }
0x3d: {  	_ =	shalt  }
0x3e: {  	_ =	shalt  }
0x3f: {  	_ =	shalt  }
0x40: {  	_ =	shalt  }
0x41: {  	_ =	shalt  }
0x42: {  	_ =	shalt  }
0x43: {  	_ =	shalt  }
0x44: {  	_ =	shalt  }
0x45: {  	_ =	shalt  }
0x46: {  	_ =	shalt  }
0x47: {  	_ =	shalt  }
0x48: {  	_ =	shalt  }
0x49: {  	_ =	shalt  }
0x4a: {  	_ =	shalt  }
0x4b: {  	_ =	shalt  }
0x4c: {  	_ =	shalt  }
0x4d: {  	_ =	shalt  }
0x4e: {  	_ =	shalt  }
0x4f: {  	_ =	shalt  }
0x50: {  	_ =	shalt  }
0x51: {  	_ =	shalt  }
0x52: {  	_ =	shalt  }
0x53: {  	_ =	shalt  }
0x54: {  	_ =	shalt  }
0x55: {  	_ =	shalt  }
0x56: {  	_ =	shalt  }
0x57: {  	_ =	shalt  }
0x58: {  	_ =	shalt  }
0x59: {  	_ =	shalt  }
0x5a: {  	_ =	shalt  }
0x5b: {  	_ =	shalt  }
0x5c: {  	_ =	shalt  }
0x5d: {  	_ =	shalt  }
0x5e: {  	_ =	shalt  }
0x5f: {  	_ =	shalt  }
0x60: {  	_ =	shalt  }
0x61: {  	_ =	shalt  }
0x62: {  	_ =	shalt  }
0x63: {  	_ =	shalt  }
0x64: {  	_ =	shalt  }
0x65: {  	_ =	shalt  }
0x66: {  	_ =	shalt  }
0x67: {  	_ =	shalt  }
0x68: {  	_ =	shalt  }
0x69: {  	_ =	shalt  }
0x6a: {  	_ =	shalt  }
0x6b: {  	_ =	shalt  }
0x6c: {  	_ =	shalt  }
0x6d: {  	_ =	shalt  }
0x6e: {  	_ =	shalt  }
0x6f: {  	_ =	shalt  }
0x70: {  	_ =	shalt  }
0x71: {  	_ =	shalt  }
0x72: {  	_ =	shalt  }
0x73: {  	_ =	shalt  }
0x74: {  	_ =	shalt  }
0x75: {  	_ =	shalt  }
0x76: {  	_ =	shalt  }
0x77: {  	_ =	shalt  }
0x78: {  	_ =	shalt  }
0x79: {  	_ =	shalt  }
0x7a: {  	_ =	shalt  }
0x7b: {  	_ =	shalt  }
0x7c: {  	_ =	shalt  }
0x7d: {  	_ =	shalt  }
0x7e: {  	_ =	shalt  }
0x7f: {  	_ =	shalt  }
0x80: {  	_ =	shalt  }
0x81: {  	_ =	shalt  }
0x82: {  	_ =	shalt  }
0x83: {  	_ =	shalt  }
0x84: {  	_ =	shalt  }
0x85: {  	_ =	shalt  }
0x86: {  	_ =	shalt  }
0x87: {  	_ =	shalt  }
.Lfunc_end0:
.L_simem_size_0:
called_computation.2_lowered:
.L_overlay_start_0:
0x88: {  	s2 =	sld [smem:$0x3FD9]  }
0x89: {  	s3 =	sld [smem:$0x3FFE];
	_ =	sdelay $0x1  }
0x8a: {  	s1 =	srdreg.scid  }
0x8b: {  	s0 =	sand.u32 $0x1, s1  }
0x8c: {  	s16 =	sshll.u32 s0, $0xA;
	s2 =	sadd.s32 s3, s2  }
0x8d: {  	s2 =	sadd.s32 s2, s16  }
0x8e: {  	[smem:$0x3FAA] =	sst s2  }
0x8f: {  	_ = 	snop  }
0x90: {  	(tm) =	ssettm $0x1  }
0x91: {  	s17 =	sld [smem:$0x3FFB];
	_ =	sdelay $0x3  }
0x92: {  	_ =	strace s17  }
0x93: {  	s2 =	sld [smem:$0x3FFC];
	_ =	sdelay $0x3  }
0x94: {  	_ =	strace s2  }
0x95: {  	s2 =	sld [smem:$0x3FFD];
	_ =	sdelay $0x3  }
0x96: {  	_ =	strace s2  }
0x97: {  	_ =	strace $0x8FFFFFFF  }
0x98: {  	s18 =	sld [smem:$0x3FDB];
	_ =	sdelay $0x1  }
0x99: {  	s19 =	simm.s32 $_scs_section_size  }
0x9a: {  	s4 =	simm.s32 $_size__tile_overlayer_lowered;
	s5 =	simm.s32 $_tile_overlayer_lowered  }
0x9b: {  	s22 =	simm.s32 $0x1BFF;
	s21 =	sshll.u32 s5, $0x1;
	s2 =	sadd.s32 s19, s18  }
0x9c: {  	s6 =	simm.s32 $0x0;
	s20 =	sshll.u32 s4, $0x1;
	s4 =	sadd.s32 s21, s2  }
0x9d: {  	[timem:s6], [sflag:s22] =	dma.local [hbm:s4], s20  }
0x9e: {  	_ =	swait.ge [sflag:s22], s20  }
0x9f: {  	s3 =	ssub.s32 $0x0, s20;
	[sflag:s22] =	ssyncset.done $0x0  }
0xa0: {  	[sflag:s22] =	ssyncadd.s32 s3;
	_ =	sdelay $0x1  }
0xa1: {  	s23 =	simm.s32 $0x1B8B  }
0xa2: {  	_ =	swait.ge [sflag:s23], $0x1  }
0xa3: {  	[sflag:s23] =	ssyncset.done $0x0  }
0xa4: {  	s25 =	simm.s32 $0x1B8E;
	s24 =	sld [smem:$0x3FFE];
	[sflag:s23] =	ssyncadd.s32 $0xFFFFFFFF  }
0xa5: {  	s26 =	simm.s32 $execute0_lowered;
	[smem:$0x3FD2] =	sst s25  }
0xa6: {  	s4 =	sshll.u32 s26, $0x1;
	_ =	strace $0x8000004C;
	[dreg:$0x1] =	wrdreg $0xFFFFFFFF  }
0xa7: {  	s28 =	simm.s32 $_size_execute0_lowered;
	s2 =	sadd.s32 s2, s4;
	[dreg:$0x0] =	wrdreg $0x0  }
0xa8: {  	s4 =	sshll.u32 s28, $0x1;
	[dreg:$0x2] =	wrdreg s2  }
0xa9: {  	[dreg:$0x3] =	wrdreg s4  }
0xaa: {  	[dreg:$0x4] =	wrdreg $0xC0  }
0xab: {  	_ =	task [dreg:s6], $0x5FFFF  }
0xac: {  	[dreg:$0x1] =	wrdreg $0xFFFFFFFF  }
0xad: {  	[dreg:$0x0] =	wrdreg $0x60  }
0xae: {  	[dreg:$0x2] =	wrdreg s24  }
0xaf: {  	[dreg:$0x3] =	wrdreg $0x9  }
0xb0: {  	_ =	task.clear_ibuf [dreg:s6], $0x4FFFF;
	_ =	strace $0x9000004C  }
0xb1: {  	s29 =	simm.s32 $0x9;
	_ =	strace $0x8000004E  }
0xb2: {  	_ =	swait.ge [sflag:s29], $0x1  }
0xb3: {  	[sflag:s29] =	ssyncadd.s32 $0xFFFFFFFF  }
0xb4: {  	_ =	strace $0x9000004E  }
0xb5: {  	_ =	sfence  }
0xb6: {  	s30 =	sld [smem:$0x0];
	_ =	sdelay $0x2  }
0xb7: {  	s31 =	sshll.u32 s1, $0xD;
	s1 =	sshrl.u32 s1, $0x2  }
0xb8: {  	s3 =	sand.u32 $0x4000, s31;
	s1 =	sadd.s32 s1, s30  }
0xb9: {  	s0 =	sor.u32 s3, s0;
	s1 =	sshll.u32 s1, $0x11  }
0xba: {  	s0 =	sor.u32 s1, s0  }
0xbb: {  	s0 =	sadd.s32 $0x8F2B, s0  }
0xbc: {  	[sflag:s0] =	ssyncadd.remote.s32 $0x1  }
0xbd: {  	_ =	sfence.sel $0xFFFF  }
0xbe: {  	[dreg:$0x0] =	wrdreg $0xFFFFFFFF;
	(pc) =	sbr.abs _section_cstart, $3  }
0xbf: {  	[dreg:$0x1] =	wrdreg $0xFFFFFFFF  }
0xc0: {  	_ =	task.clear_ibuf [dreg:s6], $0x2FFFF;
	_ =	strace $0x9FFFFFFF  }
0xc1: {  	(tm) =	ssettm $0x7FFFFFFF  }
tec
execute0_lowered:
.L_overlay_start_1:
0x0: {  	(tag) =	ssettag $0x1  }
0x1: {  	s4 =	rddreg [dreg:$0x0];
	s1 =	srdreg.scid  }
0x2: {  	s0 =	rddreg [dreg:$0x1];
	s2 =	simm.s32 $0x0;
	s10 =	simm.s32 $0x1  }
0x3: {  	s11 =	simm.s32 $0x0;
	s5 =	sand.u32 $0x1, s1;
	s1 =	stileid.u32  }
0x4: {  	[smem:$0x7FF] =	sst s2;
	s3 =	sshll.u32 s5, $0x4;
	s7 =	smul.u32 $0x140000, s5  }
0x5: {  	s5 =	ssub.s32 $0x2, s5;
	s9 =	smul.u32 $0x14000, s1;
	s3 =	sor.u32 s1, s3  }
0x6: {  	_ =	strace $0x8000004D;
	s8 =	sshrl.u32 s5, $0x1;
	s6 =	smul.u32 $0x1400, s3  }
0x7: {  	s3 =	sadd.s32 $0x321800, s4;
	s7 =	sadd.s32 s7, s4;
	s5 =	ssub.s32 s5, s8  }
0x8: {  	s8 =	simm.s32 $0x80;
	s5 =	smax.u32 s5, $0x1;
	s6 =	sshrl.u32 s6, $0x3  }
0x9: {  	s31 =	sadd.s32 s9, s7;
	s7 =	simm.s32 $0x2;
	s6 =	sadd.s32 s6, s4  }
0xa: {  	s9 =	simm.s32 $0x1400;
	s4 =	sadd.s32 $0x15C00, s6;
	s6 =	sadd.s32 $0x1AC00, s31  }
.LBB2_1:
0xb: {  	[tilespmem:s2], [sflag:$0x2] =	stream.linear.gather [hbm4b:s4+s2], $0x1400, $0x38;
	[tilespmem:$0x5400] =	vst v63  }
0xc: {  	_ =	swait.ge [sflag:s7], $0x1400  }
0xd: {  	[sflag:s7] =	ssyncset.done $0x0  }
0xe: {  	s12 =	simm.s32 $0x0;
	[sflag:s7] =	ssyncadd.s32 $0xFFFFEC00  }
0xf: {  	[tilespmem:s9], [sflag:$0x1] =	stream.indirect.gather [hbm4b:s3+s8], $0x80, s12, s8, $0xb8;
	[tilespmem:$0x5400] =	vst v63  }
0x10: {  	_ =	swait.ge [sflag:s10], $0x4000  }
0x11: {  	[sflag:s10] =	ssyncset.done $0x0  }
0x12: {  	[sflag:s10] =	ssyncadd.s32 $0xFFFFC000  }
0x13: {  	[hbm4b:s6+s2] =	stream.linear.scatter [tilespmem:s9], [sflag:$0x2], $0x4000, $0x38;
	[tilespmem:$0x5400] =	vst v63  }
0x14: {  	s13 =	simm.s32 $0x200;
	_ =	swait.ge [sflag:s7], $0x4000  }
0x15: {  	s14 =	simm.s32 $0x400;
	s12 =	sadd.s32 $0x800, s6;
	[sflag:s7] =	ssyncset.done $0x0  }
.LBB2_2:
0x16: {  	s15 =	sshra.s32 s13, $0x2  }
0x17: {  	[sflag:s7] =	ssyncadd.s32 $0xFFFFC000;
	s13 =	smov.u32 s14;
	s16 =	sadd.s32 $0x200, s14  }
0x18: {  	[tilespmem:s9], [sflag:$0x1] =	stream.indirect.gather [hbm4b:s3+s8], $0x80, s15, s8, $0xb8;
	[tilespmem:$0x5400] =	vst v63  }
0x19: {  	p0 =	sne.s32 s14, $0x4E00;
	_ =	swait.ge [sflag:s10], $0x4000  }
.Ltmp0:
0x1a: {  	[sflag:s10] =	ssyncset.done $0x0;
	(pc) =	sbr.rel @p0 .LBB2_2-.Ltmp0, $4  }
0x1b: {  	[sflag:s10] =	ssyncadd.s32 $0xFFFFC000  }
0x1c: {  	[hbm4b:s12+s2] =	stream.linear.scatter [tilespmem:s9], [sflag:$0x2], $0x4000, $0x38;
	[tilespmem:$0x5400] =	vst v63  }
0x1d: {  	_ =	swait.ge [sflag:s7], $0x4000  }
0x1e: {  	s14 =	smov.u32 s16;
	s12 =	sadd.s32 $0x800, s12;
	[sflag:s7] =	ssyncset.done $0x0  }
0x1f: {  	s13 =	sshra.s32 s13, $0x2;
	[sflag:s7] =	ssyncadd.s32 $0xFFFFC000  }
0x20: {  	[tilespmem:s9], [sflag:$0x1] =	stream.indirect.gather [hbm4b:s3+s8], $0x80, s13, s8, $0xb8;
	[tilespmem:$0x5400] =	vst v63  }
0x21: {  	s11 =	sadd.s32 $0x1, s11;
	_ =	swait.ge [sflag:s10], $0x4000  }
0x22: {  	p0 =	sne.s32 s11, s5;
	[sflag:s10] =	ssyncset.done $0x0  }
.Ltmp1:
0x23: {  	[sflag:s10] =	ssyncadd.s32 $0xFFFFC000;
	(pc) =	sbr.rel @p0 .LBB2_1-.Ltmp1, $4  }
0x24: {  	[hbm4b:s12+s2] =	stream.linear.scatter [tilespmem:s9], [sflag:$0x2], $0x4000, $0x38;
	[tilespmem:$0x5400] =	vst v63  }
0x25: {  	_ =	swait.ge [sflag:s7], $0x4000  }
0x26: {  	[sflag:s7] =	ssyncset.done $0x0  }
0x27: {  	[sflag:s7] =	ssyncadd.s32 $0xFFFFC000  }
0x28: {  	_ =	sfence.sel $0x180000  }
0x29: {  	[bflag:$0x0] =	sbarrier.arrive $0xFFFF  }
0x2a: {  	p0 =	sne.s32 s1, $0x0;
	_ =	strace $0x9000004D  }
0x2b: {  	s0 =	sadd.s32 @!p0 $0x100000, s0;
	[bflag:$0x2] =	sbarrier.arrive $0xFFFF  }
0x2c: {  	[sflag:s0] =	ssyncadd.tile.s32 @!p0 $0x1;
	_ =	shalt  }
.Lfunc_end2:
_tile_overlayer_lowered:
.L_overlay_start_2:
0x2d: {  	(tag) =	ssettag $0x2  }
0x2e: {  	s0 =	rddreg [dreg:$0x0];
	s2 =	stileid.u32  }
0x2f: {  	s1 =	rddreg [dreg:$0x1];
	p0 =	sne.s32 s2, $0x0  }
0x30: {  	s3 =	rddreg [dreg:$0x2];
	[bflag:$0x3] =	sbarrier.arrive $0xFFFF;
	s2 =	simm.s32 @!p0 $0x1C02  }
0x31: {  	[timem:s3], [sflag:s2] =	dma.local @!p0 [hbm:s0], s1  }
0x32: {  	s0 =	simm.s32 @!p0 $0x2  }
0x33: {  	_ =	swait.ge @!p0 [sflag:s0], s1  }
0x34: {  	s1 =	ssub.s32 @!p0 $0x0, s1;
	[sflag:s0] =	ssyncset.done @!p0 $0x0  }
0x35: {  	[sflag:s0] =	ssyncadd.s32 @!p0 s1  }
0x36: {  	[bflag:$0x3] =	sbarrier.arrive $0xFFFF  }
0x37: {  	_ =	shalt  }

// kernel: kernel.38.cloned.1.call-start
scs
__scs_entry_jumppad:
0x0: {  	(pc) =	sbr.rel $0x88, $3  }
0x1: {  	(tag) =	ssettag $0x0;
	lr =	simm.s32 $0x1  }
0x2: {  	[smem:$0x3F83] =	sst lr;
	_ =	strace $0xD0000000  }
0x3: {  	_ = 	snop  }
0x4: {  	_ = 	snop  }
0x5: {  	_ = 	snop  }
0x6: {  	_ = 	snop  }
0x7: {  	_ = 	snop  }
__scs_overlays_trampoline_lowered:
0x8: {  	[smem:$0x3F92] =	sst s0  }
0x9: {  	[smem:$0x3F93] =	sst s1  }
0xa: {  	[smem:$0x3F94] =	sst s2  }
0xb: {  	[smem:$0x3F95] =	sst s3  }
0xc: {  	[smem:$0x3F96] =	sst s4  }
0xd: {  	[smem:$0x3F97] =	sst s5  }
0xe: {  	[smem:$0x3F98] =	sst s6  }
0xf: {  	[smem:$0x3F99] =	sst s7  }
0x10: {  	[smem:$0x3F9A] =	sst s8  }
0x11: {  	[smem:$0x3F9B] =	sst s9;
	s0 =	simm.s32 @!p0 $0x0  }
0x12: {  	s1 =	sld [smem:$0x3F81];
	s0 =	simm.s32 @p0 $0x1  }
0x13: {  	[smem:$0x3F9C] =	sst s0;
	s0 =	simm.s32 @!p1 $0x0  }
0x14: {  	s2 =	sld [smem:$0x3F80];
	s0 =	simm.s32 @p1 $0x1  }
0x15: {  	[smem:$0x3F9D] =	sst s0;
	s0 =	simm.s32 @!p2 $0x0  }
0x16: {  	s3 =	sld [smem:$0x3FDB];
	s0 =	simm.s32 @p2 $0x1  }
0x17: {  	s4 =	simm.s32 $0x1BF5;
	[smem:$0x3F9F] =	sst s0  }
0x18: {  	s0 =	sld [smem:$0x3F82];
	_ =	swait.ge [sflag:s4], $0x0  }
0x19: {  	s7 =	sld [smem:$0x3F83]  }
0x1a: {  	s8 =	sadd.s32 $0xFFFFE003, lr  }
0x1b: {  	s9 =	sadd.s32 $0xFFFFFEF7, lr;
	s5 =	simm.s32 $0xFFFFFFFF;
	p2 =	slt.u32 s8, $0xFFFFF086  }
0x1c: {  	p1 =	slt.u32 s9, $0xF7A;
	s5 =	simm.s32 @!p2 $0x0  }
0x1d: {  	s5 =	simm.s32 @p1 $0x1;
	p0 =	seq.s32 s7, s2  }
0x1e: {  	s7 =	smul.u32 @!p0 $0xF7A, s2;
	p2 =	seq.s32 @!p0 s5, $0x0  }
0x1f: {  	s9 =	smul.u32 $0xF7A, s1;
	s8 =	simm.s32 @!p0 $0x1BF5;
	p2 =	por !p2, p0  }
0x20: {  	[sflag:s8] =	ssyncset.s32 @!p0 $0xFFFFF086;
	s6 =	sadd.s32 @!p0 s3, s7;
	s7 =	simm.s32 @!p0 $0x108  }
0x21: {  	s3 =	sadd.s32 s3, s9;
	s6 =	sadd.s32 @!p0 $0x88, s6;
	s7 =	simm.s32 @p2 $0x1082  }
0x22: {  	[simem:s7], [sflag:s8] =	dma.local @!p0 [hbm:s6], $0xF7A  }
0x23: {  	s9 =	sor.u32 $0xD0000000, s2;
	s6 =	simm.s32 $0x108;
	_ =	swait.ge @!p0 [sflag:s8], $0x0  }
0x24: {  	s3 =	sadd.s32 $0x88, s3;
	s6 =	simm.s32 @!p1 $0x1082;
	[sflag:s4] =	ssyncset.s32 $0xFFFFF086  }
0x25: {  	[simem:s6], [sflag:s4] =	dma.local [hbm:s3], $0xF7A  }
0x26: {  	[smem:$0x3F83] =	sst s1;
	(tag) =	ssettag s2;
	_ =	strace s9  }
0x27: {  	s1 =	sld [smem:$0x3F93]  }
0x28: {  	s2 =	sld [smem:$0x3F94]  }
0x29: {  	s4 =	sld [smem:$0x3F96]  }
0x2a: {  	p0 =	seq.s32 s5, $0x0;
	s5 =	sld [smem:$0x3F97]  }
0x2b: {  	s6 =	sld [smem:$0x3F98]  }
0x2c: {  	s7 =	sld [smem:$0x3F99]  }
0x2d: {  	s3 =	simm.s32 $0x108;
	s8 =	sld [smem:$0x3F9A]  }
0x2e: {  	s3 =	simm.s32 @!p0 $0x1082;
	s9 =	sld [smem:$0x3F9B]  }
0x2f: {  	lr =	sadd.s32 s0, s3;
	s0 =	sld [smem:$0x3F92]  }
0x30: {  	s3 =	sld [smem:$0x3F95]  }
0x31: {  	[smem:$0x3F9E] =	sst s10  }
0x32: {  	s10 =	sld [smem:$0x3F9C];
	_ =	sdelay $0x3  }
0x33: {  	p0 =	seq.s32 s10, $0x1;
	s10 =	sld [smem:$0x3F9E];
	_ =	sdelay $0x3  }
0x34: {  	[smem:$0x3F9E] =	sst s10  }
0x35: {  	s10 =	sld [smem:$0x3F9D];
	_ =	sdelay $0x3  }
0x36: {  	p1 =	seq.s32 s10, $0x1;
	s10 =	sld [smem:$0x3F9E];
	_ =	sdelay $0x3  }
0x37: {  	[smem:$0x3F9E] =	sst s10  }
0x38: {  	s10 =	sld [smem:$0x3F9F]  }
0x39: {  	_ = 	snop;
	(pc) =	sbr.ind lr, $3  }
0x3a: {  	_ = 	snop  }
0x3b: {  	_ = 	snop  }
0x3c: {  	p2 =	seq.s32 s10, $0x1;
	s10 =	sld [smem:$0x3F9E]  }
0x3d: {  	_ =	shalt  }
0x3e: {  	_ =	shalt  }
0x3f: {  	_ =	shalt  }
0x40: {  	_ =	shalt  }
0x41: {  	_ =	shalt  }
0x42: {  	_ =	shalt  }
0x43: {  	_ =	shalt  }
0x44: {  	_ =	shalt  }
0x45: {  	_ =	shalt  }
0x46: {  	_ =	shalt  }
0x47: {  	_ =	shalt  }
0x48: {  	_ =	shalt  }
0x49: {  	_ =	shalt  }
0x4a: {  	_ =	shalt  }
0x4b: {  	_ =	shalt  }
0x4c: {  	_ =	shalt  }
0x4d: {  	_ =	shalt  }
0x4e: {  	_ =	shalt  }
0x4f: {  	_ =	shalt  }
0x50: {  	_ =	shalt  }
0x51: {  	_ =	shalt  }
0x52: {  	_ =	shalt  }
0x53: {  	_ =	shalt  }
0x54: {  	_ =	shalt  }
0x55: {  	_ =	shalt  }
0x56: {  	_ =	shalt  }
0x57: {  	_ =	shalt  }
0x58: {  	_ =	shalt  }
0x59: {  	_ =	shalt  }
0x5a: {  	_ =	shalt  }
0x5b: {  	_ =	shalt  }
0x5c: {  	_ =	shalt  }
0x5d: {  	_ =	shalt  }
0x5e: {  	_ =	shalt  }
0x5f: {  	_ =	shalt  }
0x60: {  	_ =	shalt  }
0x61: {  	_ =	shalt  }
0x62: {  	_ =	shalt  }
0x63: {  	_ =	shalt  }
0x64: {  	_ =	shalt  }
0x65: {  	_ =	shalt  }
0x66: {  	_ =	shalt  }
0x67: {  	_ =	shalt  }
0x68: {  	_ =	shalt  }
0x69: {  	_ =	shalt  }
0x6a: {  	_ =	shalt  }
0x6b: {  	_ =	shalt  }
0x6c: {  	_ =	shalt  }
0x6d: {  	_ =	shalt  }
0x6e: {  	_ =	shalt  }
0x6f: {  	_ =	shalt  }
0x70: {  	_ =	shalt  }
0x71: {  	_ =	shalt  }
0x72: {  	_ =	shalt  }
0x73: {  	_ =	shalt  }
0x74: {  	_ =	shalt  }
0x75: {  	_ =	shalt  }
0x76: {  	_ =	shalt  }
0x77: {  	_ =	shalt  }
0x78: {  	_ =	shalt  }
0x79: {  	_ =	shalt  }
0x7a: {  	_ =	shalt  }
0x7b: {  	_ =	shalt  }
0x7c: {  	_ =	shalt  }
0x7d: {  	_ =	shalt  }
0x7e: {  	_ =	shalt  }
0x7f: {  	_ =	shalt  }
0x80: {  	_ =	shalt  }
0x81: {  	_ =	shalt  }
0x82: {  	_ =	shalt  }
0x83: {  	_ =	shalt  }
0x84: {  	_ =	shalt  }
0x85: {  	_ =	shalt  }
0x86: {  	_ =	shalt  }
0x87: {  	_ =	shalt  }
.Lfunc_end0:
.L_simem_size_0:
called_computation.3_lowered:
.L_overlay_start_0:
0x88: {  	s2 =	sld [smem:$0x3FD9]  }
0x89: {  	s3 =	sld [smem:$0x3FFE];
	_ =	sdelay $0x1  }
0x8a: {  	s1 =	srdreg.scid  }
0x8b: {  	s0 =	sand.u32 $0x1, s1  }
0x8c: {  	s16 =	sshll.u32 s0, $0xA;
	s2 =	sadd.s32 s3, s2  }
0x8d: {  	s2 =	sadd.s32 s2, s16  }
0x8e: {  	[smem:$0x3FAA] =	sst s2  }
0x8f: {  	_ = 	snop  }
0x90: {  	(tm) =	ssettm $0x1  }
0x91: {  	s17 =	sld [smem:$0x3FFB];
	_ =	sdelay $0x3  }
0x92: {  	_ =	strace s17  }
0x93: {  	s2 =	sld [smem:$0x3FFC];
	_ =	sdelay $0x3  }
0x94: {  	_ =	strace s2  }
0x95: {  	s2 =	sld [smem:$0x3FFD];
	_ =	sdelay $0x3  }
0x96: {  	_ =	strace s2  }
0x97: {  	_ =	strace $0x8FFFFFFF  }
0x98: {  	s18 =	sld [smem:$0x3FDB];
	_ =	sdelay $0x1  }
0x99: {  	s19 =	simm.s32 $_scs_section_size  }
0x9a: {  	s4 =	simm.s32 $_size__tile_overlayer_lowered;
	s5 =	simm.s32 $_tile_overlayer_lowered  }
0x9b: {  	s22 =	simm.s32 $0x1BFF;
	s21 =	sshll.u32 s5, $0x1;
	s2 =	sadd.s32 s19, s18  }
0x9c: {  	s6 =	simm.s32 $0x0;
	s20 =	sshll.u32 s4, $0x1;
	s4 =	sadd.s32 s21, s2  }
0x9d: {  	[timem:s6], [sflag:s22] =	dma.local [hbm:s4], s20  }
0x9e: {  	_ =	swait.ge [sflag:s22], s20  }
0x9f: {  	s3 =	ssub.s32 $0x0, s20;
	[sflag:s22] =	ssyncset.done $0x0  }
0xa0: {  	[sflag:s22] =	ssyncadd.s32 s3;
	_ =	sdelay $0x1  }
0xa1: {  	s23 =	simm.s32 $0x1B8B  }
0xa2: {  	_ =	swait.ge [sflag:s23], $0x1  }
0xa3: {  	[sflag:s23] =	ssyncset.done $0x0  }
0xa4: {  	s25 =	simm.s32 $0x1B8E;
	s24 =	sld [smem:$0x3FFE];
	[sflag:s23] =	ssyncadd.s32 $0xFFFFFFFF  }
0xa5: {  	s26 =	simm.s32 $execute0_lowered;
	[smem:$0x3FD2] =	sst s25  }
0xa6: {  	s4 =	sshll.u32 s26, $0x1;
	_ =	strace $0x8000004F;
	[dreg:$0x1] =	wrdreg $0xFFFFFFFF  }
0xa7: {  	s28 =	simm.s32 $_size_execute0_lowered;
	s2 =	sadd.s32 s2, s4;
	[dreg:$0x0] =	wrdreg $0x0  }
0xa8: {  	s4 =	sshll.u32 s28, $0x1;
	[dreg:$0x2] =	wrdreg s2  }
0xa9: {  	[dreg:$0x3] =	wrdreg s4  }
0xaa: {  	[dreg:$0x4] =	wrdreg $0xC0  }
0xab: {  	_ =	task [dreg:s6], $0x5FFFF  }
0xac: {  	[dreg:$0x1] =	wrdreg $0xFFFFFFFF  }
0xad: {  	[dreg:$0x0] =	wrdreg $0x60  }
0xae: {  	[dreg:$0x2] =	wrdreg s24  }
0xaf: {  	[dreg:$0x3] =	wrdreg $0x54000  }
0xb0: {  	[dreg:$0x4] =	wrdreg $0x9  }
0xb1: {  	_ =	task.clear_ibuf [dreg:s6], $0x5FFFF;
	_ =	strace $0x9000004F  }
0xb2: {  	s29 =	simm.s32 $0x9;
	_ =	strace $0x80000051  }
0xb3: {  	_ =	swait.ge [sflag:s29], $0x1  }
0xb4: {  	[sflag:s29] =	ssyncadd.s32 $0xFFFFFFFF  }
0xb5: {  	_ =	strace $0x90000051  }
0xb6: {  	_ =	sfence  }
0xb7: {  	s30 =	sld [smem:$0x0];
	_ =	sdelay $0x2  }
0xb8: {  	s31 =	sshll.u32 s1, $0xD;
	s1 =	sshrl.u32 s1, $0x2  }
0xb9: {  	s3 =	sand.u32 $0x4000, s31;
	s1 =	sadd.s32 s1, s30  }
0xba: {  	s0 =	sor.u32 s3, s0;
	s1 =	sshll.u32 s1, $0x11  }
0xbb: {  	s0 =	sor.u32 s1, s0  }
0xbc: {  	s0 =	sadd.s32 $0x8F2B, s0  }
0xbd: {  	[sflag:s0] =	ssyncadd.remote.s32 $0x1  }
0xbe: {  	_ =	sfence.sel $0xFFFF  }
0xbf: {  	[dreg:$0x0] =	wrdreg $0xFFFFFFFF;
	(pc) =	sbr.abs _section_cstart, $3  }
0xc0: {  	[dreg:$0x1] =	wrdreg $0xFFFFFFFF  }
0xc1: {  	_ =	task.clear_ibuf [dreg:s6], $0x2FFFF;
	_ =	strace $0x9FFFFFFF  }
0xc2: {  	(tm) =	ssettm $0x7FFFFFFF  }
0xc3: {  	_ =	shalt  }
tec
execute0_lowered:
.L_overlay_start_1:
0x0: {  	(tag) =	ssettag $0x1  }
0x1: {  	s0 =	srdreg.scid;
	s5 =	rddreg [dreg:$0x0]  }
0x2: {  	s2 =	rddreg [dreg:$0x1];
	s4 =	sand.u32 $0x1, s0  }
0x3: {  	s3 =	simm.s32 $0x0;
	s0 =	stileid.u32;
	s6 =	smul.u32 $0x140000, s4  }
0x4: {  	s13 =	simm.s32 $0x80;
	s14 =	simm.s32 $0x0;
	s8 =	smul.u32 $0x13C00, s0  }
0x5: {  	[smem:$0x7FF] =	sst s3;
	s1 =	sshll.u32 s4, $0x4;
	s9 =	smul.u32 $0x13C000, s4  }
0x6: {  	s4 =	ssub.s32 $0x2, s4;
	s28 =	smul.u32 $0x4F000, s0;
	s30 =	sshll.u32 s0, $0x6  }
0x7: {  	s31 =	smul.u32 $0x14000, s0;
	s7 =	sor.u32 s0, s1;
	s1 =	rddreg [dreg:$0x2]  }
0x8: {  	_ =	strace $0x80000050;
	s11 =	sshrl.u32 s4, $0x1;
	s7 =	smul.u32 $0x1400, s7  }
0x9: {  	s10 =	sadd.s32 s6, s5;
	s26 =	sshrl.u32 s8, $0x3;
	s8 =	sadd.s32 s8, s9  }
0xa: {  	s11 =	ssub.s32 s4, s11;
	s29 =	sshrl.u32 s28, $0x2;
	s8 =	sshrl.u32 s8, $0x3  }
0xb: {  	s12 =	sadd.s32 s29, s2;
	s9 =	sadd.s32 s31, s10;
	s7 =	sshrl.u32 s7, $0x3  }
0xc: {  	s8 =	sadd.s32 s8, s5;
	s9 =	sadd.s32 $0x56D800, s9;
	s10 =	sshrl.u32 s12, $0x3  }
0xd: {  	s12 =	simm.s32 $0x1400;
	s25 =	sadd.s32 s7, s5;
	s7 =	sadd.s32 s26, s5  }
0xe: {  	s5 =	sor.u32 $0x1C01, s30;
	s4 =	sadd.s32 $0x2FA000, s7;
	s6 =	sadd.s32 $0x2F5000, s25  }
0xf: {  	s7 =	sadd.s32 $0x36FC00, s8;
	s8 =	smax.u32 s11, $0x1;
	s11 =	simm.s32 $0x1  }
.LBB2_1:
0x10: {  	[spmem:s10], [sflag:s5] =	dma.local [hbm:s4], $0x2780  }
0x11: {  	_ =	swait.ge [sflag:s11], $0x2780  }
0x12: {  	[sflag:s11] =	ssyncset.done $0x0  }
0x13: {  	[sflag:s11] =	ssyncadd.s32 $0xFFFFD880  }
0x14: {  	[bflag:$0x0] =	sbarrier.arrive $0xFFFF  }
0x15: {  	[tilespmem:s3], [sflag:$0x1] =	stream.linear.gather [hbm4b:s6+s3], $0x1400, $0x38;
	[tilespmem:$0x19000] =	vst v63  }
0x16: {  	_ =	swait.ge [sflag:s11], $0x1400  }
0x17: {  	[sflag:s11] =	ssyncset.done $0x0  }
0x18: {  	[sflag:s11] =	ssyncadd.s32 $0xFFFFEC00  }
0x19: {  	[tilespmem:s12], [sflag:$0x1] =	stream.linear.gather [hbm4b:s9+s3], $0x4000, $0x38;
	[tilespmem:$0x19000] =	vst v63  }
0x1a: {  	_ =	swait.ge [sflag:s11], $0x4000  }
0x1b: {  	[sflag:s11] =	ssyncset.done $0x0  }
0x1c: {  	s15 =	simm.s32 $0x0;
	[sflag:s11] =	ssyncadd.s32 $0xFFFFC000  }
0x1d: {  	[spmem:s2] =	stream.indirect.scatter.add.f32 [tilespmem:s12], [sflag:$0x1], $0x80, s15, s13, $0xb8;
	[tilespmem:$0x19000] =	vst v63  }
0x1e: {  	_ =	swait.ge [sflag:s11], $0x4000  }
0x1f: {  	s16 =	smov.u32 s9;
	s15 =	simm.s32 $0x200;
	[sflag:s11] =	ssyncset.done $0x0  }
.LBB2_2:
0x20: {  	p0 =	sne.s32 s15, $0x4E00;
	[sflag:s11] =	ssyncadd.s32 $0xFFFFC000;
	s16 =	sadd.s32 $0x800, s16  }
0x21: {  	[tilespmem:s12], [sflag:$0x1] =	stream.linear.gather [hbm4b:s16+s3], $0x4000, $0x38;
	[tilespmem:$0x19000] =	vst v63  }
0x22: {  	s17 =	smov.u32 s15;
	s15 =	sadd.s32 $0x200, s15;
	_ =	swait.ge [sflag:s11], $0x4000  }
.Ltmp0:
0x23: {  	[sflag:s11] =	ssyncset.done $0x0;
	(pc) =	sbr.rel @p0 .LBB2_2-.Ltmp0, $4  }
0x24: {  	s17 =	sshra.s32 s17, $0x2;
	[sflag:s11] =	ssyncadd.s32 $0xFFFFC000  }
0x25: {  	[spmem:s2] =	stream.indirect.scatter.add.f32 [tilespmem:s12], [sflag:$0x1], $0x80, s17, s13, $0xb8;
	[tilespmem:$0x19000] =	vst v63  }
0x26: {  	_ =	swait.ge [sflag:s11], $0x4000  }
0x27: {  	[sflag:s11] =	ssyncset.done $0x0  }
0x28: {  	s14 =	sadd.s32 $0x1, s14  }
0x29: {  	[sflag:s11] =	ssyncadd.s32 $0xFFFFC000;
	p0 =	sne.s32 s14, s8  }
.Ltmp1:
0x2a: {  	[bflag:$0x0] =	sbarrier.arrive $0xFFFF;
	(pc) =	sbr.rel @p0 .LBB2_1-.Ltmp1, $4  }
0x2b: {  	[hbm:s7], [sflag:s5] =	dma.local [spmem:s10], $0x2780  }
0x2c: {  	_ =	swait.ge [sflag:s11], $0x2780  }
0x2d: {  	[sflag:s11] =	ssyncset.done $0x0  }
0x2e: {  	[sflag:s11] =	ssyncadd.s32 $0xFFFFD880  }
0x2f: {  	_ =	sfence.sel $0x180000  }
0x30: {  	[bflag:$0x0] =	sbarrier.arrive $0xFFFF  }
0x31: {  	p0 =	sne.s32 s0, $0x0;
	_ =	strace $0x90000050  }
0x32: {  	s0 =	sadd.s32 @!p0 $0x100000, s1;
	[bflag:$0x2] =	sbarrier.arrive $0xFFFF  }
0x33: {  	[sflag:s0] =	ssyncadd.tile.s32 @!p0 $0x1;
	_ =	shalt  }
.Lfunc_end2:
_tile_overlayer_lowered:
.L_overlay_start_2:
0x34: {  	(tag) =	ssettag $0x2  }
0x35: {  	s0 =	rddreg [dreg:$0x0];
	s2 =	stileid.u32  }
0x36: {  	s1 =	rddreg [dreg:$0x1];
	p0 =	sne.s32 s2, $0x0  }
0x37: {  	s3 =	rddreg [dreg:$0x2];
	[bflag:$0x3] =	sbarrier.arrive $0xFFFF;
	s2 =	simm.s32 @!p0 $0x1C01  }
0x38: {  	[timem:s3], [sflag:s2] =	dma.local @!p0 [hbm:s0], s1  }
0x39: {  	s0 =	simm.s32 @!p0 $0x1  }
0x3a: {  	_ =	swait.ge @!p0 [sflag:s0], s1  }
0x3b: {  	s1 =	ssub.s32 @!p0 $0x0, s1;
	[sflag:s0] =	ssyncset.done @!p0 $0x0  }
0x3c: {  	[sflag:s0] =	ssyncadd.s32 @!p0 s1  }
0x3d: {  	[bflag:$0x3] =	sbarrier.arrive $0xFFFF  }
0x3e: {  	_ =	shalt  }

// kernel: kernel.41.cloned.1.call-start
scs
__scs_entry_jumppad:
0x0: {  	(pc) =	sbr.rel $0x88, $3  }
0x1: {  	(tag) =	ssettag $0x0;
	lr =	simm.s32 $0x1  }
0x2: {  	[smem:$0x3F83] =	sst lr;
	_ =	strace $0xD0000000  }
0x3: {  	_ = 	snop  }
0x4: {  	_ = 	snop  }
0x5: {  	_ = 	snop  }
0x6: {  	_ = 	snop  }
0x7: {  	_ = 	snop  }
__scs_overlays_trampoline_lowered:
0x8: {  	[smem:$0x3F92] =	sst s0  }
0x9: {  	[smem:$0x3F93] =	sst s1  }
0xa: {  	[smem:$0x3F94] =	sst s2  }
0xb: {  	[smem:$0x3F95] =	sst s3  }
0xc: {  	[smem:$0x3F96] =	sst s4  }
0xd: {  	[smem:$0x3F97] =	sst s5  }
0xe: {  	[smem:$0x3F98] =	sst s6  }
0xf: {  	[smem:$0x3F99] =	sst s7  }
0x10: {  	[smem:$0x3F9A] =	sst s8  }
0x11: {  	[smem:$0x3F9B] =	sst s9;
	s0 =	simm.s32 @!p0 $0x0  }
0x12: {  	s1 =	sld [smem:$0x3F81];
	s0 =	simm.s32 @p0 $0x1  }
0x13: {  	[smem:$0x3F9C] =	sst s0;
	s0 =	simm.s32 @!p1 $0x0  }
0x14: {  	s2 =	sld [smem:$0x3F80];
	s0 =	simm.s32 @p1 $0x1  }
0x15: {  	[smem:$0x3F9D] =	sst s0;
	s0 =	simm.s32 @!p2 $0x0  }
0x16: {  	s3 =	sld [smem:$0x3FDB];
	s0 =	simm.s32 @p2 $0x1  }
0x17: {  	s4 =	simm.s32 $0x1BF5;
	[smem:$0x3F9F] =	sst s0  }
0x18: {  	s0 =	sld [smem:$0x3F82];
	_ =	swait.ge [sflag:s4], $0x0  }
0x19: {  	s7 =	sld [smem:$0x3F83]  }
0x1a: {  	s8 =	sadd.s32 $0xFFFFE003, lr  }
0x1b: {  	s9 =	sadd.s32 $0xFFFFFEF7, lr;
	s5 =	simm.s32 $0xFFFFFFFF;
	p2 =	slt.u32 s8, $0xFFFFF086  }
0x1c: {  	p1 =	slt.u32 s9, $0xF7A;
	s5 =	simm.s32 @!p2 $0x0  }
0x1d: {  	s5 =	simm.s32 @p1 $0x1;
	p0 =	seq.s32 s7, s2  }
0x1e: {  	s7 =	smul.u32 @!p0 $0xF7A, s2;
	p2 =	seq.s32 @!p0 s5, $0x0  }
0x1f: {  	s9 =	smul.u32 $0xF7A, s1;
	s8 =	simm.s32 @!p0 $0x1BF5;
	p2 =	por !p2, p0  }
0x20: {  	[sflag:s8] =	ssyncset.s32 @!p0 $0xFFFFF086;
	s6 =	sadd.s32 @!p0 s3, s7;
	s7 =	simm.s32 @!p0 $0x108  }
0x21: {  	s3 =	sadd.s32 s3, s9;
	s6 =	sadd.s32 @!p0 $0x88, s6;
	s7 =	simm.s32 @p2 $0x1082  }
0x22: {  	[simem:s7], [sflag:s8] =	dma.local @!p0 [hbm:s6], $0xF7A  }
0x23: {  	s9 =	sor.u32 $0xD0000000, s2;
	s6 =	simm.s32 $0x108;
	_ =	swait.ge @!p0 [sflag:s8], $0x0  }
0x24: {  	s3 =	sadd.s32 $0x88, s3;
	s6 =	simm.s32 @!p1 $0x1082;
	[sflag:s4] =	ssyncset.s32 $0xFFFFF086  }
0x25: {  	[simem:s6], [sflag:s4] =	dma.local [hbm:s3], $0xF7A  }
0x26: {  	[smem:$0x3F83] =	sst s1;
	(tag) =	ssettag s2;
	_ =	strace s9  }
0x27: {  	s1 =	sld [smem:$0x3F93]  }
0x28: {  	s2 =	sld [smem:$0x3F94]  }
0x29: {  	s4 =	sld [smem:$0x3F96]  }
0x2a: {  	p0 =	seq.s32 s5, $0x0;
	s5 =	sld [smem:$0x3F97]  }
0x2b: {  	s6 =	sld [smem:$0x3F98]  }
0x2c: {  	s7 =	sld [smem:$0x3F99]  }
0x2d: {  	s3 =	simm.s32 $0x108;
	s8 =	sld [smem:$0x3F9A]  }
0x2e: {  	s3 =	simm.s32 @!p0 $0x1082;
	s9 =	sld [smem:$0x3F9B]  }
0x2f: {  	lr =	sadd.s32 s0, s3;
	s0 =	sld [smem:$0x3F92]  }
0x30: {  	s3 =	sld [smem:$0x3F95]  }
0x31: {  	[smem:$0x3F9E] =	sst s10  }
0x32: {  	s10 =	sld [smem:$0x3F9C];
	_ =	sdelay $0x3  }
0x33: {  	p0 =	seq.s32 s10, $0x1;
	s10 =	sld [smem:$0x3F9E];
	_ =	sdelay $0x3  }
0x34: {  	[smem:$0x3F9E] =	sst s10  }
0x35: {  	s10 =	sld [smem:$0x3F9D];
	_ =	sdelay $0x3  }
0x36: {  	p1 =	seq.s32 s10, $0x1;
	s10 =	sld [smem:$0x3F9E];
	_ =	sdelay $0x3  }
0x37: {  	[smem:$0x3F9E] =	sst s10  }
0x38: {  	s10 =	sld [smem:$0x3F9F]  }
0x39: {  	_ = 	snop;
	(pc) =	sbr.ind lr, $3  }
0x3a: {  	_ = 	snop  }
0x3b: {  	_ = 	snop  }
0x3c: {  	p2 =	seq.s32 s10, $0x1;
	s10 =	sld [smem:$0x3F9E]  }
0x3d: {  	_ =	shalt  }
0x3e: {  	_ =	shalt  }
0x3f: {  	_ =	shalt  }
0x40: {  	_ =	shalt  }
0x41: {  	_ =	shalt  }
0x42: {  	_ =	shalt  }
0x43: {  	_ =	shalt  }
0x44: {  	_ =	shalt  }
0x45: {  	_ =	shalt  }
0x46: {  	_ =	shalt  }
0x47: {  	_ =	shalt  }
0x48: {  	_ =	shalt  }
0x49: {  	_ =	shalt  }
0x4a: {  	_ =	shalt  }
0x4b: {  	_ =	shalt  }
0x4c: {  	_ =	shalt  }
0x4d: {  	_ =	shalt  }
0x4e: {  	_ =	shalt  }
0x4f: {  	_ =	shalt  }
0x50: {  	_ =	shalt  }
0x51: {  	_ =	shalt  }
0x52: {  	_ =	shalt  }
0x53: {  	_ =	shalt  }
0x54: {  	_ =	shalt  }
0x55: {  	_ =	shalt  }
0x56: {  	_ =	shalt  }
0x57: {  	_ =	shalt  }
0x58: {  	_ =	shalt  }
0x59: {  	_ =	shalt  }
0x5a: {  	_ =	shalt  }
0x5b: {  	_ =	shalt  }
0x5c: {  	_ =	shalt  }
0x5d: {  	_ =	shalt  }
0x5e: {  	_ =	shalt  }
0x5f: {  	_ =	shalt  }
0x60: {  	_ =	shalt  }
0x61: {  	_ =	shalt  }
0x62: {  	_ =	shalt  }
0x63: {  	_ =	shalt  }
0x64: {  	_ =	shalt  }
0x65: {  	_ =	shalt  }
0x66: {  	_ =	shalt  }
0x67: {  	_ =	shalt  }
0x68: {  	_ =	shalt  }
0x69: {  	_ =	shalt  }
0x6a: {  	_ =	shalt  }
0x6b: {  	_ =	shalt  }
0x6c: {  	_ =	shalt  }
0x6d: {  	_ =	shalt  }
0x6e: {  	_ =	shalt  }
0x6f: {  	_ =	shalt  }
0x70: {  	_ =	shalt  }
0x71: {  	_ =	shalt  }
0x72: {  	_ =	shalt  }
0x73: {  	_ =	shalt  }
0x74: {  	_ =	shalt  }
0x75: {  	_ =	shalt  }
0x76: {  	_ =	shalt  }
0x77: {  	_ =	shalt  }
0x78: {  	_ =	shalt  }
0x79: {  	_ =	shalt  }
0x7a: {  	_ =	shalt  }
0x7b: {  	_ =	shalt  }
0x7c: {  	_ =	shalt  }
0x7d: {  	_ =	shalt  }
0x7e: {  	_ =	shalt  }
0x7f: {  	_ =	shalt  }
0x80: {  	_ =	shalt  }
0x81: {  	_ =	shalt  }
0x82: {  	_ =	shalt  }
0x83: {  	_ =	shalt  }
0x84: {  	_ =	shalt  }
0x85: {  	_ =	shalt  }
0x86: {  	_ =	shalt  }
0x87: {  	_ =	shalt  }
.Lfunc_end0:
.L_simem_size_0:
called_computation.4_lowered:
.L_overlay_start_0:
0x88: {  	s2 =	sld [smem:$0x3FD9]  }
0x89: {  	s3 =	sld [smem:$0x3FFE];
	_ =	sdelay $0x1  }
0x8a: {  	s1 =	srdreg.scid  }
0x8b: {  	s0 =	sand.u32 $0x1, s1  }
0x8c: {  	s16 =	sshll.u32 s0, $0xA;
	s2 =	sadd.s32 s3, s2  }
0x8d: {  	s2 =	sadd.s32 s2, s16  }
0x8e: {  	[smem:$0x3FAA] =	sst s2  }
0x8f: {  	_ = 	snop  }
0x90: {  	(tm) =	ssettm $0x1  }
0x91: {  	s17 =	sld [smem:$0x3FFB];
	_ =	sdelay $0x3  }
0x92: {  	_ =	strace s17  }
0x93: {  	s2 =	sld [smem:$0x3FFC];
	_ =	sdelay $0x3  }
0x94: {  	_ =	strace s2  }
0x95: {  	s2 =	sld [smem:$0x3FFD];
	_ =	sdelay $0x3  }
0x96: {  	_ =	strace s2  }
0x97: {  	_ =	strace $0x8FFFFFFF  }
0x98: {  	s18 =	sld [smem:$0x3FDB];
	_ =	sdelay $0x1  }
0x99: {  	s19 =	simm.s32 $_scs_section_size  }
0x9a: {  	s4 =	simm.s32 $_size__tile_overlayer_lowered;
	s5 =	simm.s32 $_tile_overlayer_lowered  }
0x9b: {  	s22 =	simm.s32 $0x1BFF;
	s21 =	sshll.u32 s5, $0x1;
	s2 =	sadd.s32 s19, s18  }
0x9c: {  	s6 =	simm.s32 $0x0;
	s20 =	sshll.u32 s4, $0x1;
	s4 =	sadd.s32 s21, s2  }
0x9d: {  	[timem:s6], [sflag:s22] =	dma.local [hbm:s4], s20  }
0x9e: {  	_ =	swait.ge [sflag:s22], s20  }
0x9f: {  	s3 =	ssub.s32 $0x0, s20;
	[sflag:s22] =	ssyncset.done $0x0  }
0xa0: {  	[sflag:s22] =	ssyncadd.s32 s3;
	_ =	sdelay $0x1  }
0xa1: {  	s23 =	simm.s32 $0x1B8B  }
0xa2: {  	_ =	swait.ge [sflag:s23], $0x1  }
0xa3: {  	[sflag:s23] =	ssyncset.done $0x0  }
0xa4: {  	s25 =	simm.s32 $0x1B8E;
	s24 =	sld [smem:$0x3FFE];
	[sflag:s23] =	ssyncadd.s32 $0xFFFFFFFF  }
0xa5: {  	s26 =	simm.s32 $execute0_lowered;
	[smem:$0x3FD2] =	sst s25  }
0xa6: {  	s4 =	sshll.u32 s26, $0x1;
	_ =	strace $0x80000052;
	[dreg:$0x1] =	wrdreg $0xFFFFFFFF  }
0xa7: {  	s28 =	simm.s32 $_size_execute0_lowered;
	s2 =	sadd.s32 s2, s4;
	[dreg:$0x0] =	wrdreg $0x0  }
0xa8: {  	s4 =	sshll.u32 s28, $0x1;
	[dreg:$0x2] =	wrdreg s2  }
0xa9: {  	[dreg:$0x3] =	wrdreg s4  }
0xaa: {  	[dreg:$0x4] =	wrdreg $0xC0  }
0xab: {  	_ =	task [dreg:s6], $0x5FFFF  }
0xac: {  	[dreg:$0x1] =	wrdreg $0xFFFFFFFF  }
0xad: {  	[dreg:$0x0] =	wrdreg $0x60  }
0xae: {  	[dreg:$0x2] =	wrdreg s24  }
0xaf: {  	[dreg:$0x3] =	wrdreg $0x9  }
0xb0: {  	_ =	task.clear_ibuf [dreg:s6], $0x4FFFF;
	_ =	strace $0x90000052  }
0xb1: {  	s29 =	simm.s32 $0x9;
	_ =	strace $0x80000054  }
0xb2: {  	_ =	swait.ge [sflag:s29], $0x1  }
0xb3: {  	[sflag:s29] =	ssyncadd.s32 $0xFFFFFFFF  }
0xb4: {  	_ =	strace $0x90000054  }
0xb5: {  	_ =	sfence  }
0xb6: {  	s30 =	sld [smem:$0x0];
	_ =	sdelay $0x2  }
0xb7: {  	s31 =	sshll.u32 s1, $0xD;
	s1 =	sshrl.u32 s1, $0x2  }
0xb8: {  	s3 =	sand.u32 $0x4000, s31;
	s1 =	sadd.s32 s1, s30  }
0xb9: {  	s0 =	sor.u32 s3, s0;
	s1 =	sshll.u32 s1, $0x11  }
0xba: {  	s0 =	sor.u32 s1, s0  }
0xbb: {  	s0 =	sadd.s32 $0x8F2B, s0  }
0xbc: {  	[sflag:s0] =	ssyncadd.remote.s32 $0x1  }
0xbd: {  	_ =	sfence.sel $0xFFFF  }
0xbe: {  	[dreg:$0x0] =	wrdreg $0xFFFFFFFF;
	(pc) =	sbr.abs _section_cstart, $3  }
0xbf: {  	[dreg:$0x1] =	wrdreg $0xFFFFFFFF  }
0xc0: {  	_ =	task.clear_ibuf [dreg:s6], $0x2FFFF;
	_ =	strace $0x9FFFFFFF  }
0xc1: {  	(tm) =	ssettm $0x7FFFFFFF  }
tec
execute0_lowered:
.L_overlay_start_1:
0x0: {  	(tag) =	ssettag $0x1  }
0x1: {  	s4 =	rddreg [dreg:$0x0];
	s1 =	srdreg.scid  }
0x2: {  	s0 =	rddreg [dreg:$0x1];
	s2 =	simm.s32 $0x0;
	s10 =	simm.s32 $0x1  }
0x3: {  	s11 =	simm.s32 $0x0;
	s5 =	sand.u32 $0x1, s1;
	s1 =	stileid.u32  }
0x4: {  	[smem:$0x7FF] =	sst s2;
	s3 =	sshll.u32 s5, $0x4;
	s7 =	smul.u32 $0x140000, s5  }
0x5: {  	s5 =	ssub.s32 $0x2, s5;
	s9 =	smul.u32 $0x14000, s1;
	s3 =	sor.u32 s1, s3  }
0x6: {  	_ =	strace $0x80000053;
	s8 =	sshrl.u32 s5, $0x1;
	s6 =	smul.u32 $0x1400, s3  }
0x7: {  	s3 =	sadd.s32 $0x321800, s4;
	s7 =	sadd.s32 s7, s4;
	s5 =	ssub.s32 s5, s8  }
0x8: {  	s8 =	simm.s32 $0x80;
	s5 =	smax.u32 s5, $0x1;
	s6 =	sshrl.u32 s6, $0x3  }
0x9: {  	s31 =	sadd.s32 s9, s7;
	s7 =	simm.s32 $0x2;
	s6 =	sadd.s32 s6, s4  }
0xa: {  	s9 =	simm.s32 $0x1400;
	s4 =	sadd.s32 $0x15C00, s6;
	s6 =	sadd.s32 $0x1AC00, s31  }
.LBB2_1:
0xb: {  	[tilespmem:s2], [sflag:$0x2] =	stream.linear.gather [hbm4b:s4+s2], $0x1400, $0x38;
	[tilespmem:$0x5400] =	vst v63  }
0xc: {  	_ =	swait.ge [sflag:s7], $0x1400  }
0xd: {  	[sflag:s7] =	ssyncset.done $0x0  }
0xe: {  	s12 =	simm.s32 $0x0;
	[sflag:s7] =	ssyncadd.s32 $0xFFFFEC00  }
0xf: {  	[tilespmem:s9], [sflag:$0x1] =	stream.indirect.gather [hbm4b:s3+s8], $0x80, s12, s8, $0xb8;
	[tilespmem:$0x5400] =	vst v63  }
0x10: {  	_ =	swait.ge [sflag:s10], $0x4000  }
0x11: {  	[sflag:s10] =	ssyncset.done $0x0  }
0x12: {  	[sflag:s10] =	ssyncadd.s32 $0xFFFFC000  }
0x13: {  	[hbm4b:s6+s2] =	stream.linear.scatter [tilespmem:s9], [sflag:$0x2], $0x4000, $0x38;
	[tilespmem:$0x5400] =	vst v63  }
0x14: {  	s13 =	simm.s32 $0x200;
	_ =	swait.ge [sflag:s7], $0x4000  }
0x15: {  	s14 =	simm.s32 $0x400;
	s12 =	sadd.s32 $0x800, s6;
	[sflag:s7] =	ssyncset.done $0x0  }
.LBB2_2:
0x16: {  	s15 =	sshra.s32 s13, $0x2  }
0x17: {  	[sflag:s7] =	ssyncadd.s32 $0xFFFFC000;
	s13 =	smov.u32 s14;
	s16 =	sadd.s32 $0x200, s14  }
0x18: {  	[tilespmem:s9], [sflag:$0x1] =	stream.indirect.gather [hbm4b:s3+s8], $0x80, s15, s8, $0xb8;
	[tilespmem:$0x5400] =	vst v63  }
0x19: {  	p0 =	sne.s32 s14, $0x4E00;
	_ =	swait.ge [sflag:s10], $0x4000  }
.Ltmp0:
0x1a: {  	[sflag:s10] =	ssyncset.done $0x0;
	(pc) =	sbr.rel @p0 .LBB2_2-.Ltmp0, $4  }
0x1b: {  	[sflag:s10] =	ssyncadd.s32 $0xFFFFC000  }
0x1c: {  	[hbm4b:s12+s2] =	stream.linear.scatter [tilespmem:s9], [sflag:$0x2], $0x4000, $0x38;
	[tilespmem:$0x5400] =	vst v63  }
0x1d: {  	_ =	swait.ge [sflag:s7], $0x4000  }
0x1e: {  	s14 =	smov.u32 s16;
	s12 =	sadd.s32 $0x800, s12;
	[sflag:s7] =	ssyncset.done $0x0  }
0x1f: {  	s13 =	sshra.s32 s13, $0x2;
	[sflag:s7] =	ssyncadd.s32 $0xFFFFC000  }
0x20: {  	[tilespmem:s9], [sflag:$0x1] =	stream.indirect.gather [hbm4b:s3+s8], $0x80, s13, s8, $0xb8;
	[tilespmem:$0x5400] =	vst v63  }
0x21: {  	s11 =	sadd.s32 $0x1, s11;
	_ =	swait.ge [sflag:s10], $0x4000  }
0x22: {  	p0 =	sne.s32 s11, s5;
	[sflag:s10] =	ssyncset.done $0x0  }
.Ltmp1:
0x23: {  	[sflag:s10] =	ssyncadd.s32 $0xFFFFC000;
	(pc) =	sbr.rel @p0 .LBB2_1-.Ltmp1, $4  }
0x24: {  	[hbm4b:s12+s2] =	stream.linear.scatter [tilespmem:s9], [sflag:$0x2], $0x4000, $0x38;
	[tilespmem:$0x5400] =	vst v63  }
0x25: {  	_ =	swait.ge [sflag:s7], $0x4000  }
0x26: {  	[sflag:s7] =	ssyncset.done $0x0  }
0x27: {  	[sflag:s7] =	ssyncadd.s32 $0xFFFFC000  }
0x28: {  	_ =	sfence.sel $0x180000  }
0x29: {  	[bflag:$0x0] =	sbarrier.arrive $0xFFFF  }
0x2a: {  	p0 =	sne.s32 s1, $0x0;
	_ =	strace $0x90000053  }
0x2b: {  	s0 =	sadd.s32 @!p0 $0x100000, s0;
	[bflag:$0x2] =	sbarrier.arrive $0xFFFF  }
0x2c: {  	[sflag:s0] =	ssyncadd.tile.s32 @!p0 $0x1;
	_ =	shalt  }
.Lfunc_end2:
_tile_overlayer_lowered:
.L_overlay_start_2:
0x2d: {  	(tag) =	ssettag $0x2  }
0x2e: {  	s0 =	rddreg [dreg:$0x0];
	s2 =	stileid.u32  }
0x2f: {  	s1 =	rddreg [dreg:$0x1];
	p0 =	sne.s32 s2, $0x0  }
0x30: {  	s3 =	rddreg [dreg:$0x2];
	[bflag:$0x3] =	sbarrier.arrive $0xFFFF;
	s2 =	simm.s32 @!p0 $0x1C02  }
0x31: {  	[timem:s3], [sflag:s2] =	dma.local @!p0 [hbm:s0], s1  }
0x32: {  	s0 =	simm.s32 @!p0 $0x2  }
0x33: {  	_ =	swait.ge @!p0 [sflag:s0], s1  }
0x34: {  	s1 =	ssub.s32 @!p0 $0x0, s1;
	[sflag:s0] =	ssyncset.done @!p0 $0x0  }
0x35: {  	[sflag:s0] =	ssyncadd.s32 @!p0 s1  }
0x36: {  	[bflag:$0x3] =	sbarrier.arrive $0xFFFF  }
0x37: {  	_ =	shalt  }

// kernel: kernel.44.cloned.1.call-start
scs
__scs_entry_jumppad:
0x0: {  	(pc) =	sbr.rel $0x88, $3  }
0x1: {  	(tag) =	ssettag $0x0;
	lr =	simm.s32 $0x1  }
0x2: {  	[smem:$0x3F83] =	sst lr;
	_ =	strace $0xD0000000  }
0x3: {  	_ = 	snop  }
0x4: {  	_ = 	snop  }
0x5: {  	_ = 	snop  }
0x6: {  	_ = 	snop  }
0x7: {  	_ = 	snop  }
__scs_overlays_trampoline_lowered:
0x8: {  	[smem:$0x3F92] =	sst s0  }
0x9: {  	[smem:$0x3F93] =	sst s1  }
0xa: {  	[smem:$0x3F94] =	sst s2  }
0xb: {  	[smem:$0x3F95] =	sst s3  }
0xc: {  	[smem:$0x3F96] =	sst s4  }
0xd: {  	[smem:$0x3F97] =	sst s5  }
0xe: {  	[smem:$0x3F98] =	sst s6  }
0xf: {  	[smem:$0x3F99] =	sst s7  }
0x10: {  	[smem:$0x3F9A] =	sst s8  }
0x11: {  	[smem:$0x3F9B] =	sst s9;
	s0 =	simm.s32 @!p0 $0x0  }
0x12: {  	s1 =	sld [smem:$0x3F81];
	s0 =	simm.s32 @p0 $0x1  }
0x13: {  	[smem:$0x3F9C] =	sst s0;
	s0 =	simm.s32 @!p1 $0x0  }
0x14: {  	s2 =	sld [smem:$0x3F80];
	s0 =	simm.s32 @p1 $0x1  }
0x15: {  	[smem:$0x3F9D] =	sst s0;
	s0 =	simm.s32 @!p2 $0x0  }
0x16: {  	s3 =	sld [smem:$0x3FDB];
	s0 =	simm.s32 @p2 $0x1  }
0x17: {  	s4 =	simm.s32 $0x1BF5;
	[smem:$0x3F9F] =	sst s0  }
0x18: {  	s0 =	sld [smem:$0x3F82];
	_ =	swait.ge [sflag:s4], $0x0  }
0x19: {  	s7 =	sld [smem:$0x3F83]  }
0x1a: {  	s8 =	sadd.s32 $0xFFFFE003, lr  }
0x1b: {  	s9 =	sadd.s32 $0xFFFFFEF7, lr;
	s5 =	simm.s32 $0xFFFFFFFF;
	p2 =	slt.u32 s8, $0xFFFFF086  }
0x1c: {  	p1 =	slt.u32 s9, $0xF7A;
	s5 =	simm.s32 @!p2 $0x0  }
0x1d: {  	s5 =	simm.s32 @p1 $0x1;
	p0 =	seq.s32 s7, s2  }
0x1e: {  	s7 =	smul.u32 @!p0 $0xF7A, s2;
	p2 =	seq.s32 @!p0 s5, $0x0  }
0x1f: {  	s9 =	smul.u32 $0xF7A, s1;
	s8 =	simm.s32 @!p0 $0x1BF5;
	p2 =	por !p2, p0  }
0x20: {  	[sflag:s8] =	ssyncset.s32 @!p0 $0xFFFFF086;
	s6 =	sadd.s32 @!p0 s3, s7;
	s7 =	simm.s32 @!p0 $0x108  }
0x21: {  	s3 =	sadd.s32 s3, s9;
	s6 =	sadd.s32 @!p0 $0x88, s6;
	s7 =	simm.s32 @p2 $0x1082  }
0x22: {  	[simem:s7], [sflag:s8] =	dma.local @!p0 [hbm:s6], $0xF7A  }
0x23: {  	s9 =	sor.u32 $0xD0000000, s2;
	s6 =	simm.s32 $0x108;
	_ =	swait.ge @!p0 [sflag:s8], $0x0  }
0x24: {  	s3 =	sadd.s32 $0x88, s3;
	s6 =	simm.s32 @!p1 $0x1082;
	[sflag:s4] =	ssyncset.s32 $0xFFFFF086  }
0x25: {  	[simem:s6], [sflag:s4] =	dma.local [hbm:s3], $0xF7A  }
0x26: {  	[smem:$0x3F83] =	sst s1;
	(tag) =	ssettag s2;
	_ =	strace s9  }
0x27: {  	s1 =	sld [smem:$0x3F93]  }
0x28: {  	s2 =	sld [smem:$0x3F94]  }
0x29: {  	s4 =	sld [smem:$0x3F96]  }
0x2a: {  	p0 =	seq.s32 s5, $0x0;
	s5 =	sld [smem:$0x3F97]  }
0x2b: {  	s6 =	sld [smem:$0x3F98]  }
0x2c: {  	s7 =	sld [smem:$0x3F99]  }
0x2d: {  	s3 =	simm.s32 $0x108;
	s8 =	sld [smem:$0x3F9A]  }
0x2e: {  	s3 =	simm.s32 @!p0 $0x1082;
	s9 =	sld [smem:$0x3F9B]  }
0x2f: {  	lr =	sadd.s32 s0, s3;
	s0 =	sld [smem:$0x3F92]  }
0x30: {  	s3 =	sld [smem:$0x3F95]  }
0x31: {  	[smem:$0x3F9E] =	sst s10  }
0x32: {  	s10 =	sld [smem:$0x3F9C];
	_ =	sdelay $0x3  }
0x33: {  	p0 =	seq.s32 s10, $0x1;
	s10 =	sld [smem:$0x3F9E];
	_ =	sdelay $0x3  }
0x34: {  	[smem:$0x3F9E] =	sst s10  }
0x35: {  	s10 =	sld [smem:$0x3F9D];
	_ =	sdelay $0x3  }
0x36: {  	p1 =	seq.s32 s10, $0x1;
	s10 =	sld [smem:$0x3F9E];
	_ =	sdelay $0x3  }
0x37: {  	[smem:$0x3F9E] =	sst s10  }
0x38: {  	s10 =	sld [smem:$0x3F9F]  }
0x39: {  	_ = 	snop;
	(pc) =	sbr.ind lr, $3  }
0x3a: {  	_ = 	snop  }
0x3b: {  	_ = 	snop  }
0x3c: {  	p2 =	seq.s32 s10, $0x1;
	s10 =	sld [smem:$0x3F9E]  }
0x3d: {  	_ =	shalt  }
0x3e: {  	_ =	shalt  }
0x3f: {  	_ =	shalt  }
0x40: {  	_ =	shalt  }
0x41: {  	_ =	shalt  }
0x42: {  	_ =	shalt  }
0x43: {  	_ =	shalt  }
0x44: {  	_ =	shalt  }
0x45: {  	_ =	shalt  }
0x46: {  	_ =	shalt  }
0x47: {  	_ =	shalt  }
0x48: {  	_ =	shalt  }
0x49: {  	_ =	shalt  }
0x4a: {  	_ =	shalt  }
0x4b: {  	_ =	shalt  }
0x4c: {  	_ =	shalt  }
0x4d: {  	_ =	shalt  }
0x4e: {  	_ =	shalt  }
0x4f: {  	_ =	shalt  }
0x50: {  	_ =	shalt  }
0x51: {  	_ =	shalt  }
0x52: {  	_ =	shalt  }
0x53: {  	_ =	shalt  }
0x54: {  	_ =	shalt  }
0x55: {  	_ =	shalt  }
0x56: {  	_ =	shalt  }
0x57: {  	_ =	shalt  }
0x58: {  	_ =	shalt  }
0x59: {  	_ =	shalt  }
0x5a: {  	_ =	shalt  }
0x5b: {  	_ =	shalt  }
0x5c: {  	_ =	shalt  }
0x5d: {  	_ =	shalt  }
0x5e: {  	_ =	shalt  }
0x5f: {  	_ =	shalt  }
0x60: {  	_ =	shalt  }
0x61: {  	_ =	shalt  }
0x62: {  	_ =	shalt  }
0x63: {  	_ =	shalt  }
0x64: {  	_ =	shalt  }
0x65: {  	_ =	shalt  }
0x66: {  	_ =	shalt  }
0x67: {  	_ =	shalt  }
0x68: {  	_ =	shalt  }
0x69: {  	_ =	shalt  }
0x6a: {  	_ =	shalt  }
0x6b: {  	_ =	shalt  }
0x6c: {  	_ =	shalt  }
0x6d: {  	_ =	shalt  }
0x6e: {  	_ =	shalt  }
0x6f: {  	_ =	shalt  }
0x70: {  	_ =	shalt  }
0x71: {  	_ =	shalt  }
0x72: {  	_ =	shalt  }
0x73: {  	_ =	shalt  }
0x74: {  	_ =	shalt  }
0x75: {  	_ =	shalt  }
0x76: {  	_ =	shalt  }
0x77: {  	_ =	shalt  }
0x78: {  	_ =	shalt  }
0x79: {  	_ =	shalt  }
0x7a: {  	_ =	shalt  }
0x7b: {  	_ =	shalt  }
0x7c: {  	_ =	shalt  }
0x7d: {  	_ =	shalt  }
0x7e: {  	_ =	shalt  }
0x7f: {  	_ =	shalt  }
0x80: {  	_ =	shalt  }
0x81: {  	_ =	shalt  }
0x82: {  	_ =	shalt  }
0x83: {  	_ =	shalt  }
0x84: {  	_ =	shalt  }
0x85: {  	_ =	shalt  }
0x86: {  	_ =	shalt  }
0x87: {  	_ =	shalt  }
.Lfunc_end0:
.L_simem_size_0:
called_computation.5_lowered:
.L_overlay_start_0:
0x88: {  	s2 =	sld [smem:$0x3FD9]  }
0x89: {  	s3 =	sld [smem:$0x3FFE];
	_ =	sdelay $0x1  }
0x8a: {  	s1 =	srdreg.scid  }
0x8b: {  	s0 =	sand.u32 $0x1, s1  }
0x8c: {  	s16 =	sshll.u32 s0, $0xA;
	s2 =	sadd.s32 s3, s2  }
0x8d: {  	s2 =	sadd.s32 s2, s16  }
0x8e: {  	[smem:$0x3FAA] =	sst s2  }
0x8f: {  	_ = 	snop  }
0x90: {  	(tm) =	ssettm $0x1  }
0x91: {  	s17 =	sld [smem:$0x3FFB];
	_ =	sdelay $0x3  }
0x92: {  	_ =	strace s17  }
0x93: {  	s2 =	sld [smem:$0x3FFC];
	_ =	sdelay $0x3  }
0x94: {  	_ =	strace s2  }
0x95: {  	s2 =	sld [smem:$0x3FFD];
	_ =	sdelay $0x3  }
0x96: {  	_ =	strace s2  }
0x97: {  	_ =	strace $0x8FFFFFFF  }
0x98: {  	s18 =	sld [smem:$0x3FDB];
	_ =	sdelay $0x1  }
0x99: {  	s19 =	simm.s32 $_scs_section_size  }
0x9a: {  	s4 =	simm.s32 $_size__tile_overlayer_lowered;
	s5 =	simm.s32 $_tile_overlayer_lowered  }
0x9b: {  	s22 =	simm.s32 $0x1BFF;
	s21 =	sshll.u32 s5, $0x1;
	s2 =	sadd.s32 s19, s18  }
0x9c: {  	s6 =	simm.s32 $0x0;
	s20 =	sshll.u32 s4, $0x1;
	s4 =	sadd.s32 s21, s2  }
0x9d: {  	[timem:s6], [sflag:s22] =	dma.local [hbm:s4], s20  }
0x9e: {  	_ =	swait.ge [sflag:s22], s20  }
0x9f: {  	s3 =	ssub.s32 $0x0, s20;
	[sflag:s22] =	ssyncset.done $0x0  }
0xa0: {  	[sflag:s22] =	ssyncadd.s32 s3;
	_ =	sdelay $0x1  }
0xa1: {  	s23 =	simm.s32 $0x1B8B  }
0xa2: {  	_ =	swait.ge [sflag:s23], $0x1  }
0xa3: {  	[sflag:s23] =	ssyncset.done $0x0  }
0xa4: {  	s25 =	simm.s32 $0x1B8E;
	s24 =	sld [smem:$0x3FFE];
	[sflag:s23] =	ssyncadd.s32 $0xFFFFFFFF  }
0xa5: {  	s26 =	simm.s32 $execute0_lowered;
	[smem:$0x3FD2] =	sst s25  }
0xa6: {  	s4 =	sshll.u32 s26, $0x1;
	_ =	strace $0x80000055;
	[dreg:$0x1] =	wrdreg $0xFFFFFFFF  }
0xa7: {  	s28 =	simm.s32 $_size_execute0_lowered;
	s2 =	sadd.s32 s2, s4;
	[dreg:$0x0] =	wrdreg $0x0  }
0xa8: {  	s4 =	sshll.u32 s28, $0x1;
	[dreg:$0x2] =	wrdreg s2  }
0xa9: {  	[dreg:$0x3] =	wrdreg s4  }
0xaa: {  	[dreg:$0x4] =	wrdreg $0xC0  }
0xab: {  	_ =	task [dreg:s6], $0x5FFFF  }
0xac: {  	[dreg:$0x1] =	wrdreg $0xFFFFFFFF  }
0xad: {  	[dreg:$0x0] =	wrdreg $0x60  }
0xae: {  	[dreg:$0x2] =	wrdreg s24  }
0xaf: {  	[dreg:$0x3] =	wrdreg $0x54000  }
0xb0: {  	[dreg:$0x4] =	wrdreg $0x9  }
0xb1: {  	_ =	task.clear_ibuf [dreg:s6], $0x5FFFF;
	_ =	strace $0x90000055  }
0xb2: {  	s29 =	simm.s32 $0x9;
	_ =	strace $0x80000057  }
0xb3: {  	_ =	swait.ge [sflag:s29], $0x1  }
0xb4: {  	[sflag:s29] =	ssyncadd.s32 $0xFFFFFFFF  }
0xb5: {  	_ =	strace $0x90000057  }
0xb6: {  	_ =	sfence  }
0xb7: {  	s30 =	sld [smem:$0x0];
	_ =	sdelay $0x2  }
0xb8: {  	s31 =	sshll.u32 s1, $0xD;
	s1 =	sshrl.u32 s1, $0x2  }
0xb9: {  	s3 =	sand.u32 $0x4000, s31;
	s1 =	sadd.s32 s1, s30  }
0xba: {  	s0 =	sor.u32 s3, s0;
	s1 =	sshll.u32 s1, $0x11  }
0xbb: {  	s0 =	sor.u32 s1, s0  }
0xbc: {  	s0 =	sadd.s32 $0x8F2B, s0  }
0xbd: {  	[sflag:s0] =	ssyncadd.remote.s32 $0x1  }
0xbe: {  	_ =	sfence.sel $0xFFFF  }
0xbf: {  	[dreg:$0x0] =	wrdreg $0xFFFFFFFF;
	(pc) =	sbr.abs _section_cstart, $3  }
0xc0: {  	[dreg:$0x1] =	wrdreg $0xFFFFFFFF  }
0xc1: {  	_ =	task.clear_ibuf [dreg:s6], $0x2FFFF;
	_ =	strace $0x9FFFFFFF  }
0xc2: {  	(tm) =	ssettm $0x7FFFFFFF  }
0xc3: {  	_ =	shalt  }
tec
execute0_lowered:
.L_overlay_start_1:
0x0: {  	(tag) =	ssettag $0x1  }
0x1: {  	s0 =	srdreg.scid;
	s5 =	rddreg [dreg:$0x0]  }
0x2: {  	s2 =	rddreg [dreg:$0x1];
	s4 =	sand.u32 $0x1, s0  }
0x3: {  	s3 =	simm.s32 $0x0;
	s0 =	stileid.u32;
	s6 =	smul.u32 $0x140000, s4  }
0x4: {  	s13 =	simm.s32 $0x80;
	s14 =	simm.s32 $0x0;
	s8 =	smul.u32 $0x13C00, s0  }
0x5: {  	[smem:$0x7FF] =	sst s3;
	s1 =	sshll.u32 s4, $0x4;
	s9 =	smul.u32 $0x13C000, s4  }
0x6: {  	s4 =	ssub.s32 $0x2, s4;
	s28 =	smul.u32 $0x4F000, s0;
	s30 =	sshll.u32 s0, $0x6  }
0x7: {  	s31 =	smul.u32 $0x14000, s0;
	s7 =	sor.u32 s0, s1;
	s1 =	rddreg [dreg:$0x2]  }
0x8: {  	_ =	strace $0x80000056;
	s11 =	sshrl.u32 s4, $0x1;
	s7 =	smul.u32 $0x1400, s7  }
0x9: {  	s10 =	sadd.s32 s6, s5;
	s26 =	sshrl.u32 s8, $0x3;
	s8 =	sadd.s32 s8, s9  }
0xa: {  	s11 =	ssub.s32 s4, s11;
	s29 =	sshrl.u32 s28, $0x2;
	s8 =	sshrl.u32 s8, $0x3  }
0xb: {  	s12 =	sadd.s32 s29, s2;
	s9 =	sadd.s32 s31, s10;
	s7 =	sshrl.u32 s7, $0x3  }
0xc: {  	s8 =	sadd.s32 s8, s5;
	s9 =	sadd.s32 $0x56D800, s9;
	s10 =	sshrl.u32 s12, $0x3  }
0xd: {  	s12 =	simm.s32 $0x1400;
	s25 =	sadd.s32 s7, s5;
	s7 =	sadd.s32 s26, s5  }
0xe: {  	s5 =	sor.u32 $0x1C01, s30;
	s4 =	sadd.s32 $0x2FA000, s7;
	s6 =	sadd.s32 $0x2F5000, s25  }
0xf: {  	s7 =	sadd.s32 $0x36FC00, s8;
	s8 =	smax.u32 s11, $0x1;
	s11 =	simm.s32 $0x1  }
.LBB2_1:
0x10: {  	[spmem:s10], [sflag:s5] =	dma.local [hbm:s4], $0x2780  }
0x11: {  	_ =	swait.ge [sflag:s11], $0x2780  }
0x12: {  	[sflag:s11] =	ssyncset.done $0x0  }
0x13: {  	[sflag:s11] =	ssyncadd.s32 $0xFFFFD880  }
0x14: {  	[bflag:$0x0] =	sbarrier.arrive $0xFFFF  }
0x15: {  	[tilespmem:s3], [sflag:$0x1] =	stream.linear.gather [hbm4b:s6+s3], $0x1400, $0x38;
	[tilespmem:$0x19000] =	vst v63  }
0x16: {  	_ =	swait.ge [sflag:s11], $0x1400  }
0x17: {  	[sflag:s11] =	ssyncset.done $0x0  }
0x18: {  	[sflag:s11] =	ssyncadd.s32 $0xFFFFEC00  }
0x19: {  	[tilespmem:s12], [sflag:$0x1] =	stream.linear.gather [hbm4b:s9+s3], $0x4000, $0x38;
	[tilespmem:$0x19000] =	vst v63  }
0x1a: {  	_ =	swait.ge [sflag:s11], $0x4000  }
0x1b: {  	[sflag:s11] =	ssyncset.done $0x0  }
0x1c: {  	s15 =	simm.s32 $0x0;
	[sflag:s11] =	ssyncadd.s32 $0xFFFFC000  }
0x1d: {  	[spmem:s2] =	stream.indirect.scatter.add.f32 [tilespmem:s12], [sflag:$0x1], $0x80, s15, s13, $0xb8;
	[tilespmem:$0x19000] =	vst v63  }
0x1e: {  	_ =	swait.ge [sflag:s11], $0x4000  }
0x1f: {  	s16 =	smov.u32 s9;
	s15 =	simm.s32 $0x200;
	[sflag:s11] =	ssyncset.done $0x0  }
.LBB2_2:
0x20: {  	p0 =	sne.s32 s15, $0x4E00;
	[sflag:s11] =	ssyncadd.s32 $0xFFFFC000;
	s16 =	sadd.s32 $0x800, s16  }
0x21: {  	[tilespmem:s12], [sflag:$0x1] =	stream.linear.gather [hbm4b:s16+s3], $0x4000, $0x38;
	[tilespmem:$0x19000] =	vst v63  }
0x22: {  	s17 =	smov.u32 s15;
	s15 =	sadd.s32 $0x200, s15;
	_ =	swait.ge [sflag:s11], $0x4000  }
.Ltmp0:
0x23: {  	[sflag:s11] =	ssyncset.done $0x0;
	(pc) =	sbr.rel @p0 .LBB2_2-.Ltmp0, $4  }
0x24: {  	s17 =	sshra.s32 s17, $0x2;
	[sflag:s11] =	ssyncadd.s32 $0xFFFFC000  }
0x25: {  	[spmem:s2] =	stream.indirect.scatter.add.f32 [tilespmem:s12], [sflag:$0x1], $0x80, s17, s13, $0xb8;
	[tilespmem:$0x19000] =	vst v63  }
0x26: {  	_ =	swait.ge [sflag:s11], $0x4000  }
0x27: {  	[sflag:s11] =	ssyncset.done $0x0  }
0x28: {  	s14 =	sadd.s32 $0x1, s14  }
0x29: {  	[sflag:s11] =	ssyncadd.s32 $0xFFFFC000;
	p0 =	sne.s32 s14, s8  }
.Ltmp1:
0x2a: {  	[bflag:$0x0] =	sbarrier.arrive $0xFFFF;
	(pc) =	sbr.rel @p0 .LBB2_1-.Ltmp1, $4  }
0x2b: {  	[hbm:s7], [sflag:s5] =	dma.local [spmem:s10], $0x2780  }
0x2c: {  	_ =	swait.ge [sflag:s11], $0x2780  }
0x2d: {  	[sflag:s11] =	ssyncset.done $0x0  }
0x2e: {  	[sflag:s11] =	ssyncadd.s32 $0xFFFFD880  }
0x2f: {  	_ =	sfence.sel $0x180000  }
0x30: {  	[bflag:$0x0] =	sbarrier.arrive $0xFFFF  }
0x31: {  	p0 =	sne.s32 s0, $0x0;
	_ =	strace $0x90000056  }
0x32: {  	s0 =	sadd.s32 @!p0 $0x100000, s1;
	[bflag:$0x2] =	sbarrier.arrive $0xFFFF  }
0x33: {  	[sflag:s0] =	ssyncadd.tile.s32 @!p0 $0x1;
	_ =	shalt  }
.Lfunc_end2:
_tile_overlayer_lowered:
.L_overlay_start_2:
0x34: {  	(tag) =	ssettag $0x2  }
0x35: {  	s0 =	rddreg [dreg:$0x0];
	s2 =	stileid.u32  }
0x36: {  	s1 =	rddreg [dreg:$0x1];
	p0 =	sne.s32 s2, $0x0  }
0x37: {  	s3 =	rddreg [dreg:$0x2];
	[bflag:$0x3] =	sbarrier.arrive $0xFFFF;
	s2 =	simm.s32 @!p0 $0x1C01  }
0x38: {  	[timem:s3], [sflag:s2] =	dma.local @!p0 [hbm:s0], s1  }
0x39: {  	s0 =	simm.s32 @!p0 $0x1  }
0x3a: {  	_ =	swait.ge @!p0 [sflag:s0], s1  }
0x3b: {  	s1 =	ssub.s32 @!p0 $0x0, s1;
	[sflag:s0] =	ssyncset.done @!p0 $0x0  }
0x3c: {  	[sflag:s0] =	ssyncadd.s32 @!p0 s1  }
0x3d: {  	[bflag:$0x3] =	sbarrier.arrive $0xFFFF  }
0x3e: {  	_ =	shalt  }

// kernel: kernel.47.cloned.1.call-start
scs
__scs_entry_jumppad:
0x0: {  	(pc) =	sbr.rel $0x88, $3  }
0x1: {  	(tag) =	ssettag $0x0;
	lr =	simm.s32 $0x1  }
0x2: {  	[smem:$0x3F83] =	sst lr;
	_ =	strace $0xD0000000  }
0x3: {  	_ = 	snop  }
0x4: {  	_ = 	snop  }
0x5: {  	_ = 	snop  }
0x6: {  	_ = 	snop  }
0x7: {  	_ = 	snop  }
__scs_overlays_trampoline_lowered:
0x8: {  	[smem:$0x3F92] =	sst s0  }
0x9: {  	[smem:$0x3F93] =	sst s1  }
0xa: {  	[smem:$0x3F94] =	sst s2  }
0xb: {  	[smem:$0x3F95] =	sst s3  }
0xc: {  	[smem:$0x3F96] =	sst s4  }
0xd: {  	[smem:$0x3F97] =	sst s5  }
0xe: {  	[smem:$0x3F98] =	sst s6  }
0xf: {  	[smem:$0x3F99] =	sst s7  }
0x10: {  	[smem:$0x3F9A] =	sst s8  }
0x11: {  	[smem:$0x3F9B] =	sst s9;
	s0 =	simm.s32 @!p0 $0x0  }
0x12: {  	s1 =	sld [smem:$0x3F81];
	s0 =	simm.s32 @p0 $0x1  }
0x13: {  	[smem:$0x3F9C] =	sst s0;
	s0 =	simm.s32 @!p1 $0x0  }
0x14: {  	s2 =	sld [smem:$0x3F80];
	s0 =	simm.s32 @p1 $0x1  }
0x15: {  	[smem:$0x3F9D] =	sst s0;
	s0 =	simm.s32 @!p2 $0x0  }
0x16: {  	s3 =	sld [smem:$0x3FDB];
	s0 =	simm.s32 @p2 $0x1  }
0x17: {  	s4 =	simm.s32 $0x1BF5;
	[smem:$0x3F9F] =	sst s0  }
0x18: {  	s0 =	sld [smem:$0x3F82];
	_ =	swait.ge [sflag:s4], $0x0  }
0x19: {  	s7 =	sld [smem:$0x3F83]  }
0x1a: {  	s8 =	sadd.s32 $0xFFFFE003, lr  }
0x1b: {  	s9 =	sadd.s32 $0xFFFFFEF7, lr;
	s5 =	simm.s32 $0xFFFFFFFF;
	p2 =	slt.u32 s8, $0xFFFFF086  }
0x1c: {  	p1 =	slt.u32 s9, $0xF7A;
	s5 =	simm.s32 @!p2 $0x0  }
0x1d: {  	s5 =	simm.s32 @p1 $0x1;
	p0 =	seq.s32 s7, s2  }
0x1e: {  	s7 =	smul.u32 @!p0 $0xF7A, s2;
	p2 =	seq.s32 @!p0 s5, $0x0  }
0x1f: {  	s9 =	smul.u32 $0xF7A, s1;
	s8 =	simm.s32 @!p0 $0x1BF5;
	p2 =	por !p2, p0  }
0x20: {  	[sflag:s8] =	ssyncset.s32 @!p0 $0xFFFFF086;
	s6 =	sadd.s32 @!p0 s3, s7;
	s7 =	simm.s32 @!p0 $0x108  }
0x21: {  	s3 =	sadd.s32 s3, s9;
	s6 =	sadd.s32 @!p0 $0x88, s6;
	s7 =	simm.s32 @p2 $0x1082  }
0x22: {  	[simem:s7], [sflag:s8] =	dma.local @!p0 [hbm:s6], $0xF7A  }
0x23: {  	s9 =	sor.u32 $0xD0000000, s2;
	s6 =	simm.s32 $0x108;
	_ =	swait.ge @!p0 [sflag:s8], $0x0  }
0x24: {  	s3 =	sadd.s32 $0x88, s3;
	s6 =	simm.s32 @!p1 $0x1082;
	[sflag:s4] =	ssyncset.s32 $0xFFFFF086  }
0x25: {  	[simem:s6], [sflag:s4] =	dma.local [hbm:s3], $0xF7A  }
0x26: {  	[smem:$0x3F83] =	sst s1;
	(tag) =	ssettag s2;
	_ =	strace s9  }
0x27: {  	s1 =	sld [smem:$0x3F93]  }
0x28: {  	s2 =	sld [smem:$0x3F94]  }
0x29: {  	s4 =	sld [smem:$0x3F96]  }
0x2a: {  	p0 =	seq.s32 s5, $0x0;
	s5 =	sld [smem:$0x3F97]  }
0x2b: {  	s6 =	sld [smem:$0x3F98]  }
0x2c: {  	s7 =	sld [smem:$0x3F99]  }
0x2d: {  	s3 =	simm.s32 $0x108;
	s8 =	sld [smem:$0x3F9A]  }
0x2e: {  	s3 =	simm.s32 @!p0 $0x1082;
	s9 =	sld [smem:$0x3F9B]  }
0x2f: {  	lr =	sadd.s32 s0, s3;
	s0 =	sld [smem:$0x3F92]  }
0x30: {  	s3 =	sld [smem:$0x3F95]  }
0x31: {  	[smem:$0x3F9E] =	sst s10  }
0x32: {  	s10 =	sld [smem:$0x3F9C];
	_ =	sdelay $0x3  }
0x33: {  	p0 =	seq.s32 s10, $0x1;
	s10 =	sld [smem:$0x3F9E];
	_ =	sdelay $0x3  }
0x34: {  	[smem:$0x3F9E] =	sst s10  }
0x35: {  	s10 =	sld [smem:$0x3F9D];
	_ =	sdelay $0x3  }
0x36: {  	p1 =	seq.s32 s10, $0x1;
	s10 =	sld [smem:$0x3F9E];
	_ =	sdelay $0x3  }
0x37: {  	[smem:$0x3F9E] =	sst s10  }
0x38: {  	s10 =	sld [smem:$0x3F9F]  }
0x39: {  	_ = 	snop;
	(pc) =	sbr.ind lr, $3  }
0x3a: {  	_ = 	snop  }
0x3b: {  	_ = 	snop  }
0x3c: {  	p2 =	seq.s32 s10, $0x1;
	s10 =	sld [smem:$0x3F9E]  }
0x3d: {  	_ =	shalt  }
0x3e: {  	_ =	shalt  }
0x3f: {  	_ =	shalt  }
0x40: {  	_ =	shalt  }
0x41: {  	_ =	shalt  }
0x42: {  	_ =	shalt  }
0x43: {  	_ =	shalt  }
0x44: {  	_ =	shalt  }
0x45: {  	_ =	shalt  }
0x46: {  	_ =	shalt  }
0x47: {  	_ =	shalt  }
0x48: {  	_ =	shalt  }
0x49: {  	_ =	shalt  }
0x4a: {  	_ =	shalt  }
0x4b: {  	_ =	shalt  }
0x4c: {  	_ =	shalt  }
0x4d: {  	_ =	shalt  }
0x4e: {  	_ =	shalt  }
0x4f: {  	_ =	shalt  }
0x50: {  	_ =	shalt  }
0x51: {  	_ =	shalt  }
0x52: {  	_ =	shalt  }
0x53: {  	_ =	shalt  }
0x54: {  	_ =	shalt  }
0x55: {  	_ =	shalt  }
0x56: {  	_ =	shalt  }
0x57: {  	_ =	shalt  }
0x58: {  	_ =	shalt  }
0x59: {  	_ =	shalt  }
0x5a: {  	_ =	shalt  }
0x5b: {  	_ =	shalt  }
0x5c: {  	_ =	shalt  }
0x5d: {  	_ =	shalt  }
0x5e: {  	_ =	shalt  }
0x5f: {  	_ =	shalt  }
0x60: {  	_ =	shalt  }
0x61: {  	_ =	shalt  }
0x62: {  	_ =	shalt  }
0x63: {  	_ =	shalt  }
0x64: {  	_ =	shalt  }
0x65: {  	_ =	shalt  }
0x66: {  	_ =	shalt  }
0x67: {  	_ =	shalt  }
0x68: {  	_ =	shalt  }
0x69: {  	_ =	shalt  }
0x6a: {  	_ =	shalt  }
0x6b: {  	_ =	shalt  }
0x6c: {  	_ =	shalt  }
0x6d: {  	_ =	shalt  }
0x6e: {  	_ =	shalt  }
0x6f: {  	_ =	shalt  }
0x70: {  	_ =	shalt  }
0x71: {  	_ =	shalt  }
0x72: {  	_ =	shalt  }
0x73: {  	_ =	shalt  }
0x74: {  	_ =	shalt  }
0x75: {  	_ =	shalt  }
0x76: {  	_ =	shalt  }
0x77: {  	_ =	shalt  }
0x78: {  	_ =	shalt  }
0x79: {  	_ =	shalt  }
0x7a: {  	_ =	shalt  }
0x7b: {  	_ =	shalt  }
0x7c: {  	_ =	shalt  }
0x7d: {  	_ =	shalt  }
0x7e: {  	_ =	shalt  }
0x7f: {  	_ =	shalt  }
0x80: {  	_ =	shalt  }
0x81: {  	_ =	shalt  }
0x82: {  	_ =	shalt  }
0x83: {  	_ =	shalt  }
0x84: {  	_ =	shalt  }
0x85: {  	_ =	shalt  }
0x86: {  	_ =	shalt  }
0x87: {  	_ =	shalt  }
.Lfunc_end0:
.L_simem_size_0:
called_computation.6_lowered:
.L_overlay_start_0:
0x88: {  	s2 =	sld [smem:$0x3FD9]  }
0x89: {  	s3 =	sld [smem:$0x3FFE];
	_ =	sdelay $0x1  }
0x8a: {  	s1 =	srdreg.scid  }
0x8b: {  	s0 =	sand.u32 $0x1, s1  }
0x8c: {  	s16 =	sshll.u32 s0, $0xA;
	s2 =	sadd.s32 s3, s2  }
0x8d: {  	s2 =	sadd.s32 s2, s16  }
0x8e: {  	[smem:$0x3FAA] =	sst s2  }
0x8f: {  	_ = 	snop  }
0x90: {  	(tm) =	ssettm $0x1  }
0x91: {  	s17 =	sld [smem:$0x3FFB];
	_ =	sdelay $0x3  }
0x92: {  	_ =	strace s17  }
0x93: {  	s2 =	sld [smem:$0x3FFC];
	_ =	sdelay $0x3  }
0x94: {  	_ =	strace s2  }
0x95: {  	s2 =	sld [smem:$0x3FFD];
	_ =	sdelay $0x3  }
0x96: {  	_ =	strace s2  }
0x97: {  	_ =	strace $0x8FFFFFFF  }
0x98: {  	s18 =	sld [smem:$0x3FDB];
	_ =	sdelay $0x1  }
0x99: {  	s19 =	simm.s32 $_scs_section_size  }
0x9a: {  	s4 =	simm.s32 $_size__tile_overlayer_lowered;
	s5 =	simm.s32 $_tile_overlayer_lowered  }
0x9b: {  	s22 =	simm.s32 $0x1BFF;
	s21 =	sshll.u32 s5, $0x1;
	s2 =	sadd.s32 s19, s18  }
0x9c: {  	s6 =	simm.s32 $0x0;
	s20 =	sshll.u32 s4, $0x1;
	s4 =	sadd.s32 s21, s2  }
0x9d: {  	[timem:s6], [sflag:s22] =	dma.local [hbm:s4], s20  }
0x9e: {  	_ =	swait.ge [sflag:s22], s20  }
0x9f: {  	s3 =	ssub.s32 $0x0, s20;
	[sflag:s22] =	ssyncset.done $0x0  }
0xa0: {  	[sflag:s22] =	ssyncadd.s32 s3;
	_ =	sdelay $0x1  }
0xa1: {  	s23 =	simm.s32 $0x1B8B  }
0xa2: {  	_ =	swait.ge [sflag:s23], $0x1  }
0xa3: {  	[sflag:s23] =	ssyncset.done $0x0  }
0xa4: {  	s25 =	simm.s32 $0x1B8E;
	s24 =	sld [smem:$0x3FFE];
	[sflag:s23] =	ssyncadd.s32 $0xFFFFFFFF  }
0xa5: {  	s26 =	simm.s32 $execute0_lowered;
	[smem:$0x3FD2] =	sst s25  }
0xa6: {  	s4 =	sshll.u32 s26, $0x1;
	_ =	strace $0x80000058;
	[dreg:$0x1] =	wrdreg $0xFFFFFFFF  }
0xa7: {  	s28 =	simm.s32 $_size_execute0_lowered;
	s2 =	sadd.s32 s2, s4;
	[dreg:$0x0] =	wrdreg $0x0  }
0xa8: {  	s4 =	sshll.u32 s28, $0x1;
	[dreg:$0x2] =	wrdreg s2  }
0xa9: {  	[dreg:$0x3] =	wrdreg s4  }
0xaa: {  	[dreg:$0x4] =	wrdreg $0xC0  }
0xab: {  	_ =	task [dreg:s6], $0x5FFFF  }
0xac: {  	[dreg:$0x1] =	wrdreg $0xFFFFFFFF  }
0xad: {  	[dreg:$0x0] =	wrdreg $0x60  }
0xae: {  	[dreg:$0x2] =	wrdreg s24  }
0xaf: {  	[dreg:$0x3] =	wrdreg $0x9  }
0xb0: {  	_ =	task.clear_ibuf [dreg:s6], $0x4FFFF;
	_ =	strace $0x90000058  }
0xb1: {  	s29 =	simm.s32 $0x9;
	_ =	strace $0x8000005A  }
0xb2: {  	_ =	swait.ge [sflag:s29], $0x1  }
0xb3: {  	[sflag:s29] =	ssyncadd.s32 $0xFFFFFFFF  }
0xb4: {  	_ =	strace $0x9000005A  }
0xb5: {  	_ =	sfence  }
0xb6: {  	s30 =	sld [smem:$0x0];
	_ =	sdelay $0x2  }
0xb7: {  	s31 =	sshll.u32 s1, $0xD;
	s1 =	sshrl.u32 s1, $0x2  }
0xb8: {  	s3 =	sand.u32 $0x4000, s31;
	s1 =	sadd.s32 s1, s30  }
0xb9: {  	s0 =	sor.u32 s3, s0;
	s1 =	sshll.u32 s1, $0x11  }
0xba: {  	s0 =	sor.u32 s1, s0  }
0xbb: {  	s0 =	sadd.s32 $0x8F2B, s0  }
0xbc: {  	[sflag:s0] =	ssyncadd.remote.s32 $0x1  }
0xbd: {  	_ =	sfence.sel $0xFFFF  }
0xbe: {  	[dreg:$0x0] =	wrdreg $0xFFFFFFFF;
	(pc) =	sbr.abs _section_cstart, $3  }
0xbf: {  	[dreg:$0x1] =	wrdreg $0xFFFFFFFF  }
0xc0: {  	_ =	task.clear_ibuf [dreg:s6], $0x2FFFF;
	_ =	strace $0x9FFFFFFF  }
0xc1: {  	(tm) =	ssettm $0x7FFFFFFF  }
tec
execute0_lowered:
.L_overlay_start_1:
0x0: {  	(tag) =	ssettag $0x1  }
0x1: {  	s4 =	rddreg [dreg:$0x0];
	s1 =	srdreg.scid  }
0x2: {  	s0 =	rddreg [dreg:$0x1];
	s2 =	simm.s32 $0x0;
	s10 =	simm.s32 $0x1  }
0x3: {  	s11 =	simm.s32 $0x0;
	s5 =	sand.u32 $0x1, s1;
	s1 =	stileid.u32  }
0x4: {  	[smem:$0x7FF] =	sst s2;
	s3 =	sshll.u32 s5, $0x4;
	s7 =	smul.u32 $0x140000, s5  }
0x5: {  	s5 =	ssub.s32 $0x2, s5;
	s9 =	smul.u32 $0x14000, s1;
	s3 =	sor.u32 s1, s3  }
0x6: {  	_ =	strace $0x80000059;
	s8 =	sshrl.u32 s5, $0x1;
	s6 =	smul.u32 $0x1400, s3  }
0x7: {  	s3 =	sadd.s32 $0x321800, s4;
	s7 =	sadd.s32 s7, s4;
	s5 =	ssub.s32 s5, s8  }
0x8: {  	s8 =	simm.s32 $0x80;
	s5 =	smax.u32 s5, $0x1;
	s6 =	sshrl.u32 s6, $0x3  }
0x9: {  	s31 =	sadd.s32 s9, s7;
	s7 =	simm.s32 $0x2;
	s6 =	sadd.s32 s6, s4  }
0xa: {  	s9 =	simm.s32 $0x1400;
	s4 =	sadd.s32 $0x15C00, s6;
	s6 =	sadd.s32 $0x1AC00, s31  }
.LBB2_1:
0xb: {  	[tilespmem:s2], [sflag:$0x2] =	stream.linear.gather [hbm4b:s4+s2], $0x1400, $0x38;
	[tilespmem:$0x5400] =	vst v63  }
0xc: {  	_ =	swait.ge [sflag:s7], $0x1400  }
0xd: {  	[sflag:s7] =	ssyncset.done $0x0  }
0xe: {  	s12 =	simm.s32 $0x0;
	[sflag:s7] =	ssyncadd.s32 $0xFFFFEC00  }
0xf: {  	[tilespmem:s9], [sflag:$0x1] =	stream.indirect.gather [hbm4b:s3+s8], $0x80, s12, s8, $0xb8;
	[tilespmem:$0x5400] =	vst v63  }
0x10: {  	_ =	swait.ge [sflag:s10], $0x4000  }
0x11: {  	[sflag:s10] =	ssyncset.done $0x0  }
0x12: {  	[sflag:s10] =	ssyncadd.s32 $0xFFFFC000  }
0x13: {  	[hbm4b:s6+s2] =	stream.linear.scatter [tilespmem:s9], [sflag:$0x2], $0x4000, $0x38;
	[tilespmem:$0x5400] =	vst v63  }
0x14: {  	s13 =	simm.s32 $0x200;
	_ =	swait.ge [sflag:s7], $0x4000  }
0x15: {  	s14 =	simm.s32 $0x400;
	s12 =	sadd.s32 $0x800, s6;
	[sflag:s7] =	ssyncset.done $0x0  }
.LBB2_2:
0x16: {  	s15 =	sshra.s32 s13, $0x2  }
0x17: {  	[sflag:s7] =	ssyncadd.s32 $0xFFFFC000;
	s13 =	smov.u32 s14;
	s16 =	sadd.s32 $0x200, s14  }
0x18: {  	[tilespmem:s9], [sflag:$0x1] =	stream.indirect.gather [hbm4b:s3+s8], $0x80, s15, s8, $0xb8;
	[tilespmem:$0x5400] =	vst v63  }
0x19: {  	p0 =	sne.s32 s14, $0x4E00;
	_ =	swait.ge [sflag:s10], $0x4000  }
.Ltmp0:
0x1a: {  	[sflag:s10] =	ssyncset.done $0x0;
	(pc) =	sbr.rel @p0 .LBB2_2-.Ltmp0, $4  }
0x1b: {  	[sflag:s10] =	ssyncadd.s32 $0xFFFFC000  }
0x1c: {  	[hbm4b:s12+s2] =	stream.linear.scatter [tilespmem:s9], [sflag:$0x2], $0x4000, $0x38;
	[tilespmem:$0x5400] =	vst v63  }
0x1d: {  	_ =	swait.ge [sflag:s7], $0x4000  }
0x1e: {  	s14 =	smov.u32 s16;
	s12 =	sadd.s32 $0x800, s12;
	[sflag:s7] =	ssyncset.done $0x0  }
0x1f: {  	s13 =	sshra.s32 s13, $0x2;
	[sflag:s7] =	ssyncadd.s32 $0xFFFFC000  }
0x20: {  	[tilespmem:s9], [sflag:$0x1] =	stream.indirect.gather [hbm4b:s3+s8], $0x80, s13, s8, $0xb8;
	[tilespmem:$0x5400] =	vst v63  }
0x21: {  	s11 =	sadd.s32 $0x1, s11;
	_ =	swait.ge [sflag:s10], $0x4000  }
0x22: {  	p0 =	sne.s32 s11, s5;
	[sflag:s10] =	ssyncset.done $0x0  }
.Ltmp1:
0x23: {  	[sflag:s10] =	ssyncadd.s32 $0xFFFFC000;
	(pc) =	sbr.rel @p0 .LBB2_1-.Ltmp1, $4  }
0x24: {  	[hbm4b:s12+s2] =	stream.linear.scatter [tilespmem:s9], [sflag:$0x2], $0x4000, $0x38;
	[tilespmem:$0x5400] =	vst v63  }
0x25: {  	_ =	swait.ge [sflag:s7], $0x4000  }
0x26: {  	[sflag:s7] =	ssyncset.done $0x0  }
0x27: {  	[sflag:s7] =	ssyncadd.s32 $0xFFFFC000  }
0x28: {  	_ =	sfence.sel $0x180000  }
0x29: {  	[bflag:$0x0] =	sbarrier.arrive $0xFFFF  }
0x2a: {  	p0 =	sne.s32 s1, $0x0;
	_ =	strace $0x90000059  }
0x2b: {  	s0 =	sadd.s32 @!p0 $0x100000, s0;
	[bflag:$0x2] =	sbarrier.arrive $0xFFFF  }
0x2c: {  	[sflag:s0] =	ssyncadd.tile.s32 @!p0 $0x1;
	_ =	shalt  }
.Lfunc_end2:
_tile_overlayer_lowered:
.L_overlay_start_2:
0x2d: {  	(tag) =	ssettag $0x2  }
0x2e: {  	s0 =	rddreg [dreg:$0x0];
	s2 =	stileid.u32  }
0x2f: {  	s1 =	rddreg [dreg:$0x1];
	p0 =	sne.s32 s2, $0x0  }
0x30: {  	s3 =	rddreg [dreg:$0x2];
	[bflag:$0x3] =	sbarrier.arrive $0xFFFF;
	s2 =	simm.s32 @!p0 $0x1C02  }
0x31: {  	[timem:s3], [sflag:s2] =	dma.local @!p0 [hbm:s0], s1  }
0x32: {  	s0 =	simm.s32 @!p0 $0x2  }
0x33: {  	_ =	swait.ge @!p0 [sflag:s0], s1  }
0x34: {  	s1 =	ssub.s32 @!p0 $0x0, s1;
	[sflag:s0] =	ssyncset.done @!p0 $0x0  }
0x35: {  	[sflag:s0] =	ssyncadd.s32 @!p0 s1  }
0x36: {  	[bflag:$0x3] =	sbarrier.arrive $0xFFFF  }
0x37: {  	_ =	shalt  }

// kernel: kernel.50.cloned.1.call-start
scs
__scs_entry_jumppad:
0x0: {  	(pc) =	sbr.rel $0x88, $3  }
0x1: {  	(tag) =	ssettag $0x0;
	lr =	simm.s32 $0x1  }
0x2: {  	[smem:$0x3F83] =	sst lr;
	_ =	strace $0xD0000000  }
0x3: {  	_ = 	snop  }
0x4: {  	_ = 	snop  }
0x5: {  	_ = 	snop  }
0x6: {  	_ = 	snop  }
0x7: {  	_ = 	snop  }
__scs_overlays_trampoline_lowered:
0x8: {  	[smem:$0x3F92] =	sst s0  }
0x9: {  	[smem:$0x3F93] =	sst s1  }
0xa: {  	[smem:$0x3F94] =	sst s2  }
0xb: {  	[smem:$0x3F95] =	sst s3  }
0xc: {  	[smem:$0x3F96] =	sst s4  }
0xd: {  	[smem:$0x3F97] =	sst s5  }
0xe: {  	[smem:$0x3F98] =	sst s6  }
0xf: {  	[smem:$0x3F99] =	sst s7  }
0x10: {  	[smem:$0x3F9A] =	sst s8  }
0x11: {  	[smem:$0x3F9B] =	sst s9;
	s0 =	simm.s32 @!p0 $0x0  }
0x12: {  	s1 =	sld [smem:$0x3F81];
	s0 =	simm.s32 @p0 $0x1  }
0x13: {  	[smem:$0x3F9C] =	sst s0;
	s0 =	simm.s32 @!p1 $0x0  }
0x14: {  	s2 =	sld [smem:$0x3F80];
	s0 =	simm.s32 @p1 $0x1  }
0x15: {  	[smem:$0x3F9D] =	sst s0;
	s0 =	simm.s32 @!p2 $0x0  }
0x16: {  	s3 =	sld [smem:$0x3FDB];
	s0 =	simm.s32 @p2 $0x1  }
0x17: {  	s4 =	simm.s32 $0x1BF5;
	[smem:$0x3F9F] =	sst s0  }
0x18: {  	s0 =	sld [smem:$0x3F82];
	_ =	swait.ge [sflag:s4], $0x0  }
0x19: {  	s7 =	sld [smem:$0x3F83]  }
0x1a: {  	s8 =	sadd.s32 $0xFFFFE003, lr  }
0x1b: {  	s9 =	sadd.s32 $0xFFFFFEF7, lr;
	s5 =	simm.s32 $0xFFFFFFFF;
	p2 =	slt.u32 s8, $0xFFFFF086  }
0x1c: {  	p1 =	slt.u32 s9, $0xF7A;
	s5 =	simm.s32 @!p2 $0x0  }
0x1d: {  	s5 =	simm.s32 @p1 $0x1;
	p0 =	seq.s32 s7, s2  }
0x1e: {  	s7 =	smul.u32 @!p0 $0xF7A, s2;
	p2 =	seq.s32 @!p0 s5, $0x0  }
0x1f: {  	s9 =	smul.u32 $0xF7A, s1;
	s8 =	simm.s32 @!p0 $0x1BF5;
	p2 =	por !p2, p0  }
0x20: {  	[sflag:s8] =	ssyncset.s32 @!p0 $0xFFFFF086;
	s6 =	sadd.s32 @!p0 s3, s7;
	s7 =	simm.s32 @!p0 $0x108  }
0x21: {  	s3 =	sadd.s32 s3, s9;
	s6 =	sadd.s32 @!p0 $0x88, s6;
	s7 =	simm.s32 @p2 $0x1082  }
0x22: {  	[simem:s7], [sflag:s8] =	dma.local @!p0 [hbm:s6], $0xF7A  }
0x23: {  	s9 =	sor.u32 $0xD0000000, s2;
	s6 =	simm.s32 $0x108;
	_ =	swait.ge @!p0 [sflag:s8], $0x0  }
0x24: {  	s3 =	sadd.s32 $0x88, s3;
	s6 =	simm.s32 @!p1 $0x1082;
	[sflag:s4] =	ssyncset.s32 $0xFFFFF086  }
0x25: {  	[simem:s6], [sflag:s4] =	dma.local [hbm:s3], $0xF7A  }
0x26: {  	[smem:$0x3F83] =	sst s1;
	(tag) =	ssettag s2;
	_ =	strace s9  }
0x27: {  	s1 =	sld [smem:$0x3F93]  }
0x28: {  	s2 =	sld [smem:$0x3F94]  }
0x29: {  	s4 =	sld [smem:$0x3F96]  }
0x2a: {  	p0 =	seq.s32 s5, $0x0;
	s5 =	sld [smem:$0x3F97]  }
0x2b: {  	s6 =	sld [smem:$0x3F98]  }
0x2c: {  	s7 =	sld [smem:$0x3F99]  }
0x2d: {  	s3 =	simm.s32 $0x108;
	s8 =	sld [smem:$0x3F9A]  }
0x2e: {  	s3 =	simm.s32 @!p0 $0x1082;
	s9 =	sld [smem:$0x3F9B]  }
0x2f: {  	lr =	sadd.s32 s0, s3;
	s0 =	sld [smem:$0x3F92]  }
0x30: {  	s3 =	sld [smem:$0x3F95]  }
0x31: {  	[smem:$0x3F9E] =	sst s10  }
0x32: {  	s10 =	sld [smem:$0x3F9C];
	_ =	sdelay $0x3  }
0x33: {  	p0 =	seq.s32 s10, $0x1;
	s10 =	sld [smem:$0x3F9E];
	_ =	sdelay $0x3  }
0x34: {  	[smem:$0x3F9E] =	sst s10  }
0x35: {  	s10 =	sld [smem:$0x3F9D];
	_ =	sdelay $0x3  }
0x36: {  	p1 =	seq.s32 s10, $0x1;
	s10 =	sld [smem:$0x3F9E];
	_ =	sdelay $0x3  }
0x37: {  	[smem:$0x3F9E] =	sst s10  }
0x38: {  	s10 =	sld [smem:$0x3F9F]  }
0x39: {  	_ = 	snop;
	(pc) =	sbr.ind lr, $3  }
0x3a: {  	_ = 	snop  }
0x3b: {  	_ = 	snop  }
0x3c: {  	p2 =	seq.s32 s10, $0x1;
	s10 =	sld [smem:$0x3F9E]  }
0x3d: {  	_ =	shalt  }
0x3e: {  	_ =	shalt  }
0x3f: {  	_ =	shalt  }
0x40: {  	_ =	shalt  }
0x41: {  	_ =	shalt  }
0x42: {  	_ =	shalt  }
0x43: {  	_ =	shalt  }
0x44: {  	_ =	shalt  }
0x45: {  	_ =	shalt  }
0x46: {  	_ =	shalt  }
0x47: {  	_ =	shalt  }
0x48: {  	_ =	shalt  }
0x49: {  	_ =	shalt  }
0x4a: {  	_ =	shalt  }
0x4b: {  	_ =	shalt  }
0x4c: {  	_ =	shalt  }
0x4d: {  	_ =	shalt  }
0x4e: {  	_ =	shalt  }
0x4f: {  	_ =	shalt  }
0x50: {  	_ =	shalt  }
0x51: {  	_ =	shalt  }
0x52: {  	_ =	shalt  }
0x53: {  	_ =	shalt  }
0x54: {  	_ =	shalt  }
0x55: {  	_ =	shalt  }
0x56: {  	_ =	shalt  }
0x57: {  	_ =	shalt  }
0x58: {  	_ =	shalt  }
0x59: {  	_ =	shalt  }
0x5a: {  	_ =	shalt  }
0x5b: {  	_ =	shalt  }
0x5c: {  	_ =	shalt  }
0x5d: {  	_ =	shalt  }
0x5e: {  	_ =	shalt  }
0x5f: {  	_ =	shalt  }
0x60: {  	_ =	shalt  }
0x61: {  	_ =	shalt  }
0x62: {  	_ =	shalt  }
0x63: {  	_ =	shalt  }
0x64: {  	_ =	shalt  }
0x65: {  	_ =	shalt  }
0x66: {  	_ =	shalt  }
0x67: {  	_ =	shalt  }
0x68: {  	_ =	shalt  }
0x69: {  	_ =	shalt  }
0x6a: {  	_ =	shalt  }
0x6b: {  	_ =	shalt  }
0x6c: {  	_ =	shalt  }
0x6d: {  	_ =	shalt  }
0x6e: {  	_ =	shalt  }
0x6f: {  	_ =	shalt  }
0x70: {  	_ =	shalt  }
0x71: {  	_ =	shalt  }
0x72: {  	_ =	shalt  }
0x73: {  	_ =	shalt  }
0x74: {  	_ =	shalt  }
0x75: {  	_ =	shalt  }
0x76: {  	_ =	shalt  }
0x77: {  	_ =	shalt  }
0x78: {  	_ =	shalt  }
0x79: {  	_ =	shalt  }
0x7a: {  	_ =	shalt  }
0x7b: {  	_ =	shalt  }
0x7c: {  	_ =	shalt  }
0x7d: {  	_ =	shalt  }
0x7e: {  	_ =	shalt  }
0x7f: {  	_ =	shalt  }
0x80: {  	_ =	shalt  }
0x81: {  	_ =	shalt  }
0x82: {  	_ =	shalt  }
0x83: {  	_ =	shalt  }
0x84: {  	_ =	shalt  }
0x85: {  	_ =	shalt  }
0x86: {  	_ =	shalt  }
0x87: {  	_ =	shalt  }
.Lfunc_end0:
.L_simem_size_0:
called_computation.7_lowered:
.L_overlay_start_0:
0x88: {  	s2 =	sld [smem:$0x3FD9]  }
0x89: {  	s3 =	sld [smem:$0x3FFE];
	_ =	sdelay $0x1  }
0x8a: {  	s1 =	srdreg.scid  }
0x8b: {  	s0 =	sand.u32 $0x1, s1  }
0x8c: {  	s16 =	sshll.u32 s0, $0xA;
	s2 =	sadd.s32 s3, s2  }
0x8d: {  	s2 =	sadd.s32 s2, s16  }
0x8e: {  	[smem:$0x3FAA] =	sst s2  }
0x8f: {  	_ = 	snop  }
0x90: {  	(tm) =	ssettm $0x1  }
0x91: {  	s17 =	sld [smem:$0x3FFB];
	_ =	sdelay $0x3  }
0x92: {  	_ =	strace s17  }
0x93: {  	s2 =	sld [smem:$0x3FFC];
	_ =	sdelay $0x3  }
0x94: {  	_ =	strace s2  }
0x95: {  	s2 =	sld [smem:$0x3FFD];
	_ =	sdelay $0x3  }
0x96: {  	_ =	strace s2  }
0x97: {  	_ =	strace $0x8FFFFFFF  }
0x98: {  	s18 =	sld [smem:$0x3FDB];
	_ =	sdelay $0x1  }
0x99: {  	s19 =	simm.s32 $_scs_section_size  }
0x9a: {  	s4 =	simm.s32 $_size__tile_overlayer_lowered;
	s5 =	simm.s32 $_tile_overlayer_lowered  }
0x9b: {  	s22 =	simm.s32 $0x1BFF;
	s21 =	sshll.u32 s5, $0x1;
	s2 =	sadd.s32 s19, s18  }
0x9c: {  	s6 =	simm.s32 $0x0;
	s20 =	sshll.u32 s4, $0x1;
	s4 =	sadd.s32 s21, s2  }
0x9d: {  	[timem:s6], [sflag:s22] =	dma.local [hbm:s4], s20  }
0x9e: {  	_ =	swait.ge [sflag:s22], s20  }
0x9f: {  	s3 =	ssub.s32 $0x0, s20;
	[sflag:s22] =	ssyncset.done $0x0  }
0xa0: {  	[sflag:s22] =	ssyncadd.s32 s3;
	_ =	sdelay $0x1  }
0xa1: {  	s23 =	simm.s32 $0x1B8B  }
0xa2: {  	_ =	swait.ge [sflag:s23], $0x1  }
0xa3: {  	[sflag:s23] =	ssyncset.done $0x0  }
0xa4: {  	s25 =	simm.s32 $0x1B8E;
	s24 =	sld [smem:$0x3FFE];
	[sflag:s23] =	ssyncadd.s32 $0xFFFFFFFF  }
0xa5: {  	s26 =	simm.s32 $execute0_lowered;
	[smem:$0x3FD2] =	sst s25  }
0xa6: {  	s4 =	sshll.u32 s26, $0x1;
	_ =	strace $0x8000005B;
	[dreg:$0x1] =	wrdreg $0xFFFFFFFF  }
0xa7: {  	s28 =	simm.s32 $_size_execute0_lowered;
	s2 =	sadd.s32 s2, s4;
	[dreg:$0x0] =	wrdreg $0x0  }
0xa8: {  	s4 =	sshll.u32 s28, $0x1;
	[dreg:$0x2] =	wrdreg s2  }
0xa9: {  	[dreg:$0x3] =	wrdreg s4  }
0xaa: {  	[dreg:$0x4] =	wrdreg $0xC0  }
0xab: {  	_ =	task [dreg:s6], $0x5FFFF  }
0xac: {  	[dreg:$0x1] =	wrdreg $0xFFFFFFFF  }
0xad: {  	[dreg:$0x0] =	wrdreg $0x60  }
0xae: {  	[dreg:$0x2] =	wrdreg s24  }
0xaf: {  	[dreg:$0x3] =	wrdreg $0x54000  }
0xb0: {  	[dreg:$0x4] =	wrdreg $0x9  }
0xb1: {  	_ =	task.clear_ibuf [dreg:s6], $0x5FFFF;
	_ =	strace $0x9000005B  }
0xb2: {  	s29 =	simm.s32 $0x9;
	_ =	strace $0x8000005D  }
0xb3: {  	_ =	swait.ge [sflag:s29], $0x1  }
0xb4: {  	[sflag:s29] =	ssyncadd.s32 $0xFFFFFFFF  }
0xb5: {  	_ =	strace $0x9000005D  }
0xb6: {  	_ =	sfence  }
0xb7: {  	s30 =	sld [smem:$0x0];
	_ =	sdelay $0x2  }
0xb8: {  	s31 =	sshll.u32 s1, $0xD;
	s1 =	sshrl.u32 s1, $0x2  }
0xb9: {  	s3 =	sand.u32 $0x4000, s31;
	s1 =	sadd.s32 s1, s30  }
0xba: {  	s0 =	sor.u32 s3, s0;
	s1 =	sshll.u32 s1, $0x11  }
0xbb: {  	s0 =	sor.u32 s1, s0  }
0xbc: {  	s0 =	sadd.s32 $0x8F2B, s0  }
0xbd: {  	[sflag:s0] =	ssyncadd.remote.s32 $0x1  }
0xbe: {  	_ =	sfence.sel $0xFFFF  }
0xbf: {  	[dreg:$0x0] =	wrdreg $0xFFFFFFFF;
	(pc) =	sbr.abs _section_cstart, $3  }
0xc0: {  	[dreg:$0x1] =	wrdreg $0xFFFFFFFF  }
0xc1: {  	_ =	task.clear_ibuf [dreg:s6], $0x2FFFF;
	_ =	strace $0x9FFFFFFF  }
0xc2: {  	(tm) =	ssettm $0x7FFFFFFF  }
0xc3: {  	_ =	shalt  }
tec
execute0_lowered:
.L_overlay_start_1:
0x0: {  	(tag) =	ssettag $0x1  }
0x1: {  	s0 =	srdreg.scid;
	s5 =	rddreg [dreg:$0x0]  }
0x2: {  	s2 =	rddreg [dreg:$0x1];
	s4 =	sand.u32 $0x1, s0  }
0x3: {  	s3 =	simm.s32 $0x0;
	s0 =	stileid.u32;
	s6 =	smul.u32 $0x140000, s4  }
0x4: {  	s13 =	simm.s32 $0x80;
	s14 =	simm.s32 $0x0;
	s8 =	smul.u32 $0x13C00, s0  }
0x5: {  	[smem:$0x7FF] =	sst s3;
	s1 =	sshll.u32 s4, $0x4;
	s9 =	smul.u32 $0x13C000, s4  }
0x6: {  	s4 =	ssub.s32 $0x2, s4;
	s28 =	smul.u32 $0x4F000, s0;
	s30 =	sshll.u32 s0, $0x6  }
0x7: {  	s31 =	smul.u32 $0x14000, s0;
	s7 =	sor.u32 s0, s1;
	s1 =	rddreg [dreg:$0x2]  }
0x8: {  	_ =	strace $0x8000005C;
	s11 =	sshrl.u32 s4, $0x1;
	s7 =	smul.u32 $0x1400, s7  }
0x9: {  	s10 =	sadd.s32 s6, s5;
	s26 =	sshrl.u32 s8, $0x3;
	s8 =	sadd.s32 s8, s9  }
0xa: {  	s11 =	ssub.s32 s4, s11;
	s29 =	sshrl.u32 s28, $0x2;
	s8 =	sshrl.u32 s8, $0x3  }
0xb: {  	s12 =	sadd.s32 s29, s2;
	s9 =	sadd.s32 s31, s10;
	s7 =	sshrl.u32 s7, $0x3  }
0xc: {  	s8 =	sadd.s32 s8, s5;
	s9 =	sadd.s32 $0x56D800, s9;
	s10 =	sshrl.u32 s12, $0x3  }
0xd: {  	s12 =	simm.s32 $0x1400;
	s25 =	sadd.s32 s7, s5;
	s7 =	sadd.s32 s26, s5  }
0xe: {  	s5 =	sor.u32 $0x1C01, s30;
	s4 =	sadd.s32 $0x2FA000, s7;
	s6 =	sadd.s32 $0x2F5000, s25  }
0xf: {  	s7 =	sadd.s32 $0x36FC00, s8;
	s8 =	smax.u32 s11, $0x1;
	s11 =	simm.s32 $0x1  }
.LBB2_1:
0x10: {  	[spmem:s10], [sflag:s5] =	dma.local [hbm:s4], $0x2780  }
0x11: {  	_ =	swait.ge [sflag:s11], $0x2780  }
0x12: {  	[sflag:s11] =	ssyncset.done $0x0  }
0x13: {  	[sflag:s11] =	ssyncadd.s32 $0xFFFFD880  }
0x14: {  	[bflag:$0x0] =	sbarrier.arrive $0xFFFF  }
0x15: {  	[tilespmem:s3], [sflag:$0x1] =	stream.linear.gather [hbm4b:s6+s3], $0x1400, $0x38;
	[tilespmem:$0x19000] =	vst v63  }
0x16: {  	_ =	swait.ge [sflag:s11], $0x1400  }
0x17: {  	[sflag:s11] =	ssyncset.done $0x0  }
0x18: {  	[sflag:s11] =	ssyncadd.s32 $0xFFFFEC00  }
0x19: {  	[tilespmem:s12], [sflag:$0x1] =	stream.linear.gather [hbm4b:s9+s3], $0x4000, $0x38;
	[tilespmem:$0x19000] =	vst v63  }
0x1a: {  	_ =	swait.ge [sflag:s11], $0x4000  }
0x1b: {  	[sflag:s11] =	ssyncset.done $0x0  }
0x1c: {  	s15 =	simm.s32 $0x0;
	[sflag:s11] =	ssyncadd.s32 $0xFFFFC000  }
0x1d: {  	[spmem:s2] =	stream.indirect.scatter.add.f32 [tilespmem:s12], [sflag:$0x1], $0x80, s15, s13, $0xb8;
	[tilespmem:$0x19000] =	vst v63  }
0x1e: {  	_ =	swait.ge [sflag:s11], $0x4000  }
0x1f: {  	s16 =	smov.u32 s9;
	s15 =	simm.s32 $0x200;
	[sflag:s11] =	ssyncset.done $0x0  }
.LBB2_2:
0x20: {  	p0 =	sne.s32 s15, $0x4E00;
	[sflag:s11] =	ssyncadd.s32 $0xFFFFC000;
	s16 =	sadd.s32 $0x800, s16  }
0x21: {  	[tilespmem:s12], [sflag:$0x1] =	stream.linear.gather [hbm4b:s16+s3], $0x4000, $0x38;
	[tilespmem:$0x19000] =	vst v63  }
0x22: {  	s17 =	smov.u32 s15;
	s15 =	sadd.s32 $0x200, s15;
	_ =	swait.ge [sflag:s11], $0x4000  }
.Ltmp0:
0x23: {  	[sflag:s11] =	ssyncset.done $0x0;
	(pc) =	sbr.rel @p0 .LBB2_2-.Ltmp0, $4  }
0x24: {  	s17 =	sshra.s32 s17, $0x2;
	[sflag:s11] =	ssyncadd.s32 $0xFFFFC000  }
0x25: {  	[spmem:s2] =	stream.indirect.scatter.add.f32 [tilespmem:s12], [sflag:$0x1], $0x80, s17, s13, $0xb8;
	[tilespmem:$0x19000] =	vst v63  }
0x26: {  	_ =	swait.ge [sflag:s11], $0x4000  }
0x27: {  	[sflag:s11] =	ssyncset.done $0x0  }
0x28: {  	s14 =	sadd.s32 $0x1, s14  }
0x29: {  	[sflag:s11] =	ssyncadd.s32 $0xFFFFC000;
	p0 =	sne.s32 s14, s8  }
.Ltmp1:
0x2a: {  	[bflag:$0x0] =	sbarrier.arrive $0xFFFF;
	(pc) =	sbr.rel @p0 .LBB2_1-.Ltmp1, $4  }
0x2b: {  	[hbm:s7], [sflag:s5] =	dma.local [spmem:s10], $0x2780  }
0x2c: {  	_ =	swait.ge [sflag:s11], $0x2780  }
0x2d: {  	[sflag:s11] =	ssyncset.done $0x0  }
0x2e: {  	[sflag:s11] =	ssyncadd.s32 $0xFFFFD880  }
0x2f: {  	_ =	sfence.sel $0x180000  }
0x30: {  	[bflag:$0x0] =	sbarrier.arrive $0xFFFF  }
0x31: {  	p0 =	sne.s32 s0, $0x0;
	_ =	strace $0x9000005C  }
0x32: {  	s0 =	sadd.s32 @!p0 $0x100000, s1;
	[bflag:$0x2] =	sbarrier.arrive $0xFFFF  }
0x33: {  	[sflag:s0] =	ssyncadd.tile.s32 @!p0 $0x1;
	_ =	shalt  }
.Lfunc_end2:
_tile_overlayer_lowered:
.L_overlay_start_2:
0x34: {  	(tag) =	ssettag $0x2  }
0x35: {  	s0 =	rddreg [dreg:$0x0];
	s2 =	stileid.u32  }
0x36: {  	s1 =	rddreg [dreg:$0x1];
	p0 =	sne.s32 s2, $0x0  }
0x37: {  	s3 =	rddreg [dreg:$0x2];
	[bflag:$0x3] =	sbarrier.arrive $0xFFFF;
	s2 =	simm.s32 @!p0 $0x1C01  }
0x38: {  	[timem:s3], [sflag:s2] =	dma.local @!p0 [hbm:s0], s1  }
0x39: {  	s0 =	simm.s32 @!p0 $0x1  }
0x3a: {  	_ =	swait.ge @!p0 [sflag:s0], s1  }
0x3b: {  	s1 =	ssub.s32 @!p0 $0x0, s1;
	[sflag:s0] =	ssyncset.done @!p0 $0x0  }
0x3c: {  	[sflag:s0] =	ssyncadd.s32 @!p0 s1  }
0x3d: {  	[bflag:$0x3] =	sbarrier.arrive $0xFFFF  }
0x3e: {  	_ =	shalt  }

// kernel: kernel.53.cloned.1.call-start
scs
__scs_entry_jumppad:
0x0: {  	(pc) =	sbr.rel $0x88, $3  }
0x1: {  	(tag) =	ssettag $0x0;
	lr =	simm.s32 $0x1  }
0x2: {  	[smem:$0x3F83] =	sst lr;
	_ =	strace $0xD0000000  }
0x3: {  	_ = 	snop  }
0x4: {  	_ = 	snop  }
0x5: {  	_ = 	snop  }
0x6: {  	_ = 	snop  }
0x7: {  	_ = 	snop  }
__scs_overlays_trampoline_lowered:
0x8: {  	[smem:$0x3F92] =	sst s0  }
0x9: {  	[smem:$0x3F93] =	sst s1  }
0xa: {  	[smem:$0x3F94] =	sst s2  }
0xb: {  	[smem:$0x3F95] =	sst s3  }
0xc: {  	[smem:$0x3F96] =	sst s4  }
0xd: {  	[smem:$0x3F97] =	sst s5  }
0xe: {  	[smem:$0x3F98] =	sst s6  }
0xf: {  	[smem:$0x3F99] =	sst s7  }
0x10: {  	[smem:$0x3F9A] =	sst s8  }
0x11: {  	[smem:$0x3F9B] =	sst s9;
	s0 =	simm.s32 @!p0 $0x0  }
0x12: {  	s1 =	sld [smem:$0x3F81];
	s0 =	simm.s32 @p0 $0x1  }
0x13: {  	[smem:$0x3F9C] =	sst s0;
	s0 =	simm.s32 @!p1 $0x0  }
0x14: {  	s2 =	sld [smem:$0x3F80];
	s0 =	simm.s32 @p1 $0x1  }
0x15: {  	[smem:$0x3F9D] =	sst s0;
	s0 =	simm.s32 @!p2 $0x0  }
0x16: {  	s3 =	sld [smem:$0x3FDB];
	s0 =	simm.s32 @p2 $0x1  }
0x17: {  	s4 =	simm.s32 $0x1BF5;
	[smem:$0x3F9F] =	sst s0  }
0x18: {  	s0 =	sld [smem:$0x3F82];
	_ =	swait.ge [sflag:s4], $0x0  }
0x19: {  	s7 =	sld [smem:$0x3F83]  }
0x1a: {  	s8 =	sadd.s32 $0xFFFFE003, lr  }
0x1b: {  	s9 =	sadd.s32 $0xFFFFFEF7, lr;
	s5 =	simm.s32 $0xFFFFFFFF;
	p2 =	slt.u32 s8, $0xFFFFF086  }
0x1c: {  	p1 =	slt.u32 s9, $0xF7A;
	s5 =	simm.s32 @!p2 $0x0  }
0x1d: {  	s5 =	simm.s32 @p1 $0x1;
	p0 =	seq.s32 s7, s2  }
0x1e: {  	s7 =	smul.u32 @!p0 $0xF7A, s2;
	p2 =	seq.s32 @!p0 s5, $0x0  }
0x1f: {  	s9 =	smul.u32 $0xF7A, s1;
	s8 =	simm.s32 @!p0 $0x1BF5;
	p2 =	por !p2, p0  }
0x20: {  	[sflag:s8] =	ssyncset.s32 @!p0 $0xFFFFF086;
	s6 =	sadd.s32 @!p0 s3, s7;
	s7 =	simm.s32 @!p0 $0x108  }
0x21: {  	s3 =	sadd.s32 s3, s9;
	s6 =	sadd.s32 @!p0 $0x88, s6;
	s7 =	simm.s32 @p2 $0x1082  }
0x22: {  	[simem:s7], [sflag:s8] =	dma.local @!p0 [hbm:s6], $0xF7A  }
0x23: {  	s9 =	sor.u32 $0xD0000000, s2;
	s6 =	simm.s32 $0x108;
	_ =	swait.ge @!p0 [sflag:s8], $0x0  }
0x24: {  	s3 =	sadd.s32 $0x88, s3;
	s6 =	simm.s32 @!p1 $0x1082;
	[sflag:s4] =	ssyncset.s32 $0xFFFFF086  }
0x25: {  	[simem:s6], [sflag:s4] =	dma.local [hbm:s3], $0xF7A  }
0x26: {  	[smem:$0x3F83] =	sst s1;
	(tag) =	ssettag s2;
	_ =	strace s9  }
0x27: {  	s1 =	sld [smem:$0x3F93]  }
0x28: {  	s2 =	sld [smem:$0x3F94]  }
0x29: {  	s4 =	sld [smem:$0x3F96]  }
0x2a: {  	p0 =	seq.s32 s5, $0x0;
	s5 =	sld [smem:$0x3F97]  }
0x2b: {  	s6 =	sld [smem:$0x3F98]  }
0x2c: {  	s7 =	sld [smem:$0x3F99]  }
0x2d: {  	s3 =	simm.s32 $0x108;
	s8 =	sld [smem:$0x3F9A]  }
0x2e: {  	s3 =	simm.s32 @!p0 $0x1082;
	s9 =	sld [smem:$0x3F9B]  }
0x2f: {  	lr =	sadd.s32 s0, s3;
	s0 =	sld [smem:$0x3F92]  }
0x30: {  	s3 =	sld [smem:$0x3F95]  }
0x31: {  	[smem:$0x3F9E] =	sst s10  }
0x32: {  	s10 =	sld [smem:$0x3F9C];
	_ =	sdelay $0x3  }
0x33: {  	p0 =	seq.s32 s10, $0x1;
	s10 =	sld [smem:$0x3F9E];
	_ =	sdelay $0x3  }
0x34: {  	[smem:$0x3F9E] =	sst s10  }
0x35: {  	s10 =	sld [smem:$0x3F9D];
	_ =	sdelay $0x3  }
0x36: {  	p1 =	seq.s32 s10, $0x1;
	s10 =	sld [smem:$0x3F9E];
	_ =	sdelay $0x3  }
0x37: {  	[smem:$0x3F9E] =	sst s10  }
0x38: {  	s10 =	sld [smem:$0x3F9F]  }
0x39: {  	_ = 	snop;
	(pc) =	sbr.ind lr, $3  }
0x3a: {  	_ = 	snop  }
0x3b: {  	_ = 	snop  }
0x3c: {  	p2 =	seq.s32 s10, $0x1;
	s10 =	sld [smem:$0x3F9E]  }
0x3d: {  	_ =	shalt  }
0x3e: {  	_ =	shalt  }
0x3f: {  	_ =	shalt  }
0x40: {  	_ =	shalt  }
0x41: {  	_ =	shalt  }
0x42: {  	_ =	shalt  }
0x43: {  	_ =	shalt  }
0x44: {  	_ =	shalt  }
0x45: {  	_ =	shalt  }
0x46: {  	_ =	shalt  }
0x47: {  	_ =	shalt  }
0x48: {  	_ =	shalt  }
0x49: {  	_ =	shalt  }
0x4a: {  	_ =	shalt  }
0x4b: {  	_ =	shalt  }
0x4c: {  	_ =	shalt  }
0x4d: {  	_ =	shalt  }
0x4e: {  	_ =	shalt  }
0x4f: {  	_ =	shalt  }
0x50: {  	_ =	shalt  }
0x51: {  	_ =	shalt  }
0x52: {  	_ =	shalt  }
0x53: {  	_ =	shalt  }
0x54: {  	_ =	shalt  }
0x55: {  	_ =	shalt  }
0x56: {  	_ =	shalt  }
0x57: {  	_ =	shalt  }
0x58: {  	_ =	shalt  }
0x59: {  	_ =	shalt  }
0x5a: {  	_ =	shalt  }
0x5b: {  	_ =	shalt  }
0x5c: {  	_ =	shalt  }
0x5d: {  	_ =	shalt  }
0x5e: {  	_ =	shalt  }
0x5f: {  	_ =	shalt  }
0x60: {  	_ =	shalt  }
0x61: {  	_ =	shalt  }
0x62: {  	_ =	shalt  }
0x63: {  	_ =	shalt  }
0x64: {  	_ =	shalt  }
0x65: {  	_ =	shalt  }
0x66: {  	_ =	shalt  }
0x67: {  	_ =	shalt  }
0x68: {  	_ =	shalt  }
0x69: {  	_ =	shalt  }
0x6a: {  	_ =	shalt  }
0x6b: {  	_ =	shalt  }
0x6c: {  	_ =	shalt  }
0x6d: {  	_ =	shalt  }
0x6e: {  	_ =	shalt  }
0x6f: {  	_ =	shalt  }
0x70: {  	_ =	shalt  }
0x71: {  	_ =	shalt  }
0x72: {  	_ =	shalt  }
0x73: {  	_ =	shalt  }
0x74: {  	_ =	shalt  }
0x75: {  	_ =	shalt  }
0x76: {  	_ =	shalt  }
0x77: {  	_ =	shalt  }
0x78: {  	_ =	shalt  }
0x79: {  	_ =	shalt  }
0x7a: {  	_ =	shalt  }
0x7b: {  	_ =	shalt  }
0x7c: {  	_ =	shalt  }
0x7d: {  	_ =	shalt  }
0x7e: {  	_ =	shalt  }
0x7f: {  	_ =	shalt  }
0x80: {  	_ =	shalt  }
0x81: {  	_ =	shalt  }
0x82: {  	_ =	shalt  }
0x83: {  	_ =	shalt  }
0x84: {  	_ =	shalt  }
0x85: {  	_ =	shalt  }
0x86: {  	_ =	shalt  }
0x87: {  	_ =	shalt  }
.Lfunc_end0:
.L_simem_size_0:
called_computation.8_lowered:
.L_overlay_start_0:
0x88: {  	s2 =	sld [smem:$0x3FD9]  }
0x89: {  	s3 =	sld [smem:$0x3FFE];
	_ =	sdelay $0x1  }
0x8a: {  	s1 =	srdreg.scid  }
0x8b: {  	s0 =	sand.u32 $0x1, s1  }
0x8c: {  	s16 =	sshll.u32 s0, $0xA;
	s2 =	sadd.s32 s3, s2  }
0x8d: {  	s2 =	sadd.s32 s2, s16  }
0x8e: {  	[smem:$0x3FAA] =	sst s2  }
0x8f: {  	_ = 	snop  }
0x90: {  	(tm) =	ssettm $0x1  }
0x91: {  	s17 =	sld [smem:$0x3FFB];
	_ =	sdelay $0x3  }
0x92: {  	_ =	strace s17  }
0x93: {  	s2 =	sld [smem:$0x3FFC];
	_ =	sdelay $0x3  }
0x94: {  	_ =	strace s2  }
0x95: {  	s2 =	sld [smem:$0x3FFD];
	_ =	sdelay $0x3  }
0x96: {  	_ =	strace s2  }
0x97: {  	_ =	strace $0x8FFFFFFF  }
0x98: {  	s18 =	sld [smem:$0x3FDB];
	_ =	sdelay $0x1  }
0x99: {  	s19 =	simm.s32 $_scs_section_size  }
0x9a: {  	s4 =	simm.s32 $_size__tile_overlayer_lowered;
	s5 =	simm.s32 $_tile_overlayer_lowered  }
0x9b: {  	s22 =	simm.s32 $0x1BFF;
	s21 =	sshll.u32 s5, $0x1;
	s2 =	sadd.s32 s19, s18  }
0x9c: {  	s6 =	simm.s32 $0x0;
	s20 =	sshll.u32 s4, $0x1;
	s4 =	sadd.s32 s21, s2  }
0x9d: {  	[timem:s6], [sflag:s22] =	dma.local [hbm:s4], s20  }
0x9e: {  	_ =	swait.ge [sflag:s22], s20  }
0x9f: {  	s3 =	ssub.s32 $0x0, s20;
	[sflag:s22] =	ssyncset.done $0x0  }
0xa0: {  	[sflag:s22] =	ssyncadd.s32 s3;
	_ =	sdelay $0x1  }
0xa1: {  	s23 =	simm.s32 $0x1B8B  }
0xa2: {  	_ =	swait.ge [sflag:s23], $0x1  }
0xa3: {  	[sflag:s23] =	ssyncset.done $0x0  }
0xa4: {  	s25 =	simm.s32 $0x1B8E;
	s24 =	sld [smem:$0x3FFE];
	[sflag:s23] =	ssyncadd.s32 $0xFFFFFFFF  }
0xa5: {  	s26 =	simm.s32 $execute0_lowered;
	[smem:$0x3FD2] =	sst s25  }
0xa6: {  	s4 =	sshll.u32 s26, $0x1;
	_ =	strace $0x8000005E;
	[dreg:$0x1] =	wrdreg $0xFFFFFFFF  }
0xa7: {  	s28 =	simm.s32 $_size_execute0_lowered;
	s2 =	sadd.s32 s2, s4;
	[dreg:$0x0] =	wrdreg $0x0  }
0xa8: {  	s4 =	sshll.u32 s28, $0x1;
	[dreg:$0x2] =	wrdreg s2  }
0xa9: {  	[dreg:$0x3] =	wrdreg s4  }
0xaa: {  	[dreg:$0x4] =	wrdreg $0xC0  }
0xab: {  	_ =	task [dreg:s6], $0x5FFFF  }
0xac: {  	[dreg:$0x1] =	wrdreg $0xFFFFFFFF  }
0xad: {  	[dreg:$0x0] =	wrdreg $0x60  }
0xae: {  	[dreg:$0x2] =	wrdreg s24  }
0xaf: {  	[dreg:$0x3] =	wrdreg $0x9  }
0xb0: {  	_ =	task.clear_ibuf [dreg:s6], $0x4FFFF;
	_ =	strace $0x9000005E  }
0xb1: {  	s29 =	simm.s32 $0x9;
	_ =	strace $0x80000060  }
0xb2: {  	_ =	swait.ge [sflag:s29], $0x1  }
0xb3: {  	[sflag:s29] =	ssyncadd.s32 $0xFFFFFFFF  }
0xb4: {  	_ =	strace $0x90000060  }
0xb5: {  	_ =	sfence  }
0xb6: {  	s30 =	sld [smem:$0x0];
	_ =	sdelay $0x2  }
0xb7: {  	s31 =	sshll.u32 s1, $0xD;
	s1 =	sshrl.u32 s1, $0x2  }
0xb8: {  	s3 =	sand.u32 $0x4000, s31;
	s1 =	sadd.s32 s1, s30  }
0xb9: {  	s0 =	sor.u32 s3, s0;
	s1 =	sshll.u32 s1, $0x11  }
0xba: {  	s0 =	sor.u32 s1, s0  }
0xbb: {  	s0 =	sadd.s32 $0x8F2B, s0  }
0xbc: {  	[sflag:s0] =	ssyncadd.remote.s32 $0x1  }
0xbd: {  	_ =	sfence.sel $0xFFFF  }
0xbe: {  	[dreg:$0x0] =	wrdreg $0xFFFFFFFF;
	(pc) =	sbr.abs _section_cstart, $3  }
0xbf: {  	[dreg:$0x1] =	wrdreg $0xFFFFFFFF  }
0xc0: {  	_ =	task.clear_ibuf [dreg:s6], $0x2FFFF;
	_ =	strace $0x9FFFFFFF  }
0xc1: {  	(tm) =	ssettm $0x7FFFFFFF  }
tec
execute0_lowered:
.L_overlay_start_1:
0x0: {  	(tag) =	ssettag $0x1  }
0x1: {  	s4 =	rddreg [dreg:$0x0];
	s1 =	srdreg.scid  }
0x2: {  	s0 =	rddreg [dreg:$0x1];
	s2 =	simm.s32 $0x0;
	s10 =	simm.s32 $0x1  }
0x3: {  	s11 =	simm.s32 $0x0;
	s5 =	sand.u32 $0x1, s1;
	s1 =	stileid.u32  }
0x4: {  	[smem:$0x7FF] =	sst s2;
	s3 =	sshll.u32 s5, $0x4;
	s7 =	smul.u32 $0x140000, s5  }
0x5: {  	s5 =	ssub.s32 $0x2, s5;
	s9 =	smul.u32 $0x14000, s1;
	s3 =	sor.u32 s1, s3  }
0x6: {  	_ =	strace $0x8000005F;
	s8 =	sshrl.u32 s5, $0x1;
	s6 =	smul.u32 $0x1400, s3  }
0x7: {  	s3 =	sadd.s32 $0x321800, s4;
	s7 =	sadd.s32 s7, s4;
	s5 =	ssub.s32 s5, s8  }
0x8: {  	s8 =	simm.s32 $0x80;
	s5 =	smax.u32 s5, $0x1;
	s6 =	sshrl.u32 s6, $0x3  }
0x9: {  	s31 =	sadd.s32 s9, s7;
	s7 =	simm.s32 $0x2;
	s6 =	sadd.s32 s6, s4  }
0xa: {  	s9 =	simm.s32 $0x1400;
	s4 =	sadd.s32 $0x15C00, s6;
	s6 =	sadd.s32 $0x1AC00, s31  }
.LBB2_1:
0xb: {  	[tilespmem:s2], [sflag:$0x2] =	stream.linear.gather [hbm4b:s4+s2], $0x1400, $0x38;
	[tilespmem:$0x5400] =	vst v63  }
0xc: {  	_ =	swait.ge [sflag:s7], $0x1400  }
0xd: {  	[sflag:s7] =	ssyncset.done $0x0  }
0xe: {  	s12 =	simm.s32 $0x0;
	[sflag:s7] =	ssyncadd.s32 $0xFFFFEC00  }
0xf: {  	[tilespmem:s9], [sflag:$0x1] =	stream.indirect.gather [hbm4b:s3+s8], $0x80, s12, s8, $0xb8;
	[tilespmem:$0x5400] =	vst v63  }
0x10: {  	_ =	swait.ge [sflag:s10], $0x4000  }
0x11: {  	[sflag:s10] =	ssyncset.done $0x0  }
0x12: {  	[sflag:s10] =	ssyncadd.s32 $0xFFFFC000  }
0x13: {  	[hbm4b:s6+s2] =	stream.linear.scatter [tilespmem:s9], [sflag:$0x2], $0x4000, $0x38;
	[tilespmem:$0x5400] =	vst v63  }
0x14: {  	s13 =	simm.s32 $0x200;
	_ =	swait.ge [sflag:s7], $0x4000  }
0x15: {  	s14 =	simm.s32 $0x400;
	s12 =	sadd.s32 $0x800, s6;
	[sflag:s7] =	ssyncset.done $0x0  }
.LBB2_2:
0x16: {  	s15 =	sshra.s32 s13, $0x2  }
0x17: {  	[sflag:s7] =	ssyncadd.s32 $0xFFFFC000;
	s13 =	smov.u32 s14;
	s16 =	sadd.s32 $0x200, s14  }
0x18: {  	[tilespmem:s9], [sflag:$0x1] =	stream.indirect.gather [hbm4b:s3+s8], $0x80, s15, s8, $0xb8;
	[tilespmem:$0x5400] =	vst v63  }
0x19: {  	p0 =	sne.s32 s14, $0x4E00;
	_ =	swait.ge [sflag:s10], $0x4000  }
.Ltmp0:
0x1a: {  	[sflag:s10] =	ssyncset.done $0x0;
	(pc) =	sbr.rel @p0 .LBB2_2-.Ltmp0, $4  }
0x1b: {  	[sflag:s10] =	ssyncadd.s32 $0xFFFFC000  }
0x1c: {  	[hbm4b:s12+s2] =	stream.linear.scatter [tilespmem:s9], [sflag:$0x2], $0x4000, $0x38;
	[tilespmem:$0x5400] =	vst v63  }
0x1d: {  	_ =	swait.ge [sflag:s7], $0x4000  }
0x1e: {  	s14 =	smov.u32 s16;
	s12 =	sadd.s32 $0x800, s12;
	[sflag:s7] =	ssyncset.done $0x0  }
0x1f: {  	s13 =	sshra.s32 s13, $0x2;
	[sflag:s7] =	ssyncadd.s32 $0xFFFFC000  }
0x20: {  	[tilespmem:s9], [sflag:$0x1] =	stream.indirect.gather [hbm4b:s3+s8], $0x80, s13, s8, $0xb8;
	[tilespmem:$0x5400] =	vst v63  }
0x21: {  	s11 =	sadd.s32 $0x1, s11;
	_ =	swait.ge [sflag:s10], $0x4000  }
0x22: {  	p0 =	sne.s32 s11, s5;
	[sflag:s10] =	ssyncset.done $0x0  }
.Ltmp1:
0x23: {  	[sflag:s10] =	ssyncadd.s32 $0xFFFFC000;
	(pc) =	sbr.rel @p0 .LBB2_1-.Ltmp1, $4  }
0x24: {  	[hbm4b:s12+s2] =	stream.linear.scatter [tilespmem:s9], [sflag:$0x2], $0x4000, $0x38;
	[tilespmem:$0x5400] =	vst v63  }
0x25: {  	_ =	swait.ge [sflag:s7], $0x4000  }
0x26: {  	[sflag:s7] =	ssyncset.done $0x0  }
0x27: {  	[sflag:s7] =	ssyncadd.s32 $0xFFFFC000  }
0x28: {  	_ =	sfence.sel $0x180000  }
0x29: {  	[bflag:$0x0] =	sbarrier.arrive $0xFFFF  }
0x2a: {  	p0 =	sne.s32 s1, $0x0;
	_ =	strace $0x9000005F  }
0x2b: {  	s0 =	sadd.s32 @!p0 $0x100000, s0;
	[bflag:$0x2] =	sbarrier.arrive $0xFFFF  }
0x2c: {  	[sflag:s0] =	ssyncadd.tile.s32 @!p0 $0x1;
	_ =	shalt  }
.Lfunc_end2:
_tile_overlayer_lowered:
.L_overlay_start_2:
0x2d: {  	(tag) =	ssettag $0x2  }
0x2e: {  	s0 =	rddreg [dreg:$0x0];
	s2 =	stileid.u32  }
0x2f: {  	s1 =	rddreg [dreg:$0x1];
	p0 =	sne.s32 s2, $0x0  }
0x30: {  	s3 =	rddreg [dreg:$0x2];
	[bflag:$0x3] =	sbarrier.arrive $0xFFFF;
	s2 =	simm.s32 @!p0 $0x1C02  }
0x31: {  	[timem:s3], [sflag:s2] =	dma.local @!p0 [hbm:s0], s1  }
0x32: {  	s0 =	simm.s32 @!p0 $0x2  }
0x33: {  	_ =	swait.ge @!p0 [sflag:s0], s1  }
0x34: {  	s1 =	ssub.s32 @!p0 $0x0, s1;
	[sflag:s0] =	ssyncset.done @!p0 $0x0  }
0x35: {  	[sflag:s0] =	ssyncadd.s32 @!p0 s1  }
0x36: {  	[bflag:$0x3] =	sbarrier.arrive $0xFFFF  }
0x37: {  	_ =	shalt  }

// kernel: kernel.56.cloned.1.call-start
scs
__scs_entry_jumppad:
0x0: {  	(pc) =	sbr.rel $0x88, $3  }
0x1: {  	(tag) =	ssettag $0x0;
	lr =	simm.s32 $0x1  }
0x2: {  	[smem:$0x3F83] =	sst lr;
	_ =	strace $0xD0000000  }
0x3: {  	_ = 	snop  }
0x4: {  	_ = 	snop  }
0x5: {  	_ = 	snop  }
0x6: {  	_ = 	snop  }
0x7: {  	_ = 	snop  }
__scs_overlays_trampoline_lowered:
0x8: {  	[smem:$0x3F92] =	sst s0  }
0x9: {  	[smem:$0x3F93] =	sst s1  }
0xa: {  	[smem:$0x3F94] =	sst s2  }
0xb: {  	[smem:$0x3F95] =	sst s3  }
0xc: {  	[smem:$0x3F96] =	sst s4  }
0xd: {  	[smem:$0x3F97] =	sst s5  }
0xe: {  	[smem:$0x3F98] =	sst s6  }
0xf: {  	[smem:$0x3F99] =	sst s7  }
0x10: {  	[smem:$0x3F9A] =	sst s8  }
0x11: {  	[smem:$0x3F9B] =	sst s9;
	s0 =	simm.s32 @!p0 $0x0  }
0x12: {  	s1 =	sld [smem:$0x3F81];
	s0 =	simm.s32 @p0 $0x1  }
0x13: {  	[smem:$0x3F9C] =	sst s0;
	s0 =	simm.s32 @!p1 $0x0  }
0x14: {  	s2 =	sld [smem:$0x3F80];
	s0 =	simm.s32 @p1 $0x1  }
0x15: {  	[smem:$0x3F9D] =	sst s0;
	s0 =	simm.s32 @!p2 $0x0  }
0x16: {  	s3 =	sld [smem:$0x3FDB];
	s0 =	simm.s32 @p2 $0x1  }
0x17: {  	s4 =	simm.s32 $0x1BF5;
	[smem:$0x3F9F] =	sst s0  }
0x18: {  	s0 =	sld [smem:$0x3F82];
	_ =	swait.ge [sflag:s4], $0x0  }
0x19: {  	s7 =	sld [smem:$0x3F83]  }
0x1a: {  	s8 =	sadd.s32 $0xFFFFE003, lr  }
0x1b: {  	s9 =	sadd.s32 $0xFFFFFEF7, lr;
	s5 =	simm.s32 $0xFFFFFFFF;
	p2 =	slt.u32 s8, $0xFFFFF086  }
0x1c: {  	p1 =	slt.u32 s9, $0xF7A;
	s5 =	simm.s32 @!p2 $0x0  }
0x1d: {  	s5 =	simm.s32 @p1 $0x1;
	p0 =	seq.s32 s7, s2  }
0x1e: {  	s7 =	smul.u32 @!p0 $0xF7A, s2;
	p2 =	seq.s32 @!p0 s5, $0x0  }
0x1f: {  	s9 =	smul.u32 $0xF7A, s1;
	s8 =	simm.s32 @!p0 $0x1BF5;
	p2 =	por !p2, p0  }
0x20: {  	[sflag:s8] =	ssyncset.s32 @!p0 $0xFFFFF086;
	s6 =	sadd.s32 @!p0 s3, s7;
	s7 =	simm.s32 @!p0 $0x108  }
0x21: {  	s3 =	sadd.s32 s3, s9;
	s6 =	sadd.s32 @!p0 $0x88, s6;
	s7 =	simm.s32 @p2 $0x1082  }
0x22: {  	[simem:s7], [sflag:s8] =	dma.local @!p0 [hbm:s6], $0xF7A  }
0x23: {  	s9 =	sor.u32 $0xD0000000, s2;
	s6 =	simm.s32 $0x108;
	_ =	swait.ge @!p0 [sflag:s8], $0x0  }
0x24: {  	s3 =	sadd.s32 $0x88, s3;
	s6 =	simm.s32 @!p1 $0x1082;
	[sflag:s4] =	ssyncset.s32 $0xFFFFF086  }
0x25: {  	[simem:s6], [sflag:s4] =	dma.local [hbm:s3], $0xF7A  }
0x26: {  	[smem:$0x3F83] =	sst s1;
	(tag) =	ssettag s2;
	_ =	strace s9  }
0x27: {  	s1 =	sld [smem:$0x3F93]  }
0x28: {  	s2 =	sld [smem:$0x3F94]  }
0x29: {  	s4 =	sld [smem:$0x3F96]  }
0x2a: {  	p0 =	seq.s32 s5, $0x0;
	s5 =	sld [smem:$0x3F97]  }
0x2b: {  	s6 =	sld [smem:$0x3F98]  }
0x2c: {  	s7 =	sld [smem:$0x3F99]  }
0x2d: {  	s3 =	simm.s32 $0x108;
	s8 =	sld [smem:$0x3F9A]  }
0x2e: {  	s3 =	simm.s32 @!p0 $0x1082;
	s9 =	sld [smem:$0x3F9B]  }
0x2f: {  	lr =	sadd.s32 s0, s3;
	s0 =	sld [smem:$0x3F92]  }
0x30: {  	s3 =	sld [smem:$0x3F95]  }
0x31: {  	[smem:$0x3F9E] =	sst s10  }
0x32: {  	s10 =	sld [smem:$0x3F9C];
	_ =	sdelay $0x3  }
0x33: {  	p0 =	seq.s32 s10, $0x1;
	s10 =	sld [smem:$0x3F9E];
	_ =	sdelay $0x3  }
0x34: {  	[smem:$0x3F9E] =	sst s10  }
0x35: {  	s10 =	sld [smem:$0x3F9D];
	_ =	sdelay $0x3  }
0x36: {  	p1 =	seq.s32 s10, $0x1;
	s10 =	sld [smem:$0x3F9E];
	_ =	sdelay $0x3  }
0x37: {  	[smem:$0x3F9E] =	sst s10  }
0x38: {  	s10 =	sld [smem:$0x3F9F]  }
0x39: {  	_ = 	snop;
	(pc) =	sbr.ind lr, $3  }
0x3a: {  	_ = 	snop  }
0x3b: {  	_ = 	snop  }
0x3c: {  	p2 =	seq.s32 s10, $0x1;
	s10 =	sld [smem:$0x3F9E]  }
0x3d: {  	_ =	shalt  }
0x3e: {  	_ =	shalt  }
0x3f: {  	_ =	shalt  }
0x40: {  	_ =	shalt  }
0x41: {  	_ =	shalt  }
0x42: {  	_ =	shalt  }
0x43: {  	_ =	shalt  }
0x44: {  	_ =	shalt  }
0x45: {  	_ =	shalt  }
0x46: {  	_ =	shalt  }
0x47: {  	_ =	shalt  }
0x48: {  	_ =	shalt  }
0x49: {  	_ =	shalt  }
0x4a: {  	_ =	shalt  }
0x4b: {  	_ =	shalt  }
0x4c: {  	_ =	shalt  }
0x4d: {  	_ =	shalt  }
0x4e: {  	_ =	shalt  }
0x4f: {  	_ =	shalt  }
0x50: {  	_ =	shalt  }
0x51: {  	_ =	shalt  }
0x52: {  	_ =	shalt  }
0x53: {  	_ =	shalt  }
0x54: {  	_ =	shalt  }
0x55: {  	_ =	shalt  }
0x56: {  	_ =	shalt  }
0x57: {  	_ =	shalt  }
0x58: {  	_ =	shalt  }
0x59: {  	_ =	shalt  }
0x5a: {  	_ =	shalt  }
0x5b: {  	_ =	shalt  }
0x5c: {  	_ =	shalt  }
0x5d: {  	_ =	shalt  }
0x5e: {  	_ =	shalt  }
0x5f: {  	_ =	shalt  }
0x60: {  	_ =	shalt  }
0x61: {  	_ =	shalt  }
0x62: {  	_ =	shalt  }
0x63: {  	_ =	shalt  }
0x64: {  	_ =	shalt  }
0x65: {  	_ =	shalt  }
0x66: {  	_ =	shalt  }
0x67: {  	_ =	shalt  }
0x68: {  	_ =	shalt  }
0x69: {  	_ =	shalt  }
0x6a: {  	_ =	shalt  }
0x6b: {  	_ =	shalt  }
0x6c: {  	_ =	shalt  }
0x6d: {  	_ =	shalt  }
0x6e: {  	_ =	shalt  }
0x6f: {  	_ =	shalt  }
0x70: {  	_ =	shalt  }
0x71: {  	_ =	shalt  }
0x72: {  	_ =	shalt  }
0x73: {  	_ =	shalt  }
0x74: {  	_ =	shalt  }
0x75: {  	_ =	shalt  }
0x76: {  	_ =	shalt  }
0x77: {  	_ =	shalt  }
0x78: {  	_ =	shalt  }
0x79: {  	_ =	shalt  }
0x7a: {  	_ =	shalt  }
0x7b: {  	_ =	shalt  }
0x7c: {  	_ =	shalt  }
0x7d: {  	_ =	shalt  }
0x7e: {  	_ =	shalt  }
0x7f: {  	_ =	shalt  }
0x80: {  	_ =	shalt  }
0x81: {  	_ =	shalt  }
0x82: {  	_ =	shalt  }
0x83: {  	_ =	shalt  }
0x84: {  	_ =	shalt  }
0x85: {  	_ =	shalt  }
0x86: {  	_ =	shalt  }
0x87: {  	_ =	shalt  }
.Lfunc_end0:
.L_simem_size_0:
called_computation.9_lowered:
.L_overlay_start_0:
0x88: {  	s2 =	sld [smem:$0x3FD9]  }
0x89: {  	s3 =	sld [smem:$0x3FFE];
	_ =	sdelay $0x1  }
0x8a: {  	s1 =	srdreg.scid  }
0x8b: {  	s0 =	sand.u32 $0x1, s1  }
0x8c: {  	s16 =	sshll.u32 s0, $0xA;
	s2 =	sadd.s32 s3, s2  }
0x8d: {  	s2 =	sadd.s32 s2, s16  }
0x8e: {  	[smem:$0x3FAA] =	sst s2  }
0x8f: {  	_ = 	snop  }
0x90: {  	(tm) =	ssettm $0x1  }
0x91: {  	s17 =	sld [smem:$0x3FFB];
	_ =	sdelay $0x3  }
0x92: {  	_ =	strace s17  }
0x93: {  	s2 =	sld [smem:$0x3FFC];
	_ =	sdelay $0x3  }
0x94: {  	_ =	strace s2  }
0x95: {  	s2 =	sld [smem:$0x3FFD];
	_ =	sdelay $0x3  }
0x96: {  	_ =	strace s2  }
0x97: {  	_ =	strace $0x8FFFFFFF  }
0x98: {  	s18 =	sld [smem:$0x3FDB];
	_ =	sdelay $0x1  }
0x99: {  	s19 =	simm.s32 $_scs_section_size  }
0x9a: {  	s4 =	simm.s32 $_size__tile_overlayer_lowered;
	s5 =	simm.s32 $_tile_overlayer_lowered  }
0x9b: {  	s22 =	simm.s32 $0x1BFF;
	s21 =	sshll.u32 s5, $0x1;
	s2 =	sadd.s32 s19, s18  }
0x9c: {  	s6 =	simm.s32 $0x0;
	s20 =	sshll.u32 s4, $0x1;
	s4 =	sadd.s32 s21, s2  }
0x9d: {  	[timem:s6], [sflag:s22] =	dma.local [hbm:s4], s20  }
0x9e: {  	_ =	swait.ge [sflag:s22], s20  }
0x9f: {  	s3 =	ssub.s32 $0x0, s20;
	[sflag:s22] =	ssyncset.done $0x0  }
0xa0: {  	[sflag:s22] =	ssyncadd.s32 s3;
	_ =	sdelay $0x1  }
0xa1: {  	s23 =	simm.s32 $0x1B8B  }
0xa2: {  	_ =	swait.ge [sflag:s23], $0x1  }
0xa3: {  	[sflag:s23] =	ssyncset.done $0x0  }
0xa4: {  	s25 =	simm.s32 $0x1B8E;
	s24 =	sld [smem:$0x3FFE];
	[sflag:s23] =	ssyncadd.s32 $0xFFFFFFFF  }
0xa5: {  	s26 =	simm.s32 $execute0_lowered;
	[smem:$0x3FD2] =	sst s25  }
0xa6: {  	s4 =	sshll.u32 s26, $0x1;
	_ =	strace $0x80000061;
	[dreg:$0x1] =	wrdreg $0xFFFFFFFF  }
0xa7: {  	s28 =	simm.s32 $_size_execute0_lowered;
	s2 =	sadd.s32 s2, s4;
	[dreg:$0x0] =	wrdreg $0x0  }
0xa8: {  	s4 =	sshll.u32 s28, $0x1;
	[dreg:$0x2] =	wrdreg s2  }
0xa9: {  	[dreg:$0x3] =	wrdreg s4  }
0xaa: {  	[dreg:$0x4] =	wrdreg $0xC0  }
0xab: {  	_ =	task [dreg:s6], $0x5FFFF  }
0xac: {  	[dreg:$0x1] =	wrdreg $0xFFFFFFFF  }
0xad: {  	[dreg:$0x0] =	wrdreg $0x60  }
0xae: {  	[dreg:$0x2] =	wrdreg s24  }
0xaf: {  	[dreg:$0x3] =	wrdreg $0x54000  }
0xb0: {  	[dreg:$0x4] =	wrdreg $0x9  }
0xb1: {  	_ =	task.clear_ibuf [dreg:s6], $0x5FFFF;
	_ =	strace $0x90000061  }
0xb2: {  	s29 =	simm.s32 $0x9;
	_ =	strace $0x80000063  }
0xb3: {  	_ =	swait.ge [sflag:s29], $0x1  }
0xb4: {  	[sflag:s29] =	ssyncadd.s32 $0xFFFFFFFF  }
0xb5: {  	_ =	strace $0x90000063  }
0xb6: {  	_ =	sfence  }
0xb7: {  	s30 =	sld [smem:$0x0];
	_ =	sdelay $0x2  }
0xb8: {  	s31 =	sshll.u32 s1, $0xD;
	s1 =	sshrl.u32 s1, $0x2  }
0xb9: {  	s3 =	sand.u32 $0x4000, s31;
	s1 =	sadd.s32 s1, s30  }
0xba: {  	s0 =	sor.u32 s3, s0;
	s1 =	sshll.u32 s1, $0x11  }
0xbb: {  	s0 =	sor.u32 s1, s0  }
0xbc: {  	s0 =	sadd.s32 $0x8F2B, s0  }
0xbd: {  	[sflag:s0] =	ssyncadd.remote.s32 $0x1  }
0xbe: {  	_ =	sfence.sel $0xFFFF  }
0xbf: {  	[dreg:$0x0] =	wrdreg $0xFFFFFFFF;
	(pc) =	sbr.abs _section_cstart, $3  }
0xc0: {  	[dreg:$0x1] =	wrdreg $0xFFFFFFFF  }
0xc1: {  	_ =	task.clear_ibuf [dreg:s6], $0x2FFFF;
	_ =	strace $0x9FFFFFFF  }
0xc2: {  	(tm) =	ssettm $0x7FFFFFFF  }
0xc3: {  	_ =	shalt  }
tec
execute0_lowered:
.L_overlay_start_1:
0x0: {  	(tag) =	ssettag $0x1  }
0x1: {  	s0 =	srdreg.scid;
	s5 =	rddreg [dreg:$0x0]  }
0x2: {  	s2 =	rddreg [dreg:$0x1];
	s4 =	sand.u32 $0x1, s0  }
0x3: {  	s3 =	simm.s32 $0x0;
	s0 =	stileid.u32;
	s6 =	smul.u32 $0x140000, s4  }
0x4: {  	s13 =	simm.s32 $0x80;
	s14 =	simm.s32 $0x0;
	s8 =	smul.u32 $0x13C00, s0  }
0x5: {  	[smem:$0x7FF] =	sst s3;
	s1 =	sshll.u32 s4, $0x4;
	s9 =	smul.u32 $0x13C000, s4  }
0x6: {  	s4 =	ssub.s32 $0x2, s4;
	s28 =	smul.u32 $0x4F000, s0;
	s30 =	sshll.u32 s0, $0x6  }
0x7: {  	s31 =	smul.u32 $0x14000, s0;
	s7 =	sor.u32 s0, s1;
	s1 =	rddreg [dreg:$0x2]  }
0x8: {  	_ =	strace $0x80000062;
	s11 =	sshrl.u32 s4, $0x1;
	s7 =	smul.u32 $0x1400, s7  }
0x9: {  	s10 =	sadd.s32 s6, s5;
	s26 =	sshrl.u32 s8, $0x3;
	s8 =	sadd.s32 s8, s9  }
0xa: {  	s11 =	ssub.s32 s4, s11;
	s29 =	sshrl.u32 s28, $0x2;
	s8 =	sshrl.u32 s8, $0x3  }
0xb: {  	s12 =	sadd.s32 s29, s2;
	s9 =	sadd.s32 s31, s10;
	s7 =	sshrl.u32 s7, $0x3  }
0xc: {  	s8 =	sadd.s32 s8, s5;
	s9 =	sadd.s32 $0x56D800, s9;
	s10 =	sshrl.u32 s12, $0x3  }
0xd: {  	s12 =	simm.s32 $0x1400;
	s25 =	sadd.s32 s7, s5;
	s7 =	sadd.s32 s26, s5  }
0xe: {  	s5 =	sor.u32 $0x1C01, s30;
	s4 =	sadd.s32 $0x2FA000, s7;
	s6 =	sadd.s32 $0x2F5000, s25  }
0xf: {  	s7 =	sadd.s32 $0x36FC00, s8;
	s8 =	smax.u32 s11, $0x1;
	s11 =	simm.s32 $0x1  }
.LBB2_1:
0x10: {  	[spmem:s10], [sflag:s5] =	dma.local [hbm:s4], $0x2780  }
0x11: {  	_ =	swait.ge [sflag:s11], $0x2780  }
0x12: {  	[sflag:s11] =	ssyncset.done $0x0  }
0x13: {  	[sflag:s11] =	ssyncadd.s32 $0xFFFFD880  }
0x14: {  	[bflag:$0x0] =	sbarrier.arrive $0xFFFF  }
0x15: {  	[tilespmem:s3], [sflag:$0x1] =	stream.linear.gather [hbm4b:s6+s3], $0x1400, $0x38;
	[tilespmem:$0x19000] =	vst v63  }
0x16: {  	_ =	swait.ge [sflag:s11], $0x1400  }
0x17: {  	[sflag:s11] =	ssyncset.done $0x0  }
0x18: {  	[sflag:s11] =	ssyncadd.s32 $0xFFFFEC00  }
0x19: {  	[tilespmem:s12], [sflag:$0x1] =	stream.linear.gather [hbm4b:s9+s3], $0x4000, $0x38;
	[tilespmem:$0x19000] =	vst v63  }
0x1a: {  	_ =	swait.ge [sflag:s11], $0x4000  }
0x1b: {  	[sflag:s11] =	ssyncset.done $0x0  }
0x1c: {  	s15 =	simm.s32 $0x0;
	[sflag:s11] =	ssyncadd.s32 $0xFFFFC000  }
0x1d: {  	[spmem:s2] =	stream.indirect.scatter.add.f32 [tilespmem:s12], [sflag:$0x1], $0x80, s15, s13, $0xb8;
	[tilespmem:$0x19000] =	vst v63  }
0x1e: {  	_ =	swait.ge [sflag:s11], $0x4000  }
0x1f: {  	s16 =	smov.u32 s9;
	s15 =	simm.s32 $0x200;
	[sflag:s11] =	ssyncset.done $0x0  }
.LBB2_2:
0x20: {  	p0 =	sne.s32 s15, $0x4E00;
	[sflag:s11] =	ssyncadd.s32 $0xFFFFC000;
	s16 =	sadd.s32 $0x800, s16  }
0x21: {  	[tilespmem:s12], [sflag:$0x1] =	stream.linear.gather [hbm4b:s16+s3], $0x4000, $0x38;
	[tilespmem:$0x19000] =	vst v63  }
0x22: {  	s17 =	smov.u32 s15;
	s15 =	sadd.s32 $0x200, s15;
	_ =	swait.ge [sflag:s11], $0x4000  }
.Ltmp0:
0x23: {  	[sflag:s11] =	ssyncset.done $0x0;
	(pc) =	sbr.rel @p0 .LBB2_2-.Ltmp0, $4  }
0x24: {  	s17 =	sshra.s32 s17, $0x2;
	[sflag:s11] =	ssyncadd.s32 $0xFFFFC000  }
0x25: {  	[spmem:s2] =	stream.indirect.scatter.add.f32 [tilespmem:s12], [sflag:$0x1], $0x80, s17, s13, $0xb8;
	[tilespmem:$0x19000] =	vst v63  }
0x26: {  	_ =	swait.ge [sflag:s11], $0x4000  }
0x27: {  	[sflag:s11] =	ssyncset.done $0x0  }
0x28: {  	s14 =	sadd.s32 $0x1, s14  }
0x29: {  	[sflag:s11] =	ssyncadd.s32 $0xFFFFC000;
	p0 =	sne.s32 s14, s8  }
.Ltmp1:
0x2a: {  	[bflag:$0x0] =	sbarrier.arrive $0xFFFF;
	(pc) =	sbr.rel @p0 .LBB2_1-.Ltmp1, $4  }
0x2b: {  	[hbm:s7], [sflag:s5] =	dma.local [spmem:s10], $0x2780  }
0x2c: {  	_ =	swait.ge [sflag:s11], $0x2780  }
0x2d: {  	[sflag:s11] =	ssyncset.done $0x0  }
0x2e: {  	[sflag:s11] =	ssyncadd.s32 $0xFFFFD880  }
0x2f: {  	_ =	sfence.sel $0x180000  }
0x30: {  	[bflag:$0x0] =	sbarrier.arrive $0xFFFF  }
0x31: {  	p0 =	sne.s32 s0, $0x0;
	_ =	strace $0x90000062  }
0x32: {  	s0 =	sadd.s32 @!p0 $0x100000, s1;
	[bflag:$0x2] =	sbarrier.arrive $0xFFFF  }
0x33: {  	[sflag:s0] =	ssyncadd.tile.s32 @!p0 $0x1;
	_ =	shalt  }
.Lfunc_end2:
_tile_overlayer_lowered:
.L_overlay_start_2:
0x34: {  	(tag) =	ssettag $0x2  }
0x35: {  	s0 =	rddreg [dreg:$0x0];
	s2 =	stileid.u32  }
0x36: {  	s1 =	rddreg [dreg:$0x1];
	p0 =	sne.s32 s2, $0x0  }
0x37: {  	s3 =	rddreg [dreg:$0x2];
	[bflag:$0x3] =	sbarrier.arrive $0xFFFF;
	s2 =	simm.s32 @!p0 $0x1C01  }
0x38: {  	[timem:s3], [sflag:s2] =	dma.local @!p0 [hbm:s0], s1  }
0x39: {  	s0 =	simm.s32 @!p0 $0x1  }
0x3a: {  	_ =	swait.ge @!p0 [sflag:s0], s1  }
0x3b: {  	s1 =	ssub.s32 @!p0 $0x0, s1;
	[sflag:s0] =	ssyncset.done @!p0 $0x0  }
0x3c: {  	[sflag:s0] =	ssyncadd.s32 @!p0 s1  }
0x3d: {  	[bflag:$0x3] =	sbarrier.arrive $0xFFFF  }
0x3e: {  	_ =	shalt  }

// kernel: kernel.59.cloned.1.call-start
scs
__scs_entry_jumppad:
0x0: {  	(pc) =	sbr.rel $0x88, $3  }
0x1: {  	(tag) =	ssettag $0x0;
	lr =	simm.s32 $0x1  }
0x2: {  	[smem:$0x3F83] =	sst lr;
	_ =	strace $0xD0000000  }
0x3: {  	_ = 	snop  }
0x4: {  	_ = 	snop  }
0x5: {  	_ = 	snop  }
0x6: {  	_ = 	snop  }
0x7: {  	_ = 	snop  }
__scs_overlays_trampoline_lowered:
0x8: {  	[smem:$0x3F92] =	sst s0  }
0x9: {  	[smem:$0x3F93] =	sst s1  }
0xa: {  	[smem:$0x3F94] =	sst s2  }
0xb: {  	[smem:$0x3F95] =	sst s3  }
0xc: {  	[smem:$0x3F96] =	sst s4  }
0xd: {  	[smem:$0x3F97] =	sst s5  }
0xe: {  	[smem:$0x3F98] =	sst s6  }
0xf: {  	[smem:$0x3F99] =	sst s7  }
0x10: {  	[smem:$0x3F9A] =	sst s8  }
0x11: {  	[smem:$0x3F9B] =	sst s9;
	s0 =	simm.s32 @!p0 $0x0  }
0x12: {  	s1 =	sld [smem:$0x3F81];
	s0 =	simm.s32 @p0 $0x1  }
0x13: {  	[smem:$0x3F9C] =	sst s0;
	s0 =	simm.s32 @!p1 $0x0  }
0x14: {  	s2 =	sld [smem:$0x3F80];
	s0 =	simm.s32 @p1 $0x1  }
0x15: {  	[smem:$0x3F9D] =	sst s0;
	s0 =	simm.s32 @!p2 $0x0  }
0x16: {  	s3 =	sld [smem:$0x3FDB];
	s0 =	simm.s32 @p2 $0x1  }
0x17: {  	s4 =	simm.s32 $0x1BF5;
	[smem:$0x3F9F] =	sst s0  }
0x18: {  	s0 =	sld [smem:$0x3F82];
	_ =	swait.ge [sflag:s4], $0x0  }
0x19: {  	s7 =	sld [smem:$0x3F83]  }
0x1a: {  	s8 =	sadd.s32 $0xFFFFE003, lr  }
0x1b: {  	s9 =	sadd.s32 $0xFFFFFEF7, lr;
	s5 =	simm.s32 $0xFFFFFFFF;
	p2 =	slt.u32 s8, $0xFFFFF086  }
0x1c: {  	p1 =	slt.u32 s9, $0xF7A;
	s5 =	simm.s32 @!p2 $0x0  }
0x1d: {  	s5 =	simm.s32 @p1 $0x1;
	p0 =	seq.s32 s7, s2  }
0x1e: {  	s7 =	smul.u32 @!p0 $0xF7A, s2;
	p2 =	seq.s32 @!p0 s5, $0x0  }
0x1f: {  	s9 =	smul.u32 $0xF7A, s1;
	s8 =	simm.s32 @!p0 $0x1BF5;
	p2 =	por !p2, p0  }
0x20: {  	[sflag:s8] =	ssyncset.s32 @!p0 $0xFFFFF086;
	s6 =	sadd.s32 @!p0 s3, s7;
	s7 =	simm.s32 @!p0 $0x108  }
0x21: {  	s3 =	sadd.s32 s3, s9;
	s6 =	sadd.s32 @!p0 $0x88, s6;
	s7 =	simm.s32 @p2 $0x1082  }
0x22: {  	[simem:s7], [sflag:s8] =	dma.local @!p0 [hbm:s6], $0xF7A  }
0x23: {  	s9 =	sor.u32 $0xD0000000, s2;
	s6 =	simm.s32 $0x108;
	_ =	swait.ge @!p0 [sflag:s8], $0x0  }
0x24: {  	s3 =	sadd.s32 $0x88, s3;
	s6 =	simm.s32 @!p1 $0x1082;
	[sflag:s4] =	ssyncset.s32 $0xFFFFF086  }
0x25: {  	[simem:s6], [sflag:s4] =	dma.local [hbm:s3], $0xF7A  }
0x26: {  	[smem:$0x3F83] =	sst s1;
	(tag) =	ssettag s2;
	_ =	strace s9  }
0x27: {  	s1 =	sld [smem:$0x3F93]  }
0x28: {  	s2 =	sld [smem:$0x3F94]  }
0x29: {  	s4 =	sld [smem:$0x3F96]  }
0x2a: {  	p0 =	seq.s32 s5, $0x0;
	s5 =	sld [smem:$0x3F97]  }
0x2b: {  	s6 =	sld [smem:$0x3F98]  }
0x2c: {  	s7 =	sld [smem:$0x3F99]  }
0x2d: {  	s3 =	simm.s32 $0x108;
	s8 =	sld [smem:$0x3F9A]  }
0x2e: {  	s3 =	simm.s32 @!p0 $0x1082;
	s9 =	sld [smem:$0x3F9B]  }
0x2f: {  	lr =	sadd.s32 s0, s3;
	s0 =	sld [smem:$0x3F92]  }
0x30: {  	s3 =	sld [smem:$0x3F95]  }
0x31: {  	[smem:$0x3F9E] =	sst s10  }
0x32: {  	s10 =	sld [smem:$0x3F9C];
	_ =	sdelay $0x3  }
0x33: {  	p0 =	seq.s32 s10, $0x1;
	s10 =	sld [smem:$0x3F9E];
	_ =	sdelay $0x3  }
0x34: {  	[smem:$0x3F9E] =	sst s10  }
0x35: {  	s10 =	sld [smem:$0x3F9D];
	_ =	sdelay $0x3  }
0x36: {  	p1 =	seq.s32 s10, $0x1;
	s10 =	sld [smem:$0x3F9E];
	_ =	sdelay $0x3  }
0x37: {  	[smem:$0x3F9E] =	sst s10  }
0x38: {  	s10 =	sld [smem:$0x3F9F]  }
0x39: {  	_ = 	snop;
	(pc) =	sbr.ind lr, $3  }
0x3a: {  	_ = 	snop  }
0x3b: {  	_ = 	snop  }
0x3c: {  	p2 =	seq.s32 s10, $0x1;
	s10 =	sld [smem:$0x3F9E]  }
0x3d: {  	_ =	shalt  }
0x3e: {  	_ =	shalt  }
0x3f: {  	_ =	shalt  }
0x40: {  	_ =	shalt  }
0x41: {  	_ =	shalt  }
0x42: {  	_ =	shalt  }
0x43: {  	_ =	shalt  }
0x44: {  	_ =	shalt  }
0x45: {  	_ =	shalt  }
0x46: {  	_ =	shalt  }
0x47: {  	_ =	shalt  }
0x48: {  	_ =	shalt  }
0x49: {  	_ =	shalt  }
0x4a: {  	_ =	shalt  }
0x4b: {  	_ =	shalt  }
0x4c: {  	_ =	shalt  }
0x4d: {  	_ =	shalt  }
0x4e: {  	_ =	shalt  }
0x4f: {  	_ =	shalt  }
0x50: {  	_ =	shalt  }
0x51: {  	_ =	shalt  }
0x52: {  	_ =	shalt  }
0x53: {  	_ =	shalt  }
0x54: {  	_ =	shalt  }
0x55: {  	_ =	shalt  }
0x56: {  	_ =	shalt  }
0x57: {  	_ =	shalt  }
0x58: {  	_ =	shalt  }
0x59: {  	_ =	shalt  }
0x5a: {  	_ =	shalt  }
0x5b: {  	_ =	shalt  }
0x5c: {  	_ =	shalt  }
0x5d: {  	_ =	shalt  }
0x5e: {  	_ =	shalt  }
0x5f: {  	_ =	shalt  }
0x60: {  	_ =	shalt  }
0x61: {  	_ =	shalt  }
0x62: {  	_ =	shalt  }
0x63: {  	_ =	shalt  }
0x64: {  	_ =	shalt  }
0x65: {  	_ =	shalt  }
0x66: {  	_ =	shalt  }
0x67: {  	_ =	shalt  }
0x68: {  	_ =	shalt  }
0x69: {  	_ =	shalt  }
0x6a: {  	_ =	shalt  }
0x6b: {  	_ =	shalt  }
0x6c: {  	_ =	shalt  }
0x6d: {  	_ =	shalt  }
0x6e: {  	_ =	shalt  }
0x6f: {  	_ =	shalt  }
0x70: {  	_ =	shalt  }
0x71: {  	_ =	shalt  }
0x72: {  	_ =	shalt  }
0x73: {  	_ =	shalt  }
0x74: {  	_ =	shalt  }
0x75: {  	_ =	shalt  }
0x76: {  	_ =	shalt  }
0x77: {  	_ =	shalt  }
0x78: {  	_ =	shalt  }
0x79: {  	_ =	shalt  }
0x7a: {  	_ =	shalt  }
0x7b: {  	_ =	shalt  }
0x7c: {  	_ =	shalt  }
0x7d: {  	_ =	shalt  }
0x7e: {  	_ =	shalt  }
0x7f: {  	_ =	shalt  }
0x80: {  	_ =	shalt  }
0x81: {  	_ =	shalt  }
0x82: {  	_ =	shalt  }
0x83: {  	_ =	shalt  }
0x84: {  	_ =	shalt  }
0x85: {  	_ =	shalt  }
0x86: {  	_ =	shalt  }
0x87: {  	_ =	shalt  }
.Lfunc_end0:
.L_simem_size_0:
called_computation.10_lowered:
.L_overlay_start_0:
0x88: {  	s2 =	sld [smem:$0x3FD9]  }
0x89: {  	s3 =	sld [smem:$0x3FFE];
	_ =	sdelay $0x1  }
0x8a: {  	s1 =	srdreg.scid  }
0x8b: {  	s0 =	sand.u32 $0x1, s1  }
0x8c: {  	s16 =	sshll.u32 s0, $0xA;
	s2 =	sadd.s32 s3, s2  }
0x8d: {  	s2 =	sadd.s32 s2, s16  }
0x8e: {  	[smem:$0x3FAA] =	sst s2  }
0x8f: {  	_ = 	snop  }
0x90: {  	(tm) =	ssettm $0x1  }
0x91: {  	s17 =	sld [smem:$0x3FFB];
	_ =	sdelay $0x3  }
0x92: {  	_ =	strace s17  }
0x93: {  	s2 =	sld [smem:$0x3FFC];
	_ =	sdelay $0x3  }
0x94: {  	_ =	strace s2  }
0x95: {  	s2 =	sld [smem:$0x3FFD];
	_ =	sdelay $0x3  }
0x96: {  	_ =	strace s2  }
0x97: {  	_ =	strace $0x8FFFFFFF  }
0x98: {  	s18 =	sld [smem:$0x3FDB];
	_ =	sdelay $0x1  }
0x99: {  	s19 =	simm.s32 $_scs_section_size  }
0x9a: {  	s4 =	simm.s32 $_size__tile_overlayer_lowered;
	s5 =	simm.s32 $_tile_overlayer_lowered  }
0x9b: {  	s22 =	simm.s32 $0x1BFF;
	s21 =	sshll.u32 s5, $0x1;
	s2 =	sadd.s32 s19, s18  }
0x9c: {  	s6 =	simm.s32 $0x0;
	s20 =	sshll.u32 s4, $0x1;
	s4 =	sadd.s32 s21, s2  }
0x9d: {  	[timem:s6], [sflag:s22] =	dma.local [hbm:s4], s20  }
0x9e: {  	_ =	swait.ge [sflag:s22], s20  }
0x9f: {  	s3 =	ssub.s32 $0x0, s20;
	[sflag:s22] =	ssyncset.done $0x0  }
0xa0: {  	[sflag:s22] =	ssyncadd.s32 s3;
	_ =	sdelay $0x1  }
0xa1: {  	s23 =	simm.s32 $0x1B8B  }
0xa2: {  	_ =	swait.ge [sflag:s23], $0x1  }
0xa3: {  	[sflag:s23] =	ssyncset.done $0x0  }
0xa4: {  	s25 =	simm.s32 $0x1B8E;
	s24 =	sld [smem:$0x3FFE];
	[sflag:s23] =	ssyncadd.s32 $0xFFFFFFFF  }
0xa5: {  	s26 =	simm.s32 $execute0_lowered;
	[smem:$0x3FD2] =	sst s25  }
0xa6: {  	s4 =	sshll.u32 s26, $0x1;
	_ =	strace $0x80000064;
	[dreg:$0x1] =	wrdreg $0xFFFFFFFF  }
0xa7: {  	s28 =	simm.s32 $_size_execute0_lowered;
	s2 =	sadd.s32 s2, s4;
	[dreg:$0x0] =	wrdreg $0x0  }
0xa8: {  	s4 =	sshll.u32 s28, $0x1;
	[dreg:$0x2] =	wrdreg s2  }
0xa9: {  	[dreg:$0x3] =	wrdreg s4  }
0xaa: {  	[dreg:$0x4] =	wrdreg $0xC0  }
0xab: {  	_ =	task [dreg:s6], $0x5FFFF  }
0xac: {  	[dreg:$0x1] =	wrdreg $0xFFFFFFFF  }
0xad: {  	[dreg:$0x0] =	wrdreg $0x60  }
0xae: {  	[dreg:$0x2] =	wrdreg s24  }
0xaf: {  	[dreg:$0x3] =	wrdreg $0x9  }
0xb0: {  	_ =	task.clear_ibuf [dreg:s6], $0x4FFFF;
	_ =	strace $0x90000064  }
0xb1: {  	s29 =	simm.s32 $0x9;
	_ =	strace $0x80000066  }
0xb2: {  	_ =	swait.ge [sflag:s29], $0x1  }
0xb3: {  	[sflag:s29] =	ssyncadd.s32 $0xFFFFFFFF  }
0xb4: {  	_ =	strace $0x90000066  }
0xb5: {  	_ =	sfence  }
0xb6: {  	s30 =	sld [smem:$0x0];
	_ =	sdelay $0x2  }
0xb7: {  	s31 =	sshll.u32 s1, $0xD;
	s1 =	sshrl.u32 s1, $0x2  }
0xb8: {  	s3 =	sand.u32 $0x4000, s31;
	s1 =	sadd.s32 s1, s30  }
0xb9: {  	s0 =	sor.u32 s3, s0;
	s1 =	sshll.u32 s1, $0x11  }
0xba: {  	s0 =	sor.u32 s1, s0  }
0xbb: {  	s0 =	sadd.s32 $0x8F2B, s0  }
0xbc: {  	[sflag:s0] =	ssyncadd.remote.s32 $0x1  }
0xbd: {  	_ =	sfence.sel $0xFFFF  }
0xbe: {  	[dreg:$0x0] =	wrdreg $0xFFFFFFFF;
	(pc) =	sbr.abs _section_cstart, $3  }
0xbf: {  	[dreg:$0x1] =	wrdreg $0xFFFFFFFF  }
0xc0: {  	_ =	task.clear_ibuf [dreg:s6], $0x2FFFF;
	_ =	strace $0x9FFFFFFF  }
0xc1: {  	(tm) =	ssettm $0x7FFFFFFF  }
tec
execute0_lowered:
.L_overlay_start_1:
0x0: {  	(tag) =	ssettag $0x1  }
0x1: {  	s4 =	rddreg [dreg:$0x0];
	s1 =	srdreg.scid  }
0x2: {  	s0 =	rddreg [dreg:$0x1];
	s2 =	simm.s32 $0x0;
	s10 =	simm.s32 $0x1  }
0x3: {  	s11 =	simm.s32 $0x0;
	s5 =	sand.u32 $0x1, s1;
	s1 =	stileid.u32  }
0x4: {  	[smem:$0x7FF] =	sst s2;
	s3 =	sshll.u32 s5, $0x4;
	s7 =	smul.u32 $0x140000, s5  }
0x5: {  	s5 =	ssub.s32 $0x2, s5;
	s9 =	smul.u32 $0x14000, s1;
	s3 =	sor.u32 s1, s3  }
0x6: {  	_ =	strace $0x80000065;
	s8 =	sshrl.u32 s5, $0x1;
	s6 =	smul.u32 $0x1400, s3  }
0x7: {  	s3 =	sadd.s32 $0x321800, s4;
	s7 =	sadd.s32 s7, s4;
	s5 =	ssub.s32 s5, s8  }
0x8: {  	s8 =	simm.s32 $0x80;
	s5 =	smax.u32 s5, $0x1;
	s6 =	sshrl.u32 s6, $0x3  }
0x9: {  	s31 =	sadd.s32 s9, s7;
	s7 =	simm.s32 $0x2;
	s6 =	sadd.s32 s6, s4  }
0xa: {  	s9 =	simm.s32 $0x1400;
	s4 =	sadd.s32 $0x15C00, s6;
	s6 =	sadd.s32 $0x1AC00, s31  }
.LBB2_1:
0xb: {  	[tilespmem:s2], [sflag:$0x2] =	stream.linear.gather [hbm4b:s4+s2], $0x1400, $0x38;
	[tilespmem:$0x5400] =	vst v63  }
0xc: {  	_ =	swait.ge [sflag:s7], $0x1400  }
0xd: {  	[sflag:s7] =	ssyncset.done $0x0  }
0xe: {  	s12 =	simm.s32 $0x0;
	[sflag:s7] =	ssyncadd.s32 $0xFFFFEC00  }
0xf: {  	[tilespmem:s9], [sflag:$0x1] =	stream.indirect.gather [hbm4b:s3+s8], $0x80, s12, s8, $0xb8;
	[tilespmem:$0x5400] =	vst v63  }
0x10: {  	_ =	swait.ge [sflag:s10], $0x4000  }
0x11: {  	[sflag:s10] =	ssyncset.done $0x0  }
0x12: {  	[sflag:s10] =	ssyncadd.s32 $0xFFFFC000  }
0x13: {  	[hbm4b:s6+s2] =	stream.linear.scatter [tilespmem:s9], [sflag:$0x2], $0x4000, $0x38;
	[tilespmem:$0x5400] =	vst v63  }
0x14: {  	s13 =	simm.s32 $0x200;
	_ =	swait.ge [sflag:s7], $0x4000  }
0x15: {  	s14 =	simm.s32 $0x400;
	s12 =	sadd.s32 $0x800, s6;
	[sflag:s7] =	ssyncset.done $0x0  }
.LBB2_2:
0x16: {  	s15 =	sshra.s32 s13, $0x2  }
0x17: {  	[sflag:s7] =	ssyncadd.s32 $0xFFFFC000;
	s13 =	smov.u32 s14;
	s16 =	sadd.s32 $0x200, s14  }
0x18: {  	[tilespmem:s9], [sflag:$0x1] =	stream.indirect.gather [hbm4b:s3+s8], $0x80, s15, s8, $0xb8;
	[tilespmem:$0x5400] =	vst v63  }
0x19: {  	p0 =	sne.s32 s14, $0x4E00;
	_ =	swait.ge [sflag:s10], $0x4000  }
.Ltmp0:
0x1a: {  	[sflag:s10] =	ssyncset.done $0x0;
	(pc) =	sbr.rel @p0 .LBB2_2-.Ltmp0, $4  }
0x1b: {  	[sflag:s10] =	ssyncadd.s32 $0xFFFFC000  }
0x1c: {  	[hbm4b:s12+s2] =	stream.linear.scatter [tilespmem:s9], [sflag:$0x2], $0x4000, $0x38;
	[tilespmem:$0x5400] =	vst v63  }
0x1d: {  	_ =	swait.ge [sflag:s7], $0x4000  }
0x1e: {  	s14 =	smov.u32 s16;
	s12 =	sadd.s32 $0x800, s12;
	[sflag:s7] =	ssyncset.done $0x0  }
0x1f: {  	s13 =	sshra.s32 s13, $0x2;
	[sflag:s7] =	ssyncadd.s32 $0xFFFFC000  }
0x20: {  	[tilespmem:s9], [sflag:$0x1] =	stream.indirect.gather [hbm4b:s3+s8], $0x80, s13, s8, $0xb8;
	[tilespmem:$0x5400] =	vst v63  }
0x21: {  	s11 =	sadd.s32 $0x1, s11;
	_ =	swait.ge [sflag:s10], $0x4000  }
0x22: {  	p0 =	sne.s32 s11, s5;
	[sflag:s10] =	ssyncset.done $0x0  }
.Ltmp1:
0x23: {  	[sflag:s10] =	ssyncadd.s32 $0xFFFFC000;
	(pc) =	sbr.rel @p0 .LBB2_1-.Ltmp1, $4  }
0x24: {  	[hbm4b:s12+s2] =	stream.linear.scatter [tilespmem:s9], [sflag:$0x2], $0x4000, $0x38;
	[tilespmem:$0x5400] =	vst v63  }
0x25: {  	_ =	swait.ge [sflag:s7], $0x4000  }
0x26: {  	[sflag:s7] =	ssyncset.done $0x0  }
0x27: {  	[sflag:s7] =	ssyncadd.s32 $0xFFFFC000  }
0x28: {  	_ =	sfence.sel $0x180000  }
0x29: {  	[bflag:$0x0] =	sbarrier.arrive $0xFFFF  }
0x2a: {  	p0 =	sne.s32 s1, $0x0;
	_ =	strace $0x90000065  }
0x2b: {  	s0 =	sadd.s32 @!p0 $0x100000, s0;
	[bflag:$0x2] =	sbarrier.arrive $0xFFFF  }
0x2c: {  	[sflag:s0] =	ssyncadd.tile.s32 @!p0 $0x1;
	_ =	shalt  }
.Lfunc_end2:
_tile_overlayer_lowered:
.L_overlay_start_2:
0x2d: {  	(tag) =	ssettag $0x2  }
0x2e: {  	s0 =	rddreg [dreg:$0x0];
	s2 =	stileid.u32  }
0x2f: {  	s1 =	rddreg [dreg:$0x1];
	p0 =	sne.s32 s2, $0x0  }
0x30: {  	s3 =	rddreg [dreg:$0x2];
	[bflag:$0x3] =	sbarrier.arrive $0xFFFF;
	s2 =	simm.s32 @!p0 $0x1C02  }
0x31: {  	[timem:s3], [sflag:s2] =	dma.local @!p0 [hbm:s0], s1  }
0x32: {  	s0 =	simm.s32 @!p0 $0x2  }
0x33: {  	_ =	swait.ge @!p0 [sflag:s0], s1  }
0x34: {  	s1 =	ssub.s32 @!p0 $0x0, s1;
	[sflag:s0] =	ssyncset.done @!p0 $0x0  }
0x35: {  	[sflag:s0] =	ssyncadd.s32 @!p0 s1  }
0x36: {  	[bflag:$0x3] =	sbarrier.arrive $0xFFFF  }
0x37: {  	_ =	shalt  }

// kernel: kernel.62.cloned.1.call-start
scs
__scs_entry_jumppad:
0x0: {  	(pc) =	sbr.rel $0x88, $3  }
0x1: {  	(tag) =	ssettag $0x0;
	lr =	simm.s32 $0x1  }
0x2: {  	[smem:$0x3F83] =	sst lr;
	_ =	strace $0xD0000000  }
0x3: {  	_ = 	snop  }
0x4: {  	_ = 	snop  }
0x5: {  	_ = 	snop  }
0x6: {  	_ = 	snop  }
0x7: {  	_ = 	snop  }
__scs_overlays_trampoline_lowered:
0x8: {  	[smem:$0x3F92] =	sst s0  }
0x9: {  	[smem:$0x3F93] =	sst s1  }
0xa: {  	[smem:$0x3F94] =	sst s2  }
0xb: {  	[smem:$0x3F95] =	sst s3  }
0xc: {  	[smem:$0x3F96] =	sst s4  }
0xd: {  	[smem:$0x3F97] =	sst s5  }
0xe: {  	[smem:$0x3F98] =	sst s6  }
0xf: {  	[smem:$0x3F99] =	sst s7  }
0x10: {  	[smem:$0x3F9A] =	sst s8  }
0x11: {  	[smem:$0x3F9B] =	sst s9;
	s0 =	simm.s32 @!p0 $0x0  }
0x12: {  	s1 =	sld [smem:$0x3F81];
	s0 =	simm.s32 @p0 $0x1  }
0x13: {  	[smem:$0x3F9C] =	sst s0;
	s0 =	simm.s32 @!p1 $0x0  }
0x14: {  	s2 =	sld [smem:$0x3F80];
	s0 =	simm.s32 @p1 $0x1  }
0x15: {  	[smem:$0x3F9D] =	sst s0;
	s0 =	simm.s32 @!p2 $0x0  }
0x16: {  	s3 =	sld [smem:$0x3FDB];
	s0 =	simm.s32 @p2 $0x1  }
0x17: {  	s4 =	simm.s32 $0x1BF5;
	[smem:$0x3F9F] =	sst s0  }
0x18: {  	s0 =	sld [smem:$0x3F82];
	_ =	swait.ge [sflag:s4], $0x0  }
0x19: {  	s7 =	sld [smem:$0x3F83]  }
0x1a: {  	s8 =	sadd.s32 $0xFFFFE003, lr  }
0x1b: {  	s9 =	sadd.s32 $0xFFFFFEF7, lr;
	s5 =	simm.s32 $0xFFFFFFFF;
	p2 =	slt.u32 s8, $0xFFFFF086  }
0x1c: {  	p1 =	slt.u32 s9, $0xF7A;
	s5 =	simm.s32 @!p2 $0x0  }
0x1d: {  	s5 =	simm.s32 @p1 $0x1;
	p0 =	seq.s32 s7, s2  }
0x1e: {  	s7 =	smul.u32 @!p0 $0xF7A, s2;
	p2 =	seq.s32 @!p0 s5, $0x0  }
0x1f: {  	s9 =	smul.u32 $0xF7A, s1;
	s8 =	simm.s32 @!p0 $0x1BF5;
	p2 =	por !p2, p0  }
0x20: {  	[sflag:s8] =	ssyncset.s32 @!p0 $0xFFFFF086;
	s6 =	sadd.s32 @!p0 s3, s7;
	s7 =	simm.s32 @!p0 $0x108  }
0x21: {  	s3 =	sadd.s32 s3, s9;
	s6 =	sadd.s32 @!p0 $0x88, s6;
	s7 =	simm.s32 @p2 $0x1082  }
0x22: {  	[simem:s7], [sflag:s8] =	dma.local @!p0 [hbm:s6], $0xF7A  }
0x23: {  	s9 =	sor.u32 $0xD0000000, s2;
	s6 =	simm.s32 $0x108;
	_ =	swait.ge @!p0 [sflag:s8], $0x0  }
0x24: {  	s3 =	sadd.s32 $0x88, s3;
	s6 =	simm.s32 @!p1 $0x1082;
	[sflag:s4] =	ssyncset.s32 $0xFFFFF086  }
0x25: {  	[simem:s6], [sflag:s4] =	dma.local [hbm:s3], $0xF7A  }
0x26: {  	[smem:$0x3F83] =	sst s1;
	(tag) =	ssettag s2;
	_ =	strace s9  }
0x27: {  	s1 =	sld [smem:$0x3F93]  }
0x28: {  	s2 =	sld [smem:$0x3F94]  }
0x29: {  	s4 =	sld [smem:$0x3F96]  }
0x2a: {  	p0 =	seq.s32 s5, $0x0;
	s5 =	sld [smem:$0x3F97]  }
0x2b: {  	s6 =	sld [smem:$0x3F98]  }
0x2c: {  	s7 =	sld [smem:$0x3F99]  }
0x2d: {  	s3 =	simm.s32 $0x108;
	s8 =	sld [smem:$0x3F9A]  }
0x2e: {  	s3 =	simm.s32 @!p0 $0x1082;
	s9 =	sld [smem:$0x3F9B]  }
0x2f: {  	lr =	sadd.s32 s0, s3;
	s0 =	sld [smem:$0x3F92]  }
0x30: {  	s3 =	sld [smem:$0x3F95]  }
0x31: {  	[smem:$0x3F9E] =	sst s10  }
0x32: {  	s10 =	sld [smem:$0x3F9C];
	_ =	sdelay $0x3  }
0x33: {  	p0 =	seq.s32 s10, $0x1;
	s10 =	sld [smem:$0x3F9E];
	_ =	sdelay $0x3  }
0x34: {  	[smem:$0x3F9E] =	sst s10  }
0x35: {  	s10 =	sld [smem:$0x3F9D];
	_ =	sdelay $0x3  }
0x36: {  	p1 =	seq.s32 s10, $0x1;
	s10 =	sld [smem:$0x3F9E];
	_ =	sdelay $0x3  }
0x37: {  	[smem:$0x3F9E] =	sst s10  }
0x38: {  	s10 =	sld [smem:$0x3F9F]  }
0x39: {  	_ = 	snop;
	(pc) =	sbr.ind lr, $3  }
0x3a: {  	_ = 	snop  }
0x3b: {  	_ = 	snop  }
0x3c: {  	p2 =	seq.s32 s10, $0x1;
	s10 =	sld [smem:$0x3F9E]  }
0x3d: {  	_ =	shalt  }
0x3e: {  	_ =	shalt  }
0x3f: {  	_ =	shalt  }
0x40: {  	_ =	shalt  }
0x41: {  	_ =	shalt  }
0x42: {  	_ =	shalt  }
0x43: {  	_ =	shalt  }
0x44: {  	_ =	shalt  }
0x45: {  	_ =	shalt  }
0x46: {  	_ =	shalt  }
0x47: {  	_ =	shalt  }
0x48: {  	_ =	shalt  }
0x49: {  	_ =	shalt  }
0x4a: {  	_ =	shalt  }
0x4b: {  	_ =	shalt  }
0x4c: {  	_ =	shalt  }
0x4d: {  	_ =	shalt  }
0x4e: {  	_ =	shalt  }
0x4f: {  	_ =	shalt  }
0x50: {  	_ =	shalt  }
0x51: {  	_ =	shalt  }
0x52: {  	_ =	shalt  }
0x53: {  	_ =	shalt  }
0x54: {  	_ =	shalt  }
0x55: {  	_ =	shalt  }
0x56: {  	_ =	shalt  }
0x57: {  	_ =	shalt  }
0x58: {  	_ =	shalt  }
0x59: {  	_ =	shalt  }
0x5a: {  	_ =	shalt  }
0x5b: {  	_ =	shalt  }
0x5c: {  	_ =	shalt  }
0x5d: {  	_ =	shalt  }
0x5e: {  	_ =	shalt  }
0x5f: {  	_ =	shalt  }
0x60: {  	_ =	shalt  }
0x61: {  	_ =	shalt  }
0x62: {  	_ =	shalt  }
0x63: {  	_ =	shalt  }
0x64: {  	_ =	shalt  }
0x65: {  	_ =	shalt  }
0x66: {  	_ =	shalt  }
0x67: {  	_ =	shalt  }
0x68: {  	_ =	shalt  }
0x69: {  	_ =	shalt  }
0x6a: {  	_ =	shalt  }
0x6b: {  	_ =	shalt  }
0x6c: {  	_ =	shalt  }
0x6d: {  	_ =	shalt  }
0x6e: {  	_ =	shalt  }
0x6f: {  	_ =	shalt  }
0x70: {  	_ =	shalt  }
0x71: {  	_ =	shalt  }
0x72: {  	_ =	shalt  }
0x73: {  	_ =	shalt  }
0x74: {  	_ =	shalt  }
0x75: {  	_ =	shalt  }
0x76: {  	_ =	shalt  }
0x77: {  	_ =	shalt  }
0x78: {  	_ =	shalt  }
0x79: {  	_ =	shalt  }
0x7a: {  	_ =	shalt  }
0x7b: {  	_ =	shalt  }
0x7c: {  	_ =	shalt  }
0x7d: {  	_ =	shalt  }
0x7e: {  	_ =	shalt  }
0x7f: {  	_ =	shalt  }
0x80: {  	_ =	shalt  }
0x81: {  	_ =	shalt  }
0x82: {  	_ =	shalt  }
0x83: {  	_ =	shalt  }
0x84: {  	_ =	shalt  }
0x85: {  	_ =	shalt  }
0x86: {  	_ =	shalt  }
0x87: {  	_ =	shalt  }
.Lfunc_end0:
.L_simem_size_0:
called_computation.11_lowered:
.L_overlay_start_0:
0x88: {  	s2 =	sld [smem:$0x3FD9]  }
0x89: {  	s3 =	sld [smem:$0x3FFE];
	_ =	sdelay $0x1  }
0x8a: {  	s1 =	srdreg.scid  }
0x8b: {  	s0 =	sand.u32 $0x1, s1  }
0x8c: {  	s16 =	sshll.u32 s0, $0xA;
	s2 =	sadd.s32 s3, s2  }
0x8d: {  	s2 =	sadd.s32 s2, s16  }
0x8e: {  	[smem:$0x3FAA] =	sst s2  }
0x8f: {  	_ = 	snop  }
0x90: {  	(tm) =	ssettm $0x1  }
0x91: {  	s17 =	sld [smem:$0x3FFB];
	_ =	sdelay $0x3  }
0x92: {  	_ =	strace s17  }
0x93: {  	s2 =	sld [smem:$0x3FFC];
	_ =	sdelay $0x3  }
0x94: {  	_ =	strace s2  }
0x95: {  	s2 =	sld [smem:$0x3FFD];
	_ =	sdelay $0x3  }
0x96: {  	_ =	strace s2  }
0x97: {  	_ =	strace $0x8FFFFFFF  }
0x98: {  	s18 =	sld [smem:$0x3FDB];
	_ =	sdelay $0x1  }
0x99: {  	s19 =	simm.s32 $_scs_section_size  }
0x9a: {  	s4 =	simm.s32 $_size__tile_overlayer_lowered;
	s5 =	simm.s32 $_tile_overlayer_lowered  }
0x9b: {  	s22 =	simm.s32 $0x1BFF;
	s21 =	sshll.u32 s5, $0x1;
	s2 =	sadd.s32 s19, s18  }
0x9c: {  	s6 =	simm.s32 $0x0;
	s20 =	sshll.u32 s4, $0x1;
	s4 =	sadd.s32 s21, s2  }
0x9d: {  	[timem:s6], [sflag:s22] =	dma.local [hbm:s4], s20  }
0x9e: {  	_ =	swait.ge [sflag:s22], s20  }
0x9f: {  	s3 =	ssub.s32 $0x0, s20;
	[sflag:s22] =	ssyncset.done $0x0  }
0xa0: {  	[sflag:s22] =	ssyncadd.s32 s3;
	_ =	sdelay $0x1  }
0xa1: {  	s23 =	simm.s32 $0x1B8B  }
0xa2: {  	_ =	swait.ge [sflag:s23], $0x1  }
0xa3: {  	[sflag:s23] =	ssyncset.done $0x0  }
0xa4: {  	s25 =	simm.s32 $0x1B8E;
	s24 =	sld [smem:$0x3FFE];
	[sflag:s23] =	ssyncadd.s32 $0xFFFFFFFF  }
0xa5: {  	s26 =	simm.s32 $execute0_lowered;
	[smem:$0x3FD2] =	sst s25  }
0xa6: {  	s4 =	sshll.u32 s26, $0x1;
	_ =	strace $0x80000067;
	[dreg:$0x1] =	wrdreg $0xFFFFFFFF  }
0xa7: {  	s28 =	simm.s32 $_size_execute0_lowered;
	s2 =	sadd.s32 s2, s4;
	[dreg:$0x0] =	wrdreg $0x0  }
0xa8: {  	s4 =	sshll.u32 s28, $0x1;
	[dreg:$0x2] =	wrdreg s2  }
0xa9: {  	[dreg:$0x3] =	wrdreg s4  }
0xaa: {  	[dreg:$0x4] =	wrdreg $0xC0  }
0xab: {  	_ =	task [dreg:s6], $0x5FFFF  }
0xac: {  	[dreg:$0x1] =	wrdreg $0xFFFFFFFF  }
0xad: {  	[dreg:$0x0] =	wrdreg $0x60  }
0xae: {  	[dreg:$0x2] =	wrdreg s24  }
0xaf: {  	[dreg:$0x3] =	wrdreg $0x54000  }
0xb0: {  	[dreg:$0x4] =	wrdreg $0x9  }
0xb1: {  	_ =	task.clear_ibuf [dreg:s6], $0x5FFFF;
	_ =	strace $0x90000067  }
0xb2: {  	s29 =	simm.s32 $0x9;
	_ =	strace $0x80000069  }
0xb3: {  	_ =	swait.ge [sflag:s29], $0x1  }
0xb4: {  	[sflag:s29] =	ssyncadd.s32 $0xFFFFFFFF  }
0xb5: {  	_ =	strace $0x90000069  }
0xb6: {  	_ =	sfence  }
0xb7: {  	s30 =	sld [smem:$0x0];
	_ =	sdelay $0x2  }
0xb8: {  	s31 =	sshll.u32 s1, $0xD;
	s1 =	sshrl.u32 s1, $0x2  }
0xb9: {  	s3 =	sand.u32 $0x4000, s31;
	s1 =	sadd.s32 s1, s30  }
0xba: {  	s0 =	sor.u32 s3, s0;
	s1 =	sshll.u32 s1, $0x11  }
0xbb: {  	s0 =	sor.u32 s1, s0  }
0xbc: {  	s0 =	sadd.s32 $0x8F2B, s0  }
0xbd: {  	[sflag:s0] =	ssyncadd.remote.s32 $0x1  }
0xbe: {  	_ =	sfence.sel $0xFFFF  }
0xbf: {  	[dreg:$0x0] =	wrdreg $0xFFFFFFFF;
	(pc) =	sbr.abs _section_cstart, $3  }
0xc0: {  	[dreg:$0x1] =	wrdreg $0xFFFFFFFF  }
0xc1: {  	_ =	task.clear_ibuf [dreg:s6], $0x2FFFF;
	_ =	strace $0x9FFFFFFF  }
0xc2: {  	(tm) =	ssettm $0x7FFFFFFF  }
0xc3: {  	_ =	shalt  }
tec
execute0_lowered:
.L_overlay_start_1:
0x0: {  	(tag) =	ssettag $0x1  }
0x1: {  	s0 =	srdreg.scid;
	s5 =	rddreg [dreg:$0x0]  }
0x2: {  	s2 =	rddreg [dreg:$0x1];
	s4 =	sand.u32 $0x1, s0  }
0x3: {  	s3 =	simm.s32 $0x0;
	s0 =	stileid.u32;
	s6 =	smul.u32 $0x140000, s4  }
0x4: {  	s13 =	simm.s32 $0x80;
	s14 =	simm.s32 $0x0;
	s8 =	smul.u32 $0x13C00, s0  }
0x5: {  	[smem:$0x7FF] =	sst s3;
	s1 =	sshll.u32 s4, $0x4;
	s9 =	smul.u32 $0x13C000, s4  }
0x6: {  	s4 =	ssub.s32 $0x2, s4;
	s28 =	smul.u32 $0x4F000, s0;
	s30 =	sshll.u32 s0, $0x6  }
0x7: {  	s31 =	smul.u32 $0x14000, s0;
	s7 =	sor.u32 s0, s1;
	s1 =	rddreg [dreg:$0x2]  }
0x8: {  	_ =	strace $0x80000068;
	s11 =	sshrl.u32 s4, $0x1;
	s7 =	smul.u32 $0x1400, s7  }
0x9: {  	s10 =	sadd.s32 s6, s5;
	s26 =	sshrl.u32 s8, $0x3;
	s8 =	sadd.s32 s8, s9  }
0xa: {  	s11 =	ssub.s32 s4, s11;
	s29 =	sshrl.u32 s28, $0x2;
	s8 =	sshrl.u32 s8, $0x3  }
0xb: {  	s12 =	sadd.s32 s29, s2;
	s9 =	sadd.s32 s31, s10;
	s7 =	sshrl.u32 s7, $0x3  }
0xc: {  	s8 =	sadd.s32 s8, s5;
	s9 =	sadd.s32 $0x56D800, s9;
	s10 =	sshrl.u32 s12, $0x3  }
0xd: {  	s12 =	simm.s32 $0x1400;
	s25 =	sadd.s32 s7, s5;
	s7 =	sadd.s32 s26, s5  }
0xe: {  	s5 =	sor.u32 $0x1C01, s30;
	s4 =	sadd.s32 $0x2FA000, s7;
	s6 =	sadd.s32 $0x2F5000, s25  }
0xf: {  	s7 =	sadd.s32 $0x36FC00, s8;
	s8 =	smax.u32 s11, $0x1;
	s11 =	simm.s32 $0x1  }
.LBB2_1:
0x10: {  	[spmem:s10], [sflag:s5] =	dma.local [hbm:s4], $0x2780  }
0x11: {  	_ =	swait.ge [sflag:s11], $0x2780  }
0x12: {  	[sflag:s11] =	ssyncset.done $0x0  }
0x13: {  	[sflag:s11] =	ssyncadd.s32 $0xFFFFD880  }
0x14: {  	[bflag:$0x0] =	sbarrier.arrive $0xFFFF  }
0x15: {  	[tilespmem:s3], [sflag:$0x1] =	stream.linear.gather [hbm4b:s6+s3], $0x1400, $0x38;
	[tilespmem:$0x19000] =	vst v63  }
0x16: {  	_ =	swait.ge [sflag:s11], $0x1400  }
0x17: {  	[sflag:s11] =	ssyncset.done $0x0  }
0x18: {  	[sflag:s11] =	ssyncadd.s32 $0xFFFFEC00  }
0x19: {  	[tilespmem:s12], [sflag:$0x1] =	stream.linear.gather [hbm4b:s9+s3], $0x4000, $0x38;
	[tilespmem:$0x19000] =	vst v63  }
0x1a: {  	_ =	swait.ge [sflag:s11], $0x4000  }
0x1b: {  	[sflag:s11] =	ssyncset.done $0x0  }
0x1c: {  	s15 =	simm.s32 $0x0;
	[sflag:s11] =	ssyncadd.s32 $0xFFFFC000  }
0x1d: {  	[spmem:s2] =	stream.indirect.scatter.add.f32 [tilespmem:s12], [sflag:$0x1], $0x80, s15, s13, $0xb8;
	[tilespmem:$0x19000] =	vst v63  }
0x1e: {  	_ =	swait.ge [sflag:s11], $0x4000  }
0x1f: {  	s16 =	smov.u32 s9;
	s15 =	simm.s32 $0x200;
	[sflag:s11] =	ssyncset.done $0x0  }
.LBB2_2:
0x20: {  	p0 =	sne.s32 s15, $0x4E00;
	[sflag:s11] =	ssyncadd.s32 $0xFFFFC000;
	s16 =	sadd.s32 $0x800, s16  }
0x21: {  	[tilespmem:s12], [sflag:$0x1] =	stream.linear.gather [hbm4b:s16+s3], $0x4000, $0x38;
	[tilespmem:$0x19000] =	vst v63  }
0x22: {  	s17 =	smov.u32 s15;
	s15 =	sadd.s32 $0x200, s15;
	_ =	swait.ge [sflag:s11], $0x4000  }
.Ltmp0:
0x23: {  	[sflag:s11] =	ssyncset.done $0x0;
	(pc) =	sbr.rel @p0 .LBB2_2-.Ltmp0, $4  }
0x24: {  	s17 =	sshra.s32 s17, $0x2;
	[sflag:s11] =	ssyncadd.s32 $0xFFFFC000  }
0x25: {  	[spmem:s2] =	stream.indirect.scatter.add.f32 [tilespmem:s12], [sflag:$0x1], $0x80, s17, s13, $0xb8;
	[tilespmem:$0x19000] =	vst v63  }
0x26: {  	_ =	swait.ge [sflag:s11], $0x4000  }
0x27: {  	[sflag:s11] =	ssyncset.done $0x0  }
0x28: {  	s14 =	sadd.s32 $0x1, s14  }
0x29: {  	[sflag:s11] =	ssyncadd.s32 $0xFFFFC000;
	p0 =	sne.s32 s14, s8  }
.Ltmp1:
0x2a: {  	[bflag:$0x0] =	sbarrier.arrive $0xFFFF;
	(pc) =	sbr.rel @p0 .LBB2_1-.Ltmp1, $4  }
0x2b: {  	[hbm:s7], [sflag:s5] =	dma.local [spmem:s10], $0x2780  }
0x2c: {  	_ =	swait.ge [sflag:s11], $0x2780  }
0x2d: {  	[sflag:s11] =	ssyncset.done $0x0  }
0x2e: {  	[sflag:s11] =	ssyncadd.s32 $0xFFFFD880  }
0x2f: {  	_ =	sfence.sel $0x180000  }
0x30: {  	[bflag:$0x0] =	sbarrier.arrive $0xFFFF  }
0x31: {  	p0 =	sne.s32 s0, $0x0;
	_ =	strace $0x90000068  }
0x32: {  	s0 =	sadd.s32 @!p0 $0x100000, s1;
	[bflag:$0x2] =	sbarrier.arrive $0xFFFF  }
0x33: {  	[sflag:s0] =	ssyncadd.tile.s32 @!p0 $0x1;
	_ =	shalt  }
.Lfunc_end2:
_tile_overlayer_lowered:
.L_overlay_start_2:
0x34: {  	(tag) =	ssettag $0x2  }
0x35: {  	s0 =	rddreg [dreg:$0x0];
	s2 =	stileid.u32  }
0x36: {  	s1 =	rddreg [dreg:$0x1];
	p0 =	sne.s32 s2, $0x0  }
0x37: {  	s3 =	rddreg [dreg:$0x2];
	[bflag:$0x3] =	sbarrier.arrive $0xFFFF;
	s2 =	simm.s32 @!p0 $0x1C01  }
0x38: {  	[timem:s3], [sflag:s2] =	dma.local @!p0 [hbm:s0], s1  }
0x39: {  	s0 =	simm.s32 @!p0 $0x1  }
0x3a: {  	_ =	swait.ge @!p0 [sflag:s0], s1  }
0x3b: {  	s1 =	ssub.s32 @!p0 $0x0, s1;
	[sflag:s0] =	ssyncset.done @!p0 $0x0  }
0x3c: {  	[sflag:s0] =	ssyncadd.s32 @!p0 s1  }
0x3d: {  	[bflag:$0x3] =	sbarrier.arrive $0xFFFF  }
0x3e: {  	_ =	shalt  }

</sc_bundles>
